<compile_context>
chip_gen: v7x
topology: tpu7x:2x2x1
jax: 0.10.2.dev20260603
libtpu: 0.0.44.dev20260713+nightly
codegen_flags: <defaults>
</compile_context>

<pallas_src>
import jax
import jax.numpy as jnp
from jax import lax
from jax.experimental import pallas as pl
from jax.experimental.pallas import tpu as pltpu
from jax.experimental.pallas import tpu_sc as plsc

L = 16
NS = 16

N_L, N_LP = 10000, 10240
N_H = 2048
E_L, E_H = 320000, 32768
HID = 64


def _rsqrt_vec(x):
    xi = plsc.bitcast(x, jnp.int32)
    y = plsc.bitcast(jnp.int32(0x5F3759DF) - (xi >> 1), jnp.float32)
    for _ in range(3):
        y = y * (1.5 - 0.5 * x * y * y)
    return y


def _make_backprop(n_pad, n_edges):
    n_per = n_pad // NS
    e_per = n_edges // NS
    f32 = jnp.float32
    mesh = plsc.VectorSubcoreMesh(
        core_axis_name="c", subcore_axis_name="s", num_cores=1)

    def body(src_hbm, dst_hbm, v_hbm, u1_hbm, u2_hbm, u3_hbm,
             src_v, dst_v, t_v, g_v, dl_v, slc_v, tn_v, red_v,
             stage_s, bcast_s):
        sid = lax.axis_index("s")
        ebase = sid * e_per
        nbase = sid * n_per
        ones = jnp.full((L,), 1.0, f32)

        pltpu.sync_copy(src_hbm.at[pl.ds(ebase, e_per)], src_v)
        pltpu.sync_copy(dst_hbm.at[pl.ds(ebase, e_per)], dst_v)
        pltpu.sync_copy(v_hbm, t_v)

        def zero_g(j):
            g_v[pl.ds(j * L, L)] = jnp.zeros((L,), f32)

        def scatter_ones(i):
            d16 = dst_v[pl.ds(i * L, L)]
            plsc.addupdate_scatter(g_v, [d16], ones)

        plsc.parallel_loop(0, n_pad // L, unroll=8)(zero_g)
        plsc.parallel_loop(0, e_per // L, unroll=8)(scatter_ones)

        pltpu.sync_copy(g_v, stage_s.at[sid])
        plsc.subcore_barrier()
        pltpu.sync_copy(stage_s.at[:, pl.ds(nbase, n_per)], red_v)

        def dl_body(j):
            a = red_v[0, pl.ds(j * L, L)]
            for t in range(1, NS):
                a = a + red_v[t, pl.ds(j * L, L)]
            slc_v[pl.ds(j * L, L)] = _rsqrt_vec(a + 1.0)

        plsc.parallel_loop(0, n_per // L, unroll=2)(dl_body)
        pltpu.sync_copy(slc_v, bcast_s.at[pl.ds(nbase, n_per)])
        plsc.subcore_barrier()
        pltpu.sync_copy(bcast_s, dl_v)

        def t0_body(j):
            sl = pl.ds(j * L, L)
            t_v[sl] = t_v[sl] * dl_v[sl]

        plsc.parallel_loop(0, n_pad // L, unroll=8)(t0_body)

        for u_hbm in (u1_hbm, u2_hbm, u3_hbm):
            plsc.parallel_loop(0, n_pad // L, unroll=8)(zero_g)

            def spmv_body(i):
                s16 = src_v[pl.ds(i * L, L)]
                d16 = dst_v[pl.ds(i * L, L)]
                td = plsc.load_gather(t_v, [d16])
                plsc.addupdate_scatter(g_v, [s16], td)

            plsc.parallel_loop(0, e_per // L, unroll=8)(spmv_body)

            pltpu.sync_copy(g_v, stage_s.at[sid])
            plsc.subcore_barrier()
            pltpu.sync_copy(stage_s.at[:, pl.ds(nbase, n_per)], red_v)

            def u_body(j):
                a = red_v[0, pl.ds(j * L, L)]
                for t in range(1, NS):
                    a = a + red_v[t, pl.ds(j * L, L)]
                gsl = pl.ds(nbase + j * L, L)
                u = dl_v[gsl] * (a + t_v[gsl])
                slc_v[pl.ds(j * L, L)] = u
                tn_v[pl.ds(j * L, L)] = dl_v[gsl] * u

            plsc.parallel_loop(0, n_per // L, unroll=2)(u_body)
            pltpu.sync_copy(slc_v, u_hbm.at[pl.ds(nbase, n_per)])
            pltpu.sync_copy(tn_v, bcast_s.at[pl.ds(nbase, n_per)])
            plsc.subcore_barrier()
            pltpu.sync_copy(bcast_s, t_v)

    return pl.kernel(
        body,
        out_type=(jax.ShapeDtypeStruct((n_pad,), f32),) * 3,
        mesh=mesh,
        compiler_params=pltpu.CompilerParams(needs_layout_passes=False),
        scratch_types=[
            pltpu.VMEM((e_per,), jnp.int32),
            pltpu.VMEM((e_per,), jnp.int32),
            pltpu.VMEM((n_pad,), f32),
            pltpu.VMEM((n_pad,), f32),
            pltpu.VMEM((n_pad,), f32),
            pltpu.VMEM((n_per,), f32),
            pltpu.VMEM((n_per,), f32),
            pltpu.VMEM((NS, n_per), f32),
            pltpu.VMEM_SHARED((NS, n_pad), f32),
            pltpu.VMEM_SHARED((n_pad,), f32),
        ],
    )


_bp_logical = _make_backprop(N_LP, E_L)
_bp_hw = _make_backprop(N_H, E_H)


_MV_RB = 1000


def _mv_body(v_ref, e_ref, o_ref):
    @pl.when(pl.program_id(0) == 0)
    def _():
        o_ref[...] = jnp.zeros_like(o_ref)
    o_ref[...] += lax.dot_general(
        v_ref[...], e_ref[...], (((0,), (0,)), ((), ())),
        preferred_element_type=jnp.float32,
        precision=lax.Precision.HIGHEST)


def _matvec(v2, emb):
    return pl.pallas_call(
        _mv_body,
        grid=(N_L // _MV_RB,),
        in_specs=[pl.BlockSpec((_MV_RB, 1), lambda i: (i, 0)),
                  pl.BlockSpec((_MV_RB, N_H), lambda i: (i, 0))],
        out_specs=pl.BlockSpec((1, N_H), lambda i: (0, 0)),
        out_shape=jax.ShapeDtypeStruct((1, N_H), jnp.float32),
    )(v2, emb)


def _final_body(v_ref, u1_ref, u2_ref, u3_ref, xl_ref,
                w_ref, z1_ref, z2_ref, z3_ref, xh_ref,
                w1l_ref, w2l_ref, w3l_ref, b1l_ref, b2l_ref, b3l_ref,
                w1h_ref, w2h_ref, w3h_ref, b1h_ref, b2h_ref, b3h_ref,
                linw_ref, linb_ref, lin2b_ref, o_ref):
    def dot(a, b):
        return lax.dot_general(a, b, (((1,), (0,)), ((), ())),
                               preferred_element_type=jnp.float32,
                               precision=lax.Precision.HIGHEST)

    S0 = jnp.sum(v_ref[...])
    S1 = jnp.sum(u1_ref[...])
    S2 = jnp.sum(u2_ref[...])
    T0 = jnp.sum(w_ref[...])
    T1 = jnp.sum(z1_ref[...])
    T2 = jnp.sum(z2_ref[...])
    p = dot(u3_ref[...], xl_ref[...])
    q = dot(z3_ref[...], xh_ref[...])
    w23l = dot(w2l_ref[...], w3l_ref[...])
    cl = (dot(dot(p, w1l_ref[...]), w23l)
          + S2 * dot(b1l_ref[...], w23l)
          + S1 * dot(b2l_ref[...], w3l_ref[...])
          + S0 * b3l_ref[...])
    w23h = dot(w2h_ref[...], w3h_ref[...])
    ch = (dot(dot(q, w1h_ref[...]), w23h)
          + T2 * dot(b1h_ref[...], w23h)
          + T1 * dot(b2h_ref[...], w3h_ref[...])
          + T0 * b3h_ref[...])
    y = (dot(cl, linw_ref[:HID, :]) + dot(ch, linw_ref[HID:, :])
         + S0 * linb_ref[...] + lin2b_ref[...])
    o_ref[...] = y


def _final(*args):
    return pl.pallas_call(
        _final_body,
        out_shape=jax.ShapeDtypeStruct((1, 1), jnp.float32),
    )(*args)


def kernel(logical_attr, logical_edge_index, hw_attr, hw_edge_index, emb_matrix,
           W1l, b1l, W2l, b2l, W3l, b3l, W1h, b1h, W2h, b2h, W3h, b3h,
           lin_W, lin_b, lin2_W, lin2_b):
    f32 = jnp.float32
    ei_l = logical_edge_index.astype(jnp.int32)
    ei_h = hw_edge_index.astype(jnp.int32)
    v = lin2_W[:, 0].astype(f32)
    v_pad = jnp.pad(v, (0, N_LP - N_L))

    w = _matvec(lin2_W.astype(f32), emb_matrix)
    u1, u2, u3 = _bp_logical(ei_l[0], ei_l[1], v_pad)
    z1, z2, z3 = _bp_hw(ei_h[0], ei_h[1], w[0])

    row = lambda x: x[:N_L].reshape(1, -1)
    y = _final(v.reshape(1, -1), row(u1), row(u2), row(u3), logical_attr,
               w, z1.reshape(1, -1), z2.reshape(1, -1), z3.reshape(1, -1), hw_attr,
               W1l, W2l, W3l, b1l.reshape(1, -1), b2l.reshape(1, -1), b3l.reshape(1, -1),
               W1h, W2h, W3h, b1h.reshape(1, -1), b2h.reshape(1, -1), b3h.reshape(1, -1),
               lin_W, lin_b.reshape(1, 1), lin2_b.reshape(1, 1))
    return y.reshape(1, 1, 1)

# --- scband reference (transcript-rebuilt; emitter-appended) ---
"""Pipeline reference for scband-critic-10582799417477 (READ-ONLY COPY).

The authoritative reference and input builder live on the scoring server;
editing this copy changes nothing except your own understanding.
"""

import jax, jax.numpy as jnp
import numpy as np

N_L, N_H = 10000, 2048
E_L, E_H = 320000, 32768
D_L, D_H, HID = 128, 16, 64


def _gcn(x, ei, W, b):
    # GCNConv with default add_self_loops=True, normalize=True, edge_weight=1
    n = x.shape[0]
    loop = jnp.arange(n, dtype=ei.dtype)
    src = jnp.concatenate([ei[0], loop])
    dst = jnp.concatenate([ei[1], loop])
    h = x @ W
    deg = jnp.zeros((n,), x.dtype).at[dst].add(1.0)
    dinv = jnp.where(deg > 0, deg ** -0.5, 0.0)
    norm = (dinv[src] * dinv[dst])[:, None]
    out = jnp.zeros((n, W.shape[1]), x.dtype).at[dst].add(norm * h[src])
    return out + b


def setup_inputs(seed: int = 0):
    key = jax.random.key(seed)
    ks = [jax.random.fold_in(key, i) for i in range(24)]
    inp = {}
    inp['logical_attr'] = jax.random.normal(ks[0], (N_L, D_L), jnp.float32)
    inp['logical_edge_index'] = jax.random.randint(ks[1], (2, E_L), 0, N_L)
    inp['hw_attr'] = jax.random.normal(ks[2], (N_H, D_H), jnp.float32)
    inp['hw_edge_index'] = jax.random.randint(ks[3], (2, E_H), 0, N_H)
    inp['emb_matrix'] = jax.random.uniform(ks[4], (N_L, N_H), jnp.float32) * (1.0 / N_H)

    def w(k, shp, fan_in):
        return jax.random.normal(k, shp, jnp.float32) * (fan_in ** -0.5)

    inp['W1l'] = w(ks[5], (D_L, HID), D_L); inp['b1l'] = jnp.zeros((HID,), jnp.float32)
    inp['W2l'] = w(ks[6], (HID, HID), HID); inp['b2l'] = jnp.zeros((HID,), jnp.float32)
    inp['W3l'] = w(ks[7], (HID, HID), HID); inp['b3l'] = jnp.zeros((HID,), jnp.float32)
    inp['W1h'] = w(ks[8], (D_H, HID), D_H); inp['b1h'] = jnp.zeros((HID,), jnp.float32)
    inp['W2h'] = w(ks[9], (HID, HID), HID); inp['b2h'] = jnp.zeros((HID,), jnp.float32)
    inp['W3h'] = w(ks[10], (HID, HID), HID); inp['b3h'] = jnp.zeros((HID,), jnp.float32)
    inp['lin_W'] = w(ks[11], (2 * HID, 1), 2 * HID); inp['lin_b'] = jnp.zeros((1,), jnp.float32)
    inp['lin2_W'] = w(ks[12], (N_L, 1), N_L); inp['lin2_b'] = jnp.zeros((1,), jnp.float32)
    return inp


def reference(logical_attr, logical_edge_index, hw_attr, hw_edge_index, emb_matrix,
              W1l, b1l, W2l, b2l, W3l, b3l, W1h, b1h, W2h, b2h, W3h, b3h,
              lin_W, lin_b, lin2_W, lin2_b):
    # minibatch_size = 1 (2D inputs get unsqueezed in torch; we keep 2D and add batch at end)
    xl = _gcn(_gcn(_gcn(logical_attr, logical_edge_index, W1l, b1l),
                   logical_edge_index, W2l, b2l),
              logical_edge_index, W3l, b3l)
    xh = _gcn(_gcn(_gcn(hw_attr, hw_edge_index, W1h, b1h),
                   hw_edge_index, W2h, b2h),
              hw_edge_index, W3h, b3h)
    x_emb = emb_matrix @ xh                       # torch.sparse.mm equivalent
    x_final = jnp.concatenate([xl, x_emb], axis=-1)  # [N_L, 128]
    y = x_final @ lin_W + lin_b                   # [N_L, 1]
    y = y[None]                                   # [1, N_L, 1]
    y = jnp.swapaxes(y, 1, 2)                     # [1, 1, N_L]
    y = y @ lin2_W + lin2_b                       # [1, 1, 1]
    return y

if __name__ == "__main__":
    import jax
    _d = setup_inputs()
    print(jax.jit(kernel)(*tuple(_d.values())))

</pallas_src>

<mosaic_0001>
#map = affine_map<(d0, d1) -> (0)>
module attributes {stable_mosaic.version = 14 : i64} {
  func.func @body(%arg0: i32, %arg1: i32, %arg2: memref<32768xi32, #tpu.memory_space<hbm>>, %arg3: memref<32768xi32, #tpu.memory_space<hbm>>, %arg4: memref<2048xf32, #tpu.memory_space<hbm>>, %arg5: memref<2048xf32, #tpu.memory_space<hbm>>, %arg6: memref<2048xf32, #tpu.memory_space<hbm>>, %arg7: memref<2048xf32, #tpu.memory_space<hbm>>, %arg8: memref<2048xi32, #tpu.memory_space<vmem>>, %arg9: memref<2048xi32, #tpu.memory_space<vmem>>, %arg10: memref<2048xf32, #tpu.memory_space<vmem>>, %arg11: memref<2048xf32, #tpu.memory_space<vmem>>, %arg12: memref<2048xf32, #tpu.memory_space<vmem>>, %arg13: memref<128xf32, #tpu.memory_space<vmem>>, %arg14: memref<128xf32, #tpu.memory_space<vmem>>, %arg15: memref<16x128xf32, #tpu.memory_space<vmem>>, %arg16: memref<16x2048xf32, #tpu.memory_space<vmem_shared>>, %arg17: memref<2048xf32, #tpu.memory_space<vmem_shared>>) attributes {dimension_semantics = [#tpu.dimension_semantics<core_parallel>, #tpu.dimension_semantics<subcore_parallel>], iteration_bounds = array<i64: 1, 16>, scalar_prefetch = 0 : i64, scratch_operands = 10 : i64, tpu.core_type = #tpu.core_type<sc_vector_subcore>, window_params = [{transform_indices = #map}, {transform_indices = #map}, {transform_indices = #map}, {transform_indices = #map}, {transform_indices = #map}, {transform_indices = #map}]} {
    %mul3A = arith.constant 2048 : i32
    %mul3A_0 = arith.muli %arg1, %mul3A : i32
    %mul3A_1 = arith.constant 128 : i32
    %mul3A_2 = arith.muli %arg1, %mul3A_1 : i32
    %broadcast_in_dim3A = arith.constant 1.000000e+00 : f32
    %broadcast_in_dim3A_3 = vector.broadcast %broadcast_in_dim3A : f32 to vector<16xf32>
    "tpu.region"() ({
      %run_scoped3A = tpu.sem_alloc : memref<!tpu.dma_semaphore, #tpu.memory_space<semaphore_mem>>
      %dma_start3A = tpu.memref_slice %arg2[%mul3A_0] : memref<32768xi32, #tpu.memory_space<hbm>> -> memref<2048xi32, #tpu.memory_space<hbm>>
      %dma_start3A_49 = tpu.memref_slice %arg2[%mul3A_0] : memref<32768xi32, #tpu.memory_space<hbm>> -> memref<2048xi32, #tpu.memory_space<hbm>>
      tpu.enqueue_dma source(%dma_start3A_49 : memref<2048xi32, #tpu.memory_space<hbm>>) target(%arg8 : memref<2048xi32, #tpu.memory_space<vmem>>) target_semaphore(%run_scoped3A : memref<!tpu.dma_semaphore, #tpu.memory_space<semaphore_mem>>)
      %dma_wait3A = tpu.memref_slice %arg2[%mul3A_0] : memref<32768xi32, #tpu.memory_space<hbm>> -> memref<2048xi32, #tpu.memory_space<hbm>>
      %dma_wait3A_50 = tpu.memref_slice %arg2[%mul3A_0] : memref<32768xi32, #tpu.memory_space<hbm>> -> memref<2048xi32, #tpu.memory_space<hbm>>
      tpu.wait_dma2 semaphore(%run_scoped3A : memref<!tpu.dma_semaphore, #tpu.memory_space<semaphore_mem>>) src(%dma_wait3A_50 : memref<2048xi32, #tpu.memory_space<hbm>>) dst(%arg8 : memref<2048xi32, #tpu.memory_space<vmem>>)
      tpu.yield
    }) : () -> ()
    "tpu.region"() ({
      %run_scoped3A = tpu.sem_alloc : memref<!tpu.dma_semaphore, #tpu.memory_space<semaphore_mem>>
      %dma_start3A = tpu.memref_slice %arg3[%mul3A_0] : memref<32768xi32, #tpu.memory_space<hbm>> -> memref<2048xi32, #tpu.memory_space<hbm>>
      %dma_start3A_49 = tpu.memref_slice %arg3[%mul3A_0] : memref<32768xi32, #tpu.memory_space<hbm>> -> memref<2048xi32, #tpu.memory_space<hbm>>
      tpu.enqueue_dma source(%dma_start3A_49 : memref<2048xi32, #tpu.memory_space<hbm>>) target(%arg9 : memref<2048xi32, #tpu.memory_space<vmem>>) target_semaphore(%run_scoped3A : memref<!tpu.dma_semaphore, #tpu.memory_space<semaphore_mem>>)
      %dma_wait3A = tpu.memref_slice %arg3[%mul3A_0] : memref<32768xi32, #tpu.memory_space<hbm>> -> memref<2048xi32, #tpu.memory_space<hbm>>
      %dma_wait3A_50 = tpu.memref_slice %arg3[%mul3A_0] : memref<32768xi32, #tpu.memory_space<hbm>> -> memref<2048xi32, #tpu.memory_space<hbm>>
      tpu.wait_dma2 semaphore(%run_scoped3A : memref<!tpu.dma_semaphore, #tpu.memory_space<semaphore_mem>>) src(%dma_wait3A_50 : memref<2048xi32, #tpu.memory_space<hbm>>) dst(%arg9 : memref<2048xi32, #tpu.memory_space<vmem>>)
      tpu.yield
    }) : () -> ()
    "tpu.region"() ({
      %run_scoped3A = tpu.sem_alloc : memref<!tpu.dma_semaphore, #tpu.memory_space<semaphore_mem>>
      tpu.enqueue_dma source(%arg4 : memref<2048xf32, #tpu.memory_space<hbm>>) target(%arg10 : memref<2048xf32, #tpu.memory_space<vmem>>) target_semaphore(%run_scoped3A : memref<!tpu.dma_semaphore, #tpu.memory_space<semaphore_mem>>)
      tpu.wait_dma2 semaphore(%run_scoped3A : memref<!tpu.dma_semaphore, #tpu.memory_space<semaphore_mem>>) src(%arg4 : memref<2048xf32, #tpu.memory_space<hbm>>) dst(%arg10 : memref<2048xf32, #tpu.memory_space<vmem>>)
      tpu.yield
    }) : () -> ()
    %parallel_loop3A = arith.constant 0 : i32
    %parallel_loop3A_4 = arith.constant 128 : i32
    %parallel_loop3A_5 = arith.constant 1 : i32
    scf.for %parallel_loop3A_49 = %parallel_loop3A to %parallel_loop3A_4 step %parallel_loop3A_5  : i32 {
      %parallel_loop3A_50 = arith.constant 0.000000e+00 : f32
      %parallel_loop3A_51 = vector.broadcast %parallel_loop3A_50 : f32 to vector<16xf32>
      %parallel_loop3A_52 = arith.constant 16 : i32
      %parallel_loop3A_53 = arith.muli %parallel_loop3A_49, %parallel_loop3A_52 : i32
      %parallel_loop3A_54 = arith.index_cast %parallel_loop3A_53 : i32 to index
      %parallel_loop3A_55 = tpu.vector_load %arg11[%parallel_loop3A_54] {strides = array<i32>} : memref<2048xf32, #tpu.memory_space<vmem>>, vector<16xf32>,
      tpu.vector_store %arg11[%parallel_loop3A_54], %parallel_loop3A_51 {strides = array<i32>} : memref<2048xf32, #tpu.memory_space<vmem>>, vector<16xf32>,
    } {sc.loop_unroll_factor = 8 : i64, sc.parallel_access}
    %parallel_loop3A_6 = arith.constant 0 : i32
    %parallel_loop3A_7 = arith.constant 128 : i32
    %parallel_loop3A_8 = arith.constant 1 : i32
    scf.for %parallel_loop3A_49 = %parallel_loop3A_6 to %parallel_loop3A_7 step %parallel_loop3A_8  : i32 {
      %parallel_loop3A_50 = arith.constant 16 : i32
      %parallel_loop3A_51 = arith.muli %parallel_loop3A_49, %parallel_loop3A_50 : i32
      %parallel_loop3A_52 = arith.index_cast %parallel_loop3A_51 : i32 to index
      %parallel_loop3A_53 = tpu.vector_load %arg9[%parallel_loop3A_52] {strides = array<i32>} : memref<2048xi32, #tpu.memory_space<vmem>>, vector<16xi32>,
      tpu.vector_store_idx %arg11[%parallel_loop3A_53], %broadcast_in_dim3A_3 {add = true} : memref<2048xf32, #tpu.memory_space<vmem>>[vector<16xi32>], vector<16xf32>,
    } {sc.loop_unroll_factor = 8 : i64, sc.parallel_access}
    "tpu.region"() ({
      %run_scoped3A = tpu.sem_alloc : memref<!tpu.dma_semaphore, #tpu.memory_space<semaphore_mem>>
      %dma_start3A = arith.constant 0 : i32
      %dma_start3A_49 = tpu.memref_slice %arg16[%arg1, %dma_start3A] : memref<16x2048xf32, #tpu.memory_space<vmem_shared>> -> memref<1x2048xf32, #tpu.memory_space<vmem_shared>>
      %dma_start3A_50 = tpu.memref_squeeze %dma_start3A_49 : memref<1x2048xf32, #tpu.memory_space<vmem_shared>> -> memref<2048xf32, #tpu.memory_space<vmem_shared>>
      %dma_start3A_51 = arith.constant 0 : i32
      %dma_start3A_52 = tpu.memref_slice %arg16[%arg1, %dma_start3A_51] : memref<16x2048xf32, #tpu.memory_space<vmem_shared>> -> memref<1x2048xf32, #tpu.memory_space<vmem_shared>>
      %dma_start3A_53 = tpu.memref_squeeze %dma_start3A_52 : memref<1x2048xf32, #tpu.memory_space<vmem_shared>> -> memref<2048xf32, #tpu.memory_space<vmem_shared>>
      tpu.enqueue_dma source(%arg11 : memref<2048xf32, #tpu.memory_space<vmem>>) target(%dma_start3A_53 : memref<2048xf32, #tpu.memory_space<vmem_shared>>) target_semaphore(%run_scoped3A : memref<!tpu.dma_semaphore, #tpu.memory_space<semaphore_mem>>)
      %dma_wait3A = arith.constant 0 : i32
      %dma_wait3A_54 = tpu.memref_slice %arg16[%arg1, %dma_wait3A] : memref<16x2048xf32, #tpu.memory_space<vmem_shared>> -> memref<1x2048xf32, #tpu.memory_space<vmem_shared>>
      %dma_wait3A_55 = tpu.memref_squeeze %dma_wait3A_54 : memref<1x2048xf32, #tpu.memory_space<vmem_shared>> -> memref<2048xf32, #tpu.memory_space<vmem_shared>>
      %dma_wait3A_56 = arith.constant 0 : i32
      %dma_wait3A_57 = tpu.memref_slice %arg16[%arg1, %dma_wait3A_56] : memref<16x2048xf32, #tpu.memory_space<vmem_shared>> -> memref<1x2048xf32, #tpu.memory_space<vmem_shared>>
      %dma_wait3A_58 = tpu.memref_squeeze %dma_wait3A_57 : memref<1x2048xf32, #tpu.memory_space<vmem_shared>> -> memref<2048xf32, #tpu.memory_space<vmem_shared>>
      tpu.wait_dma2 semaphore(%run_scoped3A : memref<!tpu.dma_semaphore, #tpu.memory_space<semaphore_mem>>) src(%arg11 : memref<2048xf32, #tpu.memory_space<vmem>>) dst(%dma_wait3A_58 : memref<2048xf32, #tpu.memory_space<vmem_shared>>)
      tpu.yield
    }) : () -> ()
    %barrier3A = arith.constant 0 : index
    tpu.barrier barrier_id(%barrier3A)
    "tpu.region"() ({
      %run_scoped3A = tpu.sem_alloc : memref<!tpu.dma_semaphore, #tpu.memory_space<semaphore_mem>>
      %dma_start3A = arith.constant 0 : i32
      %dma_start3A_49 = tpu.memref_slice %arg16[%dma_start3A, %mul3A_2] : memref<16x2048xf32, #tpu.memory_space<vmem_shared>> -> memref<16x128xf32, #tpu.memory_space<vmem_shared>>
      %dma_start3A_50 = arith.constant 0 : i32
      %dma_start3A_51 = tpu.memref_slice %arg16[%dma_start3A_50, %mul3A_2] : memref<16x2048xf32, #tpu.memory_space<vmem_shared>> -> memref<16x128xf32, #tpu.memory_space<vmem_shared>>
      tpu.enqueue_dma source(%dma_start3A_51 : memref<16x128xf32, #tpu.memory_space<vmem_shared>>) target(%arg15 : memref<16x128xf32, #tpu.memory_space<vmem>>) target_semaphore(%run_scoped3A : memref<!tpu.dma_semaphore, #tpu.memory_space<semaphore_mem>>)
      %dma_wait3A = arith.constant 0 : i32
      %dma_wait3A_52 = tpu.memref_slice %arg16[%dma_wait3A, %mul3A_2] : memref<16x2048xf32, #tpu.memory_space<vmem_shared>> -> memref<16x128xf32, #tpu.memory_space<vmem_shared>>
      %dma_wait3A_53 = arith.constant 0 : i32
      %dma_wait3A_54 = tpu.memref_slice %arg16[%dma_wait3A_53, %mul3A_2] : memref<16x2048xf32, #tpu.memory_space<vmem_shared>> -> memref<16x128xf32, #tpu.memory_space<vmem_shared>>
      tpu.wait_dma2 semaphore(%run_scoped3A : memref<!tpu.dma_semaphore, #tpu.memory_space<semaphore_mem>>) src(%dma_wait3A_54 : memref<16x128xf32, #tpu.memory_space<vmem_shared>>) dst(%arg15 : memref<16x128xf32, #tpu.memory_space<vmem>>)
      tpu.yield
    }) : () -> ()
    %parallel_loop3A_9 = arith.constant 0 : i32
    %parallel_loop3A_10 = arith.constant 8 : i32
    %parallel_loop3A_11 = arith.constant 1 : i32
    scf.for %parallel_loop3A_49 = %parallel_loop3A_9 to %parallel_loop3A_10 step %parallel_loop3A_11  : i32 {
      %parallel_loop3A_50 = arith.constant 16 : i32
      %parallel_loop3A_51 = arith.muli %parallel_loop3A_49, %parallel_loop3A_50 : i32
      %parallel_loop3A_52 = arith.constant 0 : i32
      %parallel_loop3A_53 = arith.index_cast %parallel_loop3A_52 : i32 to index
      %parallel_loop3A_54 = arith.index_cast %parallel_loop3A_51 : i32 to index
      %parallel_loop3A_55 = tpu.vector_load %arg15[%parallel_loop3A_53, %parallel_loop3A_54] {strides = array<i32>} : memref<16x128xf32, #tpu.memory_space<vmem>>, vector<16xf32>,
      %parallel_loop3A_56 = arith.constant 16 : i32
      %parallel_loop3A_57 = arith.muli %parallel_loop3A_49, %parallel_loop3A_56 : i32
      %parallel_loop3A_58 = arith.constant 1 : i32
      %parallel_loop3A_59 = arith.index_cast %parallel_loop3A_58 : i32 to index
      %parallel_loop3A_60 = arith.index_cast %parallel_loop3A_57 : i32 to index
      %parallel_loop3A_61 = tpu.vector_load %arg15[%parallel_loop3A_59, %parallel_loop3A_60] {strides = array<i32>} : memref<16x128xf32, #tpu.memory_space<vmem>>, vector<16xf32>,
      %parallel_loop3A_62 = arith.addf %parallel_loop3A_55, %parallel_loop3A_61 : vector<16xf32>
      %parallel_loop3A_63 = arith.constant 16 : i32
      %parallel_loop3A_64 = arith.muli %parallel_loop3A_49, %parallel_loop3A_63 : i32
      %parallel_loop3A_65 = arith.constant 2 : i32
      %parallel_loop3A_66 = arith.index_cast %parallel_loop3A_65 : i32 to index
      %parallel_loop3A_67 = arith.index_cast %parallel_loop3A_64 : i32 to index
      %parallel_loop3A_68 = tpu.vector_load %arg15[%parallel_loop3A_66, %parallel_loop3A_67] {strides = array<i32>} : memref<16x128xf32, #tpu.memory_space<vmem>>, vector<16xf32>,
      %parallel_loop3A_69 = arith.addf %parallel_loop3A_62, %parallel_loop3A_68 : vector<16xf32>
      %parallel_loop3A_70 = arith.constant 16 : i32
      %parallel_loop3A_71 = arith.muli %parallel_loop3A_49, %parallel_loop3A_70 : i32
      %parallel_loop3A_72 = arith.constant 3 : i32
      %parallel_loop3A_73 = arith.index_cast %parallel_loop3A_72 : i32 to index
      %parallel_loop3A_74 = arith.index_cast %parallel_loop3A_71 : i32 to index
      %parallel_loop3A_75 = tpu.vector_load %arg15[%parallel_loop3A_73, %parallel_loop3A_74] {strides = array<i32>} : memref<16x128xf32, #tpu.memory_space<vmem>>, vector<16xf32>,
      %parallel_loop3A_76 = arith.addf %parallel_loop3A_69, %parallel_loop3A_75 : vector<16xf32>
      %parallel_loop3A_77 = arith.constant 16 : i32
      %parallel_loop3A_78 = arith.muli %parallel_loop3A_49, %parallel_loop3A_77 : i32
      %parallel_loop3A_79 = arith.constant 4 : i32
      %parallel_loop3A_80 = arith.index_cast %parallel_loop3A_79 : i32 to index
      %parallel_loop3A_81 = arith.index_cast %parallel_loop3A_78 : i32 to index
      %parallel_loop3A_82 = tpu.vector_load %arg15[%parallel_loop3A_80, %parallel_loop3A_81] {strides = array<i32>} : memref<16x128xf32, #tpu.memory_space<vmem>>, vector<16xf32>,
      %parallel_loop3A_83 = arith.addf %parallel_loop3A_76, %parallel_loop3A_82 : vector<16xf32>
      %parallel_loop3A_84 = arith.constant 16 : i32
      %parallel_loop3A_85 = arith.muli %parallel_loop3A_49, %parallel_loop3A_84 : i32
      %parallel_loop3A_86 = arith.constant 5 : i32
      %parallel_loop3A_87 = arith.index_cast %parallel_loop3A_86 : i32 to index
      %parallel_loop3A_88 = arith.index_cast %parallel_loop3A_85 : i32 to index
      %parallel_loop3A_89 = tpu.vector_load %arg15[%parallel_loop3A_87, %parallel_loop3A_88] {strides = array<i32>} : memref<16x128xf32, #tpu.memory_space<vmem>>, vector<16xf32>,
      %parallel_loop3A_90 = arith.addf %parallel_loop3A_83, %parallel_loop3A_89 : vector<16xf32>
      %parallel_loop3A_91 = arith.constant 16 : i32
      %parallel_loop3A_92 = arith.muli %parallel_loop3A_49, %parallel_loop3A_91 : i32
      %parallel_loop3A_93 = arith.constant 6 : i32
      %parallel_loop3A_94 = arith.index_cast %parallel_loop3A_93 : i32 to index
      %parallel_loop3A_95 = arith.index_cast %parallel_loop3A_92 : i32 to index
      %parallel_loop3A_96 = tpu.vector_load %arg15[%parallel_loop3A_94, %parallel_loop3A_95] {strides = array<i32>} : memref<16x128xf32, #tpu.memory_space<vmem>>, vector<16xf32>,
      %parallel_loop3A_97 = arith.addf %parallel_loop3A_90, %parallel_loop3A_96 : vector<16xf32>
      %parallel_loop3A_98 = arith.constant 16 : i32
      %parallel_loop3A_99 = arith.muli %parallel_loop3A_49, %parallel_loop3A_98 : i32
      %parallel_loop3A_100 = arith.constant 7 : i32
      %parallel_loop3A_101 = arith.index_cast %parallel_loop3A_100 : i32 to index
      %parallel_loop3A_102 = arith.index_cast %parallel_loop3A_99 : i32 to index
      %parallel_loop3A_103 = tpu.vector_load %arg15[%parallel_loop3A_101, %parallel_loop3A_102] {strides = array<i32>} : memref<16x128xf32, #tpu.memory_space<vmem>>, vector<16xf32>,
      %parallel_loop3A_104 = arith.addf %parallel_loop3A_97, %parallel_loop3A_103 : vector<16xf32>
      %parallel_loop3A_105 = arith.constant 16 : i32
      %parallel_loop3A_106 = arith.muli %parallel_loop3A_49, %parallel_loop3A_105 : i32
      %parallel_loop3A_107 = arith.constant 8 : i32
      %parallel_loop3A_108 = arith.index_cast %parallel_loop3A_107 : i32 to index
      %parallel_loop3A_109 = arith.index_cast %parallel_loop3A_106 : i32 to index
      %parallel_loop3A_110 = tpu.vector_load %arg15[%parallel_loop3A_108, %parallel_loop3A_109] {strides = array<i32>} : memref<16x128xf32, #tpu.memory_space<vmem>>, vector<16xf32>,
      %parallel_loop3A_111 = arith.addf %parallel_loop3A_104, %parallel_loop3A_110 : vector<16xf32>
      %parallel_loop3A_112 = arith.constant 16 : i32
      %parallel_loop3A_113 = arith.muli %parallel_loop3A_49, %parallel_loop3A_112 : i32
      %parallel_loop3A_114 = arith.constant 9 : i32
      %parallel_loop3A_115 = arith.index_cast %parallel_loop3A_114 : i32 to index
      %parallel_loop3A_116 = arith.index_cast %parallel_loop3A_113 : i32 to index
      %parallel_loop3A_117 = tpu.vector_load %arg15[%parallel_loop3A_115, %parallel_loop3A_116] {strides = array<i32>} : memref<16x128xf32, #tpu.memory_space<vmem>>, vector<16xf32>,
      %parallel_loop3A_118 = arith.addf %parallel_loop3A_111, %parallel_loop3A_117 : vector<16xf32>
      %parallel_loop3A_119 = arith.constant 16 : i32
      %parallel_loop3A_120 = arith.muli %parallel_loop3A_49, %parallel_loop3A_119 : i32
      %parallel_loop3A_121 = arith.constant 10 : i32
      %parallel_loop3A_122 = arith.index_cast %parallel_loop3A_121 : i32 to index
      %parallel_loop3A_123 = arith.index_cast %parallel_loop3A_120 : i32 to index
      %parallel_loop3A_124 = tpu.vector_load %arg15[%parallel_loop3A_122, %parallel_loop3A_123] {strides = array<i32>} : memref<16x128xf32, #tpu.memory_space<vmem>>, vector<16xf32>,
      %parallel_loop3A_125 = arith.addf %parallel_loop3A_118, %parallel_loop3A_124 : vector<16xf32>
      %parallel_loop3A_126 = arith.constant 16 : i32
      %parallel_loop3A_127 = arith.muli %parallel_loop3A_49, %parallel_loop3A_126 : i32
      %parallel_loop3A_128 = arith.constant 11 : i32
      %parallel_loop3A_129 = arith.index_cast %parallel_loop3A_128 : i32 to index
      %parallel_loop3A_130 = arith.index_cast %parallel_loop3A_127 : i32 to index
      %parallel_loop3A_131 = tpu.vector_load %arg15[%parallel_loop3A_129, %parallel_loop3A_130] {strides = array<i32>} : memref<16x128xf32, #tpu.memory_space<vmem>>, vector<16xf32>,
      %parallel_loop3A_132 = arith.addf %parallel_loop3A_125, %parallel_loop3A_131 : vector<16xf32>
      %parallel_loop3A_133 = arith.constant 16 : i32
      %parallel_loop3A_134 = arith.muli %parallel_loop3A_49, %parallel_loop3A_133 : i32
      %parallel_loop3A_135 = arith.constant 12 : i32
      %parallel_loop3A_136 = arith.index_cast %parallel_loop3A_135 : i32 to index
      %parallel_loop3A_137 = arith.index_cast %parallel_loop3A_134 : i32 to index
      %parallel_loop3A_138 = tpu.vector_load %arg15[%parallel_loop3A_136, %parallel_loop3A_137] {strides = array<i32>} : memref<16x128xf32, #tpu.memory_space<vmem>>, vector<16xf32>,
      %parallel_loop3A_139 = arith.addf %parallel_loop3A_132, %parallel_loop3A_138 : vector<16xf32>
      %parallel_loop3A_140 = arith.constant 16 : i32
      %parallel_loop3A_141 = arith.muli %parallel_loop3A_49, %parallel_loop3A_140 : i32
      %parallel_loop3A_142 = arith.constant 13 : i32
      %parallel_loop3A_143 = arith.index_cast %parallel_loop3A_142 : i32 to index
      %parallel_loop3A_144 = arith.index_cast %parallel_loop3A_141 : i32 to index
      %parallel_loop3A_145 = tpu.vector_load %arg15[%parallel_loop3A_143, %parallel_loop3A_144] {strides = array<i32>} : memref<16x128xf32, #tpu.memory_space<vmem>>, vector<16xf32>,
      %parallel_loop3A_146 = arith.addf %parallel_loop3A_139, %parallel_loop3A_145 : vector<16xf32>
      %parallel_loop3A_147 = arith.constant 16 : i32
      %parallel_loop3A_148 = arith.muli %parallel_loop3A_49, %parallel_loop3A_147 : i32
      %parallel_loop3A_149 = arith.constant 14 : i32
      %parallel_loop3A_150 = arith.index_cast %parallel_loop3A_149 : i32 to index
      %parallel_loop3A_151 = arith.index_cast %parallel_loop3A_148 : i32 to index
      %parallel_loop3A_152 = tpu.vector_load %arg15[%parallel_loop3A_150, %parallel_loop3A_151] {strides = array<i32>} : memref<16x128xf32, #tpu.memory_space<vmem>>, vector<16xf32>,
      %parallel_loop3A_153 = arith.addf %parallel_loop3A_146, %parallel_loop3A_152 : vector<16xf32>
      %parallel_loop3A_154 = arith.constant 16 : i32
      %parallel_loop3A_155 = arith.muli %parallel_loop3A_49, %parallel_loop3A_154 : i32
      %parallel_loop3A_156 = arith.constant 15 : i32
      %parallel_loop3A_157 = arith.index_cast %parallel_loop3A_156 : i32 to index
      %parallel_loop3A_158 = arith.index_cast %parallel_loop3A_155 : i32 to index
      %parallel_loop3A_159 = tpu.vector_load %arg15[%parallel_loop3A_157, %parallel_loop3A_158] {strides = array<i32>} : memref<16x128xf32, #tpu.memory_space<vmem>>, vector<16xf32>,
      %parallel_loop3A_160 = arith.addf %parallel_loop3A_153, %parallel_loop3A_159 : vector<16xf32>
      %parallel_loop3A_161 = arith.constant 1.000000e+00 : f32
      %parallel_loop3A_162 = vector.broadcast %parallel_loop3A_161 : f32 to vector<16xf32>
      %parallel_loop3A_163 = arith.addf %parallel_loop3A_160, %parallel_loop3A_162 : vector<16xf32>
      %parallel_loop3A_164 = vector.bitcast %parallel_loop3A_163 : vector<16xf32> to vector<16xi32>
      %parallel_loop3A_165 = arith.constant 1 : i32
      %parallel_loop3A_166 = vector.broadcast %parallel_loop3A_165 : i32 to vector<16xi32>
      %parallel_loop3A_167 = arith.shrsi %parallel_loop3A_164, %parallel_loop3A_166 : vector<16xi32>
      %parallel_loop3A_168 = arith.constant 1597463007 : i32
      %parallel_loop3A_169 = vector.broadcast %parallel_loop3A_168 : i32 to vector<16xi32>
      %parallel_loop3A_170 = arith.subi %parallel_loop3A_169, %parallel_loop3A_167 : vector<16xi32>
      %parallel_loop3A_171 = vector.bitcast %parallel_loop3A_170 : vector<16xi32> to vector<16xf32>
      %parallel_loop3A_172 = arith.constant 5.000000e-01 : f32
      %parallel_loop3A_173 = vector.broadcast %parallel_loop3A_172 : f32 to vector<16xf32>
      %parallel_loop3A_174 = arith.mulf %parallel_loop3A_173, %parallel_loop3A_163 : vector<16xf32>
      %parallel_loop3A_175 = arith.mulf %parallel_loop3A_174, %parallel_loop3A_171 : vector<16xf32>
      %parallel_loop3A_176 = arith.mulf %parallel_loop3A_175, %parallel_loop3A_171 : vector<16xf32>
      %parallel_loop3A_177 = arith.constant 1.500000e+00 : f32
      %parallel_loop3A_178 = vector.broadcast %parallel_loop3A_177 : f32 to vector<16xf32>
      %parallel_loop3A_179 = arith.subf %parallel_loop3A_178, %parallel_loop3A_176 : vector<16xf32>
      %parallel_loop3A_180 = arith.mulf %parallel_loop3A_171, %parallel_loop3A_179 : vector<16xf32>
      %parallel_loop3A_181 = arith.constant 5.000000e-01 : f32
      %parallel_loop3A_182 = vector.broadcast %parallel_loop3A_181 : f32 to vector<16xf32>
      %parallel_loop3A_183 = arith.mulf %parallel_loop3A_182, %parallel_loop3A_163 : vector<16xf32>
      %parallel_loop3A_184 = arith.mulf %parallel_loop3A_183, %parallel_loop3A_180 : vector<16xf32>
      %parallel_loop3A_185 = arith.mulf %parallel_loop3A_184, %parallel_loop3A_180 : vector<16xf32>
      %parallel_loop3A_186 = arith.constant 1.500000e+00 : f32
      %parallel_loop3A_187 = vector.broadcast %parallel_loop3A_186 : f32 to vector<16xf32>
      %parallel_loop3A_188 = arith.subf %parallel_loop3A_187, %parallel_loop3A_185 : vector<16xf32>
      %parallel_loop3A_189 = arith.mulf %parallel_loop3A_180, %parallel_loop3A_188 : vector<16xf32>
      %parallel_loop3A_190 = arith.constant 5.000000e-01 : f32
      %parallel_loop3A_191 = vector.broadcast %parallel_loop3A_190 : f32 to vector<16xf32>
      %parallel_loop3A_192 = arith.mulf %parallel_loop3A_191, %parallel_loop3A_163 : vector<16xf32>
      %parallel_loop3A_193 = arith.mulf %parallel_loop3A_192, %parallel_loop3A_189 : vector<16xf32>
      %parallel_loop3A_194 = arith.mulf %parallel_loop3A_193, %parallel_loop3A_189 : vector<16xf32>
      %parallel_loop3A_195 = arith.constant 1.500000e+00 : f32
      %parallel_loop3A_196 = vector.broadcast %parallel_loop3A_195 : f32 to vector<16xf32>
      %parallel_loop3A_197 = arith.subf %parallel_loop3A_196, %parallel_loop3A_194 : vector<16xf32>
      %parallel_loop3A_198 = arith.mulf %parallel_loop3A_189, %parallel_loop3A_197 : vector<16xf32>
      %parallel_loop3A_199 = arith.constant 16 : i32
      %parallel_loop3A_200 = arith.muli %parallel_loop3A_49, %parallel_loop3A_199 : i32
      %parallel_loop3A_201 = arith.index_cast %parallel_loop3A_200 : i32 to index
      %parallel_loop3A_202 = tpu.vector_load %arg13[%parallel_loop3A_201] {strides = array<i32>} : memref<128xf32, #tpu.memory_space<vmem>>, vector<16xf32>,
      tpu.vector_store %arg13[%parallel_loop3A_201], %parallel_loop3A_198 {strides = array<i32>} : memref<128xf32, #tpu.memory_space<vmem>>, vector<16xf32>,
    } {sc.loop_unroll_factor = 2 : i64, sc.parallel_access}
    "tpu.region"() ({
      %run_scoped3A = tpu.sem_alloc : memref<!tpu.dma_semaphore, #tpu.memory_space<semaphore_mem>>
      %dma_start3A = tpu.memref_slice %arg17[%mul3A_2] : memref<2048xf32, #tpu.memory_space<vmem_shared>> -> memref<128xf32, #tpu.memory_space<vmem_shared>>
      %dma_start3A_49 = tpu.memref_slice %arg17[%mul3A_2] : memref<2048xf32, #tpu.memory_space<vmem_shared>> -> memref<128xf32, #tpu.memory_space<vmem_shared>>
      tpu.enqueue_dma source(%arg13 : memref<128xf32, #tpu.memory_space<vmem>>) target(%dma_start3A_49 : memref<128xf32, #tpu.memory_space<vmem_shared>>) target_semaphore(%run_scoped3A : memref<!tpu.dma_semaphore, #tpu.memory_space<semaphore_mem>>)
      %dma_wait3A = tpu.memref_slice %arg17[%mul3A_2] : memref<2048xf32, #tpu.memory_space<vmem_shared>> -> memref<128xf32, #tpu.memory_space<vmem_shared>>
      %dma_wait3A_50 = tpu.memref_slice %arg17[%mul3A_2] : memref<2048xf32, #tpu.memory_space<vmem_shared>> -> memref<128xf32, #tpu.memory_space<vmem_shared>>
      tpu.wait_dma2 semaphore(%run_scoped3A : memref<!tpu.dma_semaphore, #tpu.memory_space<semaphore_mem>>) src(%arg13 : memref<128xf32, #tpu.memory_space<vmem>>) dst(%dma_wait3A_50 : memref<128xf32, #tpu.memory_space<vmem_shared>>)
      tpu.yield
    }) : () -> ()
    %barrier3A_12 = arith.constant 0 : index
    tpu.barrier barrier_id(%barrier3A_12)
    "tpu.region"() ({
      %run_scoped3A = tpu.sem_alloc : memref<!tpu.dma_semaphore, #tpu.memory_space<semaphore_mem>>
      tpu.enqueue_dma source(%arg17 : memref<2048xf32, #tpu.memory_space<vmem_shared>>) target(%arg12 : memref<2048xf32, #tpu.memory_space<vmem>>) target_semaphore(%run_scoped3A : memref<!tpu.dma_semaphore, #tpu.memory_space<semaphore_mem>>)
      tpu.wait_dma2 semaphore(%run_scoped3A : memref<!tpu.dma_semaphore, #tpu.memory_space<semaphore_mem>>) src(%arg17 : memref<2048xf32, #tpu.memory_space<vmem_shared>>) dst(%arg12 : memref<2048xf32, #tpu.memory_space<vmem>>)
      tpu.yield
    }) : () -> ()
    %parallel_loop3A_13 = arith.constant 0 : i32
    %parallel_loop3A_14 = arith.constant 128 : i32
    %parallel_loop3A_15 = arith.constant 1 : i32
    scf.for %parallel_loop3A_49 = %parallel_loop3A_13 to %parallel_loop3A_14 step %parallel_loop3A_15  : i32 {
      %parallel_loop3A_50 = arith.constant 16 : i32
      %parallel_loop3A_51 = arith.muli %parallel_loop3A_49, %parallel_loop3A_50 : i32
      %parallel_loop3A_52 = arith.index_cast %parallel_loop3A_51 : i32 to index
      %parallel_loop3A_53 = tpu.vector_load %arg10[%parallel_loop3A_52] {strides = array<i32>} : memref<2048xf32, #tpu.memory_space<vmem>>, vector<16xf32>,
      %parallel_loop3A_54 = arith.index_cast %parallel_loop3A_51 : i32 to index
      %parallel_loop3A_55 = tpu.vector_load %arg12[%parallel_loop3A_54] {strides = array<i32>} : memref<2048xf32, #tpu.memory_space<vmem>>, vector<16xf32>,
      %parallel_loop3A_56 = arith.mulf %parallel_loop3A_53, %parallel_loop3A_55 : vector<16xf32>
      %parallel_loop3A_57 = arith.index_cast %parallel_loop3A_51 : i32 to index
      %parallel_loop3A_58 = tpu.vector_load %arg10[%parallel_loop3A_57] {strides = array<i32>} : memref<2048xf32, #tpu.memory_space<vmem>>, vector<16xf32>,
      tpu.vector_store %arg10[%parallel_loop3A_57], %parallel_loop3A_56 {strides = array<i32>} : memref<2048xf32, #tpu.memory_space<vmem>>, vector<16xf32>,
    } {sc.loop_unroll_factor = 8 : i64, sc.parallel_access}
    %parallel_loop3A_16 = arith.constant 0 : i32
    %parallel_loop3A_17 = arith.constant 128 : i32
    %parallel_loop3A_18 = arith.constant 1 : i32
    scf.for %parallel_loop3A_49 = %parallel_loop3A_16 to %parallel_loop3A_17 step %parallel_loop3A_18  : i32 {
      %parallel_loop3A_50 = arith.constant 0.000000e+00 : f32
      %parallel_loop3A_51 = vector.broadcast %parallel_loop3A_50 : f32 to vector<16xf32>
      %parallel_loop3A_52 = arith.constant 16 : i32
      %parallel_loop3A_53 = arith.muli %parallel_loop3A_49, %parallel_loop3A_52 : i32
      %parallel_loop3A_54 = arith.index_cast %parallel_loop3A_53 : i32 to index
      %parallel_loop3A_55 = tpu.vector_load %arg11[%parallel_loop3A_54] {strides = array<i32>} : memref<2048xf32, #tpu.memory_space<vmem>>, vector<16xf32>,
      tpu.vector_store %arg11[%parallel_loop3A_54], %parallel_loop3A_51 {strides = array<i32>} : memref<2048xf32, #tpu.memory_space<vmem>>, vector<16xf32>,
    } {sc.loop_unroll_factor = 8 : i64, sc.parallel_access}
    %parallel_loop3A_19 = arith.constant 0 : i32
    %parallel_loop3A_20 = arith.constant 128 : i32
    %parallel_loop3A_21 = arith.constant 1 : i32
    scf.for %parallel_loop3A_49 = %parallel_loop3A_19 to %parallel_loop3A_20 step %parallel_loop3A_21  : i32 {
      %parallel_loop3A_50 = arith.constant 16 : i32
      %parallel_loop3A_51 = arith.muli %parallel_loop3A_49, %parallel_loop3A_50 : i32
      %parallel_loop3A_52 = arith.index_cast %parallel_loop3A_51 : i32 to index
      %parallel_loop3A_53 = tpu.vector_load %arg8[%parallel_loop3A_52] {strides = array<i32>} : memref<2048xi32, #tpu.memory_space<vmem>>, vector<16xi32>,
      %parallel_loop3A_54 = arith.constant 16 : i32
      %parallel_loop3A_55 = arith.muli %parallel_loop3A_49, %parallel_loop3A_54 : i32
      %parallel_loop3A_56 = arith.index_cast %parallel_loop3A_55 : i32 to index
      %parallel_loop3A_57 = tpu.vector_load %arg9[%parallel_loop3A_56] {strides = array<i32>} : memref<2048xi32, #tpu.memory_space<vmem>>, vector<16xi32>,
      %parallel_loop3A_58 = tpu.vector_load_idx %arg10[%parallel_loop3A_57] : memref<2048xf32, #tpu.memory_space<vmem>>[vector<16xi32>], vector<16xf32>,
      tpu.vector_store_idx %arg11[%parallel_loop3A_53], %parallel_loop3A_58 {add = true} : memref<2048xf32, #tpu.memory_space<vmem>>[vector<16xi32>], vector<16xf32>,
    } {sc.loop_unroll_factor = 8 : i64, sc.parallel_access}
    "tpu.region"() ({
      %run_scoped3A = tpu.sem_alloc : memref<!tpu.dma_semaphore, #tpu.memory_space<semaphore_mem>>
      %dma_start3A = arith.constant 0 : i32
      %dma_start3A_49 = tpu.memref_slice %arg16[%arg1, %dma_start3A] : memref<16x2048xf32, #tpu.memory_space<vmem_shared>> -> memref<1x2048xf32, #tpu.memory_space<vmem_shared>>
      %dma_start3A_50 = tpu.memref_squeeze %dma_start3A_49 : memref<1x2048xf32, #tpu.memory_space<vmem_shared>> -> memref<2048xf32, #tpu.memory_space<vmem_shared>>
      %dma_start3A_51 = arith.constant 0 : i32
      %dma_start3A_52 = tpu.memref_slice %arg16[%arg1, %dma_start3A_51] : memref<16x2048xf32, #tpu.memory_space<vmem_shared>> -> memref<1x2048xf32, #tpu.memory_space<vmem_shared>>
      %dma_start3A_53 = tpu.memref_squeeze %dma_start3A_52 : memref<1x2048xf32, #tpu.memory_space<vmem_shared>> -> memref<2048xf32, #tpu.memory_space<vmem_shared>>
      tpu.enqueue_dma source(%arg11 : memref<2048xf32, #tpu.memory_space<vmem>>) target(%dma_start3A_53 : memref<2048xf32, #tpu.memory_space<vmem_shared>>) target_semaphore(%run_scoped3A : memref<!tpu.dma_semaphore, #tpu.memory_space<semaphore_mem>>)
      %dma_wait3A = arith.constant 0 : i32
      %dma_wait3A_54 = tpu.memref_slice %arg16[%arg1, %dma_wait3A] : memref<16x2048xf32, #tpu.memory_space<vmem_shared>> -> memref<1x2048xf32, #tpu.memory_space<vmem_shared>>
      %dma_wait3A_55 = tpu.memref_squeeze %dma_wait3A_54 : memref<1x2048xf32, #tpu.memory_space<vmem_shared>> -> memref<2048xf32, #tpu.memory_space<vmem_shared>>
      %dma_wait3A_56 = arith.constant 0 : i32
      %dma_wait3A_57 = tpu.memref_slice %arg16[%arg1, %dma_wait3A_56] : memref<16x2048xf32, #tpu.memory_space<vmem_shared>> -> memref<1x2048xf32, #tpu.memory_space<vmem_shared>>
      %dma_wait3A_58 = tpu.memref_squeeze %dma_wait3A_57 : memref<1x2048xf32, #tpu.memory_space<vmem_shared>> -> memref<2048xf32, #tpu.memory_space<vmem_shared>>
      tpu.wait_dma2 semaphore(%run_scoped3A : memref<!tpu.dma_semaphore, #tpu.memory_space<semaphore_mem>>) src(%arg11 : memref<2048xf32, #tpu.memory_space<vmem>>) dst(%dma_wait3A_58 : memref<2048xf32, #tpu.memory_space<vmem_shared>>)
      tpu.yield
    }) : () -> ()
    %barrier3A_22 = arith.constant 0 : index
    tpu.barrier barrier_id(%barrier3A_22)
    "tpu.region"() ({
      %run_scoped3A = tpu.sem_alloc : memref<!tpu.dma_semaphore, #tpu.memory_space<semaphore_mem>>
      %dma_start3A = arith.constant 0 : i32
      %dma_start3A_49 = tpu.memref_slice %arg16[%dma_start3A, %mul3A_2] : memref<16x2048xf32, #tpu.memory_space<vmem_shared>> -> memref<16x128xf32, #tpu.memory_space<vmem_shared>>
      %dma_start3A_50 = arith.constant 0 : i32
      %dma_start3A_51 = tpu.memref_slice %arg16[%dma_start3A_50, %mul3A_2] : memref<16x2048xf32, #tpu.memory_space<vmem_shared>> -> memref<16x128xf32, #tpu.memory_space<vmem_shared>>
      tpu.enqueue_dma source(%dma_start3A_51 : memref<16x128xf32, #tpu.memory_space<vmem_shared>>) target(%arg15 : memref<16x128xf32, #tpu.memory_space<vmem>>) target_semaphore(%run_scoped3A : memref<!tpu.dma_semaphore, #tpu.memory_space<semaphore_mem>>)
      %dma_wait3A = arith.constant 0 : i32
      %dma_wait3A_52 = tpu.memref_slice %arg16[%dma_wait3A, %mul3A_2] : memref<16x2048xf32, #tpu.memory_space<vmem_shared>> -> memref<16x128xf32, #tpu.memory_space<vmem_shared>>
      %dma_wait3A_53 = arith.constant 0 : i32
      %dma_wait3A_54 = tpu.memref_slice %arg16[%dma_wait3A_53, %mul3A_2] : memref<16x2048xf32, #tpu.memory_space<vmem_shared>> -> memref<16x128xf32, #tpu.memory_space<vmem_shared>>
      tpu.wait_dma2 semaphore(%run_scoped3A : memref<!tpu.dma_semaphore, #tpu.memory_space<semaphore_mem>>) src(%dma_wait3A_54 : memref<16x128xf32, #tpu.memory_space<vmem_shared>>) dst(%arg15 : memref<16x128xf32, #tpu.memory_space<vmem>>)
      tpu.yield
    }) : () -> ()
    %parallel_loop3A_23 = arith.constant 0 : i32
    %parallel_loop3A_24 = arith.constant 8 : i32
    %parallel_loop3A_25 = arith.constant 1 : i32
    scf.for %parallel_loop3A_49 = %parallel_loop3A_23 to %parallel_loop3A_24 step %parallel_loop3A_25  : i32 {
      %parallel_loop3A_50 = arith.constant 16 : i32
      %parallel_loop3A_51 = arith.muli %parallel_loop3A_49, %parallel_loop3A_50 : i32
      %parallel_loop3A_52 = arith.constant 0 : i32
      %parallel_loop3A_53 = arith.index_cast %parallel_loop3A_52 : i32 to index
      %parallel_loop3A_54 = arith.index_cast %parallel_loop3A_51 : i32 to index
      %parallel_loop3A_55 = tpu.vector_load %arg15[%parallel_loop3A_53, %parallel_loop3A_54] {strides = array<i32>} : memref<16x128xf32, #tpu.memory_space<vmem>>, vector<16xf32>,
      %parallel_loop3A_56 = arith.constant 16 : i32
      %parallel_loop3A_57 = arith.muli %parallel_loop3A_49, %parallel_loop3A_56 : i32
      %parallel_loop3A_58 = arith.constant 1 : i32
      %parallel_loop3A_59 = arith.index_cast %parallel_loop3A_58 : i32 to index
      %parallel_loop3A_60 = arith.index_cast %parallel_loop3A_57 : i32 to index
      %parallel_loop3A_61 = tpu.vector_load %arg15[%parallel_loop3A_59, %parallel_loop3A_60] {strides = array<i32>} : memref<16x128xf32, #tpu.memory_space<vmem>>, vector<16xf32>,
      %parallel_loop3A_62 = arith.addf %parallel_loop3A_55, %parallel_loop3A_61 : vector<16xf32>
      %parallel_loop3A_63 = arith.constant 16 : i32
      %parallel_loop3A_64 = arith.muli %parallel_loop3A_49, %parallel_loop3A_63 : i32
      %parallel_loop3A_65 = arith.constant 2 : i32
      %parallel_loop3A_66 = arith.index_cast %parallel_loop3A_65 : i32 to index
      %parallel_loop3A_67 = arith.index_cast %parallel_loop3A_64 : i32 to index
      %parallel_loop3A_68 = tpu.vector_load %arg15[%parallel_loop3A_66, %parallel_loop3A_67] {strides = array<i32>} : memref<16x128xf32, #tpu.memory_space<vmem>>, vector<16xf32>,
      %parallel_loop3A_69 = arith.addf %parallel_loop3A_62, %parallel_loop3A_68 : vector<16xf32>
      %parallel_loop3A_70 = arith.constant 16 : i32
      %parallel_loop3A_71 = arith.muli %parallel_loop3A_49, %parallel_loop3A_70 : i32
      %parallel_loop3A_72 = arith.constant 3 : i32
      %parallel_loop3A_73 = arith.index_cast %parallel_loop3A_72 : i32 to index
      %parallel_loop3A_74 = arith.index_cast %parallel_loop3A_71 : i32 to index
      %parallel_loop3A_75 = tpu.vector_load %arg15[%parallel_loop3A_73, %parallel_loop3A_74] {strides = array<i32>} : memref<16x128xf32, #tpu.memory_space<vmem>>, vector<16xf32>,
      %parallel_loop3A_76 = arith.addf %parallel_loop3A_69, %parallel_loop3A_75 : vector<16xf32>
      %parallel_loop3A_77 = arith.constant 16 : i32
      %parallel_loop3A_78 = arith.muli %parallel_loop3A_49, %parallel_loop3A_77 : i32
      %parallel_loop3A_79 = arith.constant 4 : i32
      %parallel_loop3A_80 = arith.index_cast %parallel_loop3A_79 : i32 to index
      %parallel_loop3A_81 = arith.index_cast %parallel_loop3A_78 : i32 to index
      %parallel_loop3A_82 = tpu.vector_load %arg15[%parallel_loop3A_80, %parallel_loop3A_81] {strides = array<i32>} : memref<16x128xf32, #tpu.memory_space<vmem>>, vector<16xf32>,
      %parallel_loop3A_83 = arith.addf %parallel_loop3A_76, %parallel_loop3A_82 : vector<16xf32>
      %parallel_loop3A_84 = arith.constant 16 : i32
      %parallel_loop3A_85 = arith.muli %parallel_loop3A_49, %parallel_loop3A_84 : i32
      %parallel_loop3A_86 = arith.constant 5 : i32
      %parallel_loop3A_87 = arith.index_cast %parallel_loop3A_86 : i32 to index
      %parallel_loop3A_88 = arith.index_cast %parallel_loop3A_85 : i32 to index
      %parallel_loop3A_89 = tpu.vector_load %arg15[%parallel_loop3A_87, %parallel_loop3A_88] {strides = array<i32>} : memref<16x128xf32, #tpu.memory_space<vmem>>, vector<16xf32>,
      %parallel_loop3A_90 = arith.addf %parallel_loop3A_83, %parallel_loop3A_89 : vector<16xf32>
      %parallel_loop3A_91 = arith.constant 16 : i32
      %parallel_loop3A_92 = arith.muli %parallel_loop3A_49, %parallel_loop3A_91 : i32
      %parallel_loop3A_93 = arith.constant 6 : i32
      %parallel_loop3A_94 = arith.index_cast %parallel_loop3A_93 : i32 to index
      %parallel_loop3A_95 = arith.index_cast %parallel_loop3A_92 : i32 to index
      %parallel_loop3A_96 = tpu.vector_load %arg15[%parallel_loop3A_94, %parallel_loop3A_95] {strides = array<i32>} : memref<16x128xf32, #tpu.memory_space<vmem>>, vector<16xf32>,
      %parallel_loop3A_97 = arith.addf %parallel_loop3A_90, %parallel_loop3A_96 : vector<16xf32>
      %parallel_loop3A_98 = arith.constant 16 : i32
      %parallel_loop3A_99 = arith.muli %parallel_loop3A_49, %parallel_loop3A_98 : i32
      %parallel_loop3A_100 = arith.constant 7 : i32
      %parallel_loop3A_101 = arith.index_cast %parallel_loop3A_100 : i32 to index
      %parallel_loop3A_102 = arith.index_cast %parallel_loop3A_99 : i32 to index
      %parallel_loop3A_103 = tpu.vector_load %arg15[%parallel_loop3A_101, %parallel_loop3A_102] {strides = array<i32>} : memref<16x128xf32, #tpu.memory_space<vmem>>, vector<16xf32>,
      %parallel_loop3A_104 = arith.addf %parallel_loop3A_97, %parallel_loop3A_103 : vector<16xf32>
      %parallel_loop3A_105 = arith.constant 16 : i32
      %parallel_loop3A_106 = arith.muli %parallel_loop3A_49, %parallel_loop3A_105 : i32
      %parallel_loop3A_107 = arith.constant 8 : i32
      %parallel_loop3A_108 = arith.index_cast %parallel_loop3A_107 : i32 to index
      %parallel_loop3A_109 = arith.index_cast %parallel_loop3A_106 : i32 to index
      %parallel_loop3A_110 = tpu.vector_load %arg15[%parallel_loop3A_108, %parallel_loop3A_109] {strides = array<i32>} : memref<16x128xf32, #tpu.memory_space<vmem>>, vector<16xf32>,
      %parallel_loop3A_111 = arith.addf %parallel_loop3A_104, %parallel_loop3A_110 : vector<16xf32>
      %parallel_loop3A_112 = arith.constant 16 : i32
      %parallel_loop3A_113 = arith.muli %parallel_loop3A_49, %parallel_loop3A_112 : i32
      %parallel_loop3A_114 = arith.constant 9 : i32
      %parallel_loop3A_115 = arith.index_cast %parallel_loop3A_114 : i32 to index
      %parallel_loop3A_116 = arith.index_cast %parallel_loop3A_113 : i32 to index
      %parallel_loop3A_117 = tpu.vector_load %arg15[%parallel_loop3A_115, %parallel_loop3A_116] {strides = array<i32>} : memref<16x128xf32, #tpu.memory_space<vmem>>, vector<16xf32>,
      %parallel_loop3A_118 = arith.addf %parallel_loop3A_111, %parallel_loop3A_117 : vector<16xf32>
      %parallel_loop3A_119 = arith.constant 16 : i32
      %parallel_loop3A_120 = arith.muli %parallel_loop3A_49, %parallel_loop3A_119 : i32
      %parallel_loop3A_121 = arith.constant 10 : i32
      %parallel_loop3A_122 = arith.index_cast %parallel_loop3A_121 : i32 to index
      %parallel_loop3A_123 = arith.index_cast %parallel_loop3A_120 : i32 to index
      %parallel_loop3A_124 = tpu.vector_load %arg15[%parallel_loop3A_122, %parallel_loop3A_123] {strides = array<i32>} : memref<16x128xf32, #tpu.memory_space<vmem>>, vector<16xf32>,
      %parallel_loop3A_125 = arith.addf %parallel_loop3A_118, %parallel_loop3A_124 : vector<16xf32>
      %parallel_loop3A_126 = arith.constant 16 : i32
      %parallel_loop3A_127 = arith.muli %parallel_loop3A_49, %parallel_loop3A_126 : i32
      %parallel_loop3A_128 = arith.constant 11 : i32
      %parallel_loop3A_129 = arith.index_cast %parallel_loop3A_128 : i32 to index
      %parallel_loop3A_130 = arith.index_cast %parallel_loop3A_127 : i32 to index
      %parallel_loop3A_131 = tpu.vector_load %arg15[%parallel_loop3A_129, %parallel_loop3A_130] {strides = array<i32>} : memref<16x128xf32, #tpu.memory_space<vmem>>, vector<16xf32>,
      %parallel_loop3A_132 = arith.addf %parallel_loop3A_125, %parallel_loop3A_131 : vector<16xf32>
      %parallel_loop3A_133 = arith.constant 16 : i32
      %parallel_loop3A_134 = arith.muli %parallel_loop3A_49, %parallel_loop3A_133 : i32
      %parallel_loop3A_135 = arith.constant 12 : i32
      %parallel_loop3A_136 = arith.index_cast %parallel_loop3A_135 : i32 to index
      %parallel_loop3A_137 = arith.index_cast %parallel_loop3A_134 : i32 to index
      %parallel_loop3A_138 = tpu.vector_load %arg15[%parallel_loop3A_136, %parallel_loop3A_137] {strides = array<i32>} : memref<16x128xf32, #tpu.memory_space<vmem>>, vector<16xf32>,
      %parallel_loop3A_139 = arith.addf %parallel_loop3A_132, %parallel_loop3A_138 : vector<16xf32>
      %parallel_loop3A_140 = arith.constant 16 : i32
      %parallel_loop3A_141 = arith.muli %parallel_loop3A_49, %parallel_loop3A_140 : i32
      %parallel_loop3A_142 = arith.constant 13 : i32
      %parallel_loop3A_143 = arith.index_cast %parallel_loop3A_142 : i32 to index
      %parallel_loop3A_144 = arith.index_cast %parallel_loop3A_141 : i32 to index
      %parallel_loop3A_145 = tpu.vector_load %arg15[%parallel_loop3A_143, %parallel_loop3A_144] {strides = array<i32>} : memref<16x128xf32, #tpu.memory_space<vmem>>, vector<16xf32>,
      %parallel_loop3A_146 = arith.addf %parallel_loop3A_139, %parallel_loop3A_145 : vector<16xf32>
      %parallel_loop3A_147 = arith.constant 16 : i32
      %parallel_loop3A_148 = arith.muli %parallel_loop3A_49, %parallel_loop3A_147 : i32
      %parallel_loop3A_149 = arith.constant 14 : i32
      %parallel_loop3A_150 = arith.index_cast %parallel_loop3A_149 : i32 to index
      %parallel_loop3A_151 = arith.index_cast %parallel_loop3A_148 : i32 to index
      %parallel_loop3A_152 = tpu.vector_load %arg15[%parallel_loop3A_150, %parallel_loop3A_151] {strides = array<i32>} : memref<16x128xf32, #tpu.memory_space<vmem>>, vector<16xf32>,
      %parallel_loop3A_153 = arith.addf %parallel_loop3A_146, %parallel_loop3A_152 : vector<16xf32>
      %parallel_loop3A_154 = arith.constant 16 : i32
      %parallel_loop3A_155 = arith.muli %parallel_loop3A_49, %parallel_loop3A_154 : i32
      %parallel_loop3A_156 = arith.constant 15 : i32
      %parallel_loop3A_157 = arith.index_cast %parallel_loop3A_156 : i32 to index
      %parallel_loop3A_158 = arith.index_cast %parallel_loop3A_155 : i32 to index
      %parallel_loop3A_159 = tpu.vector_load %arg15[%parallel_loop3A_157, %parallel_loop3A_158] {strides = array<i32>} : memref<16x128xf32, #tpu.memory_space<vmem>>, vector<16xf32>,
      %parallel_loop3A_160 = arith.addf %parallel_loop3A_153, %parallel_loop3A_159 : vector<16xf32>
      %parallel_loop3A_161 = arith.constant 16 : i32
      %parallel_loop3A_162 = arith.muli %parallel_loop3A_49, %parallel_loop3A_161 : i32
      %parallel_loop3A_163 = arith.addi %mul3A_2, %parallel_loop3A_162 : i32
      %parallel_loop3A_164 = arith.index_cast %parallel_loop3A_163 : i32 to index
      %parallel_loop3A_165 = tpu.vector_load %arg12[%parallel_loop3A_164] {strides = array<i32>} : memref<2048xf32, #tpu.memory_space<vmem>>, vector<16xf32>,
      %parallel_loop3A_166 = arith.index_cast %parallel_loop3A_163 : i32 to index
      %parallel_loop3A_167 = tpu.vector_load %arg10[%parallel_loop3A_166] {strides = array<i32>} : memref<2048xf32, #tpu.memory_space<vmem>>, vector<16xf32>,
      %parallel_loop3A_168 = arith.addf %parallel_loop3A_160, %parallel_loop3A_167 : vector<16xf32>
      %parallel_loop3A_169 = arith.mulf %parallel_loop3A_165, %parallel_loop3A_168 : vector<16xf32>
      %parallel_loop3A_170 = arith.constant 16 : i32
      %parallel_loop3A_171 = arith.muli %parallel_loop3A_49, %parallel_loop3A_170 : i32
      %parallel_loop3A_172 = arith.index_cast %parallel_loop3A_171 : i32 to index
      %parallel_loop3A_173 = tpu.vector_load %arg13[%parallel_loop3A_172] {strides = array<i32>} : memref<128xf32, #tpu.memory_space<vmem>>, vector<16xf32>,
      tpu.vector_store %arg13[%parallel_loop3A_172], %parallel_loop3A_169 {strides = array<i32>} : memref<128xf32, #tpu.memory_space<vmem>>, vector<16xf32>,
      %parallel_loop3A_174 = arith.index_cast %parallel_loop3A_163 : i32 to index
      %parallel_loop3A_175 = tpu.vector_load %arg12[%parallel_loop3A_174] {strides = array<i32>} : memref<2048xf32, #tpu.memory_space<vmem>>, vector<16xf32>,
      %parallel_loop3A_176 = arith.mulf %parallel_loop3A_175, %parallel_loop3A_169 : vector<16xf32>
      %parallel_loop3A_177 = arith.constant 16 : i32
      %parallel_loop3A_178 = arith.muli %parallel_loop3A_49, %parallel_loop3A_177 : i32
      %parallel_loop3A_179 = arith.index_cast %parallel_loop3A_178 : i32 to index
      %parallel_loop3A_180 = tpu.vector_load %arg14[%parallel_loop3A_179] {strides = array<i32>} : memref<128xf32, #tpu.memory_space<vmem>>, vector<16xf32>,
      tpu.vector_store %arg14[%parallel_loop3A_179], %parallel_loop3A_176 {strides = array<i32>} : memref<128xf32, #tpu.memory_space<vmem>>, vector<16xf32>,
    } {sc.loop_unroll_factor = 2 : i64, sc.parallel_access}
    "tpu.region"() ({
      %run_scoped3A = tpu.sem_alloc : memref<!tpu.dma_semaphore, #tpu.memory_space<semaphore_mem>>
      %dma_start3A = tpu.memref_slice %arg5[%mul3A_2] : memref<2048xf32, #tpu.memory_space<hbm>> -> memref<128xf32, #tpu.memory_space<hbm>>
      %dma_start3A_49 = tpu.memref_slice %arg5[%mul3A_2] : memref<2048xf32, #tpu.memory_space<hbm>> -> memref<128xf32, #tpu.memory_space<hbm>>
      tpu.enqueue_dma source(%arg13 : memref<128xf32, #tpu.memory_space<vmem>>) target(%dma_start3A_49 : memref<128xf32, #tpu.memory_space<hbm>>) target_semaphore(%run_scoped3A : memref<!tpu.dma_semaphore, #tpu.memory_space<semaphore_mem>>)
      %dma_wait3A = tpu.memref_slice %arg5[%mul3A_2] : memref<2048xf32, #tpu.memory_space<hbm>> -> memref<128xf32, #tpu.memory_space<hbm>>
      %dma_wait3A_50 = tpu.memref_slice %arg5[%mul3A_2] : memref<2048xf32, #tpu.memory_space<hbm>> -> memref<128xf32, #tpu.memory_space<hbm>>
      tpu.wait_dma2 semaphore(%run_scoped3A : memref<!tpu.dma_semaphore, #tpu.memory_space<semaphore_mem>>) src(%arg13 : memref<128xf32, #tpu.memory_space<vmem>>) dst(%dma_wait3A_50 : memref<128xf32, #tpu.memory_space<hbm>>)
      tpu.yield
    }) : () -> ()
    "tpu.region"() ({
      %run_scoped3A = tpu.sem_alloc : memref<!tpu.dma_semaphore, #tpu.memory_space<semaphore_mem>>
      %dma_start3A = tpu.memref_slice %arg17[%mul3A_2] : memref<2048xf32, #tpu.memory_space<vmem_shared>> -> memref<128xf32, #tpu.memory_space<vmem_shared>>
      %dma_start3A_49 = tpu.memref_slice %arg17[%mul3A_2] : memref<2048xf32, #tpu.memory_space<vmem_shared>> -> memref<128xf32, #tpu.memory_space<vmem_shared>>
      tpu.enqueue_dma source(%arg14 : memref<128xf32, #tpu.memory_space<vmem>>) target(%dma_start3A_49 : memref<128xf32, #tpu.memory_space<vmem_shared>>) target_semaphore(%run_scoped3A : memref<!tpu.dma_semaphore, #tpu.memory_space<semaphore_mem>>)
      %dma_wait3A = tpu.memref_slice %arg17[%mul3A_2] : memref<2048xf32, #tpu.memory_space<vmem_shared>> -> memref<128xf32, #tpu.memory_space<vmem_shared>>
      %dma_wait3A_50 = tpu.memref_slice %arg17[%mul3A_2] : memref<2048xf32, #tpu.memory_space<vmem_shared>> -> memref<128xf32, #tpu.memory_space<vmem_shared>>
      tpu.wait_dma2 semaphore(%run_scoped3A : memref<!tpu.dma_semaphore, #tpu.memory_space<semaphore_mem>>) src(%arg14 : memref<128xf32, #tpu.memory_space<vmem>>) dst(%dma_wait3A_50 : memref<128xf32, #tpu.memory_space<vmem_shared>>)
      tpu.yield
    }) : () -> ()
    %barrier3A_26 = arith.constant 0 : index
    tpu.barrier barrier_id(%barrier3A_26)
    "tpu.region"() ({
      %run_scoped3A = tpu.sem_alloc : memref<!tpu.dma_semaphore, #tpu.memory_space<semaphore_mem>>
      tpu.enqueue_dma source(%arg17 : memref<2048xf32, #tpu.memory_space<vmem_shared>>) target(%arg10 : memref<2048xf32, #tpu.memory_space<vmem>>) target_semaphore(%run_scoped3A : memref<!tpu.dma_semaphore, #tpu.memory_space<semaphore_mem>>)
      tpu.wait_dma2 semaphore(%run_scoped3A : memref<!tpu.dma_semaphore, #tpu.memory_space<semaphore_mem>>) src(%arg17 : memref<2048xf32, #tpu.memory_space<vmem_shared>>) dst(%arg10 : memref<2048xf32, #tpu.memory_space<vmem>>)
      tpu.yield
    }) : () -> ()
    %parallel_loop3A_27 = arith.constant 0 : i32
    %parallel_loop3A_28 = arith.constant 128 : i32
    %parallel_loop3A_29 = arith.constant 1 : i32
    scf.for %parallel_loop3A_49 = %parallel_loop3A_27 to %parallel_loop3A_28 step %parallel_loop3A_29  : i32 {
      %parallel_loop3A_50 = arith.constant 0.000000e+00 : f32
      %parallel_loop3A_51 = vector.broadcast %parallel_loop3A_50 : f32 to vector<16xf32>
      %parallel_loop3A_52 = arith.constant 16 : i32
      %parallel_loop3A_53 = arith.muli %parallel_loop3A_49, %parallel_loop3A_52 : i32
      %parallel_loop3A_54 = arith.index_cast %parallel_loop3A_53 : i32 to index
      %parallel_loop3A_55 = tpu.vector_load %arg11[%parallel_loop3A_54] {strides = array<i32>} : memref<2048xf32, #tpu.memory_space<vmem>>, vector<16xf32>,
      tpu.vector_store %arg11[%parallel_loop3A_54], %parallel_loop3A_51 {strides = array<i32>} : memref<2048xf32, #tpu.memory_space<vmem>>, vector<16xf32>,
    } {sc.loop_unroll_factor = 8 : i64, sc.parallel_access}
    %parallel_loop3A_30 = arith.constant 0 : i32
    %parallel_loop3A_31 = arith.constant 128 : i32
    %parallel_loop3A_32 = arith.constant 1 : i32
    scf.for %parallel_loop3A_49 = %parallel_loop3A_30 to %parallel_loop3A_31 step %parallel_loop3A_32  : i32 {
      %parallel_loop3A_50 = arith.constant 16 : i32
      %parallel_loop3A_51 = arith.muli %parallel_loop3A_49, %parallel_loop3A_50 : i32
      %parallel_loop3A_52 = arith.index_cast %parallel_loop3A_51 : i32 to index
      %parallel_loop3A_53 = tpu.vector_load %arg8[%parallel_loop3A_52] {strides = array<i32>} : memref<2048xi32, #tpu.memory_space<vmem>>, vector<16xi32>,
      %parallel_loop3A_54 = arith.constant 16 : i32
      %parallel_loop3A_55 = arith.muli %parallel_loop3A_49, %parallel_loop3A_54 : i32
      %parallel_loop3A_56 = arith.index_cast %parallel_loop3A_55 : i32 to index
      %parallel_loop3A_57 = tpu.vector_load %arg9[%parallel_loop3A_56] {strides = array<i32>} : memref<2048xi32, #tpu.memory_space<vmem>>, vector<16xi32>,
      %parallel_loop3A_58 = tpu.vector_load_idx %arg10[%parallel_loop3A_57] : memref<2048xf32, #tpu.memory_space<vmem>>[vector<16xi32>], vector<16xf32>,
      tpu.vector_store_idx %arg11[%parallel_loop3A_53], %parallel_loop3A_58 {add = true} : memref<2048xf32, #tpu.memory_space<vmem>>[vector<16xi32>], vector<16xf32>,
    } {sc.loop_unroll_factor = 8 : i64, sc.parallel_access}
    "tpu.region"() ({
      %run_scoped3A = tpu.sem_alloc : memref<!tpu.dma_semaphore, #tpu.memory_space<semaphore_mem>>
      %dma_start3A = arith.constant 0 : i32
      %dma_start3A_49 = tpu.memref_slice %arg16[%arg1, %dma_start3A] : memref<16x2048xf32, #tpu.memory_space<vmem_shared>> -> memref<1x2048xf32, #tpu.memory_space<vmem_shared>>
      %dma_start3A_50 = tpu.memref_squeeze %dma_start3A_49 : memref<1x2048xf32, #tpu.memory_space<vmem_shared>> -> memref<2048xf32, #tpu.memory_space<vmem_shared>>
      %dma_start3A_51 = arith.constant 0 : i32
      %dma_start3A_52 = tpu.memref_slice %arg16[%arg1, %dma_start3A_51] : memref<16x2048xf32, #tpu.memory_space<vmem_shared>> -> memref<1x2048xf32, #tpu.memory_space<vmem_shared>>
      %dma_start3A_53 = tpu.memref_squeeze %dma_start3A_52 : memref<1x2048xf32, #tpu.memory_space<vmem_shared>> -> memref<2048xf32, #tpu.memory_space<vmem_shared>>
      tpu.enqueue_dma source(%arg11 : memref<2048xf32, #tpu.memory_space<vmem>>) target(%dma_start3A_53 : memref<2048xf32, #tpu.memory_space<vmem_shared>>) target_semaphore(%run_scoped3A : memref<!tpu.dma_semaphore, #tpu.memory_space<semaphore_mem>>)
      %dma_wait3A = arith.constant 0 : i32
      %dma_wait3A_54 = tpu.memref_slice %arg16[%arg1, %dma_wait3A] : memref<16x2048xf32, #tpu.memory_space<vmem_shared>> -> memref<1x2048xf32, #tpu.memory_space<vmem_shared>>
      %dma_wait3A_55 = tpu.memref_squeeze %dma_wait3A_54 : memref<1x2048xf32, #tpu.memory_space<vmem_shared>> -> memref<2048xf32, #tpu.memory_space<vmem_shared>>
      %dma_wait3A_56 = arith.constant 0 : i32
      %dma_wait3A_57 = tpu.memref_slice %arg16[%arg1, %dma_wait3A_56] : memref<16x2048xf32, #tpu.memory_space<vmem_shared>> -> memref<1x2048xf32, #tpu.memory_space<vmem_shared>>
      %dma_wait3A_58 = tpu.memref_squeeze %dma_wait3A_57 : memref<1x2048xf32, #tpu.memory_space<vmem_shared>> -> memref<2048xf32, #tpu.memory_space<vmem_shared>>
      tpu.wait_dma2 semaphore(%run_scoped3A : memref<!tpu.dma_semaphore, #tpu.memory_space<semaphore_mem>>) src(%arg11 : memref<2048xf32, #tpu.memory_space<vmem>>) dst(%dma_wait3A_58 : memref<2048xf32, #tpu.memory_space<vmem_shared>>)
      tpu.yield
    }) : () -> ()
    %barrier3A_33 = arith.constant 0 : index
    tpu.barrier barrier_id(%barrier3A_33)
    "tpu.region"() ({
      %run_scoped3A = tpu.sem_alloc : memref<!tpu.dma_semaphore, #tpu.memory_space<semaphore_mem>>
      %dma_start3A = arith.constant 0 : i32
      %dma_start3A_49 = tpu.memref_slice %arg16[%dma_start3A, %mul3A_2] : memref<16x2048xf32, #tpu.memory_space<vmem_shared>> -> memref<16x128xf32, #tpu.memory_space<vmem_shared>>
      %dma_start3A_50 = arith.constant 0 : i32
      %dma_start3A_51 = tpu.memref_slice %arg16[%dma_start3A_50, %mul3A_2] : memref<16x2048xf32, #tpu.memory_space<vmem_shared>> -> memref<16x128xf32, #tpu.memory_space<vmem_shared>>
      tpu.enqueue_dma source(%dma_start3A_51 : memref<16x128xf32, #tpu.memory_space<vmem_shared>>) target(%arg15 : memref<16x128xf32, #tpu.memory_space<vmem>>) target_semaphore(%run_scoped3A : memref<!tpu.dma_semaphore, #tpu.memory_space<semaphore_mem>>)
      %dma_wait3A = arith.constant 0 : i32
      %dma_wait3A_52 = tpu.memref_slice %arg16[%dma_wait3A, %mul3A_2] : memref<16x2048xf32, #tpu.memory_space<vmem_shared>> -> memref<16x128xf32, #tpu.memory_space<vmem_shared>>
      %dma_wait3A_53 = arith.constant 0 : i32
      %dma_wait3A_54 = tpu.memref_slice %arg16[%dma_wait3A_53, %mul3A_2] : memref<16x2048xf32, #tpu.memory_space<vmem_shared>> -> memref<16x128xf32, #tpu.memory_space<vmem_shared>>
      tpu.wait_dma2 semaphore(%run_scoped3A : memref<!tpu.dma_semaphore, #tpu.memory_space<semaphore_mem>>) src(%dma_wait3A_54 : memref<16x128xf32, #tpu.memory_space<vmem_shared>>) dst(%arg15 : memref<16x128xf32, #tpu.memory_space<vmem>>)
      tpu.yield
    }) : () -> ()
    %parallel_loop3A_34 = arith.constant 0 : i32
    %parallel_loop3A_35 = arith.constant 8 : i32
    %parallel_loop3A_36 = arith.constant 1 : i32
    scf.for %parallel_loop3A_49 = %parallel_loop3A_34 to %parallel_loop3A_35 step %parallel_loop3A_36  : i32 {
      %parallel_loop3A_50 = arith.constant 16 : i32
      %parallel_loop3A_51 = arith.muli %parallel_loop3A_49, %parallel_loop3A_50 : i32
      %parallel_loop3A_52 = arith.constant 0 : i32
      %parallel_loop3A_53 = arith.index_cast %parallel_loop3A_52 : i32 to index
      %parallel_loop3A_54 = arith.index_cast %parallel_loop3A_51 : i32 to index
      %parallel_loop3A_55 = tpu.vector_load %arg15[%parallel_loop3A_53, %parallel_loop3A_54] {strides = array<i32>} : memref<16x128xf32, #tpu.memory_space<vmem>>, vector<16xf32>,
      %parallel_loop3A_56 = arith.constant 16 : i32
      %parallel_loop3A_57 = arith.muli %parallel_loop3A_49, %parallel_loop3A_56 : i32
      %parallel_loop3A_58 = arith.constant 1 : i32
      %parallel_loop3A_59 = arith.index_cast %parallel_loop3A_58 : i32 to index
      %parallel_loop3A_60 = arith.index_cast %parallel_loop3A_57 : i32 to index
      %parallel_loop3A_61 = tpu.vector_load %arg15[%parallel_loop3A_59, %parallel_loop3A_60] {strides = array<i32>} : memref<16x128xf32, #tpu.memory_space<vmem>>, vector<16xf32>,
      %parallel_loop3A_62 = arith.addf %parallel_loop3A_55, %parallel_loop3A_61 : vector<16xf32>
      %parallel_loop3A_63 = arith.constant 16 : i32
      %parallel_loop3A_64 = arith.muli %parallel_loop3A_49, %parallel_loop3A_63 : i32
      %parallel_loop3A_65 = arith.constant 2 : i32
      %parallel_loop3A_66 = arith.index_cast %parallel_loop3A_65 : i32 to index
      %parallel_loop3A_67 = arith.index_cast %parallel_loop3A_64 : i32 to index
      %parallel_loop3A_68 = tpu.vector_load %arg15[%parallel_loop3A_66, %parallel_loop3A_67] {strides = array<i32>} : memref<16x128xf32, #tpu.memory_space<vmem>>, vector<16xf32>,
      %parallel_loop3A_69 = arith.addf %parallel_loop3A_62, %parallel_loop3A_68 : vector<16xf32>
      %parallel_loop3A_70 = arith.constant 16 : i32
      %parallel_loop3A_71 = arith.muli %parallel_loop3A_49, %parallel_loop3A_70 : i32
      %parallel_loop3A_72 = arith.constant 3 : i32
      %parallel_loop3A_73 = arith.index_cast %parallel_loop3A_72 : i32 to index
      %parallel_loop3A_74 = arith.index_cast %parallel_loop3A_71 : i32 to index
      %parallel_loop3A_75 = tpu.vector_load %arg15[%parallel_loop3A_73, %parallel_loop3A_74] {strides = array<i32>} : memref<16x128xf32, #tpu.memory_space<vmem>>, vector<16xf32>,
      %parallel_loop3A_76 = arith.addf %parallel_loop3A_69, %parallel_loop3A_75 : vector<16xf32>
      %parallel_loop3A_77 = arith.constant 16 : i32
      %parallel_loop3A_78 = arith.muli %parallel_loop3A_49, %parallel_loop3A_77 : i32
      %parallel_loop3A_79 = arith.constant 4 : i32
      %parallel_loop3A_80 = arith.index_cast %parallel_loop3A_79 : i32 to index
      %parallel_loop3A_81 = arith.index_cast %parallel_loop3A_78 : i32 to index
      %parallel_loop3A_82 = tpu.vector_load %arg15[%parallel_loop3A_80, %parallel_loop3A_81] {strides = array<i32>} : memref<16x128xf32, #tpu.memory_space<vmem>>, vector<16xf32>,
      %parallel_loop3A_83 = arith.addf %parallel_loop3A_76, %parallel_loop3A_82 : vector<16xf32>
      %parallel_loop3A_84 = arith.constant 16 : i32
      %parallel_loop3A_85 = arith.muli %parallel_loop3A_49, %parallel_loop3A_84 : i32
      %parallel_loop3A_86 = arith.constant 5 : i32
      %parallel_loop3A_87 = arith.index_cast %parallel_loop3A_86 : i32 to index
      %parallel_loop3A_88 = arith.index_cast %parallel_loop3A_85 : i32 to index
      %parallel_loop3A_89 = tpu.vector_load %arg15[%parallel_loop3A_87, %parallel_loop3A_88] {strides = array<i32>} : memref<16x128xf32, #tpu.memory_space<vmem>>, vector<16xf32>,
      %parallel_loop3A_90 = arith.addf %parallel_loop3A_83, %parallel_loop3A_89 : vector<16xf32>
      %parallel_loop3A_91 = arith.constant 16 : i32
      %parallel_loop3A_92 = arith.muli %parallel_loop3A_49, %parallel_loop3A_91 : i32
      %parallel_loop3A_93 = arith.constant 6 : i32
      %parallel_loop3A_94 = arith.index_cast %parallel_loop3A_93 : i32 to index
      %parallel_loop3A_95 = arith.index_cast %parallel_loop3A_92 : i32 to index
      %parallel_loop3A_96 = tpu.vector_load %arg15[%parallel_loop3A_94, %parallel_loop3A_95] {strides = array<i32>} : memref<16x128xf32, #tpu.memory_space<vmem>>, vector<16xf32>,
      %parallel_loop3A_97 = arith.addf %parallel_loop3A_90, %parallel_loop3A_96 : vector<16xf32>
      %parallel_loop3A_98 = arith.constant 16 : i32
      %parallel_loop3A_99 = arith.muli %parallel_loop3A_49, %parallel_loop3A_98 : i32
      %parallel_loop3A_100 = arith.constant 7 : i32
      %parallel_loop3A_101 = arith.index_cast %parallel_loop3A_100 : i32 to index
      %parallel_loop3A_102 = arith.index_cast %parallel_loop3A_99 : i32 to index
      %parallel_loop3A_103 = tpu.vector_load %arg15[%parallel_loop3A_101, %parallel_loop3A_102] {strides = array<i32>} : memref<16x128xf32, #tpu.memory_space<vmem>>, vector<16xf32>,
      %parallel_loop3A_104 = arith.addf %parallel_loop3A_97, %parallel_loop3A_103 : vector<16xf32>
      %parallel_loop3A_105 = arith.constant 16 : i32
      %parallel_loop3A_106 = arith.muli %parallel_loop3A_49, %parallel_loop3A_105 : i32
      %parallel_loop3A_107 = arith.constant 8 : i32
      %parallel_loop3A_108 = arith.index_cast %parallel_loop3A_107 : i32 to index
      %parallel_loop3A_109 = arith.index_cast %parallel_loop3A_106 : i32 to index
      %parallel_loop3A_110 = tpu.vector_load %arg15[%parallel_loop3A_108, %parallel_loop3A_109] {strides = array<i32>} : memref<16x128xf32, #tpu.memory_space<vmem>>, vector<16xf32>,
      %parallel_loop3A_111 = arith.addf %parallel_loop3A_104, %parallel_loop3A_110 : vector<16xf32>
      %parallel_loop3A_112 = arith.constant 16 : i32
      %parallel_loop3A_113 = arith.muli %parallel_loop3A_49, %parallel_loop3A_112 : i32
      %parallel_loop3A_114 = arith.constant 9 : i32
      %parallel_loop3A_115 = arith.index_cast %parallel_loop3A_114 : i32 to index
      %parallel_loop3A_116 = arith.index_cast %parallel_loop3A_113 : i32 to index
      %parallel_loop3A_117 = tpu.vector_load %arg15[%parallel_loop3A_115, %parallel_loop3A_116] {strides = array<i32>} : memref<16x128xf32, #tpu.memory_space<vmem>>, vector<16xf32>,
      %parallel_loop3A_118 = arith.addf %parallel_loop3A_111, %parallel_loop3A_117 : vector<16xf32>
      %parallel_loop3A_119 = arith.constant 16 : i32
      %parallel_loop3A_120 = arith.muli %parallel_loop3A_49, %parallel_loop3A_119 : i32
      %parallel_loop3A_121 = arith.constant 10 : i32
      %parallel_loop3A_122 = arith.index_cast %parallel_loop3A_121 : i32 to index
      %parallel_loop3A_123 = arith.index_cast %parallel_loop3A_120 : i32 to index
      %parallel_loop3A_124 = tpu.vector_load %arg15[%parallel_loop3A_122, %parallel_loop3A_123] {strides = array<i32>} : memref<16x128xf32, #tpu.memory_space<vmem>>, vector<16xf32>,
      %parallel_loop3A_125 = arith.addf %parallel_loop3A_118, %parallel_loop3A_124 : vector<16xf32>
      %parallel_loop3A_126 = arith.constant 16 : i32
      %parallel_loop3A_127 = arith.muli %parallel_loop3A_49, %parallel_loop3A_126 : i32
      %parallel_loop3A_128 = arith.constant 11 : i32
      %parallel_loop3A_129 = arith.index_cast %parallel_loop3A_128 : i32 to index
      %parallel_loop3A_130 = arith.index_cast %parallel_loop3A_127 : i32 to index
      %parallel_loop3A_131 = tpu.vector_load %arg15[%parallel_loop3A_129, %parallel_loop3A_130] {strides = array<i32>} : memref<16x128xf32, #tpu.memory_space<vmem>>, vector<16xf32>,
      %parallel_loop3A_132 = arith.addf %parallel_loop3A_125, %parallel_loop3A_131 : vector<16xf32>
      %parallel_loop3A_133 = arith.constant 16 : i32
      %parallel_loop3A_134 = arith.muli %parallel_loop3A_49, %parallel_loop3A_133 : i32
      %parallel_loop3A_135 = arith.constant 12 : i32
      %parallel_loop3A_136 = arith.index_cast %parallel_loop3A_135 : i32 to index
      %parallel_loop3A_137 = arith.index_cast %parallel_loop3A_134 : i32 to index
      %parallel_loop3A_138 = tpu.vector_load %arg15[%parallel_loop3A_136, %parallel_loop3A_137] {strides = array<i32>} : memref<16x128xf32, #tpu.memory_space<vmem>>, vector<16xf32>,
      %parallel_loop3A_139 = arith.addf %parallel_loop3A_132, %parallel_loop3A_138 : vector<16xf32>
      %parallel_loop3A_140 = arith.constant 16 : i32
      %parallel_loop3A_141 = arith.muli %parallel_loop3A_49, %parallel_loop3A_140 : i32
      %parallel_loop3A_142 = arith.constant 13 : i32
      %parallel_loop3A_143 = arith.index_cast %parallel_loop3A_142 : i32 to index
      %parallel_loop3A_144 = arith.index_cast %parallel_loop3A_141 : i32 to index
      %parallel_loop3A_145 = tpu.vector_load %arg15[%parallel_loop3A_143, %parallel_loop3A_144] {strides = array<i32>} : memref<16x128xf32, #tpu.memory_space<vmem>>, vector<16xf32>,
      %parallel_loop3A_146 = arith.addf %parallel_loop3A_139, %parallel_loop3A_145 : vector<16xf32>
      %parallel_loop3A_147 = arith.constant 16 : i32
      %parallel_loop3A_148 = arith.muli %parallel_loop3A_49, %parallel_loop3A_147 : i32
      %parallel_loop3A_149 = arith.constant 14 : i32
      %parallel_loop3A_150 = arith.index_cast %parallel_loop3A_149 : i32 to index
      %parallel_loop3A_151 = arith.index_cast %parallel_loop3A_148 : i32 to index
      %parallel_loop3A_152 = tpu.vector_load %arg15[%parallel_loop3A_150, %parallel_loop3A_151] {strides = array<i32>} : memref<16x128xf32, #tpu.memory_space<vmem>>, vector<16xf32>,
      %parallel_loop3A_153 = arith.addf %parallel_loop3A_146, %parallel_loop3A_152 : vector<16xf32>
      %parallel_loop3A_154 = arith.constant 16 : i32
      %parallel_loop3A_155 = arith.muli %parallel_loop3A_49, %parallel_loop3A_154 : i32
      %parallel_loop3A_156 = arith.constant 15 : i32
      %parallel_loop3A_157 = arith.index_cast %parallel_loop3A_156 : i32 to index
      %parallel_loop3A_158 = arith.index_cast %parallel_loop3A_155 : i32 to index
      %parallel_loop3A_159 = tpu.vector_load %arg15[%parallel_loop3A_157, %parallel_loop3A_158] {strides = array<i32>} : memref<16x128xf32, #tpu.memory_space<vmem>>, vector<16xf32>,
      %parallel_loop3A_160 = arith.addf %parallel_loop3A_153, %parallel_loop3A_159 : vector<16xf32>
      %parallel_loop3A_161 = arith.constant 16 : i32
      %parallel_loop3A_162 = arith.muli %parallel_loop3A_49, %parallel_loop3A_161 : i32
      %parallel_loop3A_163 = arith.addi %mul3A_2, %parallel_loop3A_162 : i32
      %parallel_loop3A_164 = arith.index_cast %parallel_loop3A_163 : i32 to index
      %parallel_loop3A_165 = tpu.vector_load %arg12[%parallel_loop3A_164] {strides = array<i32>} : memref<2048xf32, #tpu.memory_space<vmem>>, vector<16xf32>,
      %parallel_loop3A_166 = arith.index_cast %parallel_loop3A_163 : i32 to index
      %parallel_loop3A_167 = tpu.vector_load %arg10[%parallel_loop3A_166] {strides = array<i32>} : memref<2048xf32, #tpu.memory_space<vmem>>, vector<16xf32>,
      %parallel_loop3A_168 = arith.addf %parallel_loop3A_160, %parallel_loop3A_167 : vector<16xf32>
      %parallel_loop3A_169 = arith.mulf %parallel_loop3A_165, %parallel_loop3A_168 : vector<16xf32>
      %parallel_loop3A_170 = arith.constant 16 : i32
      %parallel_loop3A_171 = arith.muli %parallel_loop3A_49, %parallel_loop3A_170 : i32
      %parallel_loop3A_172 = arith.index_cast %parallel_loop3A_171 : i32 to index
      %parallel_loop3A_173 = tpu.vector_load %arg13[%parallel_loop3A_172] {strides = array<i32>} : memref<128xf32, #tpu.memory_space<vmem>>, vector<16xf32>,
      tpu.vector_store %arg13[%parallel_loop3A_172], %parallel_loop3A_169 {strides = array<i32>} : memref<128xf32, #tpu.memory_space<vmem>>, vector<16xf32>,
      %parallel_loop3A_174 = arith.index_cast %parallel_loop3A_163 : i32 to index
      %parallel_loop3A_175 = tpu.vector_load %arg12[%parallel_loop3A_174] {strides = array<i32>} : memref<2048xf32, #tpu.memory_space<vmem>>, vector<16xf32>,
      %parallel_loop3A_176 = arith.mulf %parallel_loop3A_175, %parallel_loop3A_169 : vector<16xf32>
      %parallel_loop3A_177 = arith.constant 16 : i32
      %parallel_loop3A_178 = arith.muli %parallel_loop3A_49, %parallel_loop3A_177 : i32
      %parallel_loop3A_179 = arith.index_cast %parallel_loop3A_178 : i32 to index
      %parallel_loop3A_180 = tpu.vector_load %arg14[%parallel_loop3A_179] {strides = array<i32>} : memref<128xf32, #tpu.memory_space<vmem>>, vector<16xf32>,
      tpu.vector_store %arg14[%parallel_loop3A_179], %parallel_loop3A_176 {strides = array<i32>} : memref<128xf32, #tpu.memory_space<vmem>>, vector<16xf32>,
    } {sc.loop_unroll_factor = 2 : i64, sc.parallel_access}
    "tpu.region"() ({
      %run_scoped3A = tpu.sem_alloc : memref<!tpu.dma_semaphore, #tpu.memory_space<semaphore_mem>>
      %dma_start3A = tpu.memref_slice %arg6[%mul3A_2] : memref<2048xf32, #tpu.memory_space<hbm>> -> memref<128xf32, #tpu.memory_space<hbm>>
      %dma_start3A_49 = tpu.memref_slice %arg6[%mul3A_2] : memref<2048xf32, #tpu.memory_space<hbm>> -> memref<128xf32, #tpu.memory_space<hbm>>
      tpu.enqueue_dma source(%arg13 : memref<128xf32, #tpu.memory_space<vmem>>) target(%dma_start3A_49 : memref<128xf32, #tpu.memory_space<hbm>>) target_semaphore(%run_scoped3A : memref<!tpu.dma_semaphore, #tpu.memory_space<semaphore_mem>>)
      %dma_wait3A = tpu.memref_slice %arg6[%mul3A_2] : memref<2048xf32, #tpu.memory_space<hbm>> -> memref<128xf32, #tpu.memory_space<hbm>>
      %dma_wait3A_50 = tpu.memref_slice %arg6[%mul3A_2] : memref<2048xf32, #tpu.memory_space<hbm>> -> memref<128xf32, #tpu.memory_space<hbm>>
      tpu.wait_dma2 semaphore(%run_scoped3A : memref<!tpu.dma_semaphore, #tpu.memory_space<semaphore_mem>>) src(%arg13 : memref<128xf32, #tpu.memory_space<vmem>>) dst(%dma_wait3A_50 : memref<128xf32, #tpu.memory_space<hbm>>)
      tpu.yield
    }) : () -> ()
    "tpu.region"() ({
      %run_scoped3A = tpu.sem_alloc : memref<!tpu.dma_semaphore, #tpu.memory_space<semaphore_mem>>
      %dma_start3A = tpu.memref_slice %arg17[%mul3A_2] : memref<2048xf32, #tpu.memory_space<vmem_shared>> -> memref<128xf32, #tpu.memory_space<vmem_shared>>
      %dma_start3A_49 = tpu.memref_slice %arg17[%mul3A_2] : memref<2048xf32, #tpu.memory_space<vmem_shared>> -> memref<128xf32, #tpu.memory_space<vmem_shared>>
      tpu.enqueue_dma source(%arg14 : memref<128xf32, #tpu.memory_space<vmem>>) target(%dma_start3A_49 : memref<128xf32, #tpu.memory_space<vmem_shared>>) target_semaphore(%run_scoped3A : memref<!tpu.dma_semaphore, #tpu.memory_space<semaphore_mem>>)
      %dma_wait3A = tpu.memref_slice %arg17[%mul3A_2] : memref<2048xf32, #tpu.memory_space<vmem_shared>> -> memref<128xf32, #tpu.memory_space<vmem_shared>>
      %dma_wait3A_50 = tpu.memref_slice %arg17[%mul3A_2] : memref<2048xf32, #tpu.memory_space<vmem_shared>> -> memref<128xf32, #tpu.memory_space<vmem_shared>>
      tpu.wait_dma2 semaphore(%run_scoped3A : memref<!tpu.dma_semaphore, #tpu.memory_space<semaphore_mem>>) src(%arg14 : memref<128xf32, #tpu.memory_space<vmem>>) dst(%dma_wait3A_50 : memref<128xf32, #tpu.memory_space<vmem_shared>>)
      tpu.yield
    }) : () -> ()
    %barrier3A_37 = arith.constant 0 : index
    tpu.barrier barrier_id(%barrier3A_37)
    "tpu.region"() ({
      %run_scoped3A = tpu.sem_alloc : memref<!tpu.dma_semaphore, #tpu.memory_space<semaphore_mem>>
      tpu.enqueue_dma source(%arg17 : memref<2048xf32, #tpu.memory_space<vmem_shared>>) target(%arg10 : memref<2048xf32, #tpu.memory_space<vmem>>) target_semaphore(%run_scoped3A : memref<!tpu.dma_semaphore, #tpu.memory_space<semaphore_mem>>)
      tpu.wait_dma2 semaphore(%run_scoped3A : memref<!tpu.dma_semaphore, #tpu.memory_space<semaphore_mem>>) src(%arg17 : memref<2048xf32, #tpu.memory_space<vmem_shared>>) dst(%arg10 : memref<2048xf32, #tpu.memory_space<vmem>>)
      tpu.yield
    }) : () -> ()
    %parallel_loop3A_38 = arith.constant 0 : i32
    %parallel_loop3A_39 = arith.constant 128 : i32
    %parallel_loop3A_40 = arith.constant 1 : i32
    scf.for %parallel_loop3A_49 = %parallel_loop3A_38 to %parallel_loop3A_39 step %parallel_loop3A_40  : i32 {
      %parallel_loop3A_50 = arith.constant 0.000000e+00 : f32
      %parallel_loop3A_51 = vector.broadcast %parallel_loop3A_50 : f32 to vector<16xf32>
      %parallel_loop3A_52 = arith.constant 16 : i32
      %parallel_loop3A_53 = arith.muli %parallel_loop3A_49, %parallel_loop3A_52 : i32
      %parallel_loop3A_54 = arith.index_cast %parallel_loop3A_53 : i32 to index
      %parallel_loop3A_55 = tpu.vector_load %arg11[%parallel_loop3A_54] {strides = array<i32>} : memref<2048xf32, #tpu.memory_space<vmem>>, vector<16xf32>,
      tpu.vector_store %arg11[%parallel_loop3A_54], %parallel_loop3A_51 {strides = array<i32>} : memref<2048xf32, #tpu.memory_space<vmem>>, vector<16xf32>,
    } {sc.loop_unroll_factor = 8 : i64, sc.parallel_access}
    %parallel_loop3A_41 = arith.constant 0 : i32
    %parallel_loop3A_42 = arith.constant 128 : i32
    %parallel_loop3A_43 = arith.constant 1 : i32
    scf.for %parallel_loop3A_49 = %parallel_loop3A_41 to %parallel_loop3A_42 step %parallel_loop3A_43  : i32 {
      %parallel_loop3A_50 = arith.constant 16 : i32
      %parallel_loop3A_51 = arith.muli %parallel_loop3A_49, %parallel_loop3A_50 : i32
      %parallel_loop3A_52 = arith.index_cast %parallel_loop3A_51 : i32 to index
      %parallel_loop3A_53 = tpu.vector_load %arg8[%parallel_loop3A_52] {strides = array<i32>} : memref<2048xi32, #tpu.memory_space<vmem>>, vector<16xi32>,
      %parallel_loop3A_54 = arith.constant 16 : i32
      %parallel_loop3A_55 = arith.muli %parallel_loop3A_49, %parallel_loop3A_54 : i32
      %parallel_loop3A_56 = arith.index_cast %parallel_loop3A_55 : i32 to index
      %parallel_loop3A_57 = tpu.vector_load %arg9[%parallel_loop3A_56] {strides = array<i32>} : memref<2048xi32, #tpu.memory_space<vmem>>, vector<16xi32>,
      %parallel_loop3A_58 = tpu.vector_load_idx %arg10[%parallel_loop3A_57] : memref<2048xf32, #tpu.memory_space<vmem>>[vector<16xi32>], vector<16xf32>,
      tpu.vector_store_idx %arg11[%parallel_loop3A_53], %parallel_loop3A_58 {add = true} : memref<2048xf32, #tpu.memory_space<vmem>>[vector<16xi32>], vector<16xf32>,
    } {sc.loop_unroll_factor = 8 : i64, sc.parallel_access}
    "tpu.region"() ({
      %run_scoped3A = tpu.sem_alloc : memref<!tpu.dma_semaphore, #tpu.memory_space<semaphore_mem>>
      %dma_start3A = arith.constant 0 : i32
      %dma_start3A_49 = tpu.memref_slice %arg16[%arg1, %dma_start3A] : memref<16x2048xf32, #tpu.memory_space<vmem_shared>> -> memref<1x2048xf32, #tpu.memory_space<vmem_shared>>
      %dma_start3A_50 = tpu.memref_squeeze %dma_start3A_49 : memref<1x2048xf32, #tpu.memory_space<vmem_shared>> -> memref<2048xf32, #tpu.memory_space<vmem_shared>>
      %dma_start3A_51 = arith.constant 0 : i32
      %dma_start3A_52 = tpu.memref_slice %arg16[%arg1, %dma_start3A_51] : memref<16x2048xf32, #tpu.memory_space<vmem_shared>> -> memref<1x2048xf32, #tpu.memory_space<vmem_shared>>
      %dma_start3A_53 = tpu.memref_squeeze %dma_start3A_52 : memref<1x2048xf32, #tpu.memory_space<vmem_shared>> -> memref<2048xf32, #tpu.memory_space<vmem_shared>>
      tpu.enqueue_dma source(%arg11 : memref<2048xf32, #tpu.memory_space<vmem>>) target(%dma_start3A_53 : memref<2048xf32, #tpu.memory_space<vmem_shared>>) target_semaphore(%run_scoped3A : memref<!tpu.dma_semaphore, #tpu.memory_space<semaphore_mem>>)
      %dma_wait3A = arith.constant 0 : i32
      %dma_wait3A_54 = tpu.memref_slice %arg16[%arg1, %dma_wait3A] : memref<16x2048xf32, #tpu.memory_space<vmem_shared>> -> memref<1x2048xf32, #tpu.memory_space<vmem_shared>>
      %dma_wait3A_55 = tpu.memref_squeeze %dma_wait3A_54 : memref<1x2048xf32, #tpu.memory_space<vmem_shared>> -> memref<2048xf32, #tpu.memory_space<vmem_shared>>
      %dma_wait3A_56 = arith.constant 0 : i32
      %dma_wait3A_57 = tpu.memref_slice %arg16[%arg1, %dma_wait3A_56] : memref<16x2048xf32, #tpu.memory_space<vmem_shared>> -> memref<1x2048xf32, #tpu.memory_space<vmem_shared>>
      %dma_wait3A_58 = tpu.memref_squeeze %dma_wait3A_57 : memref<1x2048xf32, #tpu.memory_space<vmem_shared>> -> memref<2048xf32, #tpu.memory_space<vmem_shared>>
      tpu.wait_dma2 semaphore(%run_scoped3A : memref<!tpu.dma_semaphore, #tpu.memory_space<semaphore_mem>>) src(%arg11 : memref<2048xf32, #tpu.memory_space<vmem>>) dst(%dma_wait3A_58 : memref<2048xf32, #tpu.memory_space<vmem_shared>>)
      tpu.yield
    }) : () -> ()
    %barrier3A_44 = arith.constant 0 : index
    tpu.barrier barrier_id(%barrier3A_44)
    "tpu.region"() ({
      %run_scoped3A = tpu.sem_alloc : memref<!tpu.dma_semaphore, #tpu.memory_space<semaphore_mem>>
      %dma_start3A = arith.constant 0 : i32
      %dma_start3A_49 = tpu.memref_slice %arg16[%dma_start3A, %mul3A_2] : memref<16x2048xf32, #tpu.memory_space<vmem_shared>> -> memref<16x128xf32, #tpu.memory_space<vmem_shared>>
      %dma_start3A_50 = arith.constant 0 : i32
      %dma_start3A_51 = tpu.memref_slice %arg16[%dma_start3A_50, %mul3A_2] : memref<16x2048xf32, #tpu.memory_space<vmem_shared>> -> memref<16x128xf32, #tpu.memory_space<vmem_shared>>
      tpu.enqueue_dma source(%dma_start3A_51 : memref<16x128xf32, #tpu.memory_space<vmem_shared>>) target(%arg15 : memref<16x128xf32, #tpu.memory_space<vmem>>) target_semaphore(%run_scoped3A : memref<!tpu.dma_semaphore, #tpu.memory_space<semaphore_mem>>)
      %dma_wait3A = arith.constant 0 : i32
      %dma_wait3A_52 = tpu.memref_slice %arg16[%dma_wait3A, %mul3A_2] : memref<16x2048xf32, #tpu.memory_space<vmem_shared>> -> memref<16x128xf32, #tpu.memory_space<vmem_shared>>
      %dma_wait3A_53 = arith.constant 0 : i32
      %dma_wait3A_54 = tpu.memref_slice %arg16[%dma_wait3A_53, %mul3A_2] : memref<16x2048xf32, #tpu.memory_space<vmem_shared>> -> memref<16x128xf32, #tpu.memory_space<vmem_shared>>
      tpu.wait_dma2 semaphore(%run_scoped3A : memref<!tpu.dma_semaphore, #tpu.memory_space<semaphore_mem>>) src(%dma_wait3A_54 : memref<16x128xf32, #tpu.memory_space<vmem_shared>>) dst(%arg15 : memref<16x128xf32, #tpu.memory_space<vmem>>)
      tpu.yield
    }) : () -> ()
    %parallel_loop3A_45 = arith.constant 0 : i32
    %parallel_loop3A_46 = arith.constant 8 : i32
    %parallel_loop3A_47 = arith.constant 1 : i32
    scf.for %parallel_loop3A_49 = %parallel_loop3A_45 to %parallel_loop3A_46 step %parallel_loop3A_47  : i32 {
      %parallel_loop3A_50 = arith.constant 16 : i32
      %parallel_loop3A_51 = arith.muli %parallel_loop3A_49, %parallel_loop3A_50 : i32
      %parallel_loop3A_52 = arith.constant 0 : i32
      %parallel_loop3A_53 = arith.index_cast %parallel_loop3A_52 : i32 to index
      %parallel_loop3A_54 = arith.index_cast %parallel_loop3A_51 : i32 to index
      %parallel_loop3A_55 = tpu.vector_load %arg15[%parallel_loop3A_53, %parallel_loop3A_54] {strides = array<i32>} : memref<16x128xf32, #tpu.memory_space<vmem>>, vector<16xf32>,
      %parallel_loop3A_56 = arith.constant 16 : i32
      %parallel_loop3A_57 = arith.muli %parallel_loop3A_49, %parallel_loop3A_56 : i32
      %parallel_loop3A_58 = arith.constant 1 : i32
      %parallel_loop3A_59 = arith.index_cast %parallel_loop3A_58 : i32 to index
      %parallel_loop3A_60 = arith.index_cast %parallel_loop3A_57 : i32 to index
      %parallel_loop3A_61 = tpu.vector_load %arg15[%parallel_loop3A_59, %parallel_loop3A_60] {strides = array<i32>} : memref<16x128xf32, #tpu.memory_space<vmem>>, vector<16xf32>,
      %parallel_loop3A_62 = arith.addf %parallel_loop3A_55, %parallel_loop3A_61 : vector<16xf32>
      %parallel_loop3A_63 = arith.constant 16 : i32
      %parallel_loop3A_64 = arith.muli %parallel_loop3A_49, %parallel_loop3A_63 : i32
      %parallel_loop3A_65 = arith.constant 2 : i32
      %parallel_loop3A_66 = arith.index_cast %parallel_loop3A_65 : i32 to index
      %parallel_loop3A_67 = arith.index_cast %parallel_loop3A_64 : i32 to index
      %parallel_loop3A_68 = tpu.vector_load %arg15[%parallel_loop3A_66, %parallel_loop3A_67] {strides = array<i32>} : memref<16x128xf32, #tpu.memory_space<vmem>>, vector<16xf32>,
      %parallel_loop3A_69 = arith.addf %parallel_loop3A_62, %parallel_loop3A_68 : vector<16xf32>
      %parallel_loop3A_70 = arith.constant 16 : i32
      %parallel_loop3A_71 = arith.muli %parallel_loop3A_49, %parallel_loop3A_70 : i32
      %parallel_loop3A_72 = arith.constant 3 : i32
      %parallel_loop3A_73 = arith.index_cast %parallel_loop3A_72 : i32 to index
      %parallel_loop3A_74 = arith.index_cast %parallel_loop3A_71 : i32 to index
      %parallel_loop3A_75 = tpu.vector_load %arg15[%parallel_loop3A_73, %parallel_loop3A_74] {strides = array<i32>} : memref<16x128xf32, #tpu.memory_space<vmem>>, vector<16xf32>,
      %parallel_loop3A_76 = arith.addf %parallel_loop3A_69, %parallel_loop3A_75 : vector<16xf32>
      %parallel_loop3A_77 = arith.constant 16 : i32
      %parallel_loop3A_78 = arith.muli %parallel_loop3A_49, %parallel_loop3A_77 : i32
      %parallel_loop3A_79 = arith.constant 4 : i32
      %parallel_loop3A_80 = arith.index_cast %parallel_loop3A_79 : i32 to index
      %parallel_loop3A_81 = arith.index_cast %parallel_loop3A_78 : i32 to index
      %parallel_loop3A_82 = tpu.vector_load %arg15[%parallel_loop3A_80, %parallel_loop3A_81] {strides = array<i32>} : memref<16x128xf32, #tpu.memory_space<vmem>>, vector<16xf32>,
      %parallel_loop3A_83 = arith.addf %parallel_loop3A_76, %parallel_loop3A_82 : vector<16xf32>
      %parallel_loop3A_84 = arith.constant 16 : i32
      %parallel_loop3A_85 = arith.muli %parallel_loop3A_49, %parallel_loop3A_84 : i32
      %parallel_loop3A_86 = arith.constant 5 : i32
      %parallel_loop3A_87 = arith.index_cast %parallel_loop3A_86 : i32 to index
      %parallel_loop3A_88 = arith.index_cast %parallel_loop3A_85 : i32 to index
      %parallel_loop3A_89 = tpu.vector_load %arg15[%parallel_loop3A_87, %parallel_loop3A_88] {strides = array<i32>} : memref<16x128xf32, #tpu.memory_space<vmem>>, vector<16xf32>,
      %parallel_loop3A_90 = arith.addf %parallel_loop3A_83, %parallel_loop3A_89 : vector<16xf32>
      %parallel_loop3A_91 = arith.constant 16 : i32
      %parallel_loop3A_92 = arith.muli %parallel_loop3A_49, %parallel_loop3A_91 : i32
      %parallel_loop3A_93 = arith.constant 6 : i32
      %parallel_loop3A_94 = arith.index_cast %parallel_loop3A_93 : i32 to index
      %parallel_loop3A_95 = arith.index_cast %parallel_loop3A_92 : i32 to index
      %parallel_loop3A_96 = tpu.vector_load %arg15[%parallel_loop3A_94, %parallel_loop3A_95] {strides = array<i32>} : memref<16x128xf32, #tpu.memory_space<vmem>>, vector<16xf32>,
      %parallel_loop3A_97 = arith.addf %parallel_loop3A_90, %parallel_loop3A_96 : vector<16xf32>
      %parallel_loop3A_98 = arith.constant 16 : i32
      %parallel_loop3A_99 = arith.muli %parallel_loop3A_49, %parallel_loop3A_98 : i32
      %parallel_loop3A_100 = arith.constant 7 : i32
      %parallel_loop3A_101 = arith.index_cast %parallel_loop3A_100 : i32 to index
      %parallel_loop3A_102 = arith.index_cast %parallel_loop3A_99 : i32 to index
      %parallel_loop3A_103 = tpu.vector_load %arg15[%parallel_loop3A_101, %parallel_loop3A_102] {strides = array<i32>} : memref<16x128xf32, #tpu.memory_space<vmem>>, vector<16xf32>,
      %parallel_loop3A_104 = arith.addf %parallel_loop3A_97, %parallel_loop3A_103 : vector<16xf32>
      %parallel_loop3A_105 = arith.constant 16 : i32
      %parallel_loop3A_106 = arith.muli %parallel_loop3A_49, %parallel_loop3A_105 : i32
      %parallel_loop3A_107 = arith.constant 8 : i32
      %parallel_loop3A_108 = arith.index_cast %parallel_loop3A_107 : i32 to index
      %parallel_loop3A_109 = arith.index_cast %parallel_loop3A_106 : i32 to index
      %parallel_loop3A_110 = tpu.vector_load %arg15[%parallel_loop3A_108, %parallel_loop3A_109] {strides = array<i32>} : memref<16x128xf32, #tpu.memory_space<vmem>>, vector<16xf32>,
      %parallel_loop3A_111 = arith.addf %parallel_loop3A_104, %parallel_loop3A_110 : vector<16xf32>
      %parallel_loop3A_112 = arith.constant 16 : i32
      %parallel_loop3A_113 = arith.muli %parallel_loop3A_49, %parallel_loop3A_112 : i32
      %parallel_loop3A_114 = arith.constant 9 : i32
      %parallel_loop3A_115 = arith.index_cast %parallel_loop3A_114 : i32 to index
      %parallel_loop3A_116 = arith.index_cast %parallel_loop3A_113 : i32 to index
      %parallel_loop3A_117 = tpu.vector_load %arg15[%parallel_loop3A_115, %parallel_loop3A_116] {strides = array<i32>} : memref<16x128xf32, #tpu.memory_space<vmem>>, vector<16xf32>,
      %parallel_loop3A_118 = arith.addf %parallel_loop3A_111, %parallel_loop3A_117 : vector<16xf32>
      %parallel_loop3A_119 = arith.constant 16 : i32
      %parallel_loop3A_120 = arith.muli %parallel_loop3A_49, %parallel_loop3A_119 : i32
      %parallel_loop3A_121 = arith.constant 10 : i32
      %parallel_loop3A_122 = arith.index_cast %parallel_loop3A_121 : i32 to index
      %parallel_loop3A_123 = arith.index_cast %parallel_loop3A_120 : i32 to index
      %parallel_loop3A_124 = tpu.vector_load %arg15[%parallel_loop3A_122, %parallel_loop3A_123] {strides = array<i32>} : memref<16x128xf32, #tpu.memory_space<vmem>>, vector<16xf32>,
      %parallel_loop3A_125 = arith.addf %parallel_loop3A_118, %parallel_loop3A_124 : vector<16xf32>
      %parallel_loop3A_126 = arith.constant 16 : i32
      %parallel_loop3A_127 = arith.muli %parallel_loop3A_49, %parallel_loop3A_126 : i32
      %parallel_loop3A_128 = arith.constant 11 : i32
      %parallel_loop3A_129 = arith.index_cast %parallel_loop3A_128 : i32 to index
      %parallel_loop3A_130 = arith.index_cast %parallel_loop3A_127 : i32 to index
      %parallel_loop3A_131 = tpu.vector_load %arg15[%parallel_loop3A_129, %parallel_loop3A_130] {strides = array<i32>} : memref<16x128xf32, #tpu.memory_space<vmem>>, vector<16xf32>,
      %parallel_loop3A_132 = arith.addf %parallel_loop3A_125, %parallel_loop3A_131 : vector<16xf32>
      %parallel_loop3A_133 = arith.constant 16 : i32
      %parallel_loop3A_134 = arith.muli %parallel_loop3A_49, %parallel_loop3A_133 : i32
      %parallel_loop3A_135 = arith.constant 12 : i32
      %parallel_loop3A_136 = arith.index_cast %parallel_loop3A_135 : i32 to index
      %parallel_loop3A_137 = arith.index_cast %parallel_loop3A_134 : i32 to index
      %parallel_loop3A_138 = tpu.vector_load %arg15[%parallel_loop3A_136, %parallel_loop3A_137] {strides = array<i32>} : memref<16x128xf32, #tpu.memory_space<vmem>>, vector<16xf32>,
      %parallel_loop3A_139 = arith.addf %parallel_loop3A_132, %parallel_loop3A_138 : vector<16xf32>
      %parallel_loop3A_140 = arith.constant 16 : i32
      %parallel_loop3A_141 = arith.muli %parallel_loop3A_49, %parallel_loop3A_140 : i32
      %parallel_loop3A_142 = arith.constant 13 : i32
      %parallel_loop3A_143 = arith.index_cast %parallel_loop3A_142 : i32 to index
      %parallel_loop3A_144 = arith.index_cast %parallel_loop3A_141 : i32 to index
      %parallel_loop3A_145 = tpu.vector_load %arg15[%parallel_loop3A_143, %parallel_loop3A_144] {strides = array<i32>} : memref<16x128xf32, #tpu.memory_space<vmem>>, vector<16xf32>,
      %parallel_loop3A_146 = arith.addf %parallel_loop3A_139, %parallel_loop3A_145 : vector<16xf32>
      %parallel_loop3A_147 = arith.constant 16 : i32
      %parallel_loop3A_148 = arith.muli %parallel_loop3A_49, %parallel_loop3A_147 : i32
      %parallel_loop3A_149 = arith.constant 14 : i32
      %parallel_loop3A_150 = arith.index_cast %parallel_loop3A_149 : i32 to index
      %parallel_loop3A_151 = arith.index_cast %parallel_loop3A_148 : i32 to index
      %parallel_loop3A_152 = tpu.vector_load %arg15[%parallel_loop3A_150, %parallel_loop3A_151] {strides = array<i32>} : memref<16x128xf32, #tpu.memory_space<vmem>>, vector<16xf32>,
      %parallel_loop3A_153 = arith.addf %parallel_loop3A_146, %parallel_loop3A_152 : vector<16xf32>
      %parallel_loop3A_154 = arith.constant 16 : i32
      %parallel_loop3A_155 = arith.muli %parallel_loop3A_49, %parallel_loop3A_154 : i32
      %parallel_loop3A_156 = arith.constant 15 : i32
      %parallel_loop3A_157 = arith.index_cast %parallel_loop3A_156 : i32 to index
      %parallel_loop3A_158 = arith.index_cast %parallel_loop3A_155 : i32 to index
      %parallel_loop3A_159 = tpu.vector_load %arg15[%parallel_loop3A_157, %parallel_loop3A_158] {strides = array<i32>} : memref<16x128xf32, #tpu.memory_space<vmem>>, vector<16xf32>,
      %parallel_loop3A_160 = arith.addf %parallel_loop3A_153, %parallel_loop3A_159 : vector<16xf32>
      %parallel_loop3A_161 = arith.constant 16 : i32
      %parallel_loop3A_162 = arith.muli %parallel_loop3A_49, %parallel_loop3A_161 : i32
      %parallel_loop3A_163 = arith.addi %mul3A_2, %parallel_loop3A_162 : i32
      %parallel_loop3A_164 = arith.index_cast %parallel_loop3A_163 : i32 to index
      %parallel_loop3A_165 = tpu.vector_load %arg12[%parallel_loop3A_164] {strides = array<i32>} : memref<2048xf32, #tpu.memory_space<vmem>>, vector<16xf32>,
      %parallel_loop3A_166 = arith.index_cast %parallel_loop3A_163 : i32 to index
      %parallel_loop3A_167 = tpu.vector_load %arg10[%parallel_loop3A_166] {strides = array<i32>} : memref<2048xf32, #tpu.memory_space<vmem>>, vector<16xf32>,
      %parallel_loop3A_168 = arith.addf %parallel_loop3A_160, %parallel_loop3A_167 : vector<16xf32>
      %parallel_loop3A_169 = arith.mulf %parallel_loop3A_165, %parallel_loop3A_168 : vector<16xf32>
      %parallel_loop3A_170 = arith.constant 16 : i32
      %parallel_loop3A_171 = arith.muli %parallel_loop3A_49, %parallel_loop3A_170 : i32
      %parallel_loop3A_172 = arith.index_cast %parallel_loop3A_171 : i32 to index
      %parallel_loop3A_173 = tpu.vector_load %arg13[%parallel_loop3A_172] {strides = array<i32>} : memref<128xf32, #tpu.memory_space<vmem>>, vector<16xf32>,
      tpu.vector_store %arg13[%parallel_loop3A_172], %parallel_loop3A_169 {strides = array<i32>} : memref<128xf32, #tpu.memory_space<vmem>>, vector<16xf32>,
      %parallel_loop3A_174 = arith.index_cast %parallel_loop3A_163 : i32 to index
      %parallel_loop3A_175 = tpu.vector_load %arg12[%parallel_loop3A_174] {strides = array<i32>} : memref<2048xf32, #tpu.memory_space<vmem>>, vector<16xf32>,
      %parallel_loop3A_176 = arith.mulf %parallel_loop3A_175, %parallel_loop3A_169 : vector<16xf32>
      %parallel_loop3A_177 = arith.constant 16 : i32
      %parallel_loop3A_178 = arith.muli %parallel_loop3A_49, %parallel_loop3A_177 : i32
      %parallel_loop3A_179 = arith.index_cast %parallel_loop3A_178 : i32 to index
      %parallel_loop3A_180 = tpu.vector_load %arg14[%parallel_loop3A_179] {strides = array<i32>} : memref<128xf32, #tpu.memory_space<vmem>>, vector<16xf32>,
      tpu.vector_store %arg14[%parallel_loop3A_179], %parallel_loop3A_176 {strides = array<i32>} : memref<128xf32, #tpu.memory_space<vmem>>, vector<16xf32>,
    } {sc.loop_unroll_factor = 2 : i64, sc.parallel_access}
    "tpu.region"() ({
      %run_scoped3A = tpu.sem_alloc : memref<!tpu.dma_semaphore, #tpu.memory_space<semaphore_mem>>
      %dma_start3A = tpu.memref_slice %arg7[%mul3A_2] : memref<2048xf32, #tpu.memory_space<hbm>> -> memref<128xf32, #tpu.memory_space<hbm>>
      %dma_start3A_49 = tpu.memref_slice %arg7[%mul3A_2] : memref<2048xf32, #tpu.memory_space<hbm>> -> memref<128xf32, #tpu.memory_space<hbm>>
      tpu.enqueue_dma source(%arg13 : memref<128xf32, #tpu.memory_space<vmem>>) target(%dma_start3A_49 : memref<128xf32, #tpu.memory_space<hbm>>) target_semaphore(%run_scoped3A : memref<!tpu.dma_semaphore, #tpu.memory_space<semaphore_mem>>)
      %dma_wait3A = tpu.memref_slice %arg7[%mul3A_2] : memref<2048xf32, #tpu.memory_space<hbm>> -> memref<128xf32, #tpu.memory_space<hbm>>
      %dma_wait3A_50 = tpu.memref_slice %arg7[%mul3A_2] : memref<2048xf32, #tpu.memory_space<hbm>> -> memref<128xf32, #tpu.memory_space<hbm>>
      tpu.wait_dma2 semaphore(%run_scoped3A : memref<!tpu.dma_semaphore, #tpu.memory_space<semaphore_mem>>) src(%arg13 : memref<128xf32, #tpu.memory_space<vmem>>) dst(%dma_wait3A_50 : memref<128xf32, #tpu.memory_space<hbm>>)
      tpu.yield
    }) : () -> ()
    "tpu.region"() ({
      %run_scoped3A = tpu.sem_alloc : memref<!tpu.dma_semaphore, #tpu.memory_space<semaphore_mem>>
      %dma_start3A = tpu.memref_slice %arg17[%mul3A_2] : memref<2048xf32, #tpu.memory_space<vmem_shared>> -> memref<128xf32, #tpu.memory_space<vmem_shared>>
      %dma_start3A_49 = tpu.memref_slice %arg17[%mul3A_2] : memref<2048xf32, #tpu.memory_space<vmem_shared>> -> memref<128xf32, #tpu.memory_space<vmem_shared>>
      tpu.enqueue_dma source(%arg14 : memref<128xf32, #tpu.memory_space<vmem>>) target(%dma_start3A_49 : memref<128xf32, #tpu.memory_space<vmem_shared>>) target_semaphore(%run_scoped3A : memref<!tpu.dma_semaphore, #tpu.memory_space<semaphore_mem>>)
      %dma_wait3A = tpu.memref_slice %arg17[%mul3A_2] : memref<2048xf32, #tpu.memory_space<vmem_shared>> -> memref<128xf32, #tpu.memory_space<vmem_shared>>
      %dma_wait3A_50 = tpu.memref_slice %arg17[%mul3A_2] : memref<2048xf32, #tpu.memory_space<vmem_shared>> -> memref<128xf32, #tpu.memory_space<vmem_shared>>
      tpu.wait_dma2 semaphore(%run_scoped3A : memref<!tpu.dma_semaphore, #tpu.memory_space<semaphore_mem>>) src(%arg14 : memref<128xf32, #tpu.memory_space<vmem>>) dst(%dma_wait3A_50 : memref<128xf32, #tpu.memory_space<vmem_shared>>)
      tpu.yield
    }) : () -> ()
    %barrier3A_48 = arith.constant 0 : index
    tpu.barrier barrier_id(%barrier3A_48)
    "tpu.region"() ({
      %run_scoped3A = tpu.sem_alloc : memref<!tpu.dma_semaphore, #tpu.memory_space<semaphore_mem>>
      tpu.enqueue_dma source(%arg17 : memref<2048xf32, #tpu.memory_space<vmem_shared>>) target(%arg10 : memref<2048xf32, #tpu.memory_space<vmem>>) target_semaphore(%run_scoped3A : memref<!tpu.dma_semaphore, #tpu.memory_space<semaphore_mem>>)
      tpu.wait_dma2 semaphore(%run_scoped3A : memref<!tpu.dma_semaphore, #tpu.memory_space<semaphore_mem>>) src(%arg17 : memref<2048xf32, #tpu.memory_space<vmem_shared>>) dst(%arg10 : memref<2048xf32, #tpu.memory_space<vmem>>)
      tpu.yield
    }) : () -> ()
    return
  }
}

#map = affine_map<(d0, d1) -> (0)>
module attributes {stable_mosaic.version = 14 : i64} {
  func.func @body(%arg0: i32, %arg1: i32, %arg2: memref<320000xi32, #tpu.memory_space<hbm>>, %arg3: memref<320000xi32, #tpu.memory_space<hbm>>, %arg4: memref<10240xf32, #tpu.memory_space<hbm>>, %arg5: memref<10240xf32, #tpu.memory_space<hbm>>, %arg6: memref<10240xf32, #tpu.memory_space<hbm>>, %arg7: memref<10240xf32, #tpu.memory_space<hbm>>, %arg8: memref<20000xi32, #tpu.memory_space<vmem>>, %arg9: memref<20000xi32, #tpu.memory_space<vmem>>, %arg10: memref<10240xf32, #tpu.memory_space<vmem>>, %arg11: memref<10240xf32, #tpu.memory_space<vmem>>, %arg12: memref<10240xf32, #tpu.memory_space<vmem>>, %arg13: memref<640xf32, #tpu.memory_space<vmem>>, %arg14: memref<640xf32, #tpu.memory_space<vmem>>, %arg15: memref<16x640xf32, #tpu.memory_space<vmem>>, %arg16: memref<16x10240xf32, #tpu.memory_space<vmem_shared>>, %arg17: memref<10240xf32, #tpu.memory_space<vmem_shared>>) attributes {dimension_semantics = [#tpu.dimension_semantics<core_parallel>, #tpu.dimension_semantics<subcore_parallel>], iteration_bounds = array<i64: 1, 16>, scalar_prefetch = 0 : i64, scratch_operands = 10 : i64, tpu.core_type = #tpu.core_type<sc_vector_subcore>, window_params = [{transform_indices = #map}, {transform_indices = #map}, {transform_indices = #map}, {transform_indices = #map}, {transform_indices = #map}, {transform_indices = #map}]} {
    %mul3A = arith.constant 20000 : i32
    %mul3A_0 = arith.muli %arg1, %mul3A : i32
    %mul3A_1 = arith.constant 640 : i32
    %mul3A_2 = arith.muli %arg1, %mul3A_1 : i32
    %broadcast_in_dim3A = arith.constant 1.000000e+00 : f32
    %broadcast_in_dim3A_3 = vector.broadcast %broadcast_in_dim3A : f32 to vector<16xf32>
    "tpu.region"() ({
      %run_scoped3A = tpu.sem_alloc : memref<!tpu.dma_semaphore, #tpu.memory_space<semaphore_mem>>
      %dma_start3A = tpu.memref_slice %arg2[%mul3A_0] : memref<320000xi32, #tpu.memory_space<hbm>> -> memref<20000xi32, #tpu.memory_space<hbm>>
      %dma_start3A_49 = tpu.memref_slice %arg2[%mul3A_0] : memref<320000xi32, #tpu.memory_space<hbm>> -> memref<20000xi32, #tpu.memory_space<hbm>>
      tpu.enqueue_dma source(%dma_start3A_49 : memref<20000xi32, #tpu.memory_space<hbm>>) target(%arg8 : memref<20000xi32, #tpu.memory_space<vmem>>) target_semaphore(%run_scoped3A : memref<!tpu.dma_semaphore, #tpu.memory_space<semaphore_mem>>)
      %dma_wait3A = tpu.memref_slice %arg2[%mul3A_0] : memref<320000xi32, #tpu.memory_space<hbm>> -> memref<20000xi32, #tpu.memory_space<hbm>>
      %dma_wait3A_50 = tpu.memref_slice %arg2[%mul3A_0] : memref<320000xi32, #tpu.memory_space<hbm>> -> memref<20000xi32, #tpu.memory_space<hbm>>
      tpu.wait_dma2 semaphore(%run_scoped3A : memref<!tpu.dma_semaphore, #tpu.memory_space<semaphore_mem>>) src(%dma_wait3A_50 : memref<20000xi32, #tpu.memory_space<hbm>>) dst(%arg8 : memref<20000xi32, #tpu.memory_space<vmem>>)
      tpu.yield
    }) : () -> ()
    "tpu.region"() ({
      %run_scoped3A = tpu.sem_alloc : memref<!tpu.dma_semaphore, #tpu.memory_space<semaphore_mem>>
      %dma_start3A = tpu.memref_slice %arg3[%mul3A_0] : memref<320000xi32, #tpu.memory_space<hbm>> -> memref<20000xi32, #tpu.memory_space<hbm>>
      %dma_start3A_49 = tpu.memref_slice %arg3[%mul3A_0] : memref<320000xi32, #tpu.memory_space<hbm>> -> memref<20000xi32, #tpu.memory_space<hbm>>
      tpu.enqueue_dma source(%dma_start3A_49 : memref<20000xi32, #tpu.memory_space<hbm>>) target(%arg9 : memref<20000xi32, #tpu.memory_space<vmem>>) target_semaphore(%run_scoped3A : memref<!tpu.dma_semaphore, #tpu.memory_space<semaphore_mem>>)
      %dma_wait3A = tpu.memref_slice %arg3[%mul3A_0] : memref<320000xi32, #tpu.memory_space<hbm>> -> memref<20000xi32, #tpu.memory_space<hbm>>
      %dma_wait3A_50 = tpu.memref_slice %arg3[%mul3A_0] : memref<320000xi32, #tpu.memory_space<hbm>> -> memref<20000xi32, #tpu.memory_space<hbm>>
      tpu.wait_dma2 semaphore(%run_scoped3A : memref<!tpu.dma_semaphore, #tpu.memory_space<semaphore_mem>>) src(%dma_wait3A_50 : memref<20000xi32, #tpu.memory_space<hbm>>) dst(%arg9 : memref<20000xi32, #tpu.memory_space<vmem>>)
      tpu.yield
    }) : () -> ()
    "tpu.region"() ({
      %run_scoped3A = tpu.sem_alloc : memref<!tpu.dma_semaphore, #tpu.memory_space<semaphore_mem>>
      tpu.enqueue_dma source(%arg4 : memref<10240xf32, #tpu.memory_space<hbm>>) target(%arg10 : memref<10240xf32, #tpu.memory_space<vmem>>) target_semaphore(%run_scoped3A : memref<!tpu.dma_semaphore, #tpu.memory_space<semaphore_mem>>)
      tpu.wait_dma2 semaphore(%run_scoped3A : memref<!tpu.dma_semaphore, #tpu.memory_space<semaphore_mem>>) src(%arg4 : memref<10240xf32, #tpu.memory_space<hbm>>) dst(%arg10 : memref<10240xf32, #tpu.memory_space<vmem>>)
      tpu.yield
    }) : () -> ()
    %parallel_loop3A = arith.constant 0 : i32
    %parallel_loop3A_4 = arith.constant 640 : i32
    %parallel_loop3A_5 = arith.constant 1 : i32
    scf.for %parallel_loop3A_49 = %parallel_loop3A to %parallel_loop3A_4 step %parallel_loop3A_5  : i32 {
      %parallel_loop3A_50 = arith.constant 0.000000e+00 : f32
      %parallel_loop3A_51 = vector.broadcast %parallel_loop3A_50 : f32 to vector<16xf32>
      %parallel_loop3A_52 = arith.constant 16 : i32
      %parallel_loop3A_53 = arith.muli %parallel_loop3A_49, %parallel_loop3A_52 : i32
      %parallel_loop3A_54 = arith.index_cast %parallel_loop3A_53 : i32 to index
      %parallel_loop3A_55 = tpu.vector_load %arg11[%parallel_loop3A_54] {strides = array<i32>} : memref<10240xf32, #tpu.memory_space<vmem>>, vector<16xf32>,
      tpu.vector_store %arg11[%parallel_loop3A_54], %parallel_loop3A_51 {strides = array<i32>} : memref<10240xf32, #tpu.memory_space<vmem>>, vector<16xf32>,
    } {sc.loop_unroll_factor = 8 : i64, sc.parallel_access}
    %parallel_loop3A_6 = arith.constant 0 : i32
    %parallel_loop3A_7 = arith.constant 1250 : i32
    %parallel_loop3A_8 = arith.constant 1 : i32
    scf.for %parallel_loop3A_49 = %parallel_loop3A_6 to %parallel_loop3A_7 step %parallel_loop3A_8  : i32 {
      %parallel_loop3A_50 = arith.constant 16 : i32
      %parallel_loop3A_51 = arith.muli %parallel_loop3A_49, %parallel_loop3A_50 : i32
      %parallel_loop3A_52 = arith.index_cast %parallel_loop3A_51 : i32 to index
      %parallel_loop3A_53 = tpu.vector_load %arg9[%parallel_loop3A_52] {strides = array<i32>} : memref<20000xi32, #tpu.memory_space<vmem>>, vector<16xi32>,
      tpu.vector_store_idx %arg11[%parallel_loop3A_53], %broadcast_in_dim3A_3 {add = true} : memref<10240xf32, #tpu.memory_space<vmem>>[vector<16xi32>], vector<16xf32>,
    } {sc.loop_unroll_factor = 8 : i64, sc.parallel_access}
    "tpu.region"() ({
      %run_scoped3A = tpu.sem_alloc : memref<!tpu.dma_semaphore, #tpu.memory_space<semaphore_mem>>
      %dma_start3A = arith.constant 0 : i32
      %dma_start3A_49 = tpu.memref_slice %arg16[%arg1, %dma_start3A] : memref<16x10240xf32, #tpu.memory_space<vmem_shared>> -> memref<1x10240xf32, #tpu.memory_space<vmem_shared>>
      %dma_start3A_50 = tpu.memref_squeeze %dma_start3A_49 : memref<1x10240xf32, #tpu.memory_space<vmem_shared>> -> memref<10240xf32, #tpu.memory_space<vmem_shared>>
      %dma_start3A_51 = arith.constant 0 : i32
      %dma_start3A_52 = tpu.memref_slice %arg16[%arg1, %dma_start3A_51] : memref<16x10240xf32, #tpu.memory_space<vmem_shared>> -> memref<1x10240xf32, #tpu.memory_space<vmem_shared>>
      %dma_start3A_53 = tpu.memref_squeeze %dma_start3A_52 : memref<1x10240xf32, #tpu.memory_space<vmem_shared>> -> memref<10240xf32, #tpu.memory_space<vmem_shared>>
      tpu.enqueue_dma source(%arg11 : memref<10240xf32, #tpu.memory_space<vmem>>) target(%dma_start3A_53 : memref<10240xf32, #tpu.memory_space<vmem_shared>>) target_semaphore(%run_scoped3A : memref<!tpu.dma_semaphore, #tpu.memory_space<semaphore_mem>>)
      %dma_wait3A = arith.constant 0 : i32
      %dma_wait3A_54 = tpu.memref_slice %arg16[%arg1, %dma_wait3A] : memref<16x10240xf32, #tpu.memory_space<vmem_shared>> -> memref<1x10240xf32, #tpu.memory_space<vmem_shared>>
      %dma_wait3A_55 = tpu.memref_squeeze %dma_wait3A_54 : memref<1x10240xf32, #tpu.memory_space<vmem_shared>> -> memref<10240xf32, #tpu.memory_space<vmem_shared>>
      %dma_wait3A_56 = arith.constant 0 : i32
      %dma_wait3A_57 = tpu.memref_slice %arg16[%arg1, %dma_wait3A_56] : memref<16x10240xf32, #tpu.memory_space<vmem_shared>> -> memref<1x10240xf32, #tpu.memory_space<vmem_shared>>
      %dma_wait3A_58 = tpu.memref_squeeze %dma_wait3A_57 : memref<1x10240xf32, #tpu.memory_space<vmem_shared>> -> memref<10240xf32, #tpu.memory_space<vmem_shared>>
      tpu.wait_dma2 semaphore(%run_scoped3A : memref<!tpu.dma_semaphore, #tpu.memory_space<semaphore_mem>>) src(%arg11 : memref<10240xf32, #tpu.memory_space<vmem>>) dst(%dma_wait3A_58 : memref<10240xf32, #tpu.memory_space<vmem_shared>>)
      tpu.yield
    }) : () -> ()
    %barrier3A = arith.constant 0 : index
    tpu.barrier barrier_id(%barrier3A)
    "tpu.region"() ({
      %run_scoped3A = tpu.sem_alloc : memref<!tpu.dma_semaphore, #tpu.memory_space<semaphore_mem>>
      %dma_start3A = arith.constant 0 : i32
      %dma_start3A_49 = tpu.memref_slice %arg16[%dma_start3A, %mul3A_2] : memref<16x10240xf32, #tpu.memory_space<vmem_shared>> -> memref<16x640xf32, #tpu.memory_space<vmem_shared>>
      %dma_start3A_50 = arith.constant 0 : i32
      %dma_start3A_51 = tpu.memref_slice %arg16[%dma_start3A_50, %mul3A_2] : memref<16x10240xf32, #tpu.memory_space<vmem_shared>> -> memref<16x640xf32, #tpu.memory_space<vmem_shared>>
      tpu.enqueue_dma source(%dma_start3A_51 : memref<16x640xf32, #tpu.memory_space<vmem_shared>>) target(%arg15 : memref<16x640xf32, #tpu.memory_space<vmem>>) target_semaphore(%run_scoped3A : memref<!tpu.dma_semaphore, #tpu.memory_space<semaphore_mem>>)
      %dma_wait3A = arith.constant 0 : i32
      %dma_wait3A_52 = tpu.memref_slice %arg16[%dma_wait3A, %mul3A_2] : memref<16x10240xf32, #tpu.memory_space<vmem_shared>> -> memref<16x640xf32, #tpu.memory_space<vmem_shared>>
      %dma_wait3A_53 = arith.constant 0 : i32
      %dma_wait3A_54 = tpu.memref_slice %arg16[%dma_wait3A_53, %mul3A_2] : memref<16x10240xf32, #tpu.memory_space<vmem_shared>> -> memref<16x640xf32, #tpu.memory_space<vmem_shared>>
      tpu.wait_dma2 semaphore(%run_scoped3A : memref<!tpu.dma_semaphore, #tpu.memory_space<semaphore_mem>>) src(%dma_wait3A_54 : memref<16x640xf32, #tpu.memory_space<vmem_shared>>) dst(%arg15 : memref<16x640xf32, #tpu.memory_space<vmem>>)
      tpu.yield
    }) : () -> ()
    %parallel_loop3A_9 = arith.constant 0 : i32
    %parallel_loop3A_10 = arith.constant 40 : i32
    %parallel_loop3A_11 = arith.constant 1 : i32
    scf.for %parallel_loop3A_49 = %parallel_loop3A_9 to %parallel_loop3A_10 step %parallel_loop3A_11  : i32 {
      %parallel_loop3A_50 = arith.constant 16 : i32
      %parallel_loop3A_51 = arith.muli %parallel_loop3A_49, %parallel_loop3A_50 : i32
      %parallel_loop3A_52 = arith.constant 0 : i32
      %parallel_loop3A_53 = arith.index_cast %parallel_loop3A_52 : i32 to index
      %parallel_loop3A_54 = arith.index_cast %parallel_loop3A_51 : i32 to index
      %parallel_loop3A_55 = tpu.vector_load %arg15[%parallel_loop3A_53, %parallel_loop3A_54] {strides = array<i32>} : memref<16x640xf32, #tpu.memory_space<vmem>>, vector<16xf32>,
      %parallel_loop3A_56 = arith.constant 16 : i32
      %parallel_loop3A_57 = arith.muli %parallel_loop3A_49, %parallel_loop3A_56 : i32
      %parallel_loop3A_58 = arith.constant 1 : i32
      %parallel_loop3A_59 = arith.index_cast %parallel_loop3A_58 : i32 to index
      %parallel_loop3A_60 = arith.index_cast %parallel_loop3A_57 : i32 to index
      %parallel_loop3A_61 = tpu.vector_load %arg15[%parallel_loop3A_59, %parallel_loop3A_60] {strides = array<i32>} : memref<16x640xf32, #tpu.memory_space<vmem>>, vector<16xf32>,
      %parallel_loop3A_62 = arith.addf %parallel_loop3A_55, %parallel_loop3A_61 : vector<16xf32>
      %parallel_loop3A_63 = arith.constant 16 : i32
      %parallel_loop3A_64 = arith.muli %parallel_loop3A_49, %parallel_loop3A_63 : i32
      %parallel_loop3A_65 = arith.constant 2 : i32
      %parallel_loop3A_66 = arith.index_cast %parallel_loop3A_65 : i32 to index
      %parallel_loop3A_67 = arith.index_cast %parallel_loop3A_64 : i32 to index
      %parallel_loop3A_68 = tpu.vector_load %arg15[%parallel_loop3A_66, %parallel_loop3A_67] {strides = array<i32>} : memref<16x640xf32, #tpu.memory_space<vmem>>, vector<16xf32>,
      %parallel_loop3A_69 = arith.addf %parallel_loop3A_62, %parallel_loop3A_68 : vector<16xf32>
      %parallel_loop3A_70 = arith.constant 16 : i32
      %parallel_loop3A_71 = arith.muli %parallel_loop3A_49, %parallel_loop3A_70 : i32
      %parallel_loop3A_72 = arith.constant 3 : i32
      %parallel_loop3A_73 = arith.index_cast %parallel_loop3A_72 : i32 to index
      %parallel_loop3A_74 = arith.index_cast %parallel_loop3A_71 : i32 to index
      %parallel_loop3A_75 = tpu.vector_load %arg15[%parallel_loop3A_73, %parallel_loop3A_74] {strides = array<i32>} : memref<16x640xf32, #tpu.memory_space<vmem>>, vector<16xf32>,
      %parallel_loop3A_76 = arith.addf %parallel_loop3A_69, %parallel_loop3A_75 : vector<16xf32>
      %parallel_loop3A_77 = arith.constant 16 : i32
      %parallel_loop3A_78 = arith.muli %parallel_loop3A_49, %parallel_loop3A_77 : i32
      %parallel_loop3A_79 = arith.constant 4 : i32
      %parallel_loop3A_80 = arith.index_cast %parallel_loop3A_79 : i32 to index
      %parallel_loop3A_81 = arith.index_cast %parallel_loop3A_78 : i32 to index
      %parallel_loop3A_82 = tpu.vector_load %arg15[%parallel_loop3A_80, %parallel_loop3A_81] {strides = array<i32>} : memref<16x640xf32, #tpu.memory_space<vmem>>, vector<16xf32>,
      %parallel_loop3A_83 = arith.addf %parallel_loop3A_76, %parallel_loop3A_82 : vector<16xf32>
      %parallel_loop3A_84 = arith.constant 16 : i32
      %parallel_loop3A_85 = arith.muli %parallel_loop3A_49, %parallel_loop3A_84 : i32
      %parallel_loop3A_86 = arith.constant 5 : i32
      %parallel_loop3A_87 = arith.index_cast %parallel_loop3A_86 : i32 to index
      %parallel_loop3A_88 = arith.index_cast %parallel_loop3A_85 : i32 to index
      %parallel_loop3A_89 = tpu.vector_load %arg15[%parallel_loop3A_87, %parallel_loop3A_88] {strides = array<i32>} : memref<16x640xf32, #tpu.memory_space<vmem>>, vector<16xf32>,
      %parallel_loop3A_90 = arith.addf %parallel_loop3A_83, %parallel_loop3A_89 : vector<16xf32>
      %parallel_loop3A_91 = arith.constant 16 : i32
      %parallel_loop3A_92 = arith.muli %parallel_loop3A_49, %parallel_loop3A_91 : i32
      %parallel_loop3A_93 = arith.constant 6 : i32
      %parallel_loop3A_94 = arith.index_cast %parallel_loop3A_93 : i32 to index
      %parallel_loop3A_95 = arith.index_cast %parallel_loop3A_92 : i32 to index
      %parallel_loop3A_96 = tpu.vector_load %arg15[%parallel_loop3A_94, %parallel_loop3A_95] {strides = array<i32>} : memref<16x640xf32, #tpu.memory_space<vmem>>, vector<16xf32>,
      %parallel_loop3A_97 = arith.addf %parallel_loop3A_90, %parallel_loop3A_96 : vector<16xf32>
      %parallel_loop3A_98 = arith.constant 16 : i32
      %parallel_loop3A_99 = arith.muli %parallel_loop3A_49, %parallel_loop3A_98 : i32
      %parallel_loop3A_100 = arith.constant 7 : i32
      %parallel_loop3A_101 = arith.index_cast %parallel_loop3A_100 : i32 to index
      %parallel_loop3A_102 = arith.index_cast %parallel_loop3A_99 : i32 to index
      %parallel_loop3A_103 = tpu.vector_load %arg15[%parallel_loop3A_101, %parallel_loop3A_102] {strides = array<i32>} : memref<16x640xf32, #tpu.memory_space<vmem>>, vector<16xf32>,
      %parallel_loop3A_104 = arith.addf %parallel_loop3A_97, %parallel_loop3A_103 : vector<16xf32>
      %parallel_loop3A_105 = arith.constant 16 : i32
      %parallel_loop3A_106 = arith.muli %parallel_loop3A_49, %parallel_loop3A_105 : i32
      %parallel_loop3A_107 = arith.constant 8 : i32
      %parallel_loop3A_108 = arith.index_cast %parallel_loop3A_107 : i32 to index
      %parallel_loop3A_109 = arith.index_cast %parallel_loop3A_106 : i32 to index
      %parallel_loop3A_110 = tpu.vector_load %arg15[%parallel_loop3A_108, %parallel_loop3A_109] {strides = array<i32>} : memref<16x640xf32, #tpu.memory_space<vmem>>, vector<16xf32>,
      %parallel_loop3A_111 = arith.addf %parallel_loop3A_104, %parallel_loop3A_110 : vector<16xf32>
      %parallel_loop3A_112 = arith.constant 16 : i32
      %parallel_loop3A_113 = arith.muli %parallel_loop3A_49, %parallel_loop3A_112 : i32
      %parallel_loop3A_114 = arith.constant 9 : i32
      %parallel_loop3A_115 = arith.index_cast %parallel_loop3A_114 : i32 to index
      %parallel_loop3A_116 = arith.index_cast %parallel_loop3A_113 : i32 to index
      %parallel_loop3A_117 = tpu.vector_load %arg15[%parallel_loop3A_115, %parallel_loop3A_116] {strides = array<i32>} : memref<16x640xf32, #tpu.memory_space<vmem>>, vector<16xf32>,
      %parallel_loop3A_118 = arith.addf %parallel_loop3A_111, %parallel_loop3A_117 : vector<16xf32>
      %parallel_loop3A_119 = arith.constant 16 : i32
      %parallel_loop3A_120 = arith.muli %parallel_loop3A_49, %parallel_loop3A_119 : i32
      %parallel_loop3A_121 = arith.constant 10 : i32
      %parallel_loop3A_122 = arith.index_cast %parallel_loop3A_121 : i32 to index
      %parallel_loop3A_123 = arith.index_cast %parallel_loop3A_120 : i32 to index
      %parallel_loop3A_124 = tpu.vector_load %arg15[%parallel_loop3A_122, %parallel_loop3A_123] {strides = array<i32>} : memref<16x640xf32, #tpu.memory_space<vmem>>, vector<16xf32>,
      %parallel_loop3A_125 = arith.addf %parallel_loop3A_118, %parallel_loop3A_124 : vector<16xf32>
      %parallel_loop3A_126 = arith.constant 16 : i32
      %parallel_loop3A_127 = arith.muli %parallel_loop3A_49, %parallel_loop3A_126 : i32
      %parallel_loop3A_128 = arith.constant 11 : i32
      %parallel_loop3A_129 = arith.index_cast %parallel_loop3A_128 : i32 to index
      %parallel_loop3A_130 = arith.index_cast %parallel_loop3A_127 : i32 to index
      %parallel_loop3A_131 = tpu.vector_load %arg15[%parallel_loop3A_129, %parallel_loop3A_130] {strides = array<i32>} : memref<16x640xf32, #tpu.memory_space<vmem>>, vector<16xf32>,
      %parallel_loop3A_132 = arith.addf %parallel_loop3A_125, %parallel_loop3A_131 : vector<16xf32>
      %parallel_loop3A_133 = arith.constant 16 : i32
      %parallel_loop3A_134 = arith.muli %parallel_loop3A_49, %parallel_loop3A_133 : i32
      %parallel_loop3A_135 = arith.constant 12 : i32
      %parallel_loop3A_136 = arith.index_cast %parallel_loop3A_135 : i32 to index
      %parallel_loop3A_137 = arith.index_cast %parallel_loop3A_134 : i32 to index
      %parallel_loop3A_138 = tpu.vector_load %arg15[%parallel_loop3A_136, %parallel_loop3A_137] {strides = array<i32>} : memref<16x640xf32, #tpu.memory_space<vmem>>, vector<16xf32>,
      %parallel_loop3A_139 = arith.addf %parallel_loop3A_132, %parallel_loop3A_138 : vector<16xf32>
      %parallel_loop3A_140 = arith.constant 16 : i32
      %parallel_loop3A_141 = arith.muli %parallel_loop3A_49, %parallel_loop3A_140 : i32
      %parallel_loop3A_142 = arith.constant 13 : i32
      %parallel_loop3A_143 = arith.index_cast %parallel_loop3A_142 : i32 to index
      %parallel_loop3A_144 = arith.index_cast %parallel_loop3A_141 : i32 to index
      %parallel_loop3A_145 = tpu.vector_load %arg15[%parallel_loop3A_143, %parallel_loop3A_144] {strides = array<i32>} : memref<16x640xf32, #tpu.memory_space<vmem>>, vector<16xf32>,
      %parallel_loop3A_146 = arith.addf %parallel_loop3A_139, %parallel_loop3A_145 : vector<16xf32>
      %parallel_loop3A_147 = arith.constant 16 : i32
      %parallel_loop3A_148 = arith.muli %parallel_loop3A_49, %parallel_loop3A_147 : i32
      %parallel_loop3A_149 = arith.constant 14 : i32
      %parallel_loop3A_150 = arith.index_cast %parallel_loop3A_149 : i32 to index
      %parallel_loop3A_151 = arith.index_cast %parallel_loop3A_148 : i32 to index
      %parallel_loop3A_152 = tpu.vector_load %arg15[%parallel_loop3A_150, %parallel_loop3A_151] {strides = array<i32>} : memref<16x640xf32, #tpu.memory_space<vmem>>, vector<16xf32>,
      %parallel_loop3A_153 = arith.addf %parallel_loop3A_146, %parallel_loop3A_152 : vector<16xf32>
      %parallel_loop3A_154 = arith.constant 16 : i32
      %parallel_loop3A_155 = arith.muli %parallel_loop3A_49, %parallel_loop3A_154 : i32
      %parallel_loop3A_156 = arith.constant 15 : i32
      %parallel_loop3A_157 = arith.index_cast %parallel_loop3A_156 : i32 to index
      %parallel_loop3A_158 = arith.index_cast %parallel_loop3A_155 : i32 to index
      %parallel_loop3A_159 = tpu.vector_load %arg15[%parallel_loop3A_157, %parallel_loop3A_158] {strides = array<i32>} : memref<16x640xf32, #tpu.memory_space<vmem>>, vector<16xf32>,
      %parallel_loop3A_160 = arith.addf %parallel_loop3A_153, %parallel_loop3A_159 : vector<16xf32>
      %parallel_loop3A_161 = arith.constant 1.000000e+00 : f32
      %parallel_loop3A_162 = vector.broadcast %parallel_loop3A_161 : f32 to vector<16xf32>
      %parallel_loop3A_163 = arith.addf %parallel_loop3A_160, %parallel_loop3A_162 : vector<16xf32>
      %parallel_loop3A_164 = vector.bitcast %parallel_loop3A_163 : vector<16xf32> to vector<16xi32>
      %parallel_loop3A_165 = arith.constant 1 : i32
      %parallel_loop3A_166 = vector.broadcast %parallel_loop3A_165 : i32 to vector<16xi32>
      %parallel_loop3A_167 = arith.shrsi %parallel_loop3A_164, %parallel_loop3A_166 : vector<16xi32>
      %parallel_loop3A_168 = arith.constant 1597463007 : i32
      %parallel_loop3A_169 = vector.broadcast %parallel_loop3A_168 : i32 to vector<16xi32>
      %parallel_loop3A_170 = arith.subi %parallel_loop3A_169, %parallel_loop3A_167 : vector<16xi32>
      %parallel_loop3A_171 = vector.bitcast %parallel_loop3A_170 : vector<16xi32> to vector<16xf32>
      %parallel_loop3A_172 = arith.constant 5.000000e-01 : f32
      %parallel_loop3A_173 = vector.broadcast %parallel_loop3A_172 : f32 to vector<16xf32>
      %parallel_loop3A_174 = arith.mulf %parallel_loop3A_173, %parallel_loop3A_163 : vector<16xf32>
      %parallel_loop3A_175 = arith.mulf %parallel_loop3A_174, %parallel_loop3A_171 : vector<16xf32>
      %parallel_loop3A_176 = arith.mulf %parallel_loop3A_175, %parallel_loop3A_171 : vector<16xf32>
      %parallel_loop3A_177 = arith.constant 1.500000e+00 : f32
      %parallel_loop3A_178 = vector.broadcast %parallel_loop3A_177 : f32 to vector<16xf32>
      %parallel_loop3A_179 = arith.subf %parallel_loop3A_178, %parallel_loop3A_176 : vector<16xf32>
      %parallel_loop3A_180 = arith.mulf %parallel_loop3A_171, %parallel_loop3A_179 : vector<16xf32>
      %parallel_loop3A_181 = arith.constant 5.000000e-01 : f32
      %parallel_loop3A_182 = vector.broadcast %parallel_loop3A_181 : f32 to vector<16xf32>
      %parallel_loop3A_183 = arith.mulf %parallel_loop3A_182, %parallel_loop3A_163 : vector<16xf32>
      %parallel_loop3A_184 = arith.mulf %parallel_loop3A_183, %parallel_loop3A_180 : vector<16xf32>
      %parallel_loop3A_185 = arith.mulf %parallel_loop3A_184, %parallel_loop3A_180 : vector<16xf32>
      %parallel_loop3A_186 = arith.constant 1.500000e+00 : f32
      %parallel_loop3A_187 = vector.broadcast %parallel_loop3A_186 : f32 to vector<16xf32>
      %parallel_loop3A_188 = arith.subf %parallel_loop3A_187, %parallel_loop3A_185 : vector<16xf32>
      %parallel_loop3A_189 = arith.mulf %parallel_loop3A_180, %parallel_loop3A_188 : vector<16xf32>
      %parallel_loop3A_190 = arith.constant 5.000000e-01 : f32
      %parallel_loop3A_191 = vector.broadcast %parallel_loop3A_190 : f32 to vector<16xf32>
      %parallel_loop3A_192 = arith.mulf %parallel_loop3A_191, %parallel_loop3A_163 : vector<16xf32>
      %parallel_loop3A_193 = arith.mulf %parallel_loop3A_192, %parallel_loop3A_189 : vector<16xf32>
      %parallel_loop3A_194 = arith.mulf %parallel_loop3A_193, %parallel_loop3A_189 : vector<16xf32>
      %parallel_loop3A_195 = arith.constant 1.500000e+00 : f32
      %parallel_loop3A_196 = vector.broadcast %parallel_loop3A_195 : f32 to vector<16xf32>
      %parallel_loop3A_197 = arith.subf %parallel_loop3A_196, %parallel_loop3A_194 : vector<16xf32>
      %parallel_loop3A_198 = arith.mulf %parallel_loop3A_189, %parallel_loop3A_197 : vector<16xf32>
      %parallel_loop3A_199 = arith.constant 16 : i32
      %parallel_loop3A_200 = arith.muli %parallel_loop3A_49, %parallel_loop3A_199 : i32
      %parallel_loop3A_201 = arith.index_cast %parallel_loop3A_200 : i32 to index
      %parallel_loop3A_202 = tpu.vector_load %arg13[%parallel_loop3A_201] {strides = array<i32>} : memref<640xf32, #tpu.memory_space<vmem>>, vector<16xf32>,
      tpu.vector_store %arg13[%parallel_loop3A_201], %parallel_loop3A_198 {strides = array<i32>} : memref<640xf32, #tpu.memory_space<vmem>>, vector<16xf32>,
    } {sc.loop_unroll_factor = 2 : i64, sc.parallel_access}
    "tpu.region"() ({
      %run_scoped3A = tpu.sem_alloc : memref<!tpu.dma_semaphore, #tpu.memory_space<semaphore_mem>>
      %dma_start3A = tpu.memref_slice %arg17[%mul3A_2] : memref<10240xf32, #tpu.memory_space<vmem_shared>> -> memref<640xf32, #tpu.memory_space<vmem_shared>>
      %dma_start3A_49 = tpu.memref_slice %arg17[%mul3A_2] : memref<10240xf32, #tpu.memory_space<vmem_shared>> -> memref<640xf32, #tpu.memory_space<vmem_shared>>
      tpu.enqueue_dma source(%arg13 : memref<640xf32, #tpu.memory_space<vmem>>) target(%dma_start3A_49 : memref<640xf32, #tpu.memory_space<vmem_shared>>) target_semaphore(%run_scoped3A : memref<!tpu.dma_semaphore, #tpu.memory_space<semaphore_mem>>)
      %dma_wait3A = tpu.memref_slice %arg17[%mul3A_2] : memref<10240xf32, #tpu.memory_space<vmem_shared>> -> memref<640xf32, #tpu.memory_space<vmem_shared>>
      %dma_wait3A_50 = tpu.memref_slice %arg17[%mul3A_2] : memref<10240xf32, #tpu.memory_space<vmem_shared>> -> memref<640xf32, #tpu.memory_space<vmem_shared>>
      tpu.wait_dma2 semaphore(%run_scoped3A : memref<!tpu.dma_semaphore, #tpu.memory_space<semaphore_mem>>) src(%arg13 : memref<640xf32, #tpu.memory_space<vmem>>) dst(%dma_wait3A_50 : memref<640xf32, #tpu.memory_space<vmem_shared>>)
      tpu.yield
    }) : () -> ()
    %barrier3A_12 = arith.constant 0 : index
    tpu.barrier barrier_id(%barrier3A_12)
    "tpu.region"() ({
      %run_scoped3A = tpu.sem_alloc : memref<!tpu.dma_semaphore, #tpu.memory_space<semaphore_mem>>
      tpu.enqueue_dma source(%arg17 : memref<10240xf32, #tpu.memory_space<vmem_shared>>) target(%arg12 : memref<10240xf32, #tpu.memory_space<vmem>>) target_semaphore(%run_scoped3A : memref<!tpu.dma_semaphore, #tpu.memory_space<semaphore_mem>>)
      tpu.wait_dma2 semaphore(%run_scoped3A : memref<!tpu.dma_semaphore, #tpu.memory_space<semaphore_mem>>) src(%arg17 : memref<10240xf32, #tpu.memory_space<vmem_shared>>) dst(%arg12 : memref<10240xf32, #tpu.memory_space<vmem>>)
      tpu.yield
    }) : () -> ()
    %parallel_loop3A_13 = arith.constant 0 : i32
    %parallel_loop3A_14 = arith.constant 640 : i32
    %parallel_loop3A_15 = arith.constant 1 : i32
    scf.for %parallel_loop3A_49 = %parallel_loop3A_13 to %parallel_loop3A_14 step %parallel_loop3A_15  : i32 {
      %parallel_loop3A_50 = arith.constant 16 : i32
      %parallel_loop3A_51 = arith.muli %parallel_loop3A_49, %parallel_loop3A_50 : i32
      %parallel_loop3A_52 = arith.index_cast %parallel_loop3A_51 : i32 to index
      %parallel_loop3A_53 = tpu.vector_load %arg10[%parallel_loop3A_52] {strides = array<i32>} : memref<10240xf32, #tpu.memory_space<vmem>>, vector<16xf32>,
      %parallel_loop3A_54 = arith.index_cast %parallel_loop3A_51 : i32 to index
      %parallel_loop3A_55 = tpu.vector_load %arg12[%parallel_loop3A_54] {strides = array<i32>} : memref<10240xf32, #tpu.memory_space<vmem>>, vector<16xf32>,
      %parallel_loop3A_56 = arith.mulf %parallel_loop3A_53, %parallel_loop3A_55 : vector<16xf32>
      %parallel_loop3A_57 = arith.index_cast %parallel_loop3A_51 : i32 to index
      %parallel_loop3A_58 = tpu.vector_load %arg10[%parallel_loop3A_57] {strides = array<i32>} : memref<10240xf32, #tpu.memory_space<vmem>>, vector<16xf32>,
      tpu.vector_store %arg10[%parallel_loop3A_57], %parallel_loop3A_56 {strides = array<i32>} : memref<10240xf32, #tpu.memory_space<vmem>>, vector<16xf32>,
    } {sc.loop_unroll_factor = 8 : i64, sc.parallel_access}
    %parallel_loop3A_16 = arith.constant 0 : i32
    %parallel_loop3A_17 = arith.constant 640 : i32
    %parallel_loop3A_18 = arith.constant 1 : i32
    scf.for %parallel_loop3A_49 = %parallel_loop3A_16 to %parallel_loop3A_17 step %parallel_loop3A_18  : i32 {
      %parallel_loop3A_50 = arith.constant 0.000000e+00 : f32
      %parallel_loop3A_51 = vector.broadcast %parallel_loop3A_50 : f32 to vector<16xf32>
      %parallel_loop3A_52 = arith.constant 16 : i32
      %parallel_loop3A_53 = arith.muli %parallel_loop3A_49, %parallel_loop3A_52 : i32
      %parallel_loop3A_54 = arith.index_cast %parallel_loop3A_53 : i32 to index
      %parallel_loop3A_55 = tpu.vector_load %arg11[%parallel_loop3A_54] {strides = array<i32>} : memref<10240xf32, #tpu.memory_space<vmem>>, vector<16xf32>,
      tpu.vector_store %arg11[%parallel_loop3A_54], %parallel_loop3A_51 {strides = array<i32>} : memref<10240xf32, #tpu.memory_space<vmem>>, vector<16xf32>,
    } {sc.loop_unroll_factor = 8 : i64, sc.parallel_access}
    %parallel_loop3A_19 = arith.constant 0 : i32
    %parallel_loop3A_20 = arith.constant 1250 : i32
    %parallel_loop3A_21 = arith.constant 1 : i32
    scf.for %parallel_loop3A_49 = %parallel_loop3A_19 to %parallel_loop3A_20 step %parallel_loop3A_21  : i32 {
      %parallel_loop3A_50 = arith.constant 16 : i32
      %parallel_loop3A_51 = arith.muli %parallel_loop3A_49, %parallel_loop3A_50 : i32
      %parallel_loop3A_52 = arith.index_cast %parallel_loop3A_51 : i32 to index
      %parallel_loop3A_53 = tpu.vector_load %arg8[%parallel_loop3A_52] {strides = array<i32>} : memref<20000xi32, #tpu.memory_space<vmem>>, vector<16xi32>,
      %parallel_loop3A_54 = arith.constant 16 : i32
      %parallel_loop3A_55 = arith.muli %parallel_loop3A_49, %parallel_loop3A_54 : i32
      %parallel_loop3A_56 = arith.index_cast %parallel_loop3A_55 : i32 to index
      %parallel_loop3A_57 = tpu.vector_load %arg9[%parallel_loop3A_56] {strides = array<i32>} : memref<20000xi32, #tpu.memory_space<vmem>>, vector<16xi32>,
      %parallel_loop3A_58 = tpu.vector_load_idx %arg10[%parallel_loop3A_57] : memref<10240xf32, #tpu.memory_space<vmem>>[vector<16xi32>], vector<16xf32>,
      tpu.vector_store_idx %arg11[%parallel_loop3A_53], %parallel_loop3A_58 {add = true} : memref<10240xf32, #tpu.memory_space<vmem>>[vector<16xi32>], vector<16xf32>,
    } {sc.loop_unroll_factor = 8 : i64, sc.parallel_access}
    "tpu.region"() ({
      %run_scoped3A = tpu.sem_alloc : memref<!tpu.dma_semaphore, #tpu.memory_space<semaphore_mem>>
      %dma_start3A = arith.constant 0 : i32
      %dma_start3A_49 = tpu.memref_slice %arg16[%arg1, %dma_start3A] : memref<16x10240xf32, #tpu.memory_space<vmem_shared>> -> memref<1x10240xf32, #tpu.memory_space<vmem_shared>>
      %dma_start3A_50 = tpu.memref_squeeze %dma_start3A_49 : memref<1x10240xf32, #tpu.memory_space<vmem_shared>> -> memref<10240xf32, #tpu.memory_space<vmem_shared>>
      %dma_start3A_51 = arith.constant 0 : i32
      %dma_start3A_52 = tpu.memref_slice %arg16[%arg1, %dma_start3A_51] : memref<16x10240xf32, #tpu.memory_space<vmem_shared>> -> memref<1x10240xf32, #tpu.memory_space<vmem_shared>>
      %dma_start3A_53 = tpu.memref_squeeze %dma_start3A_52 : memref<1x10240xf32, #tpu.memory_space<vmem_shared>> -> memref<10240xf32, #tpu.memory_space<vmem_shared>>
      tpu.enqueue_dma source(%arg11 : memref<10240xf32, #tpu.memory_space<vmem>>) target(%dma_start3A_53 : memref<10240xf32, #tpu.memory_space<vmem_shared>>) target_semaphore(%run_scoped3A : memref<!tpu.dma_semaphore, #tpu.memory_space<semaphore_mem>>)
      %dma_wait3A = arith.constant 0 : i32
      %dma_wait3A_54 = tpu.memref_slice %arg16[%arg1, %dma_wait3A] : memref<16x10240xf32, #tpu.memory_space<vmem_shared>> -> memref<1x10240xf32, #tpu.memory_space<vmem_shared>>
      %dma_wait3A_55 = tpu.memref_squeeze %dma_wait3A_54 : memref<1x10240xf32, #tpu.memory_space<vmem_shared>> -> memref<10240xf32, #tpu.memory_space<vmem_shared>>
      %dma_wait3A_56 = arith.constant 0 : i32
      %dma_wait3A_57 = tpu.memref_slice %arg16[%arg1, %dma_wait3A_56] : memref<16x10240xf32, #tpu.memory_space<vmem_shared>> -> memref<1x10240xf32, #tpu.memory_space<vmem_shared>>
      %dma_wait3A_58 = tpu.memref_squeeze %dma_wait3A_57 : memref<1x10240xf32, #tpu.memory_space<vmem_shared>> -> memref<10240xf32, #tpu.memory_space<vmem_shared>>
      tpu.wait_dma2 semaphore(%run_scoped3A : memref<!tpu.dma_semaphore, #tpu.memory_space<semaphore_mem>>) src(%arg11 : memref<10240xf32, #tpu.memory_space<vmem>>) dst(%dma_wait3A_58 : memref<10240xf32, #tpu.memory_space<vmem_shared>>)
      tpu.yield
    }) : () -> ()
    %barrier3A_22 = arith.constant 0 : index
    tpu.barrier barrier_id(%barrier3A_22)
    "tpu.region"() ({
      %run_scoped3A = tpu.sem_alloc : memref<!tpu.dma_semaphore, #tpu.memory_space<semaphore_mem>>
      %dma_start3A = arith.constant 0 : i32
      %dma_start3A_49 = tpu.memref_slice %arg16[%dma_start3A, %mul3A_2] : memref<16x10240xf32, #tpu.memory_space<vmem_shared>> -> memref<16x640xf32, #tpu.memory_space<vmem_shared>>
      %dma_start3A_50 = arith.constant 0 : i32
      %dma_start3A_51 = tpu.memref_slice %arg16[%dma_start3A_50, %mul3A_2] : memref<16x10240xf32, #tpu.memory_space<vmem_shared>> -> memref<16x640xf32, #tpu.memory_space<vmem_shared>>
      tpu.enqueue_dma source(%dma_start3A_51 : memref<16x640xf32, #tpu.memory_space<vmem_shared>>) target(%arg15 : memref<16x640xf32, #tpu.memory_space<vmem>>) target_semaphore(%run_scoped3A : memref<!tpu.dma_semaphore, #tpu.memory_space<semaphore_mem>>)
      %dma_wait3A = arith.constant 0 : i32
      %dma_wait3A_52 = tpu.memref_slice %arg16[%dma_wait3A, %mul3A_2] : memref<16x10240xf32, #tpu.memory_space<vmem_shared>> -> memref<16x640xf32, #tpu.memory_space<vmem_shared>>
      %dma_wait3A_53 = arith.constant 0 : i32
      %dma_wait3A_54 = tpu.memref_slice %arg16[%dma_wait3A_53, %mul3A_2] : memref<16x10240xf32, #tpu.memory_space<vmem_shared>> -> memref<16x640xf32, #tpu.memory_space<vmem_shared>>
      tpu.wait_dma2 semaphore(%run_scoped3A : memref<!tpu.dma_semaphore, #tpu.memory_space<semaphore_mem>>) src(%dma_wait3A_54 : memref<16x640xf32, #tpu.memory_space<vmem_shared>>) dst(%arg15 : memref<16x640xf32, #tpu.memory_space<vmem>>)
      tpu.yield
    }) : () -> ()
    %parallel_loop3A_23 = arith.constant 0 : i32
    %parallel_loop3A_24 = arith.constant 40 : i32
    %parallel_loop3A_25 = arith.constant 1 : i32
    scf.for %parallel_loop3A_49 = %parallel_loop3A_23 to %parallel_loop3A_24 step %parallel_loop3A_25  : i32 {
      %parallel_loop3A_50 = arith.constant 16 : i32
      %parallel_loop3A_51 = arith.muli %parallel_loop3A_49, %parallel_loop3A_50 : i32
      %parallel_loop3A_52 = arith.constant 0 : i32
      %parallel_loop3A_53 = arith.index_cast %parallel_loop3A_52 : i32 to index
      %parallel_loop3A_54 = arith.index_cast %parallel_loop3A_51 : i32 to index
      %parallel_loop3A_55 = tpu.vector_load %arg15[%parallel_loop3A_53, %parallel_loop3A_54] {strides = array<i32>} : memref<16x640xf32, #tpu.memory_space<vmem>>, vector<16xf32>,
      %parallel_loop3A_56 = arith.constant 16 : i32
      %parallel_loop3A_57 = arith.muli %parallel_loop3A_49, %parallel_loop3A_56 : i32
      %parallel_loop3A_58 = arith.constant 1 : i32
      %parallel_loop3A_59 = arith.index_cast %parallel_loop3A_58 : i32 to index
      %parallel_loop3A_60 = arith.index_cast %parallel_loop3A_57 : i32 to index
      %parallel_loop3A_61 = tpu.vector_load %arg15[%parallel_loop3A_59, %parallel_loop3A_60] {strides = array<i32>} : memref<16x640xf32, #tpu.memory_space<vmem>>, vector<16xf32>,
      %parallel_loop3A_62 = arith.addf %parallel_loop3A_55, %parallel_loop3A_61 : vector<16xf32>
      %parallel_loop3A_63 = arith.constant 16 : i32
      %parallel_loop3A_64 = arith.muli %parallel_loop3A_49, %parallel_loop3A_63 : i32
      %parallel_loop3A_65 = arith.constant 2 : i32
      %parallel_loop3A_66 = arith.index_cast %parallel_loop3A_65 : i32 to index
      %parallel_loop3A_67 = arith.index_cast %parallel_loop3A_64 : i32 to index
      %parallel_loop3A_68 = tpu.vector_load %arg15[%parallel_loop3A_66, %parallel_loop3A_67] {strides = array<i32>} : memref<16x640xf32, #tpu.memory_space<vmem>>, vector<16xf32>,
      %parallel_loop3A_69 = arith.addf %parallel_loop3A_62, %parallel_loop3A_68 : vector<16xf32>
      %parallel_loop3A_70 = arith.constant 16 : i32
      %parallel_loop3A_71 = arith.muli %parallel_loop3A_49, %parallel_loop3A_70 : i32
      %parallel_loop3A_72 = arith.constant 3 : i32
      %parallel_loop3A_73 = arith.index_cast %parallel_loop3A_72 : i32 to index
      %parallel_loop3A_74 = arith.index_cast %parallel_loop3A_71 : i32 to index
      %parallel_loop3A_75 = tpu.vector_load %arg15[%parallel_loop3A_73, %parallel_loop3A_74] {strides = array<i32>} : memref<16x640xf32, #tpu.memory_space<vmem>>, vector<16xf32>,
      %parallel_loop3A_76 = arith.addf %parallel_loop3A_69, %parallel_loop3A_75 : vector<16xf32>
      %parallel_loop3A_77 = arith.constant 16 : i32
      %parallel_loop3A_78 = arith.muli %parallel_loop3A_49, %parallel_loop3A_77 : i32
      %parallel_loop3A_79 = arith.constant 4 : i32
      %parallel_loop3A_80 = arith.index_cast %parallel_loop3A_79 : i32 to index
      %parallel_loop3A_81 = arith.index_cast %parallel_loop3A_78 : i32 to index
      %parallel_loop3A_82 = tpu.vector_load %arg15[%parallel_loop3A_80, %parallel_loop3A_81] {strides = array<i32>} : memref<16x640xf32, #tpu.memory_space<vmem>>, vector<16xf32>,
      %parallel_loop3A_83 = arith.addf %parallel_loop3A_76, %parallel_loop3A_82 : vector<16xf32>
      %parallel_loop3A_84 = arith.constant 16 : i32
      %parallel_loop3A_85 = arith.muli %parallel_loop3A_49, %parallel_loop3A_84 : i32
      %parallel_loop3A_86 = arith.constant 5 : i32
      %parallel_loop3A_87 = arith.index_cast %parallel_loop3A_86 : i32 to index
      %parallel_loop3A_88 = arith.index_cast %parallel_loop3A_85 : i32 to index
      %parallel_loop3A_89 = tpu.vector_load %arg15[%parallel_loop3A_87, %parallel_loop3A_88] {strides = array<i32>} : memref<16x640xf32, #tpu.memory_space<vmem>>, vector<16xf32>,
      %parallel_loop3A_90 = arith.addf %parallel_loop3A_83, %parallel_loop3A_89 : vector<16xf32>
      %parallel_loop3A_91 = arith.constant 16 : i32
      %parallel_loop3A_92 = arith.muli %parallel_loop3A_49, %parallel_loop3A_91 : i32
      %parallel_loop3A_93 = arith.constant 6 : i32
      %parallel_loop3A_94 = arith.index_cast %parallel_loop3A_93 : i32 to index
      %parallel_loop3A_95 = arith.index_cast %parallel_loop3A_92 : i32 to index
      %parallel_loop3A_96 = tpu.vector_load %arg15[%parallel_loop3A_94, %parallel_loop3A_95] {strides = array<i32>} : memref<16x640xf32, #tpu.memory_space<vmem>>, vector<16xf32>,
      %parallel_loop3A_97 = arith.addf %parallel_loop3A_90, %parallel_loop3A_96 : vector<16xf32>
      %parallel_loop3A_98 = arith.constant 16 : i32
      %parallel_loop3A_99 = arith.muli %parallel_loop3A_49, %parallel_loop3A_98 : i32
      %parallel_loop3A_100 = arith.constant 7 : i32
      %parallel_loop3A_101 = arith.index_cast %parallel_loop3A_100 : i32 to index
      %parallel_loop3A_102 = arith.index_cast %parallel_loop3A_99 : i32 to index
      %parallel_loop3A_103 = tpu.vector_load %arg15[%parallel_loop3A_101, %parallel_loop3A_102] {strides = array<i32>} : memref<16x640xf32, #tpu.memory_space<vmem>>, vector<16xf32>,
      %parallel_loop3A_104 = arith.addf %parallel_loop3A_97, %parallel_loop3A_103 : vector<16xf32>
      %parallel_loop3A_105 = arith.constant 16 : i32
      %parallel_loop3A_106 = arith.muli %parallel_loop3A_49, %parallel_loop3A_105 : i32
      %parallel_loop3A_107 = arith.constant 8 : i32
      %parallel_loop3A_108 = arith.index_cast %parallel_loop3A_107 : i32 to index
      %parallel_loop3A_109 = arith.index_cast %parallel_loop3A_106 : i32 to index
      %parallel_loop3A_110 = tpu.vector_load %arg15[%parallel_loop3A_108, %parallel_loop3A_109] {strides = array<i32>} : memref<16x640xf32, #tpu.memory_space<vmem>>, vector<16xf32>,
      %parallel_loop3A_111 = arith.addf %parallel_loop3A_104, %parallel_loop3A_110 : vector<16xf32>
      %parallel_loop3A_112 = arith.constant 16 : i32
      %parallel_loop3A_113 = arith.muli %parallel_loop3A_49, %parallel_loop3A_112 : i32
      %parallel_loop3A_114 = arith.constant 9 : i32
      %parallel_loop3A_115 = arith.index_cast %parallel_loop3A_114 : i32 to index
      %parallel_loop3A_116 = arith.index_cast %parallel_loop3A_113 : i32 to index
      %parallel_loop3A_117 = tpu.vector_load %arg15[%parallel_loop3A_115, %parallel_loop3A_116] {strides = array<i32>} : memref<16x640xf32, #tpu.memory_space<vmem>>, vector<16xf32>,
      %parallel_loop3A_118 = arith.addf %parallel_loop3A_111, %parallel_loop3A_117 : vector<16xf32>
      %parallel_loop3A_119 = arith.constant 16 : i32
      %parallel_loop3A_120 = arith.muli %parallel_loop3A_49, %parallel_loop3A_119 : i32
      %parallel_loop3A_121 = arith.constant 10 : i32
      %parallel_loop3A_122 = arith.index_cast %parallel_loop3A_121 : i32 to index
      %parallel_loop3A_123 = arith.index_cast %parallel_loop3A_120 : i32 to index
      %parallel_loop3A_124 = tpu.vector_load %arg15[%parallel_loop3A_122, %parallel_loop3A_123] {strides = array<i32>} : memref<16x640xf32, #tpu.memory_space<vmem>>, vector<16xf32>,
      %parallel_loop3A_125 = arith.addf %parallel_loop3A_118, %parallel_loop3A_124 : vector<16xf32>
      %parallel_loop3A_126 = arith.constant 16 : i32
      %parallel_loop3A_127 = arith.muli %parallel_loop3A_49, %parallel_loop3A_126 : i32
      %parallel_loop3A_128 = arith.constant 11 : i32
      %parallel_loop3A_129 = arith.index_cast %parallel_loop3A_128 : i32 to index
      %parallel_loop3A_130 = arith.index_cast %parallel_loop3A_127 : i32 to index
      %parallel_loop3A_131 = tpu.vector_load %arg15[%parallel_loop3A_129, %parallel_loop3A_130] {strides = array<i32>} : memref<16x640xf32, #tpu.memory_space<vmem>>, vector<16xf32>,
      %parallel_loop3A_132 = arith.addf %parallel_loop3A_125, %parallel_loop3A_131 : vector<16xf32>
      %parallel_loop3A_133 = arith.constant 16 : i32
      %parallel_loop3A_134 = arith.muli %parallel_loop3A_49, %parallel_loop3A_133 : i32
      %parallel_loop3A_135 = arith.constant 12 : i32
      %parallel_loop3A_136 = arith.index_cast %parallel_loop3A_135 : i32 to index
      %parallel_loop3A_137 = arith.index_cast %parallel_loop3A_134 : i32 to index
      %parallel_loop3A_138 = tpu.vector_load %arg15[%parallel_loop3A_136, %parallel_loop3A_137] {strides = array<i32>} : memref<16x640xf32, #tpu.memory_space<vmem>>, vector<16xf32>,
      %parallel_loop3A_139 = arith.addf %parallel_loop3A_132, %parallel_loop3A_138 : vector<16xf32>
      %parallel_loop3A_140 = arith.constant 16 : i32
      %parallel_loop3A_141 = arith.muli %parallel_loop3A_49, %parallel_loop3A_140 : i32
      %parallel_loop3A_142 = arith.constant 13 : i32
      %parallel_loop3A_143 = arith.index_cast %parallel_loop3A_142 : i32 to index
      %parallel_loop3A_144 = arith.index_cast %parallel_loop3A_141 : i32 to index
      %parallel_loop3A_145 = tpu.vector_load %arg15[%parallel_loop3A_143, %parallel_loop3A_144] {strides = array<i32>} : memref<16x640xf32, #tpu.memory_space<vmem>>, vector<16xf32>,
      %parallel_loop3A_146 = arith.addf %parallel_loop3A_139, %parallel_loop3A_145 : vector<16xf32>
      %parallel_loop3A_147 = arith.constant 16 : i32
      %parallel_loop3A_148 = arith.muli %parallel_loop3A_49, %parallel_loop3A_147 : i32
      %parallel_loop3A_149 = arith.constant 14 : i32
      %parallel_loop3A_150 = arith.index_cast %parallel_loop3A_149 : i32 to index
      %parallel_loop3A_151 = arith.index_cast %parallel_loop3A_148 : i32 to index
      %parallel_loop3A_152 = tpu.vector_load %arg15[%parallel_loop3A_150, %parallel_loop3A_151] {strides = array<i32>} : memref<16x640xf32, #tpu.memory_space<vmem>>, vector<16xf32>,
      %parallel_loop3A_153 = arith.addf %parallel_loop3A_146, %parallel_loop3A_152 : vector<16xf32>
      %parallel_loop3A_154 = arith.constant 16 : i32
      %parallel_loop3A_155 = arith.muli %parallel_loop3A_49, %parallel_loop3A_154 : i32
      %parallel_loop3A_156 = arith.constant 15 : i32
      %parallel_loop3A_157 = arith.index_cast %parallel_loop3A_156 : i32 to index
      %parallel_loop3A_158 = arith.index_cast %parallel_loop3A_155 : i32 to index
      %parallel_loop3A_159 = tpu.vector_load %arg15[%parallel_loop3A_157, %parallel_loop3A_158] {strides = array<i32>} : memref<16x640xf32, #tpu.memory_space<vmem>>, vector<16xf32>,
      %parallel_loop3A_160 = arith.addf %parallel_loop3A_153, %parallel_loop3A_159 : vector<16xf32>
      %parallel_loop3A_161 = arith.constant 16 : i32
      %parallel_loop3A_162 = arith.muli %parallel_loop3A_49, %parallel_loop3A_161 : i32
      %parallel_loop3A_163 = arith.addi %mul3A_2, %parallel_loop3A_162 : i32
      %parallel_loop3A_164 = arith.index_cast %parallel_loop3A_163 : i32 to index
      %parallel_loop3A_165 = tpu.vector_load %arg12[%parallel_loop3A_164] {strides = array<i32>} : memref<10240xf32, #tpu.memory_space<vmem>>, vector<16xf32>,
      %parallel_loop3A_166 = arith.index_cast %parallel_loop3A_163 : i32 to index
      %parallel_loop3A_167 = tpu.vector_load %arg10[%parallel_loop3A_166] {strides = array<i32>} : memref<10240xf32, #tpu.memory_space<vmem>>, vector<16xf32>,
      %parallel_loop3A_168 = arith.addf %parallel_loop3A_160, %parallel_loop3A_167 : vector<16xf32>
      %parallel_loop3A_169 = arith.mulf %parallel_loop3A_165, %parallel_loop3A_168 : vector<16xf32>
      %parallel_loop3A_170 = arith.constant 16 : i32
      %parallel_loop3A_171 = arith.muli %parallel_loop3A_49, %parallel_loop3A_170 : i32
      %parallel_loop3A_172 = arith.index_cast %parallel_loop3A_171 : i32 to index
      %parallel_loop3A_173 = tpu.vector_load %arg13[%parallel_loop3A_172] {strides = array<i32>} : memref<640xf32, #tpu.memory_space<vmem>>, vector<16xf32>,
      tpu.vector_store %arg13[%parallel_loop3A_172], %parallel_loop3A_169 {strides = array<i32>} : memref<640xf32, #tpu.memory_space<vmem>>, vector<16xf32>,
      %parallel_loop3A_174 = arith.index_cast %parallel_loop3A_163 : i32 to index
      %parallel_loop3A_175 = tpu.vector_load %arg12[%parallel_loop3A_174] {strides = array<i32>} : memref<10240xf32, #tpu.memory_space<vmem>>, vector<16xf32>,
      %parallel_loop3A_176 = arith.mulf %parallel_loop3A_175, %parallel_loop3A_169 : vector<16xf32>
      %parallel_loop3A_177 = arith.constant 16 : i32
      %parallel_loop3A_178 = arith.muli %parallel_loop3A_49, %parallel_loop3A_177 : i32
      %parallel_loop3A_179 = arith.index_cast %parallel_loop3A_178 : i32 to index
      %parallel_loop3A_180 = tpu.vector_load %arg14[%parallel_loop3A_179] {strides = array<i32>} : memref<640xf32, #tpu.memory_space<vmem>>, vector<16xf32>,
      tpu.vector_store %arg14[%parallel_loop3A_179], %parallel_loop3A_176 {strides = array<i32>} : memref<640xf32, #tpu.memory_space<vmem>>, vector<16xf32>,
    } {sc.loop_unroll_factor = 2 : i64, sc.parallel_access}
    "tpu.region"() ({
      %run_scoped3A = tpu.sem_alloc : memref<!tpu.dma_semaphore, #tpu.memory_space<semaphore_mem>>
      %dma_start3A = tpu.memref_slice %arg5[%mul3A_2] : memref<10240xf32, #tpu.memory_space<hbm>> -> memref<640xf32, #tpu.memory_space<hbm>>
      %dma_start3A_49 = tpu.memref_slice %arg5[%mul3A_2] : memref<10240xf32, #tpu.memory_space<hbm>> -> memref<640xf32, #tpu.memory_space<hbm>>
      tpu.enqueue_dma source(%arg13 : memref<640xf32, #tpu.memory_space<vmem>>) target(%dma_start3A_49 : memref<640xf32, #tpu.memory_space<hbm>>) target_semaphore(%run_scoped3A : memref<!tpu.dma_semaphore, #tpu.memory_space<semaphore_mem>>)
      %dma_wait3A = tpu.memref_slice %arg5[%mul3A_2] : memref<10240xf32, #tpu.memory_space<hbm>> -> memref<640xf32, #tpu.memory_space<hbm>>
      %dma_wait3A_50 = tpu.memref_slice %arg5[%mul3A_2] : memref<10240xf32, #tpu.memory_space<hbm>> -> memref<640xf32, #tpu.memory_space<hbm>>
      tpu.wait_dma2 semaphore(%run_scoped3A : memref<!tpu.dma_semaphore, #tpu.memory_space<semaphore_mem>>) src(%arg13 : memref<640xf32, #tpu.memory_space<vmem>>) dst(%dma_wait3A_50 : memref<640xf32, #tpu.memory_space<hbm>>)
      tpu.yield
    }) : () -> ()
    "tpu.region"() ({
      %run_scoped3A = tpu.sem_alloc : memref<!tpu.dma_semaphore, #tpu.memory_space<semaphore_mem>>
      %dma_start3A = tpu.memref_slice %arg17[%mul3A_2] : memref<10240xf32, #tpu.memory_space<vmem_shared>> -> memref<640xf32, #tpu.memory_space<vmem_shared>>
      %dma_start3A_49 = tpu.memref_slice %arg17[%mul3A_2] : memref<10240xf32, #tpu.memory_space<vmem_shared>> -> memref<640xf32, #tpu.memory_space<vmem_shared>>
      tpu.enqueue_dma source(%arg14 : memref<640xf32, #tpu.memory_space<vmem>>) target(%dma_start3A_49 : memref<640xf32, #tpu.memory_space<vmem_shared>>) target_semaphore(%run_scoped3A : memref<!tpu.dma_semaphore, #tpu.memory_space<semaphore_mem>>)
      %dma_wait3A = tpu.memref_slice %arg17[%mul3A_2] : memref<10240xf32, #tpu.memory_space<vmem_shared>> -> memref<640xf32, #tpu.memory_space<vmem_shared>>
      %dma_wait3A_50 = tpu.memref_slice %arg17[%mul3A_2] : memref<10240xf32, #tpu.memory_space<vmem_shared>> -> memref<640xf32, #tpu.memory_space<vmem_shared>>
      tpu.wait_dma2 semaphore(%run_scoped3A : memref<!tpu.dma_semaphore, #tpu.memory_space<semaphore_mem>>) src(%arg14 : memref<640xf32, #tpu.memory_space<vmem>>) dst(%dma_wait3A_50 : memref<640xf32, #tpu.memory_space<vmem_shared>>)
      tpu.yield
    }) : () -> ()
    %barrier3A_26 = arith.constant 0 : index
    tpu.barrier barrier_id(%barrier3A_26)
    "tpu.region"() ({
      %run_scoped3A = tpu.sem_alloc : memref<!tpu.dma_semaphore, #tpu.memory_space<semaphore_mem>>
      tpu.enqueue_dma source(%arg17 : memref<10240xf32, #tpu.memory_space<vmem_shared>>) target(%arg10 : memref<10240xf32, #tpu.memory_space<vmem>>) target_semaphore(%run_scoped3A : memref<!tpu.dma_semaphore, #tpu.memory_space<semaphore_mem>>)
      tpu.wait_dma2 semaphore(%run_scoped3A : memref<!tpu.dma_semaphore, #tpu.memory_space<semaphore_mem>>) src(%arg17 : memref<10240xf32, #tpu.memory_space<vmem_shared>>) dst(%arg10 : memref<10240xf32, #tpu.memory_space<vmem>>)
      tpu.yield
    }) : () -> ()
    %parallel_loop3A_27 = arith.constant 0 : i32
    %parallel_loop3A_28 = arith.constant 640 : i32
    %parallel_loop3A_29 = arith.constant 1 : i32
    scf.for %parallel_loop3A_49 = %parallel_loop3A_27 to %parallel_loop3A_28 step %parallel_loop3A_29  : i32 {
      %parallel_loop3A_50 = arith.constant 0.000000e+00 : f32
      %parallel_loop3A_51 = vector.broadcast %parallel_loop3A_50 : f32 to vector<16xf32>
      %parallel_loop3A_52 = arith.constant 16 : i32
      %parallel_loop3A_53 = arith.muli %parallel_loop3A_49, %parallel_loop3A_52 : i32
      %parallel_loop3A_54 = arith.index_cast %parallel_loop3A_53 : i32 to index
      %parallel_loop3A_55 = tpu.vector_load %arg11[%parallel_loop3A_54] {strides = array<i32>} : memref<10240xf32, #tpu.memory_space<vmem>>, vector<16xf32>,
      tpu.vector_store %arg11[%parallel_loop3A_54], %parallel_loop3A_51 {strides = array<i32>} : memref<10240xf32, #tpu.memory_space<vmem>>, vector<16xf32>,
    } {sc.loop_unroll_factor = 8 : i64, sc.parallel_access}
    %parallel_loop3A_30 = arith.constant 0 : i32
    %parallel_loop3A_31 = arith.constant 1250 : i32
    %parallel_loop3A_32 = arith.constant 1 : i32
    scf.for %parallel_loop3A_49 = %parallel_loop3A_30 to %parallel_loop3A_31 step %parallel_loop3A_32  : i32 {
      %parallel_loop3A_50 = arith.constant 16 : i32
      %parallel_loop3A_51 = arith.muli %parallel_loop3A_49, %parallel_loop3A_50 : i32
      %parallel_loop3A_52 = arith.index_cast %parallel_loop3A_51 : i32 to index
      %parallel_loop3A_53 = tpu.vector_load %arg8[%parallel_loop3A_52] {strides = array<i32>} : memref<20000xi32, #tpu.memory_space<vmem>>, vector<16xi32>,
      %parallel_loop3A_54 = arith.constant 16 : i32
      %parallel_loop3A_55 = arith.muli %parallel_loop3A_49, %parallel_loop3A_54 : i32
      %parallel_loop3A_56 = arith.index_cast %parallel_loop3A_55 : i32 to index
      %parallel_loop3A_57 = tpu.vector_load %arg9[%parallel_loop3A_56] {strides = array<i32>} : memref<20000xi32, #tpu.memory_space<vmem>>, vector<16xi32>,
      %parallel_loop3A_58 = tpu.vector_load_idx %arg10[%parallel_loop3A_57] : memref<10240xf32, #tpu.memory_space<vmem>>[vector<16xi32>], vector<16xf32>,
      tpu.vector_store_idx %arg11[%parallel_loop3A_53], %parallel_loop3A_58 {add = true} : memref<10240xf32, #tpu.memory_space<vmem>>[vector<16xi32>], vector<16xf32>,
    } {sc.loop_unroll_factor = 8 : i64, sc.parallel_access}
    "tpu.region"() ({
      %run_scoped3A = tpu.sem_alloc : memref<!tpu.dma_semaphore, #tpu.memory_space<semaphore_mem>>
      %dma_start3A = arith.constant 0 : i32
      %dma_start3A_49 = tpu.memref_slice %arg16[%arg1, %dma_start3A] : memref<16x10240xf32, #tpu.memory_space<vmem_shared>> -> memref<1x10240xf32, #tpu.memory_space<vmem_shared>>
      %dma_start3A_50 = tpu.memref_squeeze %dma_start3A_49 : memref<1x10240xf32, #tpu.memory_space<vmem_shared>> -> memref<10240xf32, #tpu.memory_space<vmem_shared>>
      %dma_start3A_51 = arith.constant 0 : i32
      %dma_start3A_52 = tpu.memref_slice %arg16[%arg1, %dma_start3A_51] : memref<16x10240xf32, #tpu.memory_space<vmem_shared>> -> memref<1x10240xf32, #tpu.memory_space<vmem_shared>>
      %dma_start3A_53 = tpu.memref_squeeze %dma_start3A_52 : memref<1x10240xf32, #tpu.memory_space<vmem_shared>> -> memref<10240xf32, #tpu.memory_space<vmem_shared>>
      tpu.enqueue_dma source(%arg11 : memref<10240xf32, #tpu.memory_space<vmem>>) target(%dma_start3A_53 : memref<10240xf32, #tpu.memory_space<vmem_shared>>) target_semaphore(%run_scoped3A : memref<!tpu.dma_semaphore, #tpu.memory_space<semaphore_mem>>)
      %dma_wait3A = arith.constant 0 : i32
      %dma_wait3A_54 = tpu.memref_slice %arg16[%arg1, %dma_wait3A] : memref<16x10240xf32, #tpu.memory_space<vmem_shared>> -> memref<1x10240xf32, #tpu.memory_space<vmem_shared>>
      %dma_wait3A_55 = tpu.memref_squeeze %dma_wait3A_54 : memref<1x10240xf32, #tpu.memory_space<vmem_shared>> -> memref<10240xf32, #tpu.memory_space<vmem_shared>>
      %dma_wait3A_56 = arith.constant 0 : i32
      %dma_wait3A_57 = tpu.memref_slice %arg16[%arg1, %dma_wait3A_56] : memref<16x10240xf32, #tpu.memory_space<vmem_shared>> -> memref<1x10240xf32, #tpu.memory_space<vmem_shared>>
      %dma_wait3A_58 = tpu.memref_squeeze %dma_wait3A_57 : memref<1x10240xf32, #tpu.memory_space<vmem_shared>> -> memref<10240xf32, #tpu.memory_space<vmem_shared>>
      tpu.wait_dma2 semaphore(%run_scoped3A : memref<!tpu.dma_semaphore, #tpu.memory_space<semaphore_mem>>) src(%arg11 : memref<10240xf32, #tpu.memory_space<vmem>>) dst(%dma_wait3A_58 : memref<10240xf32, #tpu.memory_space<vmem_shared>>)
      tpu.yield
    }) : () -> ()
    %barrier3A_33 = arith.constant 0 : index
    tpu.barrier barrier_id(%barrier3A_33)
    "tpu.region"() ({
      %run_scoped3A = tpu.sem_alloc : memref<!tpu.dma_semaphore, #tpu.memory_space<semaphore_mem>>
      %dma_start3A = arith.constant 0 : i32
      %dma_start3A_49 = tpu.memref_slice %arg16[%dma_start3A, %mul3A_2] : memref<16x10240xf32, #tpu.memory_space<vmem_shared>> -> memref<16x640xf32, #tpu.memory_space<vmem_shared>>
      %dma_start3A_50 = arith.constant 0 : i32
      %dma_start3A_51 = tpu.memref_slice %arg16[%dma_start3A_50, %mul3A_2] : memref<16x10240xf32, #tpu.memory_space<vmem_shared>> -> memref<16x640xf32, #tpu.memory_space<vmem_shared>>
      tpu.enqueue_dma source(%dma_start3A_51 : memref<16x640xf32, #tpu.memory_space<vmem_shared>>) target(%arg15 : memref<16x640xf32, #tpu.memory_space<vmem>>) target_semaphore(%run_scoped3A : memref<!tpu.dma_semaphore, #tpu.memory_space<semaphore_mem>>)
      %dma_wait3A = arith.constant 0 : i32
      %dma_wait3A_52 = tpu.memref_slice %arg16[%dma_wait3A, %mul3A_2] : memref<16x10240xf32, #tpu.memory_space<vmem_shared>> -> memref<16x640xf32, #tpu.memory_space<vmem_shared>>
      %dma_wait3A_53 = arith.constant 0 : i32
      %dma_wait3A_54 = tpu.memref_slice %arg16[%dma_wait3A_53, %mul3A_2] : memref<16x10240xf32, #tpu.memory_space<vmem_shared>> -> memref<16x640xf32, #tpu.memory_space<vmem_shared>>
      tpu.wait_dma2 semaphore(%run_scoped3A : memref<!tpu.dma_semaphore, #tpu.memory_space<semaphore_mem>>) src(%dma_wait3A_54 : memref<16x640xf32, #tpu.memory_space<vmem_shared>>) dst(%arg15 : memref<16x640xf32, #tpu.memory_space<vmem>>)
      tpu.yield
    }) : () -> ()
    %parallel_loop3A_34 = arith.constant 0 : i32
    %parallel_loop3A_35 = arith.constant 40 : i32
    %parallel_loop3A_36 = arith.constant 1 : i32
    scf.for %parallel_loop3A_49 = %parallel_loop3A_34 to %parallel_loop3A_35 step %parallel_loop3A_36  : i32 {
      %parallel_loop3A_50 = arith.constant 16 : i32
      %parallel_loop3A_51 = arith.muli %parallel_loop3A_49, %parallel_loop3A_50 : i32
      %parallel_loop3A_52 = arith.constant 0 : i32
      %parallel_loop3A_53 = arith.index_cast %parallel_loop3A_52 : i32 to index
      %parallel_loop3A_54 = arith.index_cast %parallel_loop3A_51 : i32 to index
      %parallel_loop3A_55 = tpu.vector_load %arg15[%parallel_loop3A_53, %parallel_loop3A_54] {strides = array<i32>} : memref<16x640xf32, #tpu.memory_space<vmem>>, vector<16xf32>,
      %parallel_loop3A_56 = arith.constant 16 : i32
      %parallel_loop3A_57 = arith.muli %parallel_loop3A_49, %parallel_loop3A_56 : i32
      %parallel_loop3A_58 = arith.constant 1 : i32
      %parallel_loop3A_59 = arith.index_cast %parallel_loop3A_58 : i32 to index
      %parallel_loop3A_60 = arith.index_cast %parallel_loop3A_57 : i32 to index
      %parallel_loop3A_61 = tpu.vector_load %arg15[%parallel_loop3A_59, %parallel_loop3A_60] {strides = array<i32>} : memref<16x640xf32, #tpu.memory_space<vmem>>, vector<16xf32>,
      %parallel_loop3A_62 = arith.addf %parallel_loop3A_55, %parallel_loop3A_61 : vector<16xf32>
      %parallel_loop3A_63 = arith.constant 16 : i32
      %parallel_loop3A_64 = arith.muli %parallel_loop3A_49, %parallel_loop3A_63 : i32
      %parallel_loop3A_65 = arith.constant 2 : i32
      %parallel_loop3A_66 = arith.index_cast %parallel_loop3A_65 : i32 to index
      %parallel_loop3A_67 = arith.index_cast %parallel_loop3A_64 : i32 to index
      %parallel_loop3A_68 = tpu.vector_load %arg15[%parallel_loop3A_66, %parallel_loop3A_67] {strides = array<i32>} : memref<16x640xf32, #tpu.memory_space<vmem>>, vector<16xf32>,
      %parallel_loop3A_69 = arith.addf %parallel_loop3A_62, %parallel_loop3A_68 : vector<16xf32>
      %parallel_loop3A_70 = arith.constant 16 : i32
      %parallel_loop3A_71 = arith.muli %parallel_loop3A_49, %parallel_loop3A_70 : i32
      %parallel_loop3A_72 = arith.constant 3 : i32
      %parallel_loop3A_73 = arith.index_cast %parallel_loop3A_72 : i32 to index
      %parallel_loop3A_74 = arith.index_cast %parallel_loop3A_71 : i32 to index
      %parallel_loop3A_75 = tpu.vector_load %arg15[%parallel_loop3A_73, %parallel_loop3A_74] {strides = array<i32>} : memref<16x640xf32, #tpu.memory_space<vmem>>, vector<16xf32>,
      %parallel_loop3A_76 = arith.addf %parallel_loop3A_69, %parallel_loop3A_75 : vector<16xf32>
      %parallel_loop3A_77 = arith.constant 16 : i32
      %parallel_loop3A_78 = arith.muli %parallel_loop3A_49, %parallel_loop3A_77 : i32
      %parallel_loop3A_79 = arith.constant 4 : i32
      %parallel_loop3A_80 = arith.index_cast %parallel_loop3A_79 : i32 to index
      %parallel_loop3A_81 = arith.index_cast %parallel_loop3A_78 : i32 to index
      %parallel_loop3A_82 = tpu.vector_load %arg15[%parallel_loop3A_80, %parallel_loop3A_81] {strides = array<i32>} : memref<16x640xf32, #tpu.memory_space<vmem>>, vector<16xf32>,
      %parallel_loop3A_83 = arith.addf %parallel_loop3A_76, %parallel_loop3A_82 : vector<16xf32>
      %parallel_loop3A_84 = arith.constant 16 : i32
      %parallel_loop3A_85 = arith.muli %parallel_loop3A_49, %parallel_loop3A_84 : i32
      %parallel_loop3A_86 = arith.constant 5 : i32
      %parallel_loop3A_87 = arith.index_cast %parallel_loop3A_86 : i32 to index
      %parallel_loop3A_88 = arith.index_cast %parallel_loop3A_85 : i32 to index
      %parallel_loop3A_89 = tpu.vector_load %arg15[%parallel_loop3A_87, %parallel_loop3A_88] {strides = array<i32>} : memref<16x640xf32, #tpu.memory_space<vmem>>, vector<16xf32>,
      %parallel_loop3A_90 = arith.addf %parallel_loop3A_83, %parallel_loop3A_89 : vector<16xf32>
      %parallel_loop3A_91 = arith.constant 16 : i32
      %parallel_loop3A_92 = arith.muli %parallel_loop3A_49, %parallel_loop3A_91 : i32
      %parallel_loop3A_93 = arith.constant 6 : i32
      %parallel_loop3A_94 = arith.index_cast %parallel_loop3A_93 : i32 to index
      %parallel_loop3A_95 = arith.index_cast %parallel_loop3A_92 : i32 to index
      %parallel_loop3A_96 = tpu.vector_load %arg15[%parallel_loop3A_94, %parallel_loop3A_95] {strides = array<i32>} : memref<16x640xf32, #tpu.memory_space<vmem>>, vector<16xf32>,
      %parallel_loop3A_97 = arith.addf %parallel_loop3A_90, %parallel_loop3A_96 : vector<16xf32>
      %parallel_loop3A_98 = arith.constant 16 : i32
      %parallel_loop3A_99 = arith.muli %parallel_loop3A_49, %parallel_loop3A_98 : i32
      %parallel_loop3A_100 = arith.constant 7 : i32
      %parallel_loop3A_101 = arith.index_cast %parallel_loop3A_100 : i32 to index
      %parallel_loop3A_102 = arith.index_cast %parallel_loop3A_99 : i32 to index
      %parallel_loop3A_103 = tpu.vector_load %arg15[%parallel_loop3A_101, %parallel_loop3A_102] {strides = array<i32>} : memref<16x640xf32, #tpu.memory_space<vmem>>, vector<16xf32>,
      %parallel_loop3A_104 = arith.addf %parallel_loop3A_97, %parallel_loop3A_103 : vector<16xf32>
      %parallel_loop3A_105 = arith.constant 16 : i32
      %parallel_loop3A_106 = arith.muli %parallel_loop3A_49, %parallel_loop3A_105 : i32
      %parallel_loop3A_107 = arith.constant 8 : i32
      %parallel_loop3A_108 = arith.index_cast %parallel_loop3A_107 : i32 to index
      %parallel_loop3A_109 = arith.index_cast %parallel_loop3A_106 : i32 to index
      %parallel_loop3A_110 = tpu.vector_load %arg15[%parallel_loop3A_108, %parallel_loop3A_109] {strides = array<i32>} : memref<16x640xf32, #tpu.memory_space<vmem>>, vector<16xf32>,
      %parallel_loop3A_111 = arith.addf %parallel_loop3A_104, %parallel_loop3A_110 : vector<16xf32>
      %parallel_loop3A_112 = arith.constant 16 : i32
      %parallel_loop3A_113 = arith.muli %parallel_loop3A_49, %parallel_loop3A_112 : i32
      %parallel_loop3A_114 = arith.constant 9 : i32
      %parallel_loop3A_115 = arith.index_cast %parallel_loop3A_114 : i32 to index
      %parallel_loop3A_116 = arith.index_cast %parallel_loop3A_113 : i32 to index
      %parallel_loop3A_117 = tpu.vector_load %arg15[%parallel_loop3A_115, %parallel_loop3A_116] {strides = array<i32>} : memref<16x640xf32, #tpu.memory_space<vmem>>, vector<16xf32>,
      %parallel_loop3A_118 = arith.addf %parallel_loop3A_111, %parallel_loop3A_117 : vector<16xf32>
      %parallel_loop3A_119 = arith.constant 16 : i32
      %parallel_loop3A_120 = arith.muli %parallel_loop3A_49, %parallel_loop3A_119 : i32
      %parallel_loop3A_121 = arith.constant 10 : i32
      %parallel_loop3A_122 = arith.index_cast %parallel_loop3A_121 : i32 to index
      %parallel_loop3A_123 = arith.index_cast %parallel_loop3A_120 : i32 to index
      %parallel_loop3A_124 = tpu.vector_load %arg15[%parallel_loop3A_122, %parallel_loop3A_123] {strides = array<i32>} : memref<16x640xf32, #tpu.memory_space<vmem>>, vector<16xf32>,
      %parallel_loop3A_125 = arith.addf %parallel_loop3A_118, %parallel_loop3A_124 : vector<16xf32>
      %parallel_loop3A_126 = arith.constant 16 : i32
      %parallel_loop3A_127 = arith.muli %parallel_loop3A_49, %parallel_loop3A_126 : i32
      %parallel_loop3A_128 = arith.constant 11 : i32
      %parallel_loop3A_129 = arith.index_cast %parallel_loop3A_128 : i32 to index
      %parallel_loop3A_130 = arith.index_cast %parallel_loop3A_127 : i32 to index
      %parallel_loop3A_131 = tpu.vector_load %arg15[%parallel_loop3A_129, %parallel_loop3A_130] {strides = array<i32>} : memref<16x640xf32, #tpu.memory_space<vmem>>, vector<16xf32>,
      %parallel_loop3A_132 = arith.addf %parallel_loop3A_125, %parallel_loop3A_131 : vector<16xf32>
      %parallel_loop3A_133 = arith.constant 16 : i32
      %parallel_loop3A_134 = arith.muli %parallel_loop3A_49, %parallel_loop3A_133 : i32
      %parallel_loop3A_135 = arith.constant 12 : i32
      %parallel_loop3A_136 = arith.index_cast %parallel_loop3A_135 : i32 to index
      %parallel_loop3A_137 = arith.index_cast %parallel_loop3A_134 : i32 to index
      %parallel_loop3A_138 = tpu.vector_load %arg15[%parallel_loop3A_136, %parallel_loop3A_137] {strides = array<i32>} : memref<16x640xf32, #tpu.memory_space<vmem>>, vector<16xf32>,
      %parallel_loop3A_139 = arith.addf %parallel_loop3A_132, %parallel_loop3A_138 : vector<16xf32>
      %parallel_loop3A_140 = arith.constant 16 : i32
      %parallel_loop3A_141 = arith.muli %parallel_loop3A_49, %parallel_loop3A_140 : i32
      %parallel_loop3A_142 = arith.constant 13 : i32
      %parallel_loop3A_143 = arith.index_cast %parallel_loop3A_142 : i32 to index
      %parallel_loop3A_144 = arith.index_cast %parallel_loop3A_141 : i32 to index
      %parallel_loop3A_145 = tpu.vector_load %arg15[%parallel_loop3A_143, %parallel_loop3A_144] {strides = array<i32>} : memref<16x640xf32, #tpu.memory_space<vmem>>, vector<16xf32>,
      %parallel_loop3A_146 = arith.addf %parallel_loop3A_139, %parallel_loop3A_145 : vector<16xf32>
      %parallel_loop3A_147 = arith.constant 16 : i32
      %parallel_loop3A_148 = arith.muli %parallel_loop3A_49, %parallel_loop3A_147 : i32
      %parallel_loop3A_149 = arith.constant 14 : i32
      %parallel_loop3A_150 = arith.index_cast %parallel_loop3A_149 : i32 to index
      %parallel_loop3A_151 = arith.index_cast %parallel_loop3A_148 : i32 to index
      %parallel_loop3A_152 = tpu.vector_load %arg15[%parallel_loop3A_150, %parallel_loop3A_151] {strides = array<i32>} : memref<16x640xf32, #tpu.memory_space<vmem>>, vector<16xf32>,
      %parallel_loop3A_153 = arith.addf %parallel_loop3A_146, %parallel_loop3A_152 : vector<16xf32>
      %parallel_loop3A_154 = arith.constant 16 : i32
      %parallel_loop3A_155 = arith.muli %parallel_loop3A_49, %parallel_loop3A_154 : i32
      %parallel_loop3A_156 = arith.constant 15 : i32
      %parallel_loop3A_157 = arith.index_cast %parallel_loop3A_156 : i32 to index
      %parallel_loop3A_158 = arith.index_cast %parallel_loop3A_155 : i32 to index
      %parallel_loop3A_159 = tpu.vector_load %arg15[%parallel_loop3A_157, %parallel_loop3A_158] {strides = array<i32>} : memref<16x640xf32, #tpu.memory_space<vmem>>, vector<16xf32>,
      %parallel_loop3A_160 = arith.addf %parallel_loop3A_153, %parallel_loop3A_159 : vector<16xf32>
      %parallel_loop3A_161 = arith.constant 16 : i32
      %parallel_loop3A_162 = arith.muli %parallel_loop3A_49, %parallel_loop3A_161 : i32
      %parallel_loop3A_163 = arith.addi %mul3A_2, %parallel_loop3A_162 : i32
      %parallel_loop3A_164 = arith.index_cast %parallel_loop3A_163 : i32 to index
      %parallel_loop3A_165 = tpu.vector_load %arg12[%parallel_loop3A_164] {strides = array<i32>} : memref<10240xf32, #tpu.memory_space<vmem>>, vector<16xf32>,
      %parallel_loop3A_166 = arith.index_cast %parallel_loop3A_163 : i32 to index
      %parallel_loop3A_167 = tpu.vector_load %arg10[%parallel_loop3A_166] {strides = array<i32>} : memref<10240xf32, #tpu.memory_space<vmem>>, vector<16xf32>,
      %parallel_loop3A_168 = arith.addf %parallel_loop3A_160, %parallel_loop3A_167 : vector<16xf32>
      %parallel_loop3A_169 = arith.mulf %parallel_loop3A_165, %parallel_loop3A_168 : vector<16xf32>
      %parallel_loop3A_170 = arith.constant 16 : i32
      %parallel_loop3A_171 = arith.muli %parallel_loop3A_49, %parallel_loop3A_170 : i32
      %parallel_loop3A_172 = arith.index_cast %parallel_loop3A_171 : i32 to index
      %parallel_loop3A_173 = tpu.vector_load %arg13[%parallel_loop3A_172] {strides = array<i32>} : memref<640xf32, #tpu.memory_space<vmem>>, vector<16xf32>,
      tpu.vector_store %arg13[%parallel_loop3A_172], %parallel_loop3A_169 {strides = array<i32>} : memref<640xf32, #tpu.memory_space<vmem>>, vector<16xf32>,
      %parallel_loop3A_174 = arith.index_cast %parallel_loop3A_163 : i32 to index
      %parallel_loop3A_175 = tpu.vector_load %arg12[%parallel_loop3A_174] {strides = array<i32>} : memref<10240xf32, #tpu.memory_space<vmem>>, vector<16xf32>,
      %parallel_loop3A_176 = arith.mulf %parallel_loop3A_175, %parallel_loop3A_169 : vector<16xf32>
      %parallel_loop3A_177 = arith.constant 16 : i32
      %parallel_loop3A_178 = arith.muli %parallel_loop3A_49, %parallel_loop3A_177 : i32
      %parallel_loop3A_179 = arith.index_cast %parallel_loop3A_178 : i32 to index
      %parallel_loop3A_180 = tpu.vector_load %arg14[%parallel_loop3A_179] {strides = array<i32>} : memref<640xf32, #tpu.memory_space<vmem>>, vector<16xf32>,
      tpu.vector_store %arg14[%parallel_loop3A_179], %parallel_loop3A_176 {strides = array<i32>} : memref<640xf32, #tpu.memory_space<vmem>>, vector<16xf32>,
    } {sc.loop_unroll_factor = 2 : i64, sc.parallel_access}
    "tpu.region"() ({
      %run_scoped3A = tpu.sem_alloc : memref<!tpu.dma_semaphore, #tpu.memory_space<semaphore_mem>>
      %dma_start3A = tpu.memref_slice %arg6[%mul3A_2] : memref<10240xf32, #tpu.memory_space<hbm>> -> memref<640xf32, #tpu.memory_space<hbm>>
      %dma_start3A_49 = tpu.memref_slice %arg6[%mul3A_2] : memref<10240xf32, #tpu.memory_space<hbm>> -> memref<640xf32, #tpu.memory_space<hbm>>
      tpu.enqueue_dma source(%arg13 : memref<640xf32, #tpu.memory_space<vmem>>) target(%dma_start3A_49 : memref<640xf32, #tpu.memory_space<hbm>>) target_semaphore(%run_scoped3A : memref<!tpu.dma_semaphore, #tpu.memory_space<semaphore_mem>>)
      %dma_wait3A = tpu.memref_slice %arg6[%mul3A_2] : memref<10240xf32, #tpu.memory_space<hbm>> -> memref<640xf32, #tpu.memory_space<hbm>>
      %dma_wait3A_50 = tpu.memref_slice %arg6[%mul3A_2] : memref<10240xf32, #tpu.memory_space<hbm>> -> memref<640xf32, #tpu.memory_space<hbm>>
      tpu.wait_dma2 semaphore(%run_scoped3A : memref<!tpu.dma_semaphore, #tpu.memory_space<semaphore_mem>>) src(%arg13 : memref<640xf32, #tpu.memory_space<vmem>>) dst(%dma_wait3A_50 : memref<640xf32, #tpu.memory_space<hbm>>)
      tpu.yield
    }) : () -> ()
    "tpu.region"() ({
      %run_scoped3A = tpu.sem_alloc : memref<!tpu.dma_semaphore, #tpu.memory_space<semaphore_mem>>
      %dma_start3A = tpu.memref_slice %arg17[%mul3A_2] : memref<10240xf32, #tpu.memory_space<vmem_shared>> -> memref<640xf32, #tpu.memory_space<vmem_shared>>
      %dma_start3A_49 = tpu.memref_slice %arg17[%mul3A_2] : memref<10240xf32, #tpu.memory_space<vmem_shared>> -> memref<640xf32, #tpu.memory_space<vmem_shared>>
      tpu.enqueue_dma source(%arg14 : memref<640xf32, #tpu.memory_space<vmem>>) target(%dma_start3A_49 : memref<640xf32, #tpu.memory_space<vmem_shared>>) target_semaphore(%run_scoped3A : memref<!tpu.dma_semaphore, #tpu.memory_space<semaphore_mem>>)
      %dma_wait3A = tpu.memref_slice %arg17[%mul3A_2] : memref<10240xf32, #tpu.memory_space<vmem_shared>> -> memref<640xf32, #tpu.memory_space<vmem_shared>>
      %dma_wait3A_50 = tpu.memref_slice %arg17[%mul3A_2] : memref<10240xf32, #tpu.memory_space<vmem_shared>> -> memref<640xf32, #tpu.memory_space<vmem_shared>>
      tpu.wait_dma2 semaphore(%run_scoped3A : memref<!tpu.dma_semaphore, #tpu.memory_space<semaphore_mem>>) src(%arg14 : memref<640xf32, #tpu.memory_space<vmem>>) dst(%dma_wait3A_50 : memref<640xf32, #tpu.memory_space<vmem_shared>>)
      tpu.yield
    }) : () -> ()
    %barrier3A_37 = arith.constant 0 : index
    tpu.barrier barrier_id(%barrier3A_37)
    "tpu.region"() ({
      %run_scoped3A = tpu.sem_alloc : memref<!tpu.dma_semaphore, #tpu.memory_space<semaphore_mem>>
      tpu.enqueue_dma source(%arg17 : memref<10240xf32, #tpu.memory_space<vmem_shared>>) target(%arg10 : memref<10240xf32, #tpu.memory_space<vmem>>) target_semaphore(%run_scoped3A : memref<!tpu.dma_semaphore, #tpu.memory_space<semaphore_mem>>)
      tpu.wait_dma2 semaphore(%run_scoped3A : memref<!tpu.dma_semaphore, #tpu.memory_space<semaphore_mem>>) src(%arg17 : memref<10240xf32, #tpu.memory_space<vmem_shared>>) dst(%arg10 : memref<10240xf32, #tpu.memory_space<vmem>>)
      tpu.yield
    }) : () -> ()
    %parallel_loop3A_38 = arith.constant 0 : i32
    %parallel_loop3A_39 = arith.constant 640 : i32
    %parallel_loop3A_40 = arith.constant 1 : i32
    scf.for %parallel_loop3A_49 = %parallel_loop3A_38 to %parallel_loop3A_39 step %parallel_loop3A_40  : i32 {
      %parallel_loop3A_50 = arith.constant 0.000000e+00 : f32
      %parallel_loop3A_51 = vector.broadcast %parallel_loop3A_50 : f32 to vector<16xf32>
      %parallel_loop3A_52 = arith.constant 16 : i32
      %parallel_loop3A_53 = arith.muli %parallel_loop3A_49, %parallel_loop3A_52 : i32
      %parallel_loop3A_54 = arith.index_cast %parallel_loop3A_53 : i32 to index
      %parallel_loop3A_55 = tpu.vector_load %arg11[%parallel_loop3A_54] {strides = array<i32>} : memref<10240xf32, #tpu.memory_space<vmem>>, vector<16xf32>,
      tpu.vector_store %arg11[%parallel_loop3A_54], %parallel_loop3A_51 {strides = array<i32>} : memref<10240xf32, #tpu.memory_space<vmem>>, vector<16xf32>,
    } {sc.loop_unroll_factor = 8 : i64, sc.parallel_access}
    %parallel_loop3A_41 = arith.constant 0 : i32
    %parallel_loop3A_42 = arith.constant 1250 : i32
    %parallel_loop3A_43 = arith.constant 1 : i32
    scf.for %parallel_loop3A_49 = %parallel_loop3A_41 to %parallel_loop3A_42 step %parallel_loop3A_43  : i32 {
      %parallel_loop3A_50 = arith.constant 16 : i32
      %parallel_loop3A_51 = arith.muli %parallel_loop3A_49, %parallel_loop3A_50 : i32
      %parallel_loop3A_52 = arith.index_cast %parallel_loop3A_51 : i32 to index
      %parallel_loop3A_53 = tpu.vector_load %arg8[%parallel_loop3A_52] {strides = array<i32>} : memref<20000xi32, #tpu.memory_space<vmem>>, vector<16xi32>,
      %parallel_loop3A_54 = arith.constant 16 : i32
      %parallel_loop3A_55 = arith.muli %parallel_loop3A_49, %parallel_loop3A_54 : i32
      %parallel_loop3A_56 = arith.index_cast %parallel_loop3A_55 : i32 to index
      %parallel_loop3A_57 = tpu.vector_load %arg9[%parallel_loop3A_56] {strides = array<i32>} : memref<20000xi32, #tpu.memory_space<vmem>>, vector<16xi32>,
      %parallel_loop3A_58 = tpu.vector_load_idx %arg10[%parallel_loop3A_57] : memref<10240xf32, #tpu.memory_space<vmem>>[vector<16xi32>], vector<16xf32>,
      tpu.vector_store_idx %arg11[%parallel_loop3A_53], %parallel_loop3A_58 {add = true} : memref<10240xf32, #tpu.memory_space<vmem>>[vector<16xi32>], vector<16xf32>,
    } {sc.loop_unroll_factor = 8 : i64, sc.parallel_access}
    "tpu.region"() ({
      %run_scoped3A = tpu.sem_alloc : memref<!tpu.dma_semaphore, #tpu.memory_space<semaphore_mem>>
      %dma_start3A = arith.constant 0 : i32
      %dma_start3A_49 = tpu.memref_slice %arg16[%arg1, %dma_start3A] : memref<16x10240xf32, #tpu.memory_space<vmem_shared>> -> memref<1x10240xf32, #tpu.memory_space<vmem_shared>>
      %dma_start3A_50 = tpu.memref_squeeze %dma_start3A_49 : memref<1x10240xf32, #tpu.memory_space<vmem_shared>> -> memref<10240xf32, #tpu.memory_space<vmem_shared>>
      %dma_start3A_51 = arith.constant 0 : i32
      %dma_start3A_52 = tpu.memref_slice %arg16[%arg1, %dma_start3A_51] : memref<16x10240xf32, #tpu.memory_space<vmem_shared>> -> memref<1x10240xf32, #tpu.memory_space<vmem_shared>>
      %dma_start3A_53 = tpu.memref_squeeze %dma_start3A_52 : memref<1x10240xf32, #tpu.memory_space<vmem_shared>> -> memref<10240xf32, #tpu.memory_space<vmem_shared>>
      tpu.enqueue_dma source(%arg11 : memref<10240xf32, #tpu.memory_space<vmem>>) target(%dma_start3A_53 : memref<10240xf32, #tpu.memory_space<vmem_shared>>) target_semaphore(%run_scoped3A : memref<!tpu.dma_semaphore, #tpu.memory_space<semaphore_mem>>)
      %dma_wait3A = arith.constant 0 : i32
      %dma_wait3A_54 = tpu.memref_slice %arg16[%arg1, %dma_wait3A] : memref<16x10240xf32, #tpu.memory_space<vmem_shared>> -> memref<1x10240xf32, #tpu.memory_space<vmem_shared>>
      %dma_wait3A_55 = tpu.memref_squeeze %dma_wait3A_54 : memref<1x10240xf32, #tpu.memory_space<vmem_shared>> -> memref<10240xf32, #tpu.memory_space<vmem_shared>>
      %dma_wait3A_56 = arith.constant 0 : i32
      %dma_wait3A_57 = tpu.memref_slice %arg16[%arg1, %dma_wait3A_56] : memref<16x10240xf32, #tpu.memory_space<vmem_shared>> -> memref<1x10240xf32, #tpu.memory_space<vmem_shared>>
      %dma_wait3A_58 = tpu.memref_squeeze %dma_wait3A_57 : memref<1x10240xf32, #tpu.memory_space<vmem_shared>> -> memref<10240xf32, #tpu.memory_space<vmem_shared>>
      tpu.wait_dma2 semaphore(%run_scoped3A : memref<!tpu.dma_semaphore, #tpu.memory_space<semaphore_mem>>) src(%arg11 : memref<10240xf32, #tpu.memory_space<vmem>>) dst(%dma_wait3A_58 : memref<10240xf32, #tpu.memory_space<vmem_shared>>)
      tpu.yield
    }) : () -> ()
    %barrier3A_44 = arith.constant 0 : index
    tpu.barrier barrier_id(%barrier3A_44)
    "tpu.region"() ({
      %run_scoped3A = tpu.sem_alloc : memref<!tpu.dma_semaphore, #tpu.memory_space<semaphore_mem>>
      %dma_start3A = arith.constant 0 : i32
      %dma_start3A_49 = tpu.memref_slice %arg16[%dma_start3A, %mul3A_2] : memref<16x10240xf32, #tpu.memory_space<vmem_shared>> -> memref<16x640xf32, #tpu.memory_space<vmem_shared>>
      %dma_start3A_50 = arith.constant 0 : i32
      %dma_start3A_51 = tpu.memref_slice %arg16[%dma_start3A_50, %mul3A_2] : memref<16x10240xf32, #tpu.memory_space<vmem_shared>> -> memref<16x640xf32, #tpu.memory_space<vmem_shared>>
      tpu.enqueue_dma source(%dma_start3A_51 : memref<16x640xf32, #tpu.memory_space<vmem_shared>>) target(%arg15 : memref<16x640xf32, #tpu.memory_space<vmem>>) target_semaphore(%run_scoped3A : memref<!tpu.dma_semaphore, #tpu.memory_space<semaphore_mem>>)
      %dma_wait3A = arith.constant 0 : i32
      %dma_wait3A_52 = tpu.memref_slice %arg16[%dma_wait3A, %mul3A_2] : memref<16x10240xf32, #tpu.memory_space<vmem_shared>> -> memref<16x640xf32, #tpu.memory_space<vmem_shared>>
      %dma_wait3A_53 = arith.constant 0 : i32
      %dma_wait3A_54 = tpu.memref_slice %arg16[%dma_wait3A_53, %mul3A_2] : memref<16x10240xf32, #tpu.memory_space<vmem_shared>> -> memref<16x640xf32, #tpu.memory_space<vmem_shared>>
      tpu.wait_dma2 semaphore(%run_scoped3A : memref<!tpu.dma_semaphore, #tpu.memory_space<semaphore_mem>>) src(%dma_wait3A_54 : memref<16x640xf32, #tpu.memory_space<vmem_shared>>) dst(%arg15 : memref<16x640xf32, #tpu.memory_space<vmem>>)
      tpu.yield
    }) : () -> ()
    %parallel_loop3A_45 = arith.constant 0 : i32
    %parallel_loop3A_46 = arith.constant 40 : i32
    %parallel_loop3A_47 = arith.constant 1 : i32
    scf.for %parallel_loop3A_49 = %parallel_loop3A_45 to %parallel_loop3A_46 step %parallel_loop3A_47  : i32 {
      %parallel_loop3A_50 = arith.constant 16 : i32
      %parallel_loop3A_51 = arith.muli %parallel_loop3A_49, %parallel_loop3A_50 : i32
      %parallel_loop3A_52 = arith.constant 0 : i32
      %parallel_loop3A_53 = arith.index_cast %parallel_loop3A_52 : i32 to index
      %parallel_loop3A_54 = arith.index_cast %parallel_loop3A_51 : i32 to index
      %parallel_loop3A_55 = tpu.vector_load %arg15[%parallel_loop3A_53, %parallel_loop3A_54] {strides = array<i32>} : memref<16x640xf32, #tpu.memory_space<vmem>>, vector<16xf32>,
      %parallel_loop3A_56 = arith.constant 16 : i32
      %parallel_loop3A_57 = arith.muli %parallel_loop3A_49, %parallel_loop3A_56 : i32
      %parallel_loop3A_58 = arith.constant 1 : i32
      %parallel_loop3A_59 = arith.index_cast %parallel_loop3A_58 : i32 to index
      %parallel_loop3A_60 = arith.index_cast %parallel_loop3A_57 : i32 to index
      %parallel_loop3A_61 = tpu.vector_load %arg15[%parallel_loop3A_59, %parallel_loop3A_60] {strides = array<i32>} : memref<16x640xf32, #tpu.memory_space<vmem>>, vector<16xf32>,
      %parallel_loop3A_62 = arith.addf %parallel_loop3A_55, %parallel_loop3A_61 : vector<16xf32>
      %parallel_loop3A_63 = arith.constant 16 : i32
      %parallel_loop3A_64 = arith.muli %parallel_loop3A_49, %parallel_loop3A_63 : i32
      %parallel_loop3A_65 = arith.constant 2 : i32
      %parallel_loop3A_66 = arith.index_cast %parallel_loop3A_65 : i32 to index
      %parallel_loop3A_67 = arith.index_cast %parallel_loop3A_64 : i32 to index
      %parallel_loop3A_68 = tpu.vector_load %arg15[%parallel_loop3A_66, %parallel_loop3A_67] {strides = array<i32>} : memref<16x640xf32, #tpu.memory_space<vmem>>, vector<16xf32>,
      %parallel_loop3A_69 = arith.addf %parallel_loop3A_62, %parallel_loop3A_68 : vector<16xf32>
      %parallel_loop3A_70 = arith.constant 16 : i32
      %parallel_loop3A_71 = arith.muli %parallel_loop3A_49, %parallel_loop3A_70 : i32
      %parallel_loop3A_72 = arith.constant 3 : i32
      %parallel_loop3A_73 = arith.index_cast %parallel_loop3A_72 : i32 to index
      %parallel_loop3A_74 = arith.index_cast %parallel_loop3A_71 : i32 to index
      %parallel_loop3A_75 = tpu.vector_load %arg15[%parallel_loop3A_73, %parallel_loop3A_74] {strides = array<i32>} : memref<16x640xf32, #tpu.memory_space<vmem>>, vector<16xf32>,
      %parallel_loop3A_76 = arith.addf %parallel_loop3A_69, %parallel_loop3A_75 : vector<16xf32>
      %parallel_loop3A_77 = arith.constant 16 : i32
      %parallel_loop3A_78 = arith.muli %parallel_loop3A_49, %parallel_loop3A_77 : i32
      %parallel_loop3A_79 = arith.constant 4 : i32
      %parallel_loop3A_80 = arith.index_cast %parallel_loop3A_79 : i32 to index
      %parallel_loop3A_81 = arith.index_cast %parallel_loop3A_78 : i32 to index
      %parallel_loop3A_82 = tpu.vector_load %arg15[%parallel_loop3A_80, %parallel_loop3A_81] {strides = array<i32>} : memref<16x640xf32, #tpu.memory_space<vmem>>, vector<16xf32>,
      %parallel_loop3A_83 = arith.addf %parallel_loop3A_76, %parallel_loop3A_82 : vector<16xf32>
      %parallel_loop3A_84 = arith.constant 16 : i32
      %parallel_loop3A_85 = arith.muli %parallel_loop3A_49, %parallel_loop3A_84 : i32
      %parallel_loop3A_86 = arith.constant 5 : i32
      %parallel_loop3A_87 = arith.index_cast %parallel_loop3A_86 : i32 to index
      %parallel_loop3A_88 = arith.index_cast %parallel_loop3A_85 : i32 to index
      %parallel_loop3A_89 = tpu.vector_load %arg15[%parallel_loop3A_87, %parallel_loop3A_88] {strides = array<i32>} : memref<16x640xf32, #tpu.memory_space<vmem>>, vector<16xf32>,
      %parallel_loop3A_90 = arith.addf %parallel_loop3A_83, %parallel_loop3A_89 : vector<16xf32>
      %parallel_loop3A_91 = arith.constant 16 : i32
      %parallel_loop3A_92 = arith.muli %parallel_loop3A_49, %parallel_loop3A_91 : i32
      %parallel_loop3A_93 = arith.constant 6 : i32
      %parallel_loop3A_94 = arith.index_cast %parallel_loop3A_93 : i32 to index
      %parallel_loop3A_95 = arith.index_cast %parallel_loop3A_92 : i32 to index
      %parallel_loop3A_96 = tpu.vector_load %arg15[%parallel_loop3A_94, %parallel_loop3A_95] {strides = array<i32>} : memref<16x640xf32, #tpu.memory_space<vmem>>, vector<16xf32>,
      %parallel_loop3A_97 = arith.addf %parallel_loop3A_90, %parallel_loop3A_96 : vector<16xf32>
      %parallel_loop3A_98 = arith.constant 16 : i32
      %parallel_loop3A_99 = arith.muli %parallel_loop3A_49, %parallel_loop3A_98 : i32
      %parallel_loop3A_100 = arith.constant 7 : i32
      %parallel_loop3A_101 = arith.index_cast %parallel_loop3A_100 : i32 to index
      %parallel_loop3A_102 = arith.index_cast %parallel_loop3A_99 : i32 to index
      %parallel_loop3A_103 = tpu.vector_load %arg15[%parallel_loop3A_101, %parallel_loop3A_102] {strides = array<i32>} : memref<16x640xf32, #tpu.memory_space<vmem>>, vector<16xf32>,
      %parallel_loop3A_104 = arith.addf %parallel_loop3A_97, %parallel_loop3A_103 : vector<16xf32>
      %parallel_loop3A_105 = arith.constant 16 : i32
      %parallel_loop3A_106 = arith.muli %parallel_loop3A_49, %parallel_loop3A_105 : i32
      %parallel_loop3A_107 = arith.constant 8 : i32
      %parallel_loop3A_108 = arith.index_cast %parallel_loop3A_107 : i32 to index
      %parallel_loop3A_109 = arith.index_cast %parallel_loop3A_106 : i32 to index
      %parallel_loop3A_110 = tpu.vector_load %arg15[%parallel_loop3A_108, %parallel_loop3A_109] {strides = array<i32>} : memref<16x640xf32, #tpu.memory_space<vmem>>, vector<16xf32>,
      %parallel_loop3A_111 = arith.addf %parallel_loop3A_104, %parallel_loop3A_110 : vector<16xf32>
      %parallel_loop3A_112 = arith.constant 16 : i32
      %parallel_loop3A_113 = arith.muli %parallel_loop3A_49, %parallel_loop3A_112 : i32
      %parallel_loop3A_114 = arith.constant 9 : i32
      %parallel_loop3A_115 = arith.index_cast %parallel_loop3A_114 : i32 to index
      %parallel_loop3A_116 = arith.index_cast %parallel_loop3A_113 : i32 to index
      %parallel_loop3A_117 = tpu.vector_load %arg15[%parallel_loop3A_115, %parallel_loop3A_116] {strides = array<i32>} : memref<16x640xf32, #tpu.memory_space<vmem>>, vector<16xf32>,
      %parallel_loop3A_118 = arith.addf %parallel_loop3A_111, %parallel_loop3A_117 : vector<16xf32>
      %parallel_loop3A_119 = arith.constant 16 : i32
      %parallel_loop3A_120 = arith.muli %parallel_loop3A_49, %parallel_loop3A_119 : i32
      %parallel_loop3A_121 = arith.constant 10 : i32
      %parallel_loop3A_122 = arith.index_cast %parallel_loop3A_121 : i32 to index
      %parallel_loop3A_123 = arith.index_cast %parallel_loop3A_120 : i32 to index
      %parallel_loop3A_124 = tpu.vector_load %arg15[%parallel_loop3A_122, %parallel_loop3A_123] {strides = array<i32>} : memref<16x640xf32, #tpu.memory_space<vmem>>, vector<16xf32>,
      %parallel_loop3A_125 = arith.addf %parallel_loop3A_118, %parallel_loop3A_124 : vector<16xf32>
      %parallel_loop3A_126 = arith.constant 16 : i32
      %parallel_loop3A_127 = arith.muli %parallel_loop3A_49, %parallel_loop3A_126 : i32
      %parallel_loop3A_128 = arith.constant 11 : i32
      %parallel_loop3A_129 = arith.index_cast %parallel_loop3A_128 : i32 to index
      %parallel_loop3A_130 = arith.index_cast %parallel_loop3A_127 : i32 to index
      %parallel_loop3A_131 = tpu.vector_load %arg15[%parallel_loop3A_129, %parallel_loop3A_130] {strides = array<i32>} : memref<16x640xf32, #tpu.memory_space<vmem>>, vector<16xf32>,
      %parallel_loop3A_132 = arith.addf %parallel_loop3A_125, %parallel_loop3A_131 : vector<16xf32>
      %parallel_loop3A_133 = arith.constant 16 : i32
      %parallel_loop3A_134 = arith.muli %parallel_loop3A_49, %parallel_loop3A_133 : i32
      %parallel_loop3A_135 = arith.constant 12 : i32
      %parallel_loop3A_136 = arith.index_cast %parallel_loop3A_135 : i32 to index
      %parallel_loop3A_137 = arith.index_cast %parallel_loop3A_134 : i32 to index
      %parallel_loop3A_138 = tpu.vector_load %arg15[%parallel_loop3A_136, %parallel_loop3A_137] {strides = array<i32>} : memref<16x640xf32, #tpu.memory_space<vmem>>, vector<16xf32>,
      %parallel_loop3A_139 = arith.addf %parallel_loop3A_132, %parallel_loop3A_138 : vector<16xf32>
      %parallel_loop3A_140 = arith.constant 16 : i32
      %parallel_loop3A_141 = arith.muli %parallel_loop3A_49, %parallel_loop3A_140 : i32
      %parallel_loop3A_142 = arith.constant 13 : i32
      %parallel_loop3A_143 = arith.index_cast %parallel_loop3A_142 : i32 to index
      %parallel_loop3A_144 = arith.index_cast %parallel_loop3A_141 : i32 to index
      %parallel_loop3A_145 = tpu.vector_load %arg15[%parallel_loop3A_143, %parallel_loop3A_144] {strides = array<i32>} : memref<16x640xf32, #tpu.memory_space<vmem>>, vector<16xf32>,
      %parallel_loop3A_146 = arith.addf %parallel_loop3A_139, %parallel_loop3A_145 : vector<16xf32>
      %parallel_loop3A_147 = arith.constant 16 : i32
      %parallel_loop3A_148 = arith.muli %parallel_loop3A_49, %parallel_loop3A_147 : i32
      %parallel_loop3A_149 = arith.constant 14 : i32
      %parallel_loop3A_150 = arith.index_cast %parallel_loop3A_149 : i32 to index
      %parallel_loop3A_151 = arith.index_cast %parallel_loop3A_148 : i32 to index
      %parallel_loop3A_152 = tpu.vector_load %arg15[%parallel_loop3A_150, %parallel_loop3A_151] {strides = array<i32>} : memref<16x640xf32, #tpu.memory_space<vmem>>, vector<16xf32>,
      %parallel_loop3A_153 = arith.addf %parallel_loop3A_146, %parallel_loop3A_152 : vector<16xf32>
      %parallel_loop3A_154 = arith.constant 16 : i32
      %parallel_loop3A_155 = arith.muli %parallel_loop3A_49, %parallel_loop3A_154 : i32
      %parallel_loop3A_156 = arith.constant 15 : i32
      %parallel_loop3A_157 = arith.index_cast %parallel_loop3A_156 : i32 to index
      %parallel_loop3A_158 = arith.index_cast %parallel_loop3A_155 : i32 to index
      %parallel_loop3A_159 = tpu.vector_load %arg15[%parallel_loop3A_157, %parallel_loop3A_158] {strides = array<i32>} : memref<16x640xf32, #tpu.memory_space<vmem>>, vector<16xf32>,
      %parallel_loop3A_160 = arith.addf %parallel_loop3A_153, %parallel_loop3A_159 : vector<16xf32>
      %parallel_loop3A_161 = arith.constant 16 : i32
      %parallel_loop3A_162 = arith.muli %parallel_loop3A_49, %parallel_loop3A_161 : i32
      %parallel_loop3A_163 = arith.addi %mul3A_2, %parallel_loop3A_162 : i32
      %parallel_loop3A_164 = arith.index_cast %parallel_loop3A_163 : i32 to index
      %parallel_loop3A_165 = tpu.vector_load %arg12[%parallel_loop3A_164] {strides = array<i32>} : memref<10240xf32, #tpu.memory_space<vmem>>, vector<16xf32>,
      %parallel_loop3A_166 = arith.index_cast %parallel_loop3A_163 : i32 to index
      %parallel_loop3A_167 = tpu.vector_load %arg10[%parallel_loop3A_166] {strides = array<i32>} : memref<10240xf32, #tpu.memory_space<vmem>>, vector<16xf32>,
      %parallel_loop3A_168 = arith.addf %parallel_loop3A_160, %parallel_loop3A_167 : vector<16xf32>
      %parallel_loop3A_169 = arith.mulf %parallel_loop3A_165, %parallel_loop3A_168 : vector<16xf32>
      %parallel_loop3A_170 = arith.constant 16 : i32
      %parallel_loop3A_171 = arith.muli %parallel_loop3A_49, %parallel_loop3A_170 : i32
      %parallel_loop3A_172 = arith.index_cast %parallel_loop3A_171 : i32 to index
      %parallel_loop3A_173 = tpu.vector_load %arg13[%parallel_loop3A_172] {strides = array<i32>} : memref<640xf32, #tpu.memory_space<vmem>>, vector<16xf32>,
      tpu.vector_store %arg13[%parallel_loop3A_172], %parallel_loop3A_169 {strides = array<i32>} : memref<640xf32, #tpu.memory_space<vmem>>, vector<16xf32>,
      %parallel_loop3A_174 = arith.index_cast %parallel_loop3A_163 : i32 to index
      %parallel_loop3A_175 = tpu.vector_load %arg12[%parallel_loop3A_174] {strides = array<i32>} : memref<10240xf32, #tpu.memory_space<vmem>>, vector<16xf32>,
      %parallel_loop3A_176 = arith.mulf %parallel_loop3A_175, %parallel_loop3A_169 : vector<16xf32>
      %parallel_loop3A_177 = arith.constant 16 : i32
      %parallel_loop3A_178 = arith.muli %parallel_loop3A_49, %parallel_loop3A_177 : i32
      %parallel_loop3A_179 = arith.index_cast %parallel_loop3A_178 : i32 to index
      %parallel_loop3A_180 = tpu.vector_load %arg14[%parallel_loop3A_179] {strides = array<i32>} : memref<640xf32, #tpu.memory_space<vmem>>, vector<16xf32>,
      tpu.vector_store %arg14[%parallel_loop3A_179], %parallel_loop3A_176 {strides = array<i32>} : memref<640xf32, #tpu.memory_space<vmem>>, vector<16xf32>,
    } {sc.loop_unroll_factor = 2 : i64, sc.parallel_access}
    "tpu.region"() ({
      %run_scoped3A = tpu.sem_alloc : memref<!tpu.dma_semaphore, #tpu.memory_space<semaphore_mem>>
      %dma_start3A = tpu.memref_slice %arg7[%mul3A_2] : memref<10240xf32, #tpu.memory_space<hbm>> -> memref<640xf32, #tpu.memory_space<hbm>>
      %dma_start3A_49 = tpu.memref_slice %arg7[%mul3A_2] : memref<10240xf32, #tpu.memory_space<hbm>> -> memref<640xf32, #tpu.memory_space<hbm>>
      tpu.enqueue_dma source(%arg13 : memref<640xf32, #tpu.memory_space<vmem>>) target(%dma_start3A_49 : memref<640xf32, #tpu.memory_space<hbm>>) target_semaphore(%run_scoped3A : memref<!tpu.dma_semaphore, #tpu.memory_space<semaphore_mem>>)
      %dma_wait3A = tpu.memref_slice %arg7[%mul3A_2] : memref<10240xf32, #tpu.memory_space<hbm>> -> memref<640xf32, #tpu.memory_space<hbm>>
      %dma_wait3A_50 = tpu.memref_slice %arg7[%mul3A_2] : memref<10240xf32, #tpu.memory_space<hbm>> -> memref<640xf32, #tpu.memory_space<hbm>>
      tpu.wait_dma2 semaphore(%run_scoped3A : memref<!tpu.dma_semaphore, #tpu.memory_space<semaphore_mem>>) src(%arg13 : memref<640xf32, #tpu.memory_space<vmem>>) dst(%dma_wait3A_50 : memref<640xf32, #tpu.memory_space<hbm>>)
      tpu.yield
    }) : () -> ()
    "tpu.region"() ({
      %run_scoped3A = tpu.sem_alloc : memref<!tpu.dma_semaphore, #tpu.memory_space<semaphore_mem>>
      %dma_start3A = tpu.memref_slice %arg17[%mul3A_2] : memref<10240xf32, #tpu.memory_space<vmem_shared>> -> memref<640xf32, #tpu.memory_space<vmem_shared>>
      %dma_start3A_49 = tpu.memref_slice %arg17[%mul3A_2] : memref<10240xf32, #tpu.memory_space<vmem_shared>> -> memref<640xf32, #tpu.memory_space<vmem_shared>>
      tpu.enqueue_dma source(%arg14 : memref<640xf32, #tpu.memory_space<vmem>>) target(%dma_start3A_49 : memref<640xf32, #tpu.memory_space<vmem_shared>>) target_semaphore(%run_scoped3A : memref<!tpu.dma_semaphore, #tpu.memory_space<semaphore_mem>>)
      %dma_wait3A = tpu.memref_slice %arg17[%mul3A_2] : memref<10240xf32, #tpu.memory_space<vmem_shared>> -> memref<640xf32, #tpu.memory_space<vmem_shared>>
      %dma_wait3A_50 = tpu.memref_slice %arg17[%mul3A_2] : memref<10240xf32, #tpu.memory_space<vmem_shared>> -> memref<640xf32, #tpu.memory_space<vmem_shared>>
      tpu.wait_dma2 semaphore(%run_scoped3A : memref<!tpu.dma_semaphore, #tpu.memory_space<semaphore_mem>>) src(%arg14 : memref<640xf32, #tpu.memory_space<vmem>>) dst(%dma_wait3A_50 : memref<640xf32, #tpu.memory_space<vmem_shared>>)
      tpu.yield
    }) : () -> ()
    %barrier3A_48 = arith.constant 0 : index
    tpu.barrier barrier_id(%barrier3A_48)
    "tpu.region"() ({
      %run_scoped3A = tpu.sem_alloc : memref<!tpu.dma_semaphore, #tpu.memory_space<semaphore_mem>>
      tpu.enqueue_dma source(%arg17 : memref<10240xf32, #tpu.memory_space<vmem_shared>>) target(%arg10 : memref<10240xf32, #tpu.memory_space<vmem>>) target_semaphore(%run_scoped3A : memref<!tpu.dma_semaphore, #tpu.memory_space<semaphore_mem>>)
      tpu.wait_dma2 semaphore(%run_scoped3A : memref<!tpu.dma_semaphore, #tpu.memory_space<semaphore_mem>>) src(%arg17 : memref<10240xf32, #tpu.memory_space<vmem_shared>>) dst(%arg10 : memref<10240xf32, #tpu.memory_space<vmem>>)
      tpu.yield
    }) : () -> ()
    return
  }
}

module attributes {stable_mosaic.version = 14 : i64} {
  func.func @_mv_body(%arg0: i32, %arg1: memref<1000x1xf32, #tpu.memory_space<vmem>>, %arg2: memref<1000x2048xf32, #tpu.memory_space<vmem>>, %arg3: memref<1x2048xf32, #tpu.memory_space<vmem>>) attributes {dimension_semantics = [#tpu.dimension_semantics<arbitrary>], iteration_bounds = array<i64: 10>, scalar_prefetch = 0 : i64, scratch_operands = 0 : i64, tpu.core_type = #tpu.core_type<tc>, window_params = [{transform_indices = @transform_0, window_bounds = array<i64: 1000, 1>}, {transform_indices = @transform_1, window_bounds = array<i64: 1000, 2048>}, {pipeline_mode = #tpu.pipeline_mode<synchronous>, transform_indices = @transform_2, window_bounds = array<i64: 1, 2048>}]} {
    %eq3A = arith.constant 0 : i32
    %eq3A_0 = arith.cmpi eq, %arg0, %eq3A : i32
    %convert_element_type3A = arith.extui %eq3A_0 : i1 to i32
    %cond3A = arith.constant 0 : i32
    %cond3A_1 = arith.cmpi ne, %convert_element_type3A, %cond3A : i32
    scf.if %cond3A_1 {
      %broadcast_in_dim3A = arith.constant 0.000000e+00 : f32
      %broadcast_in_dim3A_13 = vector.broadcast %broadcast_in_dim3A : f32 to vector<1x2048xf32>
      %swap3A_14 = arith.constant 0 : index
      %swap3A_15 = arith.constant 0 : index
      %swap3A_16 = vector.load %arg3[%swap3A_14, %swap3A_15] : memref<1x2048xf32, #tpu.memory_space<vmem>>, vector<1x2048xf32>
      tpu.vector_store %arg3[%swap3A_14, %swap3A_15], %broadcast_in_dim3A_13 {strides = array<i32>} : memref<1x2048xf32, #tpu.memory_space<vmem>>, vector<1x2048xf32>,
    } else {
    }
    %get3A = arith.constant 0 : index
    %get3A_2 = arith.constant 0 : index
    %get3A_3 = vector.load %arg3[%get3A, %get3A_2] : memref<1x2048xf32, #tpu.memory_space<vmem>>, vector<1x2048xf32>
    %get3A_4 = arith.constant 0 : index
    %get3A_5 = arith.constant 0 : index
    %get3A_6 = vector.load %arg1[%get3A_4, %get3A_5] : memref<1000x1xf32, #tpu.memory_space<vmem>>, vector<1000x1xf32>
    %get3A_7 = arith.constant 0 : index
    %get3A_8 = arith.constant 0 : index
    %get3A_9 = vector.load %arg2[%get3A_7, %get3A_8] : memref<1000x2048xf32, #tpu.memory_space<vmem>>, vector<1000x2048xf32>
    %dot_general3A = arith.constant dense<0.000000e+00> : vector<1x2048xf32>
    %dot_general3A_10 = tpu.matmul %get3A_6, %get3A_9, %dot_general3A {dimension_numbers = #tpu.dot_dimension_numbers<[0], [0], [1], [1], [0, 1, 1, 1], [], []>, precision = #tpu.contract_precision<fp32>, transpose_lhs_hint = false} : vector<1000x1xf32>, vector<1000x2048xf32>, vector<1x2048xf32> -> vector<1x2048xf32>
    %add3A = arith.addf %get3A_3, %dot_general3A_10 : vector<1x2048xf32>
    %swap3A = arith.constant 0 : index
    %swap3A_11 = arith.constant 0 : index
    %swap3A_12 = vector.load %arg3[%swap3A, %swap3A_11] : memref<1x2048xf32, #tpu.memory_space<vmem>>, vector<1x2048xf32>
    tpu.vector_store %arg3[%swap3A, %swap3A_11], %add3A {strides = array<i32>} : memref<1x2048xf32, #tpu.memory_space<vmem>>, vector<1x2048xf32>,
    return
  }
  func.func @transform_0(%arg0: i32) -> (i32, i32) {
    %c0_i32 = arith.constant 0 : i32
    %c0_i32_0 = arith.constant 0 : i32
    return %arg0, %c0_i32 : i32, i32
  }
  func.func @transform_1(%arg0: i32) -> (i32, i32) {
    %c0_i32 = arith.constant 0 : i32
    %c0_i32_0 = arith.constant 0 : i32
    return %arg0, %c0_i32 : i32, i32
  }
  func.func @transform_2(%arg0: i32) -> (i32, i32) {
    %c0_i32 = arith.constant 0 : i32
    %c0_i32_0 = arith.constant 0 : i32
    %c0_i32_1 = arith.constant 0 : i32
    return %c0_i32, %c0_i32_0 : i32, i32
  }
}

module attributes {stable_mosaic.version = 14 : i64} {
  func.func @_final_body(%arg0: memref<1x10000xf32, #tpu.memory_space<vmem>>, %arg1: memref<1x10000xf32, #tpu.memory_space<vmem>>, %arg2: memref<1x10000xf32, #tpu.memory_space<vmem>>, %arg3: memref<1x10000xf32, #tpu.memory_space<vmem>>, %arg4: memref<10000x128xf32, #tpu.memory_space<vmem>>, %arg5: memref<1x2048xf32, #tpu.memory_space<vmem>>, %arg6: memref<1x2048xf32, #tpu.memory_space<vmem>>, %arg7: memref<1x2048xf32, #tpu.memory_space<vmem>>, %arg8: memref<1x2048xf32, #tpu.memory_space<vmem>>, %arg9: memref<2048x16xf32, #tpu.memory_space<vmem>>, %arg10: memref<128x64xf32, #tpu.memory_space<vmem>>, %arg11: memref<64x64xf32, #tpu.memory_space<vmem>>, %arg12: memref<64x64xf32, #tpu.memory_space<vmem>>, %arg13: memref<1x64xf32, #tpu.memory_space<vmem>>, %arg14: memref<1x64xf32, #tpu.memory_space<vmem>>, %arg15: memref<1x64xf32, #tpu.memory_space<vmem>>, %arg16: memref<16x64xf32, #tpu.memory_space<vmem>>, %arg17: memref<64x64xf32, #tpu.memory_space<vmem>>, %arg18: memref<64x64xf32, #tpu.memory_space<vmem>>, %arg19: memref<1x64xf32, #tpu.memory_space<vmem>>, %arg20: memref<1x64xf32, #tpu.memory_space<vmem>>, %arg21: memref<1x64xf32, #tpu.memory_space<vmem>>, %arg22: memref<128x1xf32, #tpu.memory_space<vmem>>, %arg23: memref<1x1xf32, #tpu.memory_space<vmem>>, %arg24: memref<1x1xf32, #tpu.memory_space<vmem>>, %arg25: memref<1x1xf32, #tpu.memory_space<vmem>>) attributes {dimension_semantics = [], scalar_prefetch = 0 : i64, scratch_operands = 0 : i64, tpu.core_type = #tpu.core_type<tc>} {
    %get3A = arith.constant 0 : index
    %get3A_0 = arith.constant 0 : index
    %get3A_1 = vector.load %arg0[%get3A, %get3A_0] : memref<1x10000xf32, #tpu.memory_space<vmem>>, vector<1x10000xf32>
    %reduce_sum3A = vector.shape_cast %get3A_1 : vector<1x10000xf32> to vector<1x1x10000xf32>
    %reduce_sum3A_2 = arith.constant dense<0.000000e+00> : vector<1xf32>
    %reduce_sum3A_3 = vector.multi_reduction <add>, %reduce_sum3A, %reduce_sum3A_2 [1, 2] : vector<1x1x10000xf32> to vector<1xf32>
    %reduce_sum3A_4 = vector.shape_cast %reduce_sum3A_3 : vector<1xf32> to vector<1x1x1xf32>
    %reduce_sum3A_5 = vector.extract %reduce_sum3A_4[0, 0, 0] : f32 from vector<1x1x1xf32>
    %get3A_6 = arith.constant 0 : index
    %get3A_7 = arith.constant 0 : index
    %get3A_8 = vector.load %arg1[%get3A_6, %get3A_7] : memref<1x10000xf32, #tpu.memory_space<vmem>>, vector<1x10000xf32>
    %reduce_sum3A_9 = vector.shape_cast %get3A_8 : vector<1x10000xf32> to vector<1x1x10000xf32>
    %reduce_sum3A_10 = arith.constant dense<0.000000e+00> : vector<1xf32>
    %reduce_sum3A_11 = vector.multi_reduction <add>, %reduce_sum3A_9, %reduce_sum3A_10 [1, 2] : vector<1x1x10000xf32> to vector<1xf32>
    %reduce_sum3A_12 = vector.shape_cast %reduce_sum3A_11 : vector<1xf32> to vector<1x1x1xf32>
    %reduce_sum3A_13 = vector.extract %reduce_sum3A_12[0, 0, 0] : f32 from vector<1x1x1xf32>
    %get3A_14 = arith.constant 0 : index
    %get3A_15 = arith.constant 0 : index
    %get3A_16 = vector.load %arg2[%get3A_14, %get3A_15] : memref<1x10000xf32, #tpu.memory_space<vmem>>, vector<1x10000xf32>
    %reduce_sum3A_17 = vector.shape_cast %get3A_16 : vector<1x10000xf32> to vector<1x1x10000xf32>
    %reduce_sum3A_18 = arith.constant dense<0.000000e+00> : vector<1xf32>
    %reduce_sum3A_19 = vector.multi_reduction <add>, %reduce_sum3A_17, %reduce_sum3A_18 [1, 2] : vector<1x1x10000xf32> to vector<1xf32>
    %reduce_sum3A_20 = vector.shape_cast %reduce_sum3A_19 : vector<1xf32> to vector<1x1x1xf32>
    %reduce_sum3A_21 = vector.extract %reduce_sum3A_20[0, 0, 0] : f32 from vector<1x1x1xf32>
    %get3A_22 = arith.constant 0 : index
    %get3A_23 = arith.constant 0 : index
    %get3A_24 = vector.load %arg5[%get3A_22, %get3A_23] : memref<1x2048xf32, #tpu.memory_space<vmem>>, vector<1x2048xf32>
    %reduce_sum3A_25 = vector.shape_cast %get3A_24 : vector<1x2048xf32> to vector<1x1x2048xf32>
    %reduce_sum3A_26 = arith.constant dense<0.000000e+00> : vector<1xf32>
    %reduce_sum3A_27 = vector.multi_reduction <add>, %reduce_sum3A_25, %reduce_sum3A_26 [1, 2] : vector<1x1x2048xf32> to vector<1xf32>
    %reduce_sum3A_28 = vector.shape_cast %reduce_sum3A_27 : vector<1xf32> to vector<1x1x1xf32>
    %reduce_sum3A_29 = vector.extract %reduce_sum3A_28[0, 0, 0] : f32 from vector<1x1x1xf32>
    %get3A_30 = arith.constant 0 : index
    %get3A_31 = arith.constant 0 : index
    %get3A_32 = vector.load %arg6[%get3A_30, %get3A_31] : memref<1x2048xf32, #tpu.memory_space<vmem>>, vector<1x2048xf32>
    %reduce_sum3A_33 = vector.shape_cast %get3A_32 : vector<1x2048xf32> to vector<1x1x2048xf32>
    %reduce_sum3A_34 = arith.constant dense<0.000000e+00> : vector<1xf32>
    %reduce_sum3A_35 = vector.multi_reduction <add>, %reduce_sum3A_33, %reduce_sum3A_34 [1, 2] : vector<1x1x2048xf32> to vector<1xf32>
    %reduce_sum3A_36 = vector.shape_cast %reduce_sum3A_35 : vector<1xf32> to vector<1x1x1xf32>
    %reduce_sum3A_37 = vector.extract %reduce_sum3A_36[0, 0, 0] : f32 from vector<1x1x1xf32>
    %get3A_38 = arith.constant 0 : index
    %get3A_39 = arith.constant 0 : index
    %get3A_40 = vector.load %arg7[%get3A_38, %get3A_39] : memref<1x2048xf32, #tpu.memory_space<vmem>>, vector<1x2048xf32>
    %reduce_sum3A_41 = vector.shape_cast %get3A_40 : vector<1x2048xf32> to vector<1x1x2048xf32>
    %reduce_sum3A_42 = arith.constant dense<0.000000e+00> : vector<1xf32>
    %reduce_sum3A_43 = vector.multi_reduction <add>, %reduce_sum3A_41, %reduce_sum3A_42 [1, 2] : vector<1x1x2048xf32> to vector<1xf32>
    %reduce_sum3A_44 = vector.shape_cast %reduce_sum3A_43 : vector<1xf32> to vector<1x1x1xf32>
    %reduce_sum3A_45 = vector.extract %reduce_sum3A_44[0, 0, 0] : f32 from vector<1x1x1xf32>
    %get3A_46 = arith.constant 0 : index
    %get3A_47 = arith.constant 0 : index
    %get3A_48 = vector.load %arg3[%get3A_46, %get3A_47] : memref<1x10000xf32, #tpu.memory_space<vmem>>, vector<1x10000xf32>
    %get3A_49 = arith.constant 0 : index
    %get3A_50 = arith.constant 0 : index
    %get3A_51 = vector.load %arg4[%get3A_49, %get3A_50] : memref<10000x128xf32, #tpu.memory_space<vmem>>, vector<10000x128xf32>
    %dot_general3A = arith.constant dense<0.000000e+00> : vector<1x128xf32>
    %dot_general3A_52 = tpu.matmul %get3A_48, %get3A_51, %dot_general3A {dimension_numbers = #tpu.dot_dimension_numbers<[1], [0], [0], [1], [0, 0, 1, 1], [], []>, precision = #tpu.contract_precision<fp32>, transpose_lhs_hint = false} : vector<1x10000xf32>, vector<10000x128xf32>, vector<1x128xf32> -> vector<1x128xf32>
    %get3A_53 = arith.constant 0 : index
    %get3A_54 = arith.constant 0 : index
    %get3A_55 = vector.load %arg8[%get3A_53, %get3A_54] : memref<1x2048xf32, #tpu.memory_space<vmem>>, vector<1x2048xf32>
    %get3A_56 = arith.constant 0 : index
    %get3A_57 = arith.constant 0 : index
    %get3A_58 = vector.load %arg9[%get3A_56, %get3A_57] : memref<2048x16xf32, #tpu.memory_space<vmem>>, vector<2048x16xf32>
    %dot_general3A_59 = arith.constant dense<0.000000e+00> : vector<1x16xf32>
    %dot_general3A_60 = tpu.matmul %get3A_55, %get3A_58, %dot_general3A_59 {dimension_numbers = #tpu.dot_dimension_numbers<[1], [0], [0], [1], [0, 0, 1, 1], [], []>, precision = #tpu.contract_precision<fp32>, transpose_lhs_hint = false} : vector<1x2048xf32>, vector<2048x16xf32>, vector<1x16xf32> -> vector<1x16xf32>
    %get3A_61 = arith.constant 0 : index
    %get3A_62 = arith.constant 0 : index
    %get3A_63 = vector.load %arg11[%get3A_61, %get3A_62] : memref<64x64xf32, #tpu.memory_space<vmem>>, vector<64x64xf32>
    %get3A_64 = arith.constant 0 : index
    %get3A_65 = arith.constant 0 : index
    %get3A_66 = vector.load %arg12[%get3A_64, %get3A_65] : memref<64x64xf32, #tpu.memory_space<vmem>>, vector<64x64xf32>
    %dot_general3A_67 = arith.constant dense<0.000000e+00> : vector<64x64xf32>
    %dot_general3A_68 = tpu.matmul %get3A_63, %get3A_66, %dot_general3A_67 {dimension_numbers = #tpu.dot_dimension_numbers<[1], [0], [0], [1], [0, 0, 1, 1], [], []>, precision = #tpu.contract_precision<fp32>, transpose_lhs_hint = false} : vector<64x64xf32>, vector<64x64xf32>, vector<64x64xf32> -> vector<64x64xf32>
    %get3A_69 = arith.constant 0 : index
    %get3A_70 = arith.constant 0 : index
    %get3A_71 = vector.load %arg10[%get3A_69, %get3A_70] : memref<128x64xf32, #tpu.memory_space<vmem>>, vector<128x64xf32>
    %dot_general3A_72 = arith.constant dense<0.000000e+00> : vector<1x64xf32>
    %dot_general3A_73 = tpu.matmul %dot_general3A_52, %get3A_71, %dot_general3A_72 {dimension_numbers = #tpu.dot_dimension_numbers<[1], [0], [0], [1], [0, 0, 1, 1], [], []>, precision = #tpu.contract_precision<fp32>, transpose_lhs_hint = false} : vector<1x128xf32>, vector<128x64xf32>, vector<1x64xf32> -> vector<1x64xf32>
    %dot_general3A_74 = arith.constant dense<0.000000e+00> : vector<1x64xf32>
    %dot_general3A_75 = tpu.matmul %dot_general3A_73, %dot_general3A_68, %dot_general3A_74 {dimension_numbers = #tpu.dot_dimension_numbers<[1], [0], [0], [1], [0, 0, 1, 1], [], []>, precision = #tpu.contract_precision<fp32>, transpose_lhs_hint = false} : vector<1x64xf32>, vector<64x64xf32>, vector<1x64xf32> -> vector<1x64xf32>
    %get3A_76 = arith.constant 0 : index
    %get3A_77 = arith.constant 0 : index
    %get3A_78 = vector.load %arg13[%get3A_76, %get3A_77] : memref<1x64xf32, #tpu.memory_space<vmem>>, vector<1x64xf32>
    %dot_general3A_79 = arith.constant dense<0.000000e+00> : vector<1x64xf32>
    %dot_general3A_80 = tpu.matmul %get3A_78, %dot_general3A_68, %dot_general3A_79 {dimension_numbers = #tpu.dot_dimension_numbers<[1], [0], [0], [1], [0, 0, 1, 1], [], []>, precision = #tpu.contract_precision<fp32>, transpose_lhs_hint = false} : vector<1x64xf32>, vector<64x64xf32>, vector<1x64xf32> -> vector<1x64xf32>
    %mul3A = vector.broadcast %reduce_sum3A_21 : f32 to vector<1x64xf32>
    %mul3A_81 = arith.mulf %mul3A, %dot_general3A_80 : vector<1x64xf32>
    %add3A = arith.addf %dot_general3A_75, %mul3A_81 : vector<1x64xf32>
    %get3A_82 = arith.constant 0 : index
    %get3A_83 = arith.constant 0 : index
    %get3A_84 = vector.load %arg14[%get3A_82, %get3A_83] : memref<1x64xf32, #tpu.memory_space<vmem>>, vector<1x64xf32>
    %get3A_85 = arith.constant 0 : index
    %get3A_86 = arith.constant 0 : index
    %get3A_87 = vector.load %arg12[%get3A_85, %get3A_86] : memref<64x64xf32, #tpu.memory_space<vmem>>, vector<64x64xf32>
    %dot_general3A_88 = arith.constant dense<0.000000e+00> : vector<1x64xf32>
    %dot_general3A_89 = tpu.matmul %get3A_84, %get3A_87, %dot_general3A_88 {dimension_numbers = #tpu.dot_dimension_numbers<[1], [0], [0], [1], [0, 0, 1, 1], [], []>, precision = #tpu.contract_precision<fp32>, transpose_lhs_hint = false} : vector<1x64xf32>, vector<64x64xf32>, vector<1x64xf32> -> vector<1x64xf32>
    %mul3A_90 = vector.broadcast %reduce_sum3A_13 : f32 to vector<1x64xf32>
    %mul3A_91 = arith.mulf %mul3A_90, %dot_general3A_89 : vector<1x64xf32>
    %add3A_92 = arith.addf %add3A, %mul3A_91 : vector<1x64xf32>
    %get3A_93 = arith.constant 0 : index
    %get3A_94 = arith.constant 0 : index
    %get3A_95 = vector.load %arg15[%get3A_93, %get3A_94] : memref<1x64xf32, #tpu.memory_space<vmem>>, vector<1x64xf32>
    %mul3A_96 = vector.broadcast %reduce_sum3A_5 : f32 to vector<1x64xf32>
    %mul3A_97 = arith.mulf %mul3A_96, %get3A_95 : vector<1x64xf32>
    %add3A_98 = arith.addf %add3A_92, %mul3A_97 : vector<1x64xf32>
    %get3A_99 = arith.constant 0 : index
    %get3A_100 = arith.constant 0 : index
    %get3A_101 = vector.load %arg17[%get3A_99, %get3A_100] : memref<64x64xf32, #tpu.memory_space<vmem>>, vector<64x64xf32>
    %get3A_102 = arith.constant 0 : index
    %get3A_103 = arith.constant 0 : index
    %get3A_104 = vector.load %arg18[%get3A_102, %get3A_103] : memref<64x64xf32, #tpu.memory_space<vmem>>, vector<64x64xf32>
    %dot_general3A_105 = arith.constant dense<0.000000e+00> : vector<64x64xf32>
    %dot_general3A_106 = tpu.matmul %get3A_101, %get3A_104, %dot_general3A_105 {dimension_numbers = #tpu.dot_dimension_numbers<[1], [0], [0], [1], [0, 0, 1, 1], [], []>, precision = #tpu.contract_precision<fp32>, transpose_lhs_hint = false} : vector<64x64xf32>, vector<64x64xf32>, vector<64x64xf32> -> vector<64x64xf32>
    %get3A_107 = arith.constant 0 : index
    %get3A_108 = arith.constant 0 : index
    %get3A_109 = vector.load %arg16[%get3A_107, %get3A_108] : memref<16x64xf32, #tpu.memory_space<vmem>>, vector<16x64xf32>
    %dot_general3A_110 = arith.constant dense<0.000000e+00> : vector<1x64xf32>
    %dot_general3A_111 = tpu.matmul %dot_general3A_60, %get3A_109, %dot_general3A_110 {dimension_numbers = #tpu.dot_dimension_numbers<[1], [0], [0], [1], [0, 0, 1, 1], [], []>, precision = #tpu.contract_precision<fp32>, transpose_lhs_hint = false} : vector<1x16xf32>, vector<16x64xf32>, vector<1x64xf32> -> vector<1x64xf32>
    %dot_general3A_112 = arith.constant dense<0.000000e+00> : vector<1x64xf32>
    %dot_general3A_113 = tpu.matmul %dot_general3A_111, %dot_general3A_106, %dot_general3A_112 {dimension_numbers = #tpu.dot_dimension_numbers<[1], [0], [0], [1], [0, 0, 1, 1], [], []>, precision = #tpu.contract_precision<fp32>, transpose_lhs_hint = false} : vector<1x64xf32>, vector<64x64xf32>, vector<1x64xf32> -> vector<1x64xf32>
    %get3A_114 = arith.constant 0 : index
    %get3A_115 = arith.constant 0 : index
    %get3A_116 = vector.load %arg19[%get3A_114, %get3A_115] : memref<1x64xf32, #tpu.memory_space<vmem>>, vector<1x64xf32>
    %dot_general3A_117 = arith.constant dense<0.000000e+00> : vector<1x64xf32>
    %dot_general3A_118 = tpu.matmul %get3A_116, %dot_general3A_106, %dot_general3A_117 {dimension_numbers = #tpu.dot_dimension_numbers<[1], [0], [0], [1], [0, 0, 1, 1], [], []>, precision = #tpu.contract_precision<fp32>, transpose_lhs_hint = false} : vector<1x64xf32>, vector<64x64xf32>, vector<1x64xf32> -> vector<1x64xf32>
    %mul3A_119 = vector.broadcast %reduce_sum3A_45 : f32 to vector<1x64xf32>
    %mul3A_120 = arith.mulf %mul3A_119, %dot_general3A_118 : vector<1x64xf32>
    %add3A_121 = arith.addf %dot_general3A_113, %mul3A_120 : vector<1x64xf32>
    %get3A_122 = arith.constant 0 : index
    %get3A_123 = arith.constant 0 : index
    %get3A_124 = vector.load %arg20[%get3A_122, %get3A_123] : memref<1x64xf32, #tpu.memory_space<vmem>>, vector<1x64xf32>
    %get3A_125 = arith.constant 0 : index
    %get3A_126 = arith.constant 0 : index
    %get3A_127 = vector.load %arg18[%get3A_125, %get3A_126] : memref<64x64xf32, #tpu.memory_space<vmem>>, vector<64x64xf32>
    %dot_general3A_128 = arith.constant dense<0.000000e+00> : vector<1x64xf32>
    %dot_general3A_129 = tpu.matmul %get3A_124, %get3A_127, %dot_general3A_128 {dimension_numbers = #tpu.dot_dimension_numbers<[1], [0], [0], [1], [0, 0, 1, 1], [], []>, precision = #tpu.contract_precision<fp32>, transpose_lhs_hint = false} : vector<1x64xf32>, vector<64x64xf32>, vector<1x64xf32> -> vector<1x64xf32>
    %mul3A_130 = vector.broadcast %reduce_sum3A_37 : f32 to vector<1x64xf32>
    %mul3A_131 = arith.mulf %mul3A_130, %dot_general3A_129 : vector<1x64xf32>
    %add3A_132 = arith.addf %add3A_121, %mul3A_131 : vector<1x64xf32>
    %get3A_133 = arith.constant 0 : index
    %get3A_134 = arith.constant 0 : index
    %get3A_135 = vector.load %arg21[%get3A_133, %get3A_134] : memref<1x64xf32, #tpu.memory_space<vmem>>, vector<1x64xf32>
    %mul3A_136 = vector.broadcast %reduce_sum3A_29 : f32 to vector<1x64xf32>
    %mul3A_137 = arith.mulf %mul3A_136, %get3A_135 : vector<1x64xf32>
    %add3A_138 = arith.addf %add3A_132, %mul3A_137 : vector<1x64xf32>
    %get3A_139 = arith.constant 0 : index
    %get3A_140 = arith.constant 0 : index
    %get3A_141 = vector.load %arg22[%get3A_139, %get3A_140] : memref<128x1xf32, #tpu.memory_space<vmem>>, vector<64x1xf32>
    %dot_general3A_142 = arith.constant dense<0.000000e+00> : vector<1x1xf32>
    %dot_general3A_143 = tpu.matmul %add3A_98, %get3A_141, %dot_general3A_142 {dimension_numbers = #tpu.dot_dimension_numbers<[1], [0], [0], [1], [0, 0, 1, 1], [], []>, precision = #tpu.contract_precision<fp32>, transpose_lhs_hint = false} : vector<1x64xf32>, vector<64x1xf32>, vector<1x1xf32> -> vector<1x1xf32>
    %get3A_144 = arith.constant 64 : index
    %get3A_145 = arith.constant 0 : index
    %get3A_146 = vector.load %arg22[%get3A_144, %get3A_145] : memref<128x1xf32, #tpu.memory_space<vmem>>, vector<64x1xf32>
    %dot_general3A_147 = arith.constant dense<0.000000e+00> : vector<1x1xf32>
    %dot_general3A_148 = tpu.matmul %add3A_138, %get3A_146, %dot_general3A_147 {dimension_numbers = #tpu.dot_dimension_numbers<[1], [0], [0], [1], [0, 0, 1, 1], [], []>, precision = #tpu.contract_precision<fp32>, transpose_lhs_hint = false} : vector<1x64xf32>, vector<64x1xf32>, vector<1x1xf32> -> vector<1x1xf32>
    %add3A_149 = arith.addf %dot_general3A_143, %dot_general3A_148 : vector<1x1xf32>
    %get3A_150 = arith.constant 0 : index
    %get3A_151 = arith.constant 0 : index
    %get3A_152 = vector.load %arg23[%get3A_150, %get3A_151] : memref<1x1xf32, #tpu.memory_space<vmem>>, vector<1x1xf32>
    %mul3A_153 = vector.broadcast %reduce_sum3A_5 : f32 to vector<1x1xf32>
    %mul3A_154 = arith.mulf %mul3A_153, %get3A_152 : vector<1x1xf32>
    %add3A_155 = arith.addf %add3A_149, %mul3A_154 : vector<1x1xf32>
    %get3A_156 = arith.constant 0 : index
    %get3A_157 = arith.constant 0 : index
    %get3A_158 = vector.load %arg24[%get3A_156, %get3A_157] : memref<1x1xf32, #tpu.memory_space<vmem>>, vector<1x1xf32>
    %add3A_159 = arith.addf %add3A_155, %get3A_158 : vector<1x1xf32>
    %swap3A = arith.constant 0 : index
    %swap3A_160 = arith.constant 0 : index
    %swap3A_161 = vector.load %arg25[%swap3A, %swap3A_160] : memref<1x1xf32, #tpu.memory_space<vmem>>, vector<1x1xf32>
    tpu.vector_store %arg25[%swap3A, %swap3A_160], %add3A_159 {strides = array<i32>} : memref<1x1xf32, #tpu.memory_space<vmem>>, vector<1x1xf32>,
    return
  }
}

</mosaic_0001>

<sc_bundles>
// kernel: kernel.6.cloned.1.call-start
scs
__scs_entry_jumppad:
0x0: {  	(pc) =	sbr.rel $0x88, $3  }
0x1: {  	(tag) =	ssettag $0x0;
	lr =	simm.s32 $0x1  }
0x2: {  	[smem:$0x3F8C] =	sst lr;
	_ =	strace $0xD0000000  }
0x3: {  	_ = 	snop  }
0x4: {  	_ = 	snop  }
0x5: {  	_ = 	snop  }
0x6: {  	_ = 	snop  }
0x7: {  	_ = 	snop  }
__scs_overlays_trampoline_lowered:
0x8: {  	[smem:$0x3F9B] =	sst s0  }
0x9: {  	[smem:$0x3F9C] =	sst s1  }
0xa: {  	[smem:$0x3F9D] =	sst s2  }
0xb: {  	[smem:$0x3F9E] =	sst s3  }
0xc: {  	[smem:$0x3F9F] =	sst s4  }
0xd: {  	[smem:$0x3FA0] =	sst s5  }
0xe: {  	[smem:$0x3FA1] =	sst s6  }
0xf: {  	[smem:$0x3FA2] =	sst s7  }
0x10: {  	[smem:$0x3FA3] =	sst s8  }
0x11: {  	[smem:$0x3FA4] =	sst s9;
	s0 =	simm.s32 @!p0 $0x0  }
0x12: {  	s1 =	sld [smem:$0x3F8A];
	s0 =	simm.s32 @p0 $0x1  }
0x13: {  	[smem:$0x3FA5] =	sst s0;
	s0 =	simm.s32 @!p1 $0x0  }
0x14: {  	s2 =	sld [smem:$0x3F89];
	s0 =	simm.s32 @p1 $0x1  }
0x15: {  	[smem:$0x3FA6] =	sst s0;
	s0 =	simm.s32 @!p2 $0x0  }
0x16: {  	s3 =	sld [smem:$0x3FDB];
	s0 =	simm.s32 @p2 $0x1  }
0x17: {  	s4 =	simm.s32 $0x1BF5;
	[smem:$0x3FA8] =	sst s0  }
0x18: {  	s0 =	sld [smem:$0x3F8B];
	_ =	swait.ge [sflag:s4], $0x0  }
0x19: {  	s7 =	sld [smem:$0x3F8C]  }
0x1a: {  	s8 =	sadd.s32 $0xFFFFE003, lr  }
0x1b: {  	s9 =	sadd.s32 $0xFFFFFEF7, lr;
	s5 =	simm.s32 $0xFFFFFFFF;
	p2 =	slt.u32 s8, $0xFFFFF086  }
0x1c: {  	p1 =	slt.u32 s9, $0xF7A;
	s5 =	simm.s32 @!p2 $0x0  }
0x1d: {  	s5 =	simm.s32 @p1 $0x1;
	p0 =	seq.s32 s7, s2  }
0x1e: {  	s7 =	smul.u32 @!p0 $0xF7A, s2;
	p2 =	seq.s32 @!p0 s5, $0x0  }
0x1f: {  	s9 =	smul.u32 $0xF7A, s1;
	s8 =	simm.s32 @!p0 $0x1BF5;
	p2 =	por !p2, p0  }
0x20: {  	[sflag:s8] =	ssyncset.s32 @!p0 $0xFFFFF086;
	s6 =	sadd.s32 @!p0 s3, s7;
	s7 =	simm.s32 @!p0 $0x108  }
0x21: {  	s3 =	sadd.s32 s3, s9;
	s6 =	sadd.s32 @!p0 $0x88, s6;
	s7 =	simm.s32 @p2 $0x1082  }
0x22: {  	[simem:s7], [sflag:s8] =	dma.local @!p0 [hbm:s6], $0xF7A  }
0x23: {  	s9 =	sor.u32 $0xD0000000, s2;
	s6 =	simm.s32 $0x108;
	_ =	swait.ge @!p0 [sflag:s8], $0x0  }
0x24: {  	s3 =	sadd.s32 $0x88, s3;
	s6 =	simm.s32 @!p1 $0x1082;
	[sflag:s4] =	ssyncset.s32 $0xFFFFF086  }
0x25: {  	[simem:s6], [sflag:s4] =	dma.local [hbm:s3], $0xF7A  }
0x26: {  	[smem:$0x3F8C] =	sst s1;
	(tag) =	ssettag s2;
	_ =	strace s9  }
0x27: {  	s1 =	sld [smem:$0x3F9C]  }
0x28: {  	s2 =	sld [smem:$0x3F9D]  }
0x29: {  	s4 =	sld [smem:$0x3F9F]  }
0x2a: {  	p0 =	seq.s32 s5, $0x0;
	s5 =	sld [smem:$0x3FA0]  }
0x2b: {  	s6 =	sld [smem:$0x3FA1]  }
0x2c: {  	s7 =	sld [smem:$0x3FA2]  }
0x2d: {  	s3 =	simm.s32 $0x108;
	s8 =	sld [smem:$0x3FA3]  }
0x2e: {  	s3 =	simm.s32 @!p0 $0x1082;
	s9 =	sld [smem:$0x3FA4]  }
0x2f: {  	lr =	sadd.s32 s0, s3;
	s0 =	sld [smem:$0x3F9B]  }
0x30: {  	s3 =	sld [smem:$0x3F9E]  }
0x31: {  	[smem:$0x3FA7] =	sst s10  }
0x32: {  	s10 =	sld [smem:$0x3FA5];
	_ =	sdelay $0x3  }
0x33: {  	p0 =	seq.s32 s10, $0x1;
	s10 =	sld [smem:$0x3FA7];
	_ =	sdelay $0x3  }
0x34: {  	[smem:$0x3FA7] =	sst s10  }
0x35: {  	s10 =	sld [smem:$0x3FA6];
	_ =	sdelay $0x3  }
0x36: {  	p1 =	seq.s32 s10, $0x1;
	s10 =	sld [smem:$0x3FA7];
	_ =	sdelay $0x3  }
0x37: {  	[smem:$0x3FA7] =	sst s10  }
0x38: {  	s10 =	sld [smem:$0x3FA8]  }
0x39: {  	_ = 	snop;
	(pc) =	sbr.ind lr, $3  }
0x3a: {  	_ = 	snop  }
0x3b: {  	_ = 	snop  }
0x3c: {  	p2 =	seq.s32 s10, $0x1;
	s10 =	sld [smem:$0x3FA7]  }
0x3d: {  	_ =	shalt  }
0x3e: {  	_ =	shalt  }
0x3f: {  	_ =	shalt  }
0x40: {  	_ =	shalt  }
0x41: {  	_ =	shalt  }
0x42: {  	_ =	shalt  }
0x43: {  	_ =	shalt  }
0x44: {  	_ =	shalt  }
0x45: {  	_ =	shalt  }
0x46: {  	_ =	shalt  }
0x47: {  	_ =	shalt  }
0x48: {  	_ =	shalt  }
0x49: {  	_ =	shalt  }
0x4a: {  	_ =	shalt  }
0x4b: {  	_ =	shalt  }
0x4c: {  	_ =	shalt  }
0x4d: {  	_ =	shalt  }
0x4e: {  	_ =	shalt  }
0x4f: {  	_ =	shalt  }
0x50: {  	_ =	shalt  }
0x51: {  	_ =	shalt  }
0x52: {  	_ =	shalt  }
0x53: {  	_ =	shalt  }
0x54: {  	_ =	shalt  }
0x55: {  	_ =	shalt  }
0x56: {  	_ =	shalt  }
0x57: {  	_ =	shalt  }
0x58: {  	_ =	shalt  }
0x59: {  	_ =	shalt  }
0x5a: {  	_ =	shalt  }
0x5b: {  	_ =	shalt  }
0x5c: {  	_ =	shalt  }
0x5d: {  	_ =	shalt  }
0x5e: {  	_ =	shalt  }
0x5f: {  	_ =	shalt  }
0x60: {  	_ =	shalt  }
0x61: {  	_ =	shalt  }
0x62: {  	_ =	shalt  }
0x63: {  	_ =	shalt  }
0x64: {  	_ =	shalt  }
0x65: {  	_ =	shalt  }
0x66: {  	_ =	shalt  }
0x67: {  	_ =	shalt  }
0x68: {  	_ =	shalt  }
0x69: {  	_ =	shalt  }
0x6a: {  	_ =	shalt  }
0x6b: {  	_ =	shalt  }
0x6c: {  	_ =	shalt  }
0x6d: {  	_ =	shalt  }
0x6e: {  	_ =	shalt  }
0x6f: {  	_ =	shalt  }
0x70: {  	_ =	shalt  }
0x71: {  	_ =	shalt  }
0x72: {  	_ =	shalt  }
0x73: {  	_ =	shalt  }
0x74: {  	_ =	shalt  }
0x75: {  	_ =	shalt  }
0x76: {  	_ =	shalt  }
0x77: {  	_ =	shalt  }
0x78: {  	_ =	shalt  }
0x79: {  	_ =	shalt  }
0x7a: {  	_ =	shalt  }
0x7b: {  	_ =	shalt  }
0x7c: {  	_ =	shalt  }
0x7d: {  	_ =	shalt  }
0x7e: {  	_ =	shalt  }
0x7f: {  	_ =	shalt  }
0x80: {  	_ =	shalt  }
0x81: {  	_ =	shalt  }
0x82: {  	_ =	shalt  }
0x83: {  	_ =	shalt  }
0x84: {  	_ =	shalt  }
0x85: {  	_ =	shalt  }
0x86: {  	_ =	shalt  }
0x87: {  	_ =	shalt  }
.Lfunc_end0:
.L_simem_size_0:
called_computation_lowered:
.L_overlay_start_0:
0x88: {  	s0 =	sld [smem:$0x3FD9]  }
0x89: {  	s1 =	sld [smem:$0x3FFE];
	_ =	sdelay $0x3  }
0x8a: {  	s0 =	sadd.s32 s1, s0  }
0x8b: {  	[smem:$0x3FB3] =	sst s0  }
0x8c: {  	_ = 	snop  }
0x8d: {  	(tm) =	ssettm $0x1  }
0x8e: {  	s15 =	sld [smem:$0x3FFB];
	_ =	sdelay $0x3  }
0x8f: {  	_ =	strace s15  }
0x90: {  	s0 =	sld [smem:$0x3FFC];
	_ =	sdelay $0x3  }
0x91: {  	_ =	strace s0  }
0x92: {  	s0 =	sld [smem:$0x3FFD];
	_ =	sdelay $0x3  }
0x93: {  	_ =	strace s0  }
0x94: {  	_ =	strace $0x8FFFFFFF  }
0x95: {  	s16 =	sld [smem:$0x3FDB];
	_ =	sdelay $0x1  }
0x96: {  	s17 =	simm.s32 $_scs_section_size  }
0x97: {  	s2 =	simm.s32 $_size__tile_overlayer_lowered;
	s3 =	simm.s32 $_tile_overlayer_lowered  }
0x98: {  	s20 =	simm.s32 $0x1BFF;
	s19 =	sshll.u32 s3, $0x1;
	s0 =	sadd.s32 s17, s16  }
0x99: {  	s4 =	simm.s32 $0x0;
	s18 =	sshll.u32 s2, $0x1;
	s2 =	sadd.s32 s19, s0  }
0x9a: {  	[timem:s4], [sflag:s20] =	dma.local [hbm:s2], s18  }
0x9b: {  	_ =	swait.ge [sflag:s20], s18  }
0x9c: {  	s1 =	ssub.s32 $0x0, s18;
	[sflag:s20] =	ssyncset.done $0x0  }
0x9d: {  	[sflag:s20] =	ssyncadd.s32 s1;
	_ =	sdelay $0x1  }
0x9e: {  	s21 =	simm.s32 $0x1B8B  }
0x9f: {  	_ =	swait.ge [sflag:s21], $0x1  }
0xa0: {  	[sflag:s21] =	ssyncset.done $0x0  }
0xa1: {  	s23 =	simm.s32 $0x1B8E;
	s22 =	sld [smem:$0x3FFE];
	[sflag:s21] =	ssyncadd.s32 $0xFFFFFFFF  }
0xa2: {  	s24 =	simm.s32 $execute0_lowered;
	[smem:$0x3FD2] =	sst s23  }
0xa3: {  	s2 =	sshll.u32 s24, $0x1;
	_ =	strace $0x80000046;
	[dreg:$0x1] =	wrdreg $0xFFFFFFFF  }
0xa4: {  	s25 =	simm.s32 $_size_execute0_lowered;
	s0 =	sadd.s32 s0, s2;
	[dreg:$0x0] =	wrdreg $0x0  }
0xa5: {  	s2 =	sshll.u32 s25, $0x1;
	[dreg:$0x2] =	wrdreg s0  }
0xa6: {  	[dreg:$0x3] =	wrdreg s2  }
0xa7: {  	[dreg:$0x4] =	wrdreg $0xC0  }
0xa8: {  	_ =	task [dreg:s4], $0x5FFFF  }
0xa9: {  	[dreg:$0x1] =	wrdreg $0xFFFFFFFF  }
0xaa: {  	[dreg:$0x0] =	wrdreg $0x60  }
0xab: {  	[dreg:$0x2] =	wrdreg s22  }
0xac: {  	[dreg:$0x3] =	wrdreg $0x142000  }
0xad: {  	[dreg:$0x4] =	wrdreg $0x16A000  }
0xae: {  	[dreg:$0x5] =	wrdreg $0x9  }
0xaf: {  	_ =	task.clear_ibuf [dreg:s4], $0x6FFFF;
	_ =	strace $0x90000046  }
0xb0: {  	s26 =	simm.s32 $0x9;
	_ =	strace $0x80000048  }
0xb1: {  	_ =	swait.ge [sflag:s26], $0x1  }
0xb2: {  	[sflag:s26] =	ssyncadd.s32 $0xFFFFFFFF  }
0xb3: {  	_ =	strace $0x90000048  }
0xb4: {  	_ =	sfence  }
0xb5: {  	s28 =	sld [smem:$0x0];
	_ =	sdelay $0x1  }
0xb6: {  	s29 =	srdreg.scid  }
0xb7: {  	s30 =	sshll.u32 s29, $0xD;
	s31 =	sshrl.u32 s29, $0x2  }
0xb8: {  	s1 =	sand.u32 $0x1, s29;
	s2 =	sand.u32 $0x4000, s30;
	s0 =	sadd.s32 s31, s28  }
0xb9: {  	s1 =	sor.u32 s2, s1;
	s0 =	sshll.u32 s0, $0x11  }
0xba: {  	s0 =	sor.u32 s0, s1  }
0xbb: {  	s0 =	sadd.s32 $0x8F2B, s0  }
0xbc: {  	[sflag:s0] =	ssyncadd.remote.s32 $0x1  }
0xbd: {  	_ =	sfence.sel $0xFFFF  }
0xbe: {  	[dreg:$0x0] =	wrdreg $0xFFFFFFFF;
	(pc) =	sbr.abs _section_cstart, $3  }
0xbf: {  	[dreg:$0x1] =	wrdreg $0xFFFFFFFF  }
0xc0: {  	_ =	task.clear_ibuf [dreg:s4], $0x2FFFF;
	_ =	strace $0x9FFFFFFF  }
0xc1: {  	(tm) =	ssettm $0x7FFFFFFF  }
tec
execute0_lowered:
.L_overlay_start_1:
0x0: {  	(tag) =	ssettag $0x1  }
0x1: {  	s3 =	rddreg [dreg:$0x0]  }
0x2: {  	s5 =	rddreg [dreg:$0x1];
	s0 =	stileid.u32  }
0x3: {  	s2 =	rddreg [dreg:$0x2];
	s4 =	smul.u32 $0x9C4, s0  }
0x4: {  	s1 =	rddreg [dreg:$0x3];
	s6 =	simm.s32 $0x0  }
0x5: {  	[smem:$0x7FF] =	sst s6;
	s4 =	sadd.s32 s4, s3  }
0x6: {  	s29 =	simm.s32 $0x1;
	_ =	strace $0x80000047;
	s7 =	sadd.s32 $0xD400, s4  }
0x7: {  	[tilespmem:s6], [sflag:$0x1] =	stream.linear.gather [hbm4b:s7+s6], $0x4E20, $0x38;
	[tilespmem:$0x16C80] =	vst v63  }
0x8: {  	_ =	swait.ge [sflag:s29], $0x4E20  }
0x9: {  	[sflag:s29] =	ssyncset.done $0x0  }
0xa: {  	s8 =	simm.s32 $0x4E80;
	s4 =	sadd.s32 $0x3600, s4;
	[sflag:s29] =	ssyncadd.s32 $0xFFFFB1E0  }
0xb: {  	[tilespmem:s8], [sflag:$0x1] =	stream.linear.gather [hbm4b:s4+s6], $0x4E20, $0x38;
	[tilespmem:$0x16C80] =	vst v63  }
0xc: {  	_ =	swait.ge [sflag:s29], $0x4E20  }
0xd: {  	[sflag:s29] =	ssyncset.done $0x0  }
0xe: {  	s31 =	simm.s32 $0x9D00;
	s30 =	sadd.s32 $0x17200, s3;
	[sflag:s29] =	ssyncadd.s32 $0xFFFFB1E0  }
0xf: {  	[tilespmem:s31], [sflag:$0x1] =	stream.linear.gather [hbm4b:s30+s6], $0x2800, $0x38;
	[tilespmem:$0x16C80] =	vst v63  }
0x10: {  	_ =	swait.ge [sflag:s29], $0x2800  }
0x11: {  	[sflag:s29] =	ssyncset.done $0x0  }
0x12: {  	v0 =	vimm.f32 $0.0e+00;
	s4 =	simm.s32 $0xC540;
	[sflag:s29] =	ssyncadd.s32 $0xFFFFD800  }
0x13: {  	[tilespmem:s4+$0xFFFFFFC0] =	vst v0  }
0x14: {  	[tilespmem:s4+$0x30] =	vst v0  }
0x15: {  	[tilespmem:s4+$0x20] =	vst v0  }
0x16: {  	[tilespmem:s4+$0x10] =	vst v0  }
0x17: {  	[tilespmem:s4+$0x0] =	vst v0  }
0x18: {  	s9 =	sadd.s32 $0x17800, s3;
	[tilespmem:s4+$0xFFFFFFF0] =	vst v0  }
0x19: {  	s7 =	simm.s32 $0x0;
	s6 =	sadd.s32 $0x17E00, s3;
	s3 =	sadd.s32 $0x18400, s3;
	[tilespmem:s4+$0xFFFFFFE0] =	vst v0  }
.LBB2_1:
0x1a: {  	s7 =	sadd.s32 $0x8, s7;
	[tilespmem:s4+$0xFFFFFFD0] =	vst v0;
	s4 =	sadd.s32 $0x80, s4  }
0x1b: {  	[tilespmem:s4+$0xFFFFFFC0] =	vst v0;
	p0 =	slt.u32 s7, $0x278  }
0x1c: {  	[tilespmem:s4+$0x30] =	vst v0  }
.Ltmp0:
0x1d: {  	[tilespmem:s4+$0x20] =	vst v0;
	(pc) =	sbr.rel @p0 .LBB2_1-.Ltmp0, $4  }
0x1e: {  	[tilespmem:s4+$0x10] =	vst v0  }
0x1f: {  	[tilespmem:s4+$0x0] =	vst v0  }
0x20: {  	[tilespmem:s4+$0xFFFFFFF0] =	vst v0  }
0x21: {  	[tilespmem:s4+$0xFFFFFFE0] =	vst v0  }
0x22: {  	[tilespmem:s4+$0xFFFFFFD0] =	vst v0;
	s4 =	simm.s32 $0x4EC0  }
0x23: {  	v2 =	vld [tilespmem:s4+$0xFFFFFFC0]  }
0x24: {  	v3 =	vld [tilespmem:s4+$0x30]  }
0x25: {  	v4 =	vld [tilespmem:s4+$0x20]  }
0x26: {  	v5 =	vld [tilespmem:s4+$0x10]  }
0x27: {  	v6 =	vld [tilespmem:s4+$0x0]  }
0x28: {  	v7 =	vld [tilespmem:s4+$0xFFFFFFF0]  }
0x29: {  	v8 =	vld [tilespmem:s4+$0xFFFFFFE0]  }
0x2a: {  	v0 =	vimm.f32 $1.000000000e+00;
	s7 =	simm.s32 $0xC500;
	v1 =	vld [tilespmem:s4+$0xFFFFFFD0]  }
0x2b: {  	[tilespmem:v2+s7+$0x0] =	vst.idx.add.f32.msk $0xffff, v0  }
0x2c: {  	[tilespmem:v3+s7+$0x0] =	vst.idx.add.f32.msk $0xffff, v0  }
0x2d: {  	[tilespmem:v4+s7+$0x0] =	vst.idx.add.f32.msk $0xffff, v0  }
0x2e: {  	[tilespmem:v5+s7+$0x0] =	vst.idx.add.f32.msk $0xffff, v0  }
0x2f: {  	[tilespmem:v6+s7+$0x0] =	vst.idx.add.f32.msk $0xffff, v0  }
0x30: {  	[tilespmem:v7+s7+$0x0] =	vst.idx.add.f32.msk $0xffff, v0  }
0x31: {  	s8 =	simm.s32 $0x0;
	[tilespmem:v8+s7+$0x0] =	vst.idx.add.f32.msk $0xffff, v0  }
.LBB2_3:
0x32: {  	s8 =	sadd.s32 $0x8, s8;
	[tilespmem:v1+s7+$0x0] =	vst.idx.add.f32.msk $0xffff, v0;
	s4 =	sadd.s32 $0x80, s4  }
0x33: {  	v2 =	vld [tilespmem:s4+$0xFFFFFFC0];
	p0 =	slt.u32 s8, $0x4D8  }
0x34: {  	v3 =	vld [tilespmem:s4+$0x30]  }
0x35: {  	v4 =	vld [tilespmem:s4+$0x20]  }
0x36: {  	v5 =	vld [tilespmem:s4+$0x10]  }
0x37: {  	v6 =	vld [tilespmem:s4+$0x0]  }
0x38: {  	v7 =	vld [tilespmem:s4+$0xFFFFFFF0]  }
0x39: {  	v8 =	vld [tilespmem:s4+$0xFFFFFFE0]  }
0x3a: {  	v1 =	vld [tilespmem:s4+$0xFFFFFFD0]  }
0x3b: {  	[tilespmem:v2+s7+$0x0] =	vst.idx.add.f32.msk $0xffff, v0  }
0x3c: {  	[tilespmem:v3+s7+$0x0] =	vst.idx.add.f32.msk $0xffff, v0  }
.Ltmp1:
0x3d: {  	[tilespmem:v4+s7+$0x0] =	vst.idx.add.f32.msk $0xffff, v0;
	(pc) =	sbr.rel @p0 .LBB2_3-.Ltmp1, $4  }
0x3e: {  	[tilespmem:v5+s7+$0x0] =	vst.idx.add.f32.msk $0xffff, v0  }
0x3f: {  	[tilespmem:v6+s7+$0x0] =	vst.idx.add.f32.msk $0xffff, v0  }
0x40: {  	[tilespmem:v7+s7+$0x0] =	vst.idx.add.f32.msk $0xffff, v0  }
0x41: {  	[tilespmem:v8+s7+$0x0] =	vst.idx.add.f32.msk $0xffff, v0  }
0x42: {  	_ =	sdelay $0x3  }
0x43: {  	[tilespmem:v1+s7+$0x0] =	vst.idx.add.f32.msk $0xffff, v0;
	s4 =	simm.s32 $0x0;
	v0 =	vimm.f32 $1.000000000e+00;
	s7 =	simm.s32 $0xC500  }
.LBB2_5:
0x44: {  	s8 =	sshra.s32 s4, $0x2  }
0x45: {  	v1 =	vld [tilespmem:s8+$0x9C80];
	_ =	sdelay $0x2  }
0x46: {  	p0 =	sne.s32 s4, $0x40  }
.Ltmp2:
0x47: {  	_ = 	snop;
	(pc) =	sbr.rel @p0 .LBB2_5-.Ltmp2, $2  }
0x48: {  	_ =	sdelay $0x2  }
0x49: {  	s4 =	sadd.s32 $0x40, s4;
	[tilespmem:v1+s7+$0x0] =	vst.idx.add.f32.msk $0xffff, v0  }
0x4a: {  	s4 =	sshrl.u32 s0, $0x3  }
0x4b: {  	s4 =	smul.u32 $0x50000, s4;
	_ =	sdelay $0x1  }
0x4c: {  	s7 =	sshll.u32 s0, $0x7;
	s21 =	simm.s32 $0x80;
	s4 =	sshrl.u32 s4, $0x2  }
0x4d: {  	s8 =	simm.s32 $0x400;
	s7 =	sand.u32 $0x380, s7;
	s4 =	sadd.s32 s4, s5  }
0x4e: {  	s10 =	simm.s32 $0xC500;
	s22 =	simm.s32 $0x1;
	s4 =	sadd.s32 s7, s4  }
0x4f: {  	[spmem:s4] =	stream.strided.scatter [tilespmem:s10], [sflag:$0x1], $0x2800, s8, s21, $0x38;
	[tilespmem:$0x16C80] =	vst v63  }
0x50: {  	s23 =	smul.u32 $0x5000, s0;
	_ =	swait.ge [sflag:s22], $0x2800  }
0x51: {  	s24 =	simm.s32 $0x1400;
	s25 =	simm.s32 $0x14000;
	[sflag:s22] =	ssyncset.done $0x0  }
0x52: {  	s11 =	simm.s32 $0x11A00;
	s7 =	sshrl.u32 s23, $0x2;
	[sflag:s22] =	ssyncadd.s32 $0xFFFFD800  }
0x53: {  	s5 =	sadd.s32 s7, s5;
	s10 =	simm.s32 $0x0;
	[bflag:$0x0] =	sbarrier.arrive $0xFFFF  }
0x54: {  	[tilespmem:s11], [sflag:$0x1] =	stream.strided.gather [spmem:s5], $0x2800, s25, s24, $0x38;
	[tilespmem:$0x16C80] =	vst v63  }
0x55: {  	s7 =	sand.u32 $0x60, s10;
	s12 =	sand.u32 $0x1C00, s10;
	_ =	swait.ge [sflag:s22], $0x2800  }
0x56: {  	s13 =	sadd.s32 $0x11A00, s12;
	s11 =	sor.u32 $0x10, s7;
	[sflag:s22] =	ssyncset.done $0x0  }
0x57: {  	s26 =	sor.u32 s11, s13;
	[sflag:s22] =	ssyncadd.s32 $0xFFFFD800  }
0x58: {  	v3 =	vld [tilespmem:s26+$0x0]  }
0x59: {  	s13 =	sor.u32 s7, s13;
	v4 =	vld [tilespmem:s26+$0x80]  }
0x5a: {  	v5 =	vld [tilespmem:s13+$0x0]  }
0x5b: {  	v8 =	vld [tilespmem:s26+$0x100]  }
0x5c: {  	v9 =	vld [tilespmem:s13+$0x80]  }
0x5d: {  	v12 =	vld [tilespmem:s26+$0x180]  }
0x5e: {  	v14 =	vld [tilespmem:s13+$0x100]  }
0x5f: {  	v15 =	vld [tilespmem:s26+$0x200]  }
0x60: {  	v16 =	vld [tilespmem:s13+$0x180]  }
0x61: {  	v17 =	vld [tilespmem:s26+$0x280]  }
0x62: {  	v18 =	vld [tilespmem:s13+$0x200]  }
0x63: {  	v19 =	vld [tilespmem:s26+$0x300]  }
0x64: {  	v20 =	vld [tilespmem:s13+$0x280]  }
0x65: {  	s14 =	sadd.s32 $0x12E00, s12;
	v21 =	vld [tilespmem:s26+$0x380]  }
0x66: {  	s28 =	sor.u32 s11, s14;
	v22 =	vld [tilespmem:s13+$0x300]  }
0x67: {  	s15 =	sadd.s32 $0x12E80, s12;
	v23 =	vld [tilespmem:s28+$0x0]  }
0x68: {  	s29 =	sor.u32 s11, s15;
	v13 =	vld [tilespmem:s13+$0x380]  }
0x69: {  	s31 =	sadd.s32 $0x12F00, s12;
	s30 =	sor.u32 s7, s14;
	v24 =	vld [tilespmem:s29+$0x0]  }
0x6a: {  	s16 =	sor.u32 s11, s31;
	v10 =	vld [tilespmem:s30+$0x0]  }
0x6b: {  	s18 =	sadd.s32 $0x12F80, s12;
	s17 =	sor.u32 s7, s15;
	v25 =	vld [tilespmem:s16+$0x0]  }
0x6c: {  	s19 =	sor.u32 s11, s18;
	v11 =	vld [tilespmem:s17+$0x0]  }
0x6d: {  	s21 =	sadd.s32 $0x13000, s12;
	s20 =	sor.u32 s7, s31;
	v26 =	vld [tilespmem:s19+$0x0]  }
0x6e: {  	s22 =	sor.u32 s11, s21;
	v7 =	vld [tilespmem:s20+$0x0]  }
0x6f: {  	s23 =	sor.u32 s7, s18;
	s24 =	sadd.s32 $0x13080, s12;
	v27 =	vld [tilespmem:s22+$0x0]  }
0x70: {  	s25 =	sor.u32 s11, s24;
	v6 =	vld [tilespmem:s23+$0x0]  }
0x71: {  	s26 =	sor.u32 s7, s21;
	v28 =	vld [tilespmem:s25+$0x0]  }
0x72: {  	s31 =	simm.s32 $0x100;
	s28 =	sadd.s32 $0x13100, s12;
	s29 =	sor.u32 s7, s24;
	v2 =	vld [tilespmem:s26+$0x0]  }
0x73: {  	s15 =	simm.s32 $0x20;
	s16 =	sadd.s32 $0x13180, s12;
	s30 =	sor.u32 s11, s28;
	v1 =	vld [tilespmem:s29+$0x0]  }
0x74: {  	s8 =	sand.u32 $0x1C00, s31;
	s13 =	sand.u32 $0x60, s15;
	s17 =	sor.u32 s11, s16;
	v29 =	vld [tilespmem:s30+$0x0]  }
0x75: {  	s19 =	sadd.s32 $0x11A00, s8;
	s18 =	sor.u32 s7, s28;
	s14 =	sor.u32 $0x10, s13;
	v30 =	vld [tilespmem:s17+$0x0]  }
0x76: {  	v0 =	vld [tilespmem:s18+$0x0];
	s20 =	sor.u32 s14, s19  }
0x77: {  	v31 =	vld [tilespmem:s20+$0x0]  }
0x78: {  	s17 =	sor.u32 s13, s19;
	v32 =	vld [tilespmem:s20+$0x80]  }
0x79: {  	v33 =	vld [tilespmem:s17+$0x0]  }
0x7a: {  	v34 =	vld [tilespmem:s20+$0x100]  }
0x7b: {  	v35 =	vld [tilespmem:s17+$0x80]  }
0x7c: {  	v36 =	vld [tilespmem:s20+$0x180]  }
0x7d: {  	v37 =	vld [tilespmem:s17+$0x100]  }
0x7e: {  	v38 =	vld [tilespmem:s20+$0x200]  }
0x7f: {  	v39 =	vld [tilespmem:s17+$0x180]  }
0x80: {  	v40 =	vld [tilespmem:s17+$0x200];
	v3 =	vadd.f32 v4, v3  }
0x81: {  	v41 =	vld [tilespmem:s20+$0x300]  }
0x82: {  	v42 =	vld [tilespmem:s17+$0x280];
	v3 =	vadd.f32 v8, v3  }
0x83: {  	v43 =	vld [tilespmem:s20+$0x380]  }
0x84: {  	s24 =	sadd.s32 $0x12F00, s8;
	v44 =	vld [tilespmem:s17+$0x300];
	v3 =	vadd.f32 v12, v3  }
0x85: {  	s28 =	sadd.s32 $0x12F80, s8;
	s25 =	sor.u32 s14, s24;
	v45 =	vld [tilespmem:s17+$0x380]  }
0x86: {  	s18 =	sadd.s32 $0x12E00, s8;
	s29 =	sor.u32 s14, s28;
	v52 =	vld [tilespmem:s25+$0x0];
	v3 =	vadd.f32 v15, v3  }
0x87: {  	s19 =	sadd.s32 $0x12E80, s8;
	s21 =	sor.u32 s14, s18;
	v53 =	vld [tilespmem:s29+$0x0]  }
0x88: {  	s22 =	sor.u32 s14, s19;
	v50 =	vld [tilespmem:s21+$0x0];
	v3 =	vadd.f32 v17, v3  }
0x89: {  	s31 =	sadd.s32 $0x13000, s8;
	s23 =	sor.u32 s13, s18;
	v51 =	vld [tilespmem:s22+$0x0]  }
0x8a: {  	s17 =	sor.u32 s14, s31;
	v46 =	vld [tilespmem:s23+$0x0];
	v3 =	vadd.f32 v19, v3  }
0x8b: {  	v54 =	vld [tilespmem:s17+$0x0];
	v5 =	vadd.f32 v9, v5  }
0x8c: {  	s30 =	sor.u32 s13, s24;
	s23 =	sadd.s32 $0x13100, s8;
	v4 =	vld [tilespmem:s20+$0x280];
	v3 =	vadd.f32 v21, v3  }
0x8d: {  	s17 =	sadd.s32 $0x13180, s8;
	v9 =	vld [tilespmem:s30+$0x0];
	s24 =	sor.u32 s14, s23;
	v5 =	vadd.f32 v14, v5;
	v8 =	vadd.f32 v32, v31  }
0x8e: {  	s25 =	sor.u32 s14, s17;
	v57 =	vld [tilespmem:s24+$0x0];
	v3 =	vadd.f32 v23, v3  }
0x8f: {  	s16 =	sor.u32 s7, s16;
	s26 =	sor.u32 s13, s19;
	s20 =	sadd.s32 $0x13080, s8;
	v59 =	vld [tilespmem:s25+$0x0];
	v5 =	vadd.f32 v16, v5;
	v55 =	vadd.f32 v34, v8  }
0x90: {  	s8 =	simm.s32 $0x40;
	s21 =	sor.u32 s14, s20;
	v12 =	vld [tilespmem:s26+$0x0];
	s26 =	simm.s32 $0x200;
	v3 =	vadd.f32 v24, v3  }
0x91: {  	s19 =	sor.u32 s13, s28;
	s18 =	sand.u32 $0x60, s8;
	v56 =	vld [tilespmem:s21+$0x0];
	s12 =	sand.u32 $0x1C00, s26;
	v18 =	vadd.f32 v18, v5;
	v16 =	vadd.f32 v36, v55  }
0x92: {  	s22 =	sor.u32 s13, s31;
	s7 =	sor.u32 $0x10, s18;
	v8 =	vld [tilespmem:s19+$0x0];
	s28 =	sadd.s32 $0x11A00, s12;
	v24 =	vadd.f32 v25, v3  }
0x93: {  	v5 =	vld [tilespmem:s22+$0x0];
	s29 =	sor.u32 s7, s28;
	v18 =	vadd.f32 v20, v18;
	v16 =	vadd.f32 v38, v16  }
0x94: {  	v60 =	vld [tilespmem:s29+$0x0];
	v58 =	vadd.f32 v26, v24  }
0x95: {  	v61 =	vld [tilespmem:s29+$0x80];
	v18 =	vadd.f32 v22, v18;
	v16 =	vadd.f32 v4, v16  }
0x96: {  	v63 =	vld [tilespmem:s29+$0x100];
	v20 =	vadd.f32 v27, v58  }
0x97: {  	s30 =	sor.u32 s18, s28;
	v34 =	vld [tilespmem:s29+$0x180];
	v13 =	vadd.f32 v13, v18;
	v16 =	vadd.f32 v41, v16  }
0x98: {  	v33 =	vadd.f32 v35, v33;
	v36 =	vld [tilespmem:s30+$0x100];
	v20 =	vadd.f32 v28, v20  }
0x99: {  	s31 =	sadd.s32 $0x12E00, s12;
	v47 =	vld [tilespmem:s29+$0x280];
	v10 =	vadd.f32 v10, v13;
	v62 =	vadd.f32 v43, v16  }
0x9a: {  	s22 =	sor.u32 s7, s31;
	v49 =	vld [tilespmem:s30+$0x200];
	v35 =	vadd.f32 v61, v60;
	v20 =	vadd.f32 v29, v20  }
0x9b: {  	v55 =	vld [tilespmem:s22+$0x0];
	v10 =	vadd.f32 v11, v10;
	v11 =	vadd.f32 v50, v62  }
0x9c: {  	v38 =	vld [tilespmem:s29+$0x200];
	v32 =	vadd.f32 v30, v20  }
0x9d: {  	s19 =	sor.u32 s13, s20;
	s20 =	sor.u32 s13, s23;
	v22 =	vld [tilespmem:s16+$0x0];
	v17 =	vadd.f32 v63, v35;
	v11 =	vadd.f32 v51, v11  }
0x9e: {  	v4 =	vld [tilespmem:s20+$0x0];
	v20 =	vadd.f32 v37, v33;
	v15 =	vadd.f32 $1.000000000e+00, v32  }
0x9f: {  	v41 =	vld [tilespmem:s30+$0x180];
	v17 =	vadd.f32 v34, v17;
	v11 =	vadd.f32 v52, v11  }
0xa0: {  	v13 =	vld [tilespmem:s30+$0x80];
	v20 =	vadd.f32 v39, v20;
	v43 =	vshra.s32 v15, $0x1;
	v15 =	vmul.f32 $5.000000000e-01, v15  }
0xa1: {  	s28 =	sadd.s32 $0x12F80, s12;
	v16 =	vld [tilespmem:s30+$0x0];
	v7 =	vadd.f32 v7, v10;
	v11 =	vadd.f32 v53, v11;
	v48 =	vsub.s32 $0x5F3759DF, v43  }
0xa2: {  	s22 =	sor.u32 s18, s28;
	v50 =	vld [tilespmem:s29+$0x300];
	v51 =	vadd.f32 v38, v17;
	v20 =	vadd.f32 v40, v20;
	v10 =	vmul.f32 v48, v15  }
0xa3: {  	v63 =	vld [tilespmem:s22+$0x0];
	v6 =	vadd.f32 v6, v7;
	v11 =	vadd.f32 v54, v11  }
0xa4: {  	s17 =	sor.u32 s13, s17;
	v14 =	vadd.f32 v47, v51;
	v53 =	vld [tilespmem:s29+$0x380];
	v7 =	vmul.f32 v48, v10;
	v10 =	vadd.f32 v42, v20  }
0xa5: {  	v34 =	vld [tilespmem:s17+$0x0];
	v2 =	vadd.f32 v2, v6;
	v11 =	vadd.f32 v56, v11  }
0xa6: {  	s21 =	sadd.s32 $0x12E80, s12;
	v3 =	vld [tilespmem:s19+$0x0];
	v7 =	vsub.f32 $1.500000000e+00, v7;
	v10 =	vadd.f32 v44, v10  }
0xa7: {  	s24 =	sadd.s32 $0x12F00, s12;
	s23 =	sor.u32 s7, s21;
	v52 =	vld [tilespmem:s30+$0x280];
	v14 =	vadd.f32 v50, v14;
	v11 =	vadd.f32 v57, v11  }
0xa8: {  	s25 =	sor.u32 s7, s24;
	v1 =	vadd.f32 v1, v2;
	v6 =	vmul.f32 v48, v7;
	v7 =	vadd.f32 v45, v10;
	v10 =	vld [tilespmem:s23+$0x0]  }
0xa9: {  	v58 =	vld [tilespmem:s25+$0x0];
	v14 =	vadd.f32 v53, v14;
	v11 =	vadd.f32 v59, v11  }
0xaa: {  	v54 =	vld [tilespmem:s30+$0x300];
	v0 =	vadd.f32 v0, v1;
	v2 =	vmul.f32 v6, v15;
	v7 =	vadd.f32 v46, v7  }
0xab: {  	s29 =	sor.u32 s7, s28;
	v56 =	vld [tilespmem:s30+$0x380];
	v14 =	vadd.f32 v55, v14;
	v11 =	vadd.f32 $1.000000000e+00, v11  }
0xac: {  	s19 =	sor.u32 s18, s31;
	s31 =	sadd.s32 $0x13000, s12;
	v0 =	vadd.f32 v22, v0;
	v1 =	vmul.f32 v2, v6;
	v2 =	vadd.f32 v12, v7;
	v7 =	vld [tilespmem:s29+$0x0]  }
0xad: {  	s26 =	sor.u32 s18, s21;
	v57 =	vld [tilespmem:s19+$0x0];
	s19 =	sor.u32 s7, s31;
	v60 =	vshra.s32 v11, $0x1;
	v11 =	vmul.f32 $5.000000000e-01, v11;
	v10 =	vadd.f32 v10, v14  }
0xae: {  	s22 =	simm.s32 $0x300;
	s30 =	sor.u32 s18, s24;
	v62 =	vld [tilespmem:s19+$0x0];
	s19 =	sadd.s32 $0x13180, s12;
	v12 =	vsub.s32 $0x5F3759DF, v60;
	v1 =	vsub.f32 $1.500000000e+00, v1;
	v2 =	vadd.f32 v9, v2  }
0xaf: {  	v0 =	vadd.f32 $1.000000000e+00, v0;
	v59 =	vld [tilespmem:s26+$0x0];
	s26 =	sadd.s32 $0x13100, s12;
	s23 =	sadd.s32 $0x13080, s12;
	s12 =	simm.s32 $0x60;
	v9 =	vmul.f32 v12, v11;
	v10 =	vadd.f32 v58, v10  }
0xb0: {  	s20 =	sand.u32 $0x1C00, s22;
	v61 =	vld [tilespmem:s30+$0x0];
	s24 =	sor.u32 s7, s23;
	s16 =	sand.u32 $0x60, s12;
	v1 =	vmul.f32 v1, v6;
	v6 =	vadd.f32 v13, v16;
	v2 =	vadd.f32 v8, v2  }
0xb1: {  	s30 =	sadd.s32 $0x11A00, s20;
	s28 =	sor.u32 s7, s26;
	v26 =	vld [tilespmem:s24+$0x0];
	s13 =	sor.u32 $0x10, s16;
	v8 =	vmul.f32 v12, v9;
	v7 =	vadd.f32 v7, v10;
	v10 =	vshra.s32 v0, $0x1  }
0xb2: {  	s25 =	sor.u32 s18, s31;
	v28 =	vmul.f32 $5.000000000e-01, v0;
	v29 =	vld [tilespmem:s28+$0x0];
	s31 =	sor.u32 s13, s30;
	v6 =	vadd.f32 v36, v6;
	v10 =	vsub.s32 $0x5F3759DF, v10  }
0xb3: {  	v35 =	vld [tilespmem:s31+$0x0];
	v8 =	vsub.f32 $1.500000000e+00, v8;
	v15 =	vmul.f32 v1, v15;
	v5 =	vadd.f32 v5, v2  }
0xb4: {  	s29 =	sor.u32 s7, s19;
	v36 =	vld [tilespmem:s31+$0x80];
	v7 =	vadd.f32 v62, v7;
	v30 =	vmul.f32 v10, v28;
	v6 =	vadd.f32 v41, v6  }
0xb5: {  	v31 =	vld [tilespmem:s29+$0x0];
	v8 =	vmul.f32 v12, v8;
	v32 =	vmul.f32 v15, v1;
	v3 =	vadd.f32 v3, v5  }
0xb6: {  	v7 =	vadd.f32 v26, v7;
	v33 =	vmul.f32 v10, v30;
	v6 =	vadd.f32 v49, v6  }
0xb7: {  	v38 =	vld [tilespmem:s31+$0x180];
	v5 =	vmul.f32 v8, v11;
	v12 =	vsub.f32 $1.500000000e+00, v32;
	v3 =	vadd.f32 v4, v3  }
0xb8: {  	s21 =	sor.u32 s18, s23;
	v43 =	vld [tilespmem:s31+$0x280];
	v7 =	vadd.f32 v29, v7;
	v13 =	vsub.f32 $1.500000000e+00, v33  }
0xb9: {  	v0 =	vld [tilespmem:s21+$0x0];
	s21 =	sor.u32 s16, s30;
	v17 =	vadd.f32 v36, v35;
	v6 =	vadd.f32 v52, v6;
	v5 =	vmul.f32 v5, v8  }
0xba: {  	v37 =	vld [tilespmem:s21+$0x0];
	v12 =	vmul.f32 v12, v1;
	v3 =	vadd.f32 v34, v3;
	v7 =	vadd.f32 v31, v7  }
0xbb: {  	v4 =	vmul.f32 v10, v13;
	v10 =	vld [tilespmem:s31+$0x100];
	v6 =	vadd.f32 v54, v6;
	v1 =	vsub.f32 $1.500000000e+00, v5  }
0xbc: {  	v5 =	vld [tilespmem:s21+$0x80];
	v3 =	vadd.f32 $1.000000000e+00, v3;
	v7 =	vadd.f32 $1.000000000e+00, v7  }
0xbd: {  	v48 =	vld [tilespmem:s31+$0x300];
	v13 =	vmul.f32 v4, v28;
	v6 =	vadd.f32 v56, v6;
	v8 =	vmul.f32 v1, v8  }
0xbe: {  	v39 =	vld [tilespmem:s21+$0x100];
	v44 =	vshra.s32 v3, $0x1;
	v40 =	vshra.s32 v7, $0x1;
	v7 =	vmul.f32 $5.000000000e-01, v7  }
0xbf: {  	v1 =	vld [tilespmem:s31+$0x200];
	v45 =	vmul.f32 $5.000000000e-01, v3;
	v47 =	vsub.s32 $0x5F3759DF, v44;
	v18 =	vsub.s32 $0x5F3759DF, v40  }
0xc0: {  	v41 =	vld [tilespmem:s21+$0x180];
	v13 =	vmul.f32 v13, v4;
	v10 =	vadd.f32 v10, v17;
	v42 =	vmul.f32 v18, v7  }
0xc1: {  	v9 =	vld [tilespmem:s25+$0x0];
	v6 =	vadd.f32 v57, v6;
	v23 =	vmul.f32 v47, v45;
	v5 =	vadd.f32 v5, v37  }
0xc2: {  	s23 =	sor.u32 s18, s26;
	v13 =	vsub.f32 $1.500000000e+00, v13;
	v3 =	vadd.f32 v38, v10;
	v10 =	vld [tilespmem:s21+$0x200];
	v46 =	vmul.f32 v18, v42  }
0xc3: {  	v2 =	vld [tilespmem:s23+$0x0];
	v11 =	vmul.f32 v8, v11;
	v6 =	vadd.f32 v59, v6;
	v5 =	vadd.f32 v39, v5  }
0xc4: {  	v1 =	vadd.f32 v1, v3;
	v3 =	vld [tilespmem:s21+$0x280];
	v15 =	vsub.f32 $1.500000000e+00, v46  }
0xc5: {  	s23 =	sadd.s32 $0x12E00, s20;
	v49 =	vld [tilespmem:s31+$0x380];
	v50 =	vmul.f32 v47, v23;
	v11 =	vmul.f32 v11, v8;
	v5 =	vadd.f32 v41, v5  }
0xc6: {  	v51 =	vld [tilespmem:s21+$0x300];
	s24 =	sor.u32 s13, s23;
	v6 =	vadd.f32 v61, v6;
	v1 =	vadd.f32 v43, v1;
	v15 =	vmul.f32 v18, v15  }
0xc7: {  	s25 =	sadd.s32 $0x12E80, s20;
	v4 =	vmul.f32 v13, v4;
	v52 =	vsub.f32 $1.500000000e+00, v50;
	v5 =	vadd.f32 v10, v5;
	v10 =	vld [tilespmem:s24+$0x0]  }
0xc8: {  	s26 =	sor.u32 s13, s25;
	v53 =	vld [tilespmem:s21+$0x380];
	v11 =	vsub.f32 $1.500000000e+00, v11;
	v1 =	vadd.f32 v48, v1;
	v54 =	vmul.f32 v15, v7  }
0xc9: {  	s28 =	sadd.s32 $0x12F00, s20;
	s21 =	sor.u32 s16, s23;
	v6 =	vadd.f32 v63, v6;
	v17 =	vmul.f32 v47, v52;
	v3 =	vadd.f32 v3, v5;
	v5 =	vld [tilespmem:s26+$0x0]  }
0xca: {  	s29 =	sor.u32 s13, s28;
	v55 =	vld [tilespmem:s21+$0x0];
	v16 =	vmul.f32 v4, v28;
	v1 =	vadd.f32 v49, v1;
	v56 =	vmul.f32 v54, v15  }
0xcb: {  	s30 =	sor.u32 s16, s25;
	s31 =	sadd.s32 $0x12F80, s20;
	v6 =	vadd.f32 v9, v6;
	v9 =	vld [tilespmem:s29+$0x0];
	v57 =	vmul.f32 v17, v45;
	v3 =	vadd.f32 v51, v3  }
0xcc: {  	s21 =	sor.u32 s13, s31;
	v16 =	vmul.f32 v16, v4;
	v1 =	vadd.f32 v10, v1;
	v10 =	vld [tilespmem:s30+$0x0];
	v19 =	vsub.f32 $1.500000000e+00, v56  }
0xcd: {  	s22 =	sor.u32 s16, s28;
	v58 =	vld [tilespmem:s21+$0x0];
	v8 =	vmul.f32 v11, v8;
	s24 =	sadd.s32 $0x13000, s20;
	v18 =	vmul.f32 v57, v17;
	v3 =	vadd.f32 v53, v3  }
0xce: {  	s10 =	sand.u32 $0x380, s10;
	v59 =	vld [tilespmem:s22+$0x0];
	s25 =	sor.u32 s13, s24;
	v11 =	vsub.f32 $1.500000000e+00, v16;
	v5 =	vadd.f32 v5, v1;
	v1 =	vmul.f32 v19, v15  }
0xcf: {  	s15 =	sand.u32 $0x380, s15;
	s23 =	sor.u32 s16, s31;
	v60 =	vld [tilespmem:s25+$0x0];
	s26 =	sadd.s32 $0x13080, s20;
	v61 =	vsub.f32 $1.500000000e+00, v18;
	v3 =	vadd.f32 v55, v3  }
0xd0: {  	s11 =	sor.u32 s11, s10;
	s10 =	simm.s32 $0x6;
	s28 =	sor.u32 s13, s26;
	v0 =	vadd.f32 v0, v6;
	v9 =	vadd.f32 v9, v5;
	v5 =	vld [tilespmem:s23+$0x0];
	v62 =	vmul.f32 v1, v7  }
0xd1: {  	s14 =	sor.u32 s14, s15;
	s22 =	sor.u32 s16, s24;
	s29 =	sadd.s32 $0x13100, s20;
	v4 =	vmul.f32 v11, v4;
	v6 =	vld [tilespmem:s28+$0x0];
	v10 =	vadd.f32 v10, v3;
	v3 =	vmul.f32 v61, v17  }
0xd2: {  	s15 =	simm.s32 $0x80;
	s17 =	simm.s32 $0x11500;
	[tilespmem:s11+$0x11500] =	vst v12;
	s30 =	sor.u32 s13, s29;
	v7 =	vld [tilespmem:s22+$0x0];
	v11 =	vadd.f32 v58, v9;
	v63 =	vmul.f32 v62, v1  }
0xd3: {  	s11 =	sor.u32 s18, s19;
	s21 =	sadd.s32 $0x13180, s20;
	s31 =	sor.u32 s16, s26;
	v0 =	vadd.f32 v2, v0;
	[tilespmem:s17+$0x0] =	vst v4;
	v9 =	vld [tilespmem:s30+$0x0];
	v10 =	vadd.f32 v59, v10;
	v4 =	vmul.f32 v3, v45  }
0xd4: {  	[tilespmem:s14+$0x11500] =	vst v8;
	s14 =	simm.s32 $0x400;
	s19 =	sor.u32 s16, s29;
	s20 =	sor.u32 s13, s21;
	v8 =	vld [tilespmem:s31+$0x0];
	v11 =	vadd.f32 v60, v11;
	v2 =	vsub.f32 $1.500000000e+00, v63  }
.LBB2_7:
0xd5: {  	s22 =	sand.u32 $0x60, s15;
	s18 =	sand.u32 $0x1C00, s14;
	v5 =	vadd.f32 v5, v10;
	v10 =	vld [tilespmem:s20+$0x0];
	s8 =	sand.u32 $0x380, s8;
	v4 =	vmul.f32 v4, v3  }
0xd6: {  	s10 =	sadd.s32 $0x2, s10;
	s23 =	sadd.s32 $0x11A00, s18;
	s24 =	sor.u32 $0x10, s22;
	v12 =	vld [tilespmem:s19+$0x0];
	v6 =	vadd.f32 v6, v11;
	v1 =	vmul.f32 v2, v1  }
0xd7: {  	p0 =	slt.u32 s10, $0x26;
	s7 =	sor.u32 s7, s8;
	s20 =	sor.u32 s24, s23;
	v2 =	vadd.f32 v7, v5;
	v5 =	vld [tilespmem:s11+$0x0];
	v4 =	vsub.f32 $1.500000000e+00, v4  }
0xd8: {  	s19 =	sor.u32 s22, s23;
	s11 =	sor.u32 s16, s21;
	s16 =	smov.u32 s22;
	v7 =	vld [tilespmem:s20+$0x0];
	v6 =	vadd.f32 v9, v6;
	[tilespmem:s7+$0x11500] =	vst v1  }
0xd9: {  	s8 =	smov.u32 s12;
	s7 =	smov.u32 s13;
	s13 =	smov.u32 s24;
	v1 =	vld [tilespmem:s20+$0x80];
	v2 =	vadd.f32 v8, v2;
	v3 =	vmul.f32 v4, v3  }
0xda: {  	s17 =	sadd.s32 $0x20, s17;
	s12 =	smov.u32 s15;
	v4 =	vld [tilespmem:s19+$0x0];
	v6 =	vadd.f32 v10, v6  }
0xdb: {  	v8 =	vld [tilespmem:s20+$0x100];
	v2 =	vadd.f32 v12, v2;
	[tilespmem:s17+$0x0] =	vst v3  }
0xdc: {  	v3 =	vld [tilespmem:s19+$0x80];
	v6 =	vadd.f32 $1.000000000e+00, v6;
	v5 =	vadd.f32 v5, v0  }
0xdd: {  	v9 =	vld [tilespmem:s20+$0x180];
	v0 =	vmov v2  }
0xde: {  	v2 =	vld [tilespmem:s19+$0x100];
	v1 =	vadd.f32 v1, v7;
	v7 =	vshra.s32 v6, $0x1;
	v6 =	vmul.f32 $5.000000000e-01, v6  }
0xdf: {  	v5 =	vadd.f32 $1.000000000e+00, v5;
	v10 =	vld [tilespmem:s20+$0x200];
	v7 =	vsub.s32 $0x5F3759DF, v7  }
0xe0: {  	v11 =	vld [tilespmem:s19+$0x180];
	v1 =	vadd.f32 v8, v1;
	v8 =	vmul.f32 v7, v6  }
0xe1: {  	v12 =	vshra.s32 v5, $0x1;
	v13 =	vmul.f32 $5.000000000e-01, v5;
	v3 =	vadd.f32 v3, v4;
	v4 =	vld [tilespmem:s20+$0x280]  }
0xe2: {  	v5 =	vld [tilespmem:s19+$0x200];
	v1 =	vadd.f32 v9, v1;
	v8 =	vmul.f32 v7, v8;
	v9 =	vsub.s32 $0x5F3759DF, v12  }
0xe3: {  	v2 =	vadd.f32 v2, v3;
	v3 =	vld [tilespmem:s20+$0x300];
	v12 =	vmul.f32 v9, v13  }
0xe4: {  	v14 =	vld [tilespmem:s19+$0x280];
	v1 =	vadd.f32 v10, v1;
	v8 =	vsub.f32 $1.500000000e+00, v8  }
0xe5: {  	s21 =	sadd.s32 $0x12E00, s18;
	v2 =	vadd.f32 v11, v2;
	v10 =	vld [tilespmem:s20+$0x380];
	v11 =	vmul.f32 v9, v12  }
0xe6: {  	s20 =	sor.u32 s16, s21;
	s21 =	sor.u32 s13, s21;
	v12 =	vld [tilespmem:s19+$0x300];
	v1 =	vadd.f32 v4, v1;
	v4 =	vmul.f32 v7, v8  }
0xe7: {  	s22 =	sadd.s32 $0x12E80, s18;
	v2 =	vadd.f32 v5, v2;
	v5 =	vld [tilespmem:s21+$0x0];
	v7 =	vsub.f32 $1.500000000e+00, v11  }
0xe8: {  	s21 =	sor.u32 s13, s22;
	v8 =	vld [tilespmem:s19+$0x380];
	s19 =	sor.u32 s16, s22;
	v1 =	vadd.f32 v3, v1;
	v3 =	vmul.f32 v4, v6  }
0xe9: {  	s22 =	sadd.s32 $0x12F00, s18;
	v2 =	vadd.f32 v14, v2;
	v11 =	vld [tilespmem:s21+$0x0];
	v7 =	vmul.f32 v9, v7  }
0xea: {  	s21 =	sor.u32 s13, s22;
	v9 =	vld [tilespmem:s20+$0x0];
	s20 =	sor.u32 s16, s22;
	v1 =	vadd.f32 v10, v1;
	v3 =	vmul.f32 v3, v4  }
0xeb: {  	s22 =	sadd.s32 $0x12F80, s18;
	v2 =	vadd.f32 v12, v2;
	v10 =	vld [tilespmem:s21+$0x0];
	v12 =	vmul.f32 v7, v13  }
0xec: {  	s21 =	sor.u32 s13, s22;
	v14 =	vld [tilespmem:s19+$0x0];
	s19 =	sor.u32 s16, s22;
	v1 =	vadd.f32 v5, v1;
	v3 =	vsub.f32 $1.500000000e+00, v3  }
0xed: {  	s22 =	sadd.s32 $0x13000, s18;
	v2 =	vadd.f32 v8, v2;
	v8 =	vld [tilespmem:s21+$0x0];
	v5 =	vmul.f32 v12, v7  }
0xee: {  	s21 =	sor.u32 s13, s22;
	v12 =	vld [tilespmem:s20+$0x0];
	s20 =	sor.u32 s16, s22;
	v11 =	vadd.f32 v11, v1;
	v1 =	vmul.f32 v3, v4  }
0xef: {  	s22 =	sadd.s32 $0x13080, s18;
	v2 =	vadd.f32 v9, v2;
	v15 =	vld [tilespmem:s21+$0x0];
	v3 =	vsub.f32 $1.500000000e+00, v5  }
.Ltmp3:
0xf0: {  	s23 =	sor.u32 s16, s22;
	v5 =	vld [tilespmem:s19+$0x0];
	v4 =	vadd.f32 v10, v11;
	s19 =	sor.u32 s13, s22;
	v9 =	vmul.f32 v1, v6;
	(pc) =	sbr.rel @p0 .LBB2_7-.Ltmp3, $4  }
0xf1: {  	s21 =	sadd.s32 $0x13100, s18;
	v2 =	vadd.f32 v14, v2;
	v6 =	vld [tilespmem:s19+$0x0];
	v3 =	vmul.f32 v3, v7  }
0xf2: {  	s19 =	sor.u32 s16, s21;
	v7 =	vld [tilespmem:s20+$0x0];
	v11 =	vadd.f32 v8, v4;
	s20 =	sor.u32 s13, s21;
	v14 =	vmul.f32 v9, v1  }
0xf3: {  	s21 =	sadd.s32 $0x13180, s18;
	v10 =	vadd.f32 v12, v2;
	v9 =	vld [tilespmem:s20+$0x0];
	v4 =	vmul.f32 v3, v13  }
0xf4: {  	s14 =	sadd.s32 $0x100, s14;
	s15 =	sadd.s32 $0x20, s15;
	s20 =	sor.u32 s13, s21;
	v8 =	vld [tilespmem:s23+$0x0];
	v11 =	vadd.f32 v15, v11;
	v2 =	vsub.f32 $1.500000000e+00, v14  }
0xf5: {  	v5 =	vadd.f32 v5, v10;
	v52 =	vld [tilespmem:s20+$0x0]  }
0xf6: {  	v12 =	vld [tilespmem:s19+$0x0];
	v6 =	vadd.f32 v6, v11  }
0xf7: {  	s10 =	sor.u32 s16, s21;
	v5 =	vadd.f32 v7, v5;
	v7 =	vld [tilespmem:s11+$0x0]  }
0xf8: {  	v53 =	vld [tilespmem:s10+$0x0];
	v6 =	vadd.f32 v9, v6  }
0xf9: {  	v5 =	vadd.f32 v8, v5  }
0xfa: {  	v6 =	vadd.f32 v52, v6  }
0xfb: {  	v5 =	vadd.f32 v12, v5  }
0xfc: {  	v6 =	vadd.f32 $1.000000000e+00, v6;
	v0 =	vadd.f32 v7, v0  }
0xfd: {  	v5 =	vadd.f32 v53, v5  }
0xfe: {  	v7 =	vshra.s32 v6, $0x1;
	v6 =	vmul.f32 $5.000000000e-01, v6;
	v0 =	vadd.f32 $1.000000000e+00, v0  }
0xff: {  	v7 =	vsub.s32 $0x5F3759DF, v7;
	v5 =	vadd.f32 $1.000000000e+00, v5  }
0x100: {  	v8 =	vmul.f32 v7, v6;
	v54 =	vshra.s32 v0, $0x1;
	v0 =	vmul.f32 $5.000000000e-01, v0  }
0x101: {  	v9 =	vsub.s32 $0x5F3759DF, v54;
	v55 =	vshra.s32 v5, $0x1;
	v5 =	vmul.f32 $5.000000000e-01, v5  }
0x102: {  	v56 =	vmul.f32 v9, v0;
	v10 =	vsub.s32 $0x5F3759DF, v55  }
0x103: {  	v8 =	vmul.f32 v7, v8;
	v57 =	vmul.f32 v10, v5  }
0x104: {  	v11 =	vmul.f32 v9, v56  }
0x105: {  	v8 =	vsub.f32 $1.500000000e+00, v8;
	v12 =	vmul.f32 v10, v57  }
0x106: {  	v11 =	vsub.f32 $1.500000000e+00, v11  }
0x107: {  	v7 =	vmul.f32 v7, v8;
	v8 =	vsub.f32 $1.500000000e+00, v12  }
0x108: {  	v9 =	vmul.f32 v9, v11  }
0x109: {  	v58 =	vmul.f32 v7, v6;
	v8 =	vmul.f32 v10, v8  }
0x10a: {  	v59 =	vmul.f32 v9, v0  }
0x10b: {  	v11 =	vmul.f32 v58, v7;
	v60 =	vmul.f32 v8, v5  }
0x10c: {  	v10 =	vmul.f32 v59, v9  }
0x10d: {  	v11 =	vsub.f32 $1.500000000e+00, v11;
	v12 =	vmul.f32 v60, v8  }
0x10e: {  	v10 =	vsub.f32 $1.500000000e+00, v10  }
0x10f: {  	v7 =	vmul.f32 v11, v7;
	v61 =	vsub.f32 $1.500000000e+00, v12  }
0x110: {  	v9 =	vmul.f32 v10, v9  }
0x111: {  	v6 =	vmul.f32 v7, v6;
	v8 =	vmul.f32 v61, v8  }
0x112: {  	v4 =	vmul.f32 v4, v3;
	v0 =	vmul.f32 v9, v0  }
0x113: {  	v6 =	vmul.f32 v6, v7;
	v5 =	vmul.f32 v8, v5  }
0x114: {  	v4 =	vsub.f32 $1.500000000e+00, v4;
	v0 =	vmul.f32 v0, v9  }
0x115: {  	s8 =	sand.u32 $0x380, s8;
	v1 =	vmul.f32 v2, v1;
	v2 =	vsub.f32 $1.500000000e+00, v6;
	v5 =	vmul.f32 v5, v8  }
0x116: {  	s7 =	sor.u32 s7, s8;
	v3 =	vmul.f32 v4, v3;
	v0 =	vsub.f32 $1.500000000e+00, v0  }
0x117: {  	s26 =	sadd.s32 $0x20, s17;
	s28 =	sand.u32 $0x380, s12;
	[tilespmem:s7+$0x11500] =	vst v1;
	v1 =	vmul.f32 v2, v7;
	v2 =	vsub.f32 $1.500000000e+00, v5  }
0x118: {  	s8 =	sor.u32 s13, s28;
	[tilespmem:s26+$0x0] =	vst v3;
	v0 =	vmul.f32 v0, v9  }
0x119: {  	s7 =	sadd.s32 $0x20, s26;
	[tilespmem:s8+$0x11500] =	vst v1;
	s8 =	smul.u32 $0x280, s0;
	v1 =	vmul.f32 v2, v8  }
0x11a: {  	[tilespmem:s7+$0x0] =	vst v0;
	s7 =	sadd.s32 $0x20, s7  }
0x11b: {  	s29 =	simm.s32 $0x11500;
	s30 =	simm.s32 $0x1;
	[tilespmem:s7+$0x0] =	vst v1;
	s7 =	sadd.s32 s8, s2  }
0x11c: {  	[spmem:s7] =	stream.linear.scatter [tilespmem:s29], [sflag:$0x1], $0x280, $0x38;
	[tilespmem:$0x16C80] =	vst v63  }
0x11d: {  	_ =	swait.ge [sflag:s30], $0x280  }
0x11e: {  	[sflag:s30] =	ssyncset.done $0x0  }
0x11f: {  	[sflag:s30] =	ssyncadd.s32 $0xFFFFFD80  }
0x120: {  	s31 =	simm.s32 $0xED00;
	[bflag:$0x0] =	sbarrier.arrive $0xFFFF  }
0x121: {  	[tilespmem:s31], [sflag:$0x1] =	stream.linear.gather [spmem:s2], $0x2800, $0x38;
	[tilespmem:$0x16C80] =	vst v63  }
0x122: {  	_ =	swait.ge [sflag:s30], $0x2800  }
0x123: {  	[sflag:s30] =	ssyncset.done $0x0  }
0x124: {  	s10 =	simm.s32 $0x9D40;
	[sflag:s30] =	ssyncadd.s32 $0xFFFFD800  }
0x125: {  	s11 =	simm.s32 $0xED40;
	v1 =	vld [tilespmem:s10+$0x30]  }
0x126: {  	v2 =	vld [tilespmem:s11+$0x30]  }
0x127: {  	v0 =	vld [tilespmem:s11+$0xFFFFFFC0]  }
0x128: {  	v3 =	vld [tilespmem:s10+$0xFFFFFFD0]  }
0x129: {  	v4 =	vld [tilespmem:s11+$0xFFFFFFD0]  }
0x12a: {  	v5 =	vld [tilespmem:s10+$0xFFFFFFE0]  }
0x12b: {  	v6 =	vld [tilespmem:s11+$0xFFFFFFE0]  }
0x12c: {  	v7 =	vld [tilespmem:s10+$0xFFFFFFF0]  }
0x12d: {  	v8 =	vld [tilespmem:s11+$0xFFFFFFF0]  }
0x12e: {  	v62 =	vld [tilespmem:s10+$0x0]  }
0x12f: {  	v63 =	vld [tilespmem:s11+$0x0];
	v2 =	vmul.f32 v2, v1  }
0x130: {  	v4 =	vmul.f32 v4, v3;
	v1 =	vld [tilespmem:s10+$0x10]  }
0x131: {  	v5 =	vmul.f32 v6, v5;
	v3 =	vld [tilespmem:s11+$0x10];
	[tilespmem:s10+$0x30] =	vst v2  }
0x132: {  	v6 =	vmul.f32 v8, v7;
	[tilespmem:s10+$0xFFFFFFD0] =	vst v4;
	v2 =	vld [tilespmem:s10+$0x20]  }
0x133: {  	[tilespmem:s10+$0xFFFFFFE0] =	vst v5;
	v5 =	vld [tilespmem:s11+$0x20]  }
0x134: {  	s12 =	simm.s32 $0x0;
	s13 =	simm.s32 $0x9DC0;
	v4 =	vld [tilespmem:s10+$0xFFFFFFC0];
	[tilespmem:s10+$0xFFFFFFF0] =	vst v6;
	v6 =	vmul.f32 v63, v62  }
.LBB2_9:
0x135: {  	v7 =	vld [tilespmem:s13+$0x30];
	s11 =	sadd.s32 $0x80, s11  }
0x136: {  	s12 =	sadd.s32 $0x8, s12;
	v8 =	vld [tilespmem:s11+$0x30];
	[tilespmem:s10+$0x0] =	vst v6;
	v1 =	vmul.f32 v3, v1  }
0x137: {  	p0 =	slt.u32 s12, $0x278;
	v3 =	vld [tilespmem:s11+$0xFFFFFFC0]  }
0x138: {  	v6 =	vld [tilespmem:s13+$0xFFFFFFD0];
	[tilespmem:s10+$0x10] =	vst v1;
	v1 =	vmul.f32 v5, v2  }
0x139: {  	v2 =	vld [tilespmem:s11+$0xFFFFFFD0];
	v9 =	vmul.f32 v0, v4  }
0x13a: {  	v4 =	vld [tilespmem:s13+$0xFFFFFFE0];
	[tilespmem:s10+$0x20] =	vst v1  }
0x13b: {  	v1 =	vld [tilespmem:s11+$0xFFFFFFE0];
	v5 =	vmul.f32 v8, v7;
	[tilespmem:s10+$0xFFFFFFC0] =	vst v9;
	s10 =	smov.u32 s13  }
0x13c: {  	v7 =	vld [tilespmem:s13+$0xFFFFFFF0];
	v0 =	vmov v3  }
0x13d: {  	v8 =	vld [tilespmem:s11+$0xFFFFFFF0];
	[tilespmem:s13+$0x30] =	vst v5  }
0x13e: {  	v2 =	vmul.f32 v2, v6;
	v6 =	vld [tilespmem:s13+$0x0]  }
0x13f: {  	v9 =	vld [tilespmem:s11+$0x0]  }
.Ltmp4:
0x140: {  	[tilespmem:s13+$0xFFFFFFD0] =	vst v2;
	v2 =	vmul.f32 v1, v4;
	v1 =	vld [tilespmem:s13+$0x10];
	(pc) =	sbr.rel @p0 .LBB2_9-.Ltmp4, $4  }
0x141: {  	v3 =	vld [tilespmem:s11+$0x10]  }
0x142: {  	[tilespmem:s13+$0xFFFFFFE0] =	vst v2;
	v7 =	vmul.f32 v8, v7;
	v2 =	vld [tilespmem:s13+$0x20]  }
0x143: {  	v5 =	vld [tilespmem:s11+$0x20]  }
0x144: {  	s13 =	sadd.s32 $0x80, s13;
	v4 =	vld [tilespmem:s10+$0xFFFFFFC0];
	[tilespmem:s10+$0xFFFFFFF0] =	vst v7;
	v6 =	vmul.f32 v9, v6  }
0x145: {  	_ =	sdelay $0x1  }
0x146: {  	v1 =	vmul.f32 v3, v1  }
0x147: {  	[tilespmem:s10+$0x0] =	vst v6;
	v2 =	vmul.f32 v5, v2  }
0x148: {  	[tilespmem:s10+$0x10] =	vst v1;
	v0 =	vmul.f32 v0, v4  }
0x149: {  	[tilespmem:s10+$0x20] =	vst v2  }
0x14a: {  	[tilespmem:s10+$0xFFFFFFC0] =	vst v0;
	s10 =	simm.s32 $0xC540;
	v0 =	vimm.f32 $0.0e+00  }
0x14b: {  	[tilespmem:s10+$0xFFFFFFC0] =	vst v0  }
0x14c: {  	[tilespmem:s10+$0x30] =	vst v0  }
0x14d: {  	[tilespmem:s10+$0x20] =	vst v0  }
0x14e: {  	[tilespmem:s10+$0x10] =	vst v0  }
0x14f: {  	[tilespmem:s10+$0x0] =	vst v0  }
0x150: {  	[tilespmem:s10+$0xFFFFFFF0] =	vst v0  }
0x151: {  	s11 =	simm.s32 $0x0;
	[tilespmem:s10+$0xFFFFFFE0] =	vst v0  }
.LBB2_11:
0x152: {  	s11 =	sadd.s32 $0x8, s11;
	[tilespmem:s10+$0xFFFFFFD0] =	vst v0;
	s10 =	sadd.s32 $0x80, s10  }
0x153: {  	[tilespmem:s10+$0xFFFFFFC0] =	vst v0;
	p0 =	slt.u32 s11, $0x278  }
0x154: {  	[tilespmem:s10+$0x30] =	vst v0  }
.Ltmp5:
0x155: {  	[tilespmem:s10+$0x20] =	vst v0;
	(pc) =	sbr.rel @p0 .LBB2_11-.Ltmp5, $4  }
0x156: {  	[tilespmem:s10+$0x10] =	vst v0  }
0x157: {  	[tilespmem:s10+$0x0] =	vst v0  }
0x158: {  	[tilespmem:s10+$0xFFFFFFF0] =	vst v0  }
0x159: {  	[tilespmem:s10+$0xFFFFFFE0] =	vst v0  }
0x15a: {  	[tilespmem:s10+$0xFFFFFFD0] =	vst v0;
	s12 =	simm.s32 $0x4EC0  }
0x15b: {  	v0 =	vld [tilespmem:s12+$0x30]  }
0x15c: {  	v1 =	vld [tilespmem:s12+$0xFFFFFFC0]  }
0x15d: {  	v2 =	vld [tilespmem:s12+$0xFFFFFFD0]  }
0x15e: {  	v3 =	vld [tilespmem:s12+$0xFFFFFFE0]  }
0x15f: {  	v4 =	vld [tilespmem:s12+$0xFFFFFFF0]  }
0x160: {  	s10 =	simm.s32 $0x40;
	v5 =	vld [tilespmem:s12+$0x0]  }
0x161: {  	v6 =	vld [tilespmem:s10+$0x30]  }
0x162: {  	v7 =	vld [tilespmem:s12+$0x10]  }
0x163: {  	v9 =	vld [tilespmem:s12+$0x20]  }
0x164: {  	v62 =	vld [tilespmem:s10+$0xFFFFFFD0]  }
0x165: {  	v63 =	vld [tilespmem:s10+$0xFFFFFFE0]  }
0x166: {  	v10 =	vld [tilespmem:s10+$0xFFFFFFF0]  }
0x167: {  	v11 =	vld [tilespmem:s10+$0x0]  }
0x168: {  	v12 =	vld [tilespmem:s10+$0x10]  }
0x169: {  	s11 =	simm.s32 $0x9D00;
	v13 =	vld [tilespmem:s10+$0x20]  }
0x16a: {  	v8 =	vld.idx.msk [tilespmem:v0+s11+$0x0], $0xffff  }
0x16b: {  	v0 =	vld.idx.msk [tilespmem:v1+s11+$0x0], $0xffff  }
0x16c: {  	v2 =	vld.idx.msk [tilespmem:v2+s11+$0x0], $0xffff  }
0x16d: {  	v3 =	vld.idx.msk [tilespmem:v3+s11+$0x0], $0xffff  }
0x16e: {  	v4 =	vld.idx.msk [tilespmem:v4+s11+$0x0], $0xffff  }
0x16f: {  	v5 =	vld.idx.msk [tilespmem:v5+s11+$0x0], $0xffff  }
0x170: {  	v61 =	vld.idx.msk [tilespmem:v7+s11+$0x0], $0xffff  }
0x171: {  	v9 =	vld.idx.msk [tilespmem:v9+s11+$0x0], $0xffff  }
0x172: {  	s12 =	simm.s32 $0xC500;
	v1 =	vld [tilespmem:s10+$0xFFFFFFC0]  }
0x173: {  	[tilespmem:v6+s12+$0x0] =	vst.idx.add.f32.msk $0xffff, v8  }
0x174: {  	[tilespmem:v62+s12+$0x0] =	vst.idx.add.f32.msk $0xffff, v2  }
0x175: {  	[tilespmem:v63+s12+$0x0] =	vst.idx.add.f32.msk $0xffff, v3  }
0x176: {  	[tilespmem:v10+s12+$0x0] =	vst.idx.add.f32.msk $0xffff, v4  }
0x177: {  	[tilespmem:v11+s12+$0x0] =	vst.idx.add.f32.msk $0xffff, v5  }
0x178: {  	[tilespmem:v12+s12+$0x0] =	vst.idx.add.f32.msk $0xffff, v61  }
0x179: {  	s13 =	simm.s32 $0x0;
	s14 =	simm.s32 $0x4F40;
	[tilespmem:v13+s12+$0x0] =	vst.idx.add.f32.msk $0xffff, v9  }
.LBB2_13:
0x17a: {  	v2 =	vld [tilespmem:s14+$0x30];
	s13 =	sadd.s32 $0x8, s13  }
0x17b: {  	v3 =	vld [tilespmem:s14+$0xFFFFFFC0];
	p0 =	slt.u32 s13, $0x4D8  }
0x17c: {  	v4 =	vld [tilespmem:s14+$0xFFFFFFD0]  }
0x17d: {  	v5 =	vld [tilespmem:s14+$0xFFFFFFE0]  }
0x17e: {  	v6 =	vld [tilespmem:s14+$0xFFFFFFF0]  }
0x17f: {  	s10 =	sadd.s32 $0x80, s10;
	v7 =	vld [tilespmem:s14+$0x0]  }
0x180: {  	v8 =	vld [tilespmem:s10+$0x30]  }
0x181: {  	v9 =	vld [tilespmem:s14+$0x10]  }
0x182: {  	v2 =	vld.idx.msk [tilespmem:v2+s11+$0x0], $0xffff  }
0x183: {  	v10 =	vld [tilespmem:s14+$0x20]  }
0x184: {  	v3 =	vld.idx.msk [tilespmem:v3+s11+$0x0], $0xffff  }
0x185: {  	v4 =	vld.idx.msk [tilespmem:v4+s11+$0x0], $0xffff  }
0x186: {  	v5 =	vld.idx.msk [tilespmem:v5+s11+$0x0], $0xffff  }
0x187: {  	v6 =	vld.idx.msk [tilespmem:v6+s11+$0x0], $0xffff  }
0x188: {  	[tilespmem:v8+s12+$0x0] =	vst.idx.add.f32.msk $0xffff, v2  }
0x189: {  	v2 =	vld.idx.msk [tilespmem:v7+s11+$0x0], $0xffff  }
0x18a: {  	v7 =	vld.idx.msk [tilespmem:v9+s11+$0x0], $0xffff  }
0x18b: {  	v8 =	vld.idx.msk [tilespmem:v10+s11+$0x0], $0xffff  }
0x18c: {  	v9 =	vld [tilespmem:s10+$0xFFFFFFD0]  }
0x18d: {  	v10 =	vld [tilespmem:s10+$0xFFFFFFE0]  }
0x18e: {  	v11 =	vld [tilespmem:s10+$0xFFFFFFF0]  }
0x18f: {  	v12 =	vld [tilespmem:s10+$0x0]  }
0x190: {  	v13 =	vld [tilespmem:s10+$0x10]  }
0x191: {  	v14 =	vld [tilespmem:s10+$0x20]  }
0x192: {  	v15 =	vld [tilespmem:s10+$0xFFFFFFC0]  }
0x193: {  	[tilespmem:v1+s12+$0x0] =	vst.idx.add.f32.msk $0xffff, v0;
	v0 =	vmov v3  }
0x194: {  	[tilespmem:v9+s12+$0x0] =	vst.idx.add.f32.msk $0xffff, v4  }
.Ltmp6:
0x195: {  	[tilespmem:v10+s12+$0x0] =	vst.idx.add.f32.msk $0xffff, v5;
	(pc) =	sbr.rel @p0 .LBB2_13-.Ltmp6, $4  }
0x196: {  	[tilespmem:v11+s12+$0x0] =	vst.idx.add.f32.msk $0xffff, v6  }
0x197: {  	[tilespmem:v12+s12+$0x0] =	vst.idx.add.f32.msk $0xffff, v2;
	v1 =	vmov v15  }
0x198: {  	[tilespmem:v13+s12+$0x0] =	vst.idx.add.f32.msk $0xffff, v7  }
0x199: {  	s14 =	sadd.s32 $0x80, s14;
	[tilespmem:v14+s12+$0x0] =	vst.idx.add.f32.msk $0xffff, v8  }
0x19a: {  	_ =	sdelay $0x3  }
0x19b: {  	[tilespmem:v1+s12+$0x0] =	vst.idx.add.f32.msk $0xffff, v0;
	s10 =	simm.s32 $0x0;
	s11 =	simm.s32 $0x9D00;
	s12 =	simm.s32 $0xC500  }
.LBB2_15:
0x19c: {  	s13 =	sshra.s32 s10, $0x2  }
0x19d: {  	v0 =	vld [tilespmem:s13+$0x9C80];
	_ =	sdelay $0x4  }
0x19e: {  	v1 =	vld [tilespmem:s13+$0x4E00];
	_ =	sdelay $0x2  }
0x19f: {  	p0 =	sne.s32 s10, $0x40;
	v0 =	vld.idx.msk [tilespmem:v0+s11+$0x0], $0xffff  }
.Ltmp7:
0x1a0: {  	_ = 	snop;
	(pc) =	sbr.rel @p0 .LBB2_15-.Ltmp7, $2  }
0x1a1: {  	_ =	sdelay $0x2  }
0x1a2: {  	s10 =	sadd.s32 $0x40, s10;
	[tilespmem:v1+s12+$0x0] =	vst.idx.add.f32.msk $0xffff, v0  }
0x1a3: {  	s10 =	simm.s32 $0x80  }
0x1a4: {  	s11 =	simm.s32 $0x400;
	s12 =	simm.s32 $0xC500;
	s31 =	simm.s32 $0x1  }
0x1a5: {  	[spmem:s4] =	stream.strided.scatter [tilespmem:s12], [sflag:$0x1], $0x2800, s11, s10, $0x38;
	[tilespmem:$0x16C80] =	vst v63  }
0x1a6: {  	_ =	swait.ge [sflag:s31], $0x2800  }
0x1a7: {  	[sflag:s31] =	ssyncset.done $0x0  }
0x1a8: {  	s15 =	simm.s32 $0x1400;
	s16 =	simm.s32 $0x14000;
	[sflag:s31] =	ssyncadd.s32 $0xFFFFD800  }
0x1a9: {  	s13 =	simm.s32 $0x11A00;
	s17 =	simm.s32 $0x0;
	[bflag:$0x0] =	sbarrier.arrive $0xFFFF  }
0x1aa: {  	[tilespmem:s13], [sflag:$0x1] =	stream.strided.gather [spmem:s5], $0x2800, s16, s15, $0x38;
	[tilespmem:$0x16C80] =	vst v63  }
0x1ab: {  	s18 =	simm.s32 $0x10;
	s12 =	sand.u32 $0x1C00, s17;
	_ =	swait.ge [sflag:s31], $0x2800  }
0x1ac: {  	s11 =	sand.u32 $0x70, s18;
	s14 =	sadd.s32 $0x11A00, s12;
	[sflag:s31] =	ssyncset.done $0x0  }
0x1ad: {  	s15 =	sor.u32 s11, s14;
	[sflag:s31] =	ssyncadd.s32 $0xFFFFD800  }
0x1ae: {  	v0 =	vld [tilespmem:s15+$0x0]  }
0x1af: {  	v1 =	vld [tilespmem:s15+$0x80];
	_ =	sdelay $0x1  }
0x1b0: {  	s10 =	sand.u32 $0x60, s17;
	v2 =	vld [tilespmem:s15+$0x100]  }
0x1b1: {  	s13 =	sor.u32 s10, s14;
	v3 =	vld [tilespmem:s15+$0x180]  }
0x1b2: {  	v4 =	vld [tilespmem:s13+$0x0]  }
0x1b3: {  	v5 =	vld [tilespmem:s13+$0x80];
	v0 =	vadd.f32 v1, v0  }
0x1b4: {  	v1 =	vld [tilespmem:s15+$0x200]  }
0x1b5: {  	v6 =	vld [tilespmem:s13+$0x100];
	v0 =	vadd.f32 v2, v0  }
0x1b6: {  	v2 =	vld [tilespmem:s15+$0x280]  }
0x1b7: {  	v7 =	vld [tilespmem:s13+$0x180];
	v0 =	vadd.f32 v3, v0  }
0x1b8: {  	v3 =	vld [tilespmem:s15+$0x300]  }
0x1b9: {  	v8 =	vld [tilespmem:s13+$0x200];
	v0 =	vadd.f32 v1, v0  }
0x1ba: {  	s19 =	sadd.s32 $0x12E00, s12;
	v1 =	vld [tilespmem:s15+$0x380]  }
0x1bb: {  	s20 =	sor.u32 s11, s19;
	v9 =	vld [tilespmem:s13+$0x280];
	v0 =	vadd.f32 v2, v0  }
0x1bc: {  	s16 =	sadd.s32 $0x12E80, s12;
	v2 =	vld [tilespmem:s20+$0x0]  }
0x1bd: {  	s21 =	sor.u32 s11, s16;
	v10 =	vld [tilespmem:s13+$0x300];
	v0 =	vadd.f32 v3, v0  }
0x1be: {  	s17 =	sadd.s32 $0x12F00, s12;
	v3 =	vld [tilespmem:s21+$0x0]  }
0x1bf: {  	s22 =	sor.u32 s11, s17;
	v11 =	vld [tilespmem:s13+$0x380];
	v0 =	vadd.f32 v1, v0  }
0x1c0: {  	s18 =	sadd.s32 $0x12F80, s12;
	s14 =	sor.u32 s10, s19;
	v1 =	vld [tilespmem:s22+$0x0]  }
0x1c1: {  	s23 =	sor.u32 s11, s18;
	v12 =	vld [tilespmem:s14+$0x0];
	v0 =	vadd.f32 v2, v0  }
0x1c2: {  	s24 =	sadd.s32 $0x13000, s12;
	s26 =	sor.u32 s10, s16;
	v2 =	vld [tilespmem:s23+$0x0]  }
0x1c3: {  	s25 =	sor.u32 s11, s24;
	v13 =	vld [tilespmem:s26+$0x0];
	v0 =	vadd.f32 v3, v0  }
0x1c4: {  	s28 =	sadd.s32 $0x13080, s12;
	s30 =	sor.u32 s10, s17;
	v3 =	vld [tilespmem:s25+$0x0]  }
0x1c5: {  	s29 =	sor.u32 s11, s28;
	v14 =	vld [tilespmem:s30+$0x0];
	v0 =	vadd.f32 v1, v0  }
0x1c6: {  	s31 =	sadd.s32 $0x13100, s12;
	s15 =	sor.u32 s10, s24;
	v1 =	vld [tilespmem:s29+$0x0]  }
0x1c7: {  	s19 =	sor.u32 s11, s31;
	v16 =	vld [tilespmem:s15+$0x0];
	v0 =	vadd.f32 v2, v0  }
0x1c8: {  	s12 =	sadd.s32 $0x13180, s12;
	s24 =	sor.u32 s10, s28;
	v2 =	vld [tilespmem:s19+$0x0]  }
0x1c9: {  	v17 =	vld [tilespmem:s24+$0x0];
	s21 =	sadd.s32 $0x0, s8;
	s22 =	sor.u32 s11, s12;
	v0 =	vadd.f32 v3, v0  }
0x1ca: {  	s20 =	sor.u32 s10, s18;
	s13 =	sand.u32 $0x7F80, s21;
	v3 =	vld [tilespmem:s22+$0x0]  }
0x1cb: {  	v15 =	vld [tilespmem:s20+$0x0];
	s23 =	sor.u32 s11, s13;
	v0 =	vadd.f32 v1, v0  }
0x1cc: {  	s25 =	sor.u32 s10, s31;
	v1 =	vld [tilespmem:s23+$0x9D00]  }
0x1cd: {  	v18 =	vld [tilespmem:s25+$0x0];
	v0 =	vadd.f32 v2, v0  }
0x1ce: {  	s26 =	simm.s32 $0x100;
	s12 =	sor.u32 s10, s12;
	s10 =	sor.u32 s10, s13;
	v2 =	vld [tilespmem:s23+$0xED00]  }
0x1cf: {  	s28 =	simm.s32 $0x30;
	s13 =	sand.u32 $0x1C00, s26;
	v19 =	vld [tilespmem:s10+$0x9D00];
	v0 =	vadd.f32 v3, v0  }
0x1d0: {  	s29 =	sadd.s32 $0x11A00, s13;
	v3 =	vld [tilespmem:s12+$0x0];
	s12 =	sand.u32 $0x70, s28  }
0x1d1: {  	s30 =	sor.u32 s12, s29;
	v0 =	vadd.f32 v1, v0;
	v1 =	vadd.f32 v5, v4;
	v4 =	vld [tilespmem:s10+$0xED00]  }
0x1d2: {  	v5 =	vld [tilespmem:s30+$0x0]  }
0x1d3: {  	s31 =	simm.s32 $0x20;
	v20 =	vmul.f32 v0, v2;
	v0 =	vadd.f32 v6, v1;
	v1 =	vld [tilespmem:s30+$0x80]  }
0x1d4: {  	s14 =	sand.u32 $0x60, s31;
	v52 =	vld [tilespmem:s30+$0x200]  }
0x1d5: {  	s16 =	sor.u32 s14, s29;
	v2 =	vld [tilespmem:s30+$0x100];
	v0 =	vadd.f32 v7, v0  }
0x1d6: {  	v7 =	vld [tilespmem:s16+$0x0]  }
0x1d7: {  	v0 =	vadd.f32 v8, v0;
	v8 =	vld [tilespmem:s30+$0x180]  }
0x1d8: {  	v1 =	vadd.f32 v1, v5;
	v5 =	vld [tilespmem:s16+$0x80]  }
0x1d9: {  	v53 =	vld [tilespmem:s30+$0x280]  }
0x1da: {  	v0 =	vadd.f32 v9, v0;
	v1 =	vadd.f32 v2, v1;
	v2 =	vld [tilespmem:s16+$0x100]  }
0x1db: {  	v54 =	vld [tilespmem:s30+$0x300]  }
0x1dc: {  	v0 =	vadd.f32 v10, v0;
	v1 =	vadd.f32 v8, v1;
	v8 =	vld [tilespmem:s16+$0x180]  }
0x1dd: {  	s18 =	sadd.s32 $0x12E00, s13;
	v55 =	vld [tilespmem:s30+$0x380];
	v5 =	vadd.f32 v5, v7  }
0x1de: {  	s20 =	sor.u32 s12, s18;
	v0 =	vadd.f32 v11, v0;
	v7 =	vld [tilespmem:s16+$0x200];
	v1 =	vadd.f32 v52, v1  }
0x1df: {  	s21 =	sadd.s32 $0x12E80, s13;
	v56 =	vld [tilespmem:s20+$0x0];
	v2 =	vadd.f32 v2, v5  }
0x1e0: {  	s22 =	sor.u32 s12, s21;
	v0 =	vadd.f32 v12, v0;
	v5 =	vld [tilespmem:s16+$0x280];
	v1 =	vadd.f32 v53, v1  }
0x1e1: {  	s11 =	simm.s32 $0x11510;
	v57 =	vld [tilespmem:s22+$0x0];
	v2 =	vadd.f32 v8, v2  }
0x1e2: {  	[tilespmem:s11+$0x0] =	vst v20;
	v0 =	vadd.f32 v13, v0;
	v8 =	vld [tilespmem:s16+$0x300];
	v1 =	vadd.f32 v54, v1  }
0x1e3: {  	s19 =	sadd.s32 $0x12F00, s13;
	v6 =	vld [tilespmem:s23+$0xED00];
	v2 =	vadd.f32 v7, v2  }
0x1e4: {  	s23 =	sor.u32 s12, s19;
	v0 =	vadd.f32 v14, v0;
	v7 =	vld [tilespmem:s16+$0x380];
	v1 =	vadd.f32 v55, v1  }
0x1e5: {  	s24 =	sadd.s32 $0x12F80, s13;
	s15 =	sor.u32 s14, s18;
	v58 =	vld [tilespmem:s23+$0x0];
	v2 =	vadd.f32 v5, v2  }
0x1e6: {  	s25 =	sor.u32 s12, s24;
	v0 =	vadd.f32 v15, v0;
	v5 =	vld [tilespmem:s15+$0x0];
	v1 =	vadd.f32 v56, v1  }
0x1e7: {  	s26 =	sor.u32 s14, s21;
	s28 =	sadd.s32 $0x13000, s13;
	v59 =	vld [tilespmem:s25+$0x0];
	v2 =	vadd.f32 v8, v2  }
0x1e8: {  	s29 =	sor.u32 s12, s28;
	v0 =	vadd.f32 v16, v0;
	v8 =	vld [tilespmem:s26+$0x0];
	v1 =	vadd.f32 v57, v1  }
0x1e9: {  	s31 =	sadd.s32 $0x13080, s13;
	v60 =	vld [tilespmem:s29+$0x0];
	s30 =	sor.u32 s14, s19;
	v2 =	vadd.f32 v7, v2  }
0x1ea: {  	s20 =	sor.u32 s12, s31;
	v0 =	vadd.f32 v17, v0;
	v7 =	vld [tilespmem:s30+$0x0];
	v1 =	vadd.f32 v58, v1  }
0x1eb: {  	s21 =	sor.u32 s14, s24;
	s22 =	sadd.s32 $0x13100, s13;
	v61 =	vld [tilespmem:s20+$0x0];
	v2 =	vadd.f32 v5, v2  }
0x1ec: {  	s23 =	sor.u32 s12, s22;
	v0 =	vadd.f32 v18, v0;
	v5 =	vld [tilespmem:s21+$0x0];
	v1 =	vadd.f32 v59, v1  }
0x1ed: {  	s24 =	sor.u32 s14, s28;
	s25 =	sadd.s32 $0x13180, s13;
	v62 =	vld [tilespmem:s23+$0x0];
	v2 =	vadd.f32 v8, v2  }
0x1ee: {  	s28 =	sor.u32 s12, s25;
	s26 =	sadd.s32 $0x20, s8;
	v0 =	vadd.f32 v3, v0;
	v8 =	vld [tilespmem:s24+$0x0];
	v1 =	vadd.f32 v60, v1  }
0x1ef: {  	s29 =	sor.u32 s14, s31;
	v63 =	vld [tilespmem:s28+$0x0];
	s20 =	sand.u32 $0x7F80, s26;
	v3 =	vadd.f32 v7, v2  }
0x1f0: {  	s19 =	sor.u32 s12, s20;
	v0 =	vadd.f32 v19, v0;
	v2 =	vld [tilespmem:s29+$0x0];
	v7 =	vadd.f32 v61, v1  }
0x1f1: {  	v6 =	vmul.f32 v20, v6;
	s30 =	sor.u32 s14, s22;
	v1 =	vld [tilespmem:s19+$0x9D00];
	v5 =	vadd.f32 v5, v3  }
0x1f2: {  	s12 =	simm.s32 $0x11790;
	v0 =	vmul.f32 v0, v4;
	v3 =	vld [tilespmem:s30+$0x0];
	v9 =	vadd.f32 v62, v7  }
0x1f3: {  	s13 =	simm.s32 $0x2;
	s31 =	sor.u32 s14, s25;
	[tilespmem:s12+$0x0] =	vst v6;
	v4 =	vld [tilespmem:s19+$0xED00];
	v7 =	vadd.f32 v8, v5  }
0x1f4: {  	s15 =	simm.s32 $0x40;
	s21 =	sor.u32 s14, s20;
	s14 =	simm.s32 $0x200;
	[tilespmem:s11+$0xFFFFFFF0] =	vst v0;
	v5 =	vld [tilespmem:s31+$0x0];
	v6 =	vadd.f32 v63, v9  }
.LBB2_17:
0x1f5: {  	s16 =	sand.u32 $0x60, s15;
	s18 =	sand.u32 $0x1C00, s14;
	s17 =	sadd.s32 $0x10, s15;
	v2 =	vadd.f32 v2, v7;
	v7 =	vld [tilespmem:s21+$0x9D00]  }
0x1f6: {  	s13 =	sadd.s32 $0x2, s13;
	s22 =	sadd.s32 $0x11A00, s18;
	s17 =	sand.u32 $0x70, s17;
	v8 =	vld [tilespmem:s21+$0xED00];
	v1 =	vadd.f32 v1, v6  }
0x1f7: {  	p0 =	slt.u32 s13, $0x26;
	s20 =	sor.u32 s16, s22;
	s22 =	sor.u32 s17, s22;
	v2 =	vadd.f32 v3, v2;
	v3 =	vld [tilespmem:s10+$0xED00]  }
0x1f8: {  	s10 =	smov.u32 s21;
	v6 =	vld [tilespmem:s22+$0x0];
	v1 =	vmul.f32 v1, v4  }
0x1f9: {  	s11 =	sadd.s32 $0x20, s11;
	v4 =	vld [tilespmem:s22+$0x80];
	v2 =	vadd.f32 v5, v2  }
0x1fa: {  	v5 =	vld [tilespmem:s22+$0x100];
	[tilespmem:s11+$0x0] =	vst v1  }
0x1fb: {  	v2 =	vadd.f32 v7, v2;
	v7 =	vld [tilespmem:s19+$0xED00]  }
0x1fc: {  	v9 =	vld [tilespmem:s20+$0x0];
	v3 =	vmul.f32 v0, v3  }
0x1fd: {  	v10 =	vld [tilespmem:s22+$0x180];
	v0 =	vmul.f32 v2, v8  }
0x1fe: {  	v2 =	vld [tilespmem:s20+$0x80];
	v4 =	vadd.f32 v4, v6;
	[tilespmem:s12+$0xFFFFFFF0] =	vst v3  }
0x1ff: {  	v3 =	vld [tilespmem:s22+$0x200];
	[tilespmem:s11+$0xFFFFFFF0] =	vst v0  }
0x200: {  	v6 =	vld [tilespmem:s20+$0x100];
	v4 =	vadd.f32 v5, v4;
	v1 =	vmul.f32 v1, v7  }
0x201: {  	s12 =	sadd.s32 $0x20, s12;
	v5 =	vld [tilespmem:s22+$0x280]  }
0x202: {  	v7 =	vld [tilespmem:s20+$0x180];
	v4 =	vadd.f32 v10, v4;
	[tilespmem:s12+$0x0] =	vst v1  }
0x203: {  	v1 =	vadd.f32 v2, v9;
	v2 =	vld [tilespmem:s22+$0x300]  }
0x204: {  	v8 =	vld [tilespmem:s20+$0x200];
	v3 =	vadd.f32 v3, v4  }
0x205: {  	s19 =	sadd.s32 $0x12E00, s18;
	v1 =	vadd.f32 v6, v1;
	v4 =	vld [tilespmem:s22+$0x380]  }
0x206: {  	s21 =	sor.u32 s16, s19;
	s19 =	sor.u32 s17, s19;
	v6 =	vld [tilespmem:s20+$0x280];
	v3 =	vadd.f32 v5, v3  }
0x207: {  	s22 =	sadd.s32 $0x12E80, s18;
	v1 =	vadd.f32 v7, v1;
	v5 =	vld [tilespmem:s19+$0x0]  }
0x208: {  	s19 =	sor.u32 s16, s22;
	s22 =	sor.u32 s17, s22;
	v7 =	vld [tilespmem:s20+$0x300];
	v2 =	vadd.f32 v2, v3  }
0x209: {  	s23 =	sadd.s32 $0x12F00, s18;
	v1 =	vadd.f32 v8, v1;
	v3 =	vld [tilespmem:s22+$0x0]  }
0x20a: {  	s22 =	sor.u32 s17, s23;
	v8 =	vld [tilespmem:s20+$0x380];
	s20 =	sor.u32 s16, s23;
	v2 =	vadd.f32 v4, v2  }
0x20b: {  	s23 =	sadd.s32 $0x12F80, s18;
	v1 =	vadd.f32 v6, v1;
	v4 =	vld [tilespmem:s22+$0x0]  }
0x20c: {  	s22 =	sor.u32 s17, s23;
	v6 =	vld [tilespmem:s21+$0x0];
	s21 =	sor.u32 s16, s23;
	v2 =	vadd.f32 v5, v2  }
0x20d: {  	s23 =	sadd.s32 $0x13000, s18;
	v1 =	vadd.f32 v7, v1;
	v5 =	vld [tilespmem:s22+$0x0]  }
0x20e: {  	s22 =	sor.u32 s17, s23;
	v7 =	vld [tilespmem:s19+$0x0];
	s19 =	sor.u32 s16, s23;
	v2 =	vadd.f32 v3, v2  }
0x20f: {  	s23 =	sadd.s32 $0x13080, s18;
	v1 =	vadd.f32 v8, v1;
	v3 =	vld [tilespmem:s22+$0x0]  }
0x210: {  	s22 =	sor.u32 s17, s23;
	v8 =	vld [tilespmem:s20+$0x0];
	s20 =	sor.u32 s16, s23;
	v2 =	vadd.f32 v4, v2  }
0x211: {  	s23 =	sadd.s32 $0x13100, s18;
	v1 =	vadd.f32 v6, v1;
	v4 =	vld [tilespmem:s22+$0x0]  }
0x212: {  	s22 =	sor.u32 s16, s23;
	v6 =	vld [tilespmem:s21+$0x0];
	v2 =	vadd.f32 v5, v2;
	s21 =	sor.u32 s17, s23  }
0x213: {  	s18 =	sadd.s32 $0x13180, s18;
	v1 =	vadd.f32 v7, v1;
	v5 =	vld [tilespmem:s21+$0x0]  }
0x214: {  	s23 =	sor.u32 s16, s18;
	s18 =	sor.u32 s17, s18;
	v7 =	vld [tilespmem:s19+$0x0];
	s19 =	sadd.s32 s15, s8;
	v3 =	vadd.f32 v3, v2  }
0x215: {  	v1 =	vadd.f32 v8, v1;
	s19 =	sand.u32 $0x7F80, s19;
	v8 =	vld [tilespmem:s18+$0x0]  }
.Ltmp8:
0x216: {  	v2 =	vld [tilespmem:s20+$0x0];
	s21 =	sor.u32 s16, s19;
	v4 =	vadd.f32 v4, v3;
	s19 =	sor.u32 s17, s19;
	(pc) =	sbr.rel @p0 .LBB2_17-.Ltmp8, $4  }
0x217: {  	v6 =	vadd.f32 v6, v1;
	v1 =	vld [tilespmem:s19+$0x9D00]  }
0x218: {  	v3 =	vld [tilespmem:s22+$0x0];
	v9 =	vadd.f32 v5, v4  }
0x219: {  	v7 =	vadd.f32 v7, v6;
	v4 =	vld [tilespmem:s19+$0xED00]  }
0x21a: {  	s14 =	sadd.s32 $0x100, s14;
	s15 =	sadd.s32 $0x20, s15;
	v5 =	vld [tilespmem:s23+$0x0];
	v6 =	vadd.f32 v8, v9  }
0x21b: {  	v2 =	vadd.f32 v2, v7  }
0x21c: {  	v61 =	vld [tilespmem:s21+$0x9D00]  }
0x21d: {  	v2 =	vadd.f32 v3, v2  }
0x21e: {  	v3 =	vld [tilespmem:s21+$0xED00]  }
0x21f: {  	v2 =	vadd.f32 v5, v2  }
0x220: {  	v1 =	vadd.f32 v1, v6  }
0x221: {  	v2 =	vadd.f32 v61, v2  }
0x222: {  	v1 =	vmul.f32 v1, v4  }
0x223: {  	s11 =	sadd.s32 $0x20, s11;
	v2 =	vmul.f32 v2, v3  }
0x224: {  	[tilespmem:s11+$0x0] =	vst v1;
	v3 =	vld [tilespmem:s10+$0xED00]  }
0x225: {  	v62 =	vld [tilespmem:s19+$0xED00];
	[tilespmem:s11+$0xFFFFFFF0] =	vst v2  }
0x226: {  	v63 =	vld [tilespmem:s21+$0xED00];
	_ =	sdelay $0x2  }
0x227: {  	v0 =	vmul.f32 v0, v3  }
0x228: {  	v1 =	vmul.f32 v1, v62  }
0x229: {  	s25 =	sadd.s32 $0x20, s12;
	[tilespmem:s12+$0xFFFFFFF0] =	vst v0;
	v0 =	vmul.f32 v2, v63  }
0x22a: {  	s26 =	simm.s32 $0x0;
	s10 =	sshrl.u32 s8, $0x3;
	[tilespmem:s25+$0x0] =	vst v1  }
0x22b: {  	s28 =	simm.s32 $0x11500;
	s29 =	simm.s32 $0x1;
	s9 =	sadd.s32 s9, s10;
	[tilespmem:s25+$0xFFFFFFF0] =	vst v0  }
0x22c: {  	[hbm4b:s9+s26] =	stream.linear.scatter [tilespmem:s28], [sflag:$0x1], $0x280, $0x38;
	[tilespmem:$0x16C80] =	vst v63  }
0x22d: {  	_ =	swait.ge [sflag:s29], $0x280  }
0x22e: {  	[sflag:s29] =	ssyncset.done $0x0  }
0x22f: {  	s30 =	simm.s32 $0x11780;
	[sflag:s29] =	ssyncadd.s32 $0xFFFFFD80  }
0x230: {  	[spmem:s7] =	stream.linear.scatter [tilespmem:s30], [sflag:$0x1], $0x280, $0x38;
	[tilespmem:$0x16C80] =	vst v63  }
0x231: {  	_ =	swait.ge [sflag:s29], $0x280  }
0x232: {  	[sflag:s29] =	ssyncset.done $0x0  }
0x233: {  	[sflag:s29] =	ssyncadd.s32 $0xFFFFFD80  }
0x234: {  	s31 =	simm.s32 $0x9D00;
	[bflag:$0x0] =	sbarrier.arrive $0xFFFF  }
0x235: {  	[tilespmem:s31], [sflag:$0x1] =	stream.linear.gather [spmem:s2], $0x2800, $0x38;
	[tilespmem:$0x16C80] =	vst v63  }
0x236: {  	_ =	swait.ge [sflag:s29], $0x2800  }
0x237: {  	[sflag:s29] =	ssyncset.done $0x0  }
0x238: {  	v0 =	vimm.f32 $0.0e+00;
	s9 =	simm.s32 $0xC540;
	[sflag:s29] =	ssyncadd.s32 $0xFFFFD800  }
0x239: {  	[tilespmem:s9+$0xFFFFFFC0] =	vst v0  }
0x23a: {  	[tilespmem:s9+$0x30] =	vst v0  }
0x23b: {  	[tilespmem:s9+$0x20] =	vst v0  }
0x23c: {  	[tilespmem:s9+$0x10] =	vst v0  }
0x23d: {  	[tilespmem:s9+$0x0] =	vst v0  }
0x23e: {  	[tilespmem:s9+$0xFFFFFFF0] =	vst v0  }
0x23f: {  	s11 =	simm.s32 $0x0;
	[tilespmem:s9+$0xFFFFFFE0] =	vst v0  }
.LBB2_19:
0x240: {  	s11 =	sadd.s32 $0x8, s11;
	[tilespmem:s9+$0xFFFFFFD0] =	vst v0;
	s9 =	sadd.s32 $0x80, s9  }
0x241: {  	[tilespmem:s9+$0xFFFFFFC0] =	vst v0;
	p0 =	slt.u32 s11, $0x278  }
0x242: {  	[tilespmem:s9+$0x30] =	vst v0  }
.Ltmp9:
0x243: {  	[tilespmem:s9+$0x20] =	vst v0;
	(pc) =	sbr.rel @p0 .LBB2_19-.Ltmp9, $4  }
0x244: {  	[tilespmem:s9+$0x10] =	vst v0  }
0x245: {  	[tilespmem:s9+$0x0] =	vst v0  }
0x246: {  	[tilespmem:s9+$0xFFFFFFF0] =	vst v0  }
0x247: {  	[tilespmem:s9+$0xFFFFFFE0] =	vst v0  }
0x248: {  	[tilespmem:s9+$0xFFFFFFD0] =	vst v0;
	s12 =	simm.s32 $0x4EC0  }
0x249: {  	v0 =	vld [tilespmem:s12+$0x30]  }
0x24a: {  	v1 =	vld [tilespmem:s12+$0xFFFFFFC0]  }
0x24b: {  	v2 =	vld [tilespmem:s12+$0xFFFFFFD0]  }
0x24c: {  	v3 =	vld [tilespmem:s12+$0xFFFFFFE0]  }
0x24d: {  	v4 =	vld [tilespmem:s12+$0xFFFFFFF0]  }
0x24e: {  	s9 =	simm.s32 $0x40;
	v5 =	vld [tilespmem:s12+$0x0]  }
0x24f: {  	v6 =	vld [tilespmem:s9+$0x30]  }
0x250: {  	v7 =	vld [tilespmem:s12+$0x10]  }
0x251: {  	v9 =	vld [tilespmem:s12+$0x20]  }
0x252: {  	v62 =	vld [tilespmem:s9+$0xFFFFFFD0]  }
0x253: {  	v63 =	vld [tilespmem:s9+$0xFFFFFFE0]  }
0x254: {  	v10 =	vld [tilespmem:s9+$0xFFFFFFF0]  }
0x255: {  	v11 =	vld [tilespmem:s9+$0x0]  }
0x256: {  	v12 =	vld [tilespmem:s9+$0x10]  }
0x257: {  	s11 =	simm.s32 $0x9D00;
	v13 =	vld [tilespmem:s9+$0x20]  }
0x258: {  	v8 =	vld.idx.msk [tilespmem:v0+s11+$0x0], $0xffff  }
0x259: {  	v0 =	vld.idx.msk [tilespmem:v1+s11+$0x0], $0xffff  }
0x25a: {  	v2 =	vld.idx.msk [tilespmem:v2+s11+$0x0], $0xffff  }
0x25b: {  	v3 =	vld.idx.msk [tilespmem:v3+s11+$0x0], $0xffff  }
0x25c: {  	v4 =	vld.idx.msk [tilespmem:v4+s11+$0x0], $0xffff  }
0x25d: {  	v5 =	vld.idx.msk [tilespmem:v5+s11+$0x0], $0xffff  }
0x25e: {  	v61 =	vld.idx.msk [tilespmem:v7+s11+$0x0], $0xffff  }
0x25f: {  	v9 =	vld.idx.msk [tilespmem:v9+s11+$0x0], $0xffff  }
0x260: {  	s12 =	simm.s32 $0xC500;
	v1 =	vld [tilespmem:s9+$0xFFFFFFC0]  }
0x261: {  	[tilespmem:v6+s12+$0x0] =	vst.idx.add.f32.msk $0xffff, v8  }
0x262: {  	[tilespmem:v62+s12+$0x0] =	vst.idx.add.f32.msk $0xffff, v2  }
0x263: {  	[tilespmem:v63+s12+$0x0] =	vst.idx.add.f32.msk $0xffff, v3  }
0x264: {  	[tilespmem:v10+s12+$0x0] =	vst.idx.add.f32.msk $0xffff, v4  }
0x265: {  	[tilespmem:v11+s12+$0x0] =	vst.idx.add.f32.msk $0xffff, v5  }
0x266: {  	[tilespmem:v12+s12+$0x0] =	vst.idx.add.f32.msk $0xffff, v61  }
0x267: {  	s13 =	simm.s32 $0x0;
	s14 =	simm.s32 $0x4F40;
	[tilespmem:v13+s12+$0x0] =	vst.idx.add.f32.msk $0xffff, v9  }
.LBB2_21:
0x268: {  	v2 =	vld [tilespmem:s14+$0x30];
	s13 =	sadd.s32 $0x8, s13  }
0x269: {  	v3 =	vld [tilespmem:s14+$0xFFFFFFC0];
	p0 =	slt.u32 s13, $0x4D8  }
0x26a: {  	v4 =	vld [tilespmem:s14+$0xFFFFFFD0]  }
0x26b: {  	v5 =	vld [tilespmem:s14+$0xFFFFFFE0]  }
0x26c: {  	v6 =	vld [tilespmem:s14+$0xFFFFFFF0]  }
0x26d: {  	s9 =	sadd.s32 $0x80, s9;
	v7 =	vld [tilespmem:s14+$0x0]  }
0x26e: {  	v8 =	vld [tilespmem:s9+$0x30]  }
0x26f: {  	v9 =	vld [tilespmem:s14+$0x10]  }
0x270: {  	v2 =	vld.idx.msk [tilespmem:v2+s11+$0x0], $0xffff  }
0x271: {  	v10 =	vld [tilespmem:s14+$0x20]  }
0x272: {  	v3 =	vld.idx.msk [tilespmem:v3+s11+$0x0], $0xffff  }
0x273: {  	v4 =	vld.idx.msk [tilespmem:v4+s11+$0x0], $0xffff  }
0x274: {  	v5 =	vld.idx.msk [tilespmem:v5+s11+$0x0], $0xffff  }
0x275: {  	v6 =	vld.idx.msk [tilespmem:v6+s11+$0x0], $0xffff  }
0x276: {  	[tilespmem:v8+s12+$0x0] =	vst.idx.add.f32.msk $0xffff, v2  }
0x277: {  	v2 =	vld.idx.msk [tilespmem:v7+s11+$0x0], $0xffff  }
0x278: {  	v7 =	vld.idx.msk [tilespmem:v9+s11+$0x0], $0xffff  }
0x279: {  	v8 =	vld.idx.msk [tilespmem:v10+s11+$0x0], $0xffff  }
0x27a: {  	v9 =	vld [tilespmem:s9+$0xFFFFFFD0]  }
0x27b: {  	v10 =	vld [tilespmem:s9+$0xFFFFFFE0]  }
0x27c: {  	v11 =	vld [tilespmem:s9+$0xFFFFFFF0]  }
0x27d: {  	v12 =	vld [tilespmem:s9+$0x0]  }
0x27e: {  	v13 =	vld [tilespmem:s9+$0x10]  }
0x27f: {  	v14 =	vld [tilespmem:s9+$0x20]  }
0x280: {  	v15 =	vld [tilespmem:s9+$0xFFFFFFC0]  }
0x281: {  	[tilespmem:v1+s12+$0x0] =	vst.idx.add.f32.msk $0xffff, v0;
	v0 =	vmov v3  }
0x282: {  	[tilespmem:v9+s12+$0x0] =	vst.idx.add.f32.msk $0xffff, v4  }
.Ltmp10:
0x283: {  	[tilespmem:v10+s12+$0x0] =	vst.idx.add.f32.msk $0xffff, v5;
	(pc) =	sbr.rel @p0 .LBB2_21-.Ltmp10, $4  }
0x284: {  	[tilespmem:v11+s12+$0x0] =	vst.idx.add.f32.msk $0xffff, v6  }
0x285: {  	[tilespmem:v12+s12+$0x0] =	vst.idx.add.f32.msk $0xffff, v2;
	v1 =	vmov v15  }
0x286: {  	[tilespmem:v13+s12+$0x0] =	vst.idx.add.f32.msk $0xffff, v7  }
0x287: {  	s14 =	sadd.s32 $0x80, s14;
	[tilespmem:v14+s12+$0x0] =	vst.idx.add.f32.msk $0xffff, v8  }
0x288: {  	_ =	sdelay $0x3  }
0x289: {  	[tilespmem:v1+s12+$0x0] =	vst.idx.add.f32.msk $0xffff, v0;
	s9 =	simm.s32 $0x0;
	s11 =	simm.s32 $0x9D00;
	s12 =	simm.s32 $0xC500  }
.LBB2_23:
0x28a: {  	s13 =	sshra.s32 s9, $0x2  }
0x28b: {  	v0 =	vld [tilespmem:s13+$0x9C80];
	_ =	sdelay $0x4  }
0x28c: {  	v1 =	vld [tilespmem:s13+$0x4E00];
	_ =	sdelay $0x2  }
0x28d: {  	p0 =	sne.s32 s9, $0x40;
	v0 =	vld.idx.msk [tilespmem:v0+s11+$0x0], $0xffff  }
.Ltmp11:
0x28e: {  	_ = 	snop;
	(pc) =	sbr.rel @p0 .LBB2_23-.Ltmp11, $2  }
0x28f: {  	_ =	sdelay $0x2  }
0x290: {  	s9 =	sadd.s32 $0x40, s9;
	[tilespmem:v1+s12+$0x0] =	vst.idx.add.f32.msk $0xffff, v0  }
0x291: {  	s9 =	simm.s32 $0x80  }
0x292: {  	s11 =	simm.s32 $0x400;
	s12 =	simm.s32 $0xC500;
	s31 =	simm.s32 $0x1  }
0x293: {  	[spmem:s4] =	stream.strided.scatter [tilespmem:s12], [sflag:$0x1], $0x2800, s11, s9, $0x38;
	[tilespmem:$0x16C80] =	vst v63  }
0x294: {  	_ =	swait.ge [sflag:s31], $0x2800  }
0x295: {  	[sflag:s31] =	ssyncset.done $0x0  }
0x296: {  	s15 =	simm.s32 $0x1400;
	s16 =	simm.s32 $0x14000;
	[sflag:s31] =	ssyncadd.s32 $0xFFFFD800  }
0x297: {  	s13 =	simm.s32 $0x11A00;
	s17 =	simm.s32 $0x0;
	[bflag:$0x0] =	sbarrier.arrive $0xFFFF  }
0x298: {  	[tilespmem:s13], [sflag:$0x1] =	stream.strided.gather [spmem:s5], $0x2800, s16, s15, $0x38;
	[tilespmem:$0x16C80] =	vst v63  }
0x299: {  	s18 =	simm.s32 $0x10;
	s12 =	sand.u32 $0x1C00, s17;
	_ =	swait.ge [sflag:s31], $0x2800  }
0x29a: {  	s11 =	sand.u32 $0x70, s18;
	s14 =	sadd.s32 $0x11A00, s12;
	[sflag:s31] =	ssyncset.done $0x0  }
0x29b: {  	s15 =	sor.u32 s11, s14;
	[sflag:s31] =	ssyncadd.s32 $0xFFFFD800  }
0x29c: {  	v0 =	vld [tilespmem:s15+$0x0]  }
0x29d: {  	v1 =	vld [tilespmem:s15+$0x80];
	_ =	sdelay $0x1  }
0x29e: {  	s9 =	sand.u32 $0x60, s17;
	v2 =	vld [tilespmem:s15+$0x100]  }
0x29f: {  	s13 =	sor.u32 s9, s14;
	v3 =	vld [tilespmem:s15+$0x180]  }
0x2a0: {  	v4 =	vld [tilespmem:s13+$0x0]  }
0x2a1: {  	v5 =	vld [tilespmem:s13+$0x80];
	v0 =	vadd.f32 v1, v0  }
0x2a2: {  	v1 =	vld [tilespmem:s15+$0x200]  }
0x2a3: {  	v6 =	vld [tilespmem:s13+$0x100];
	v0 =	vadd.f32 v2, v0  }
0x2a4: {  	v2 =	vld [tilespmem:s15+$0x280]  }
0x2a5: {  	v7 =	vld [tilespmem:s13+$0x180];
	v0 =	vadd.f32 v3, v0  }
0x2a6: {  	v3 =	vld [tilespmem:s15+$0x300]  }
0x2a7: {  	v8 =	vld [tilespmem:s13+$0x200];
	v0 =	vadd.f32 v1, v0  }
0x2a8: {  	s19 =	sadd.s32 $0x12E00, s12;
	v1 =	vld [tilespmem:s15+$0x380]  }
0x2a9: {  	s20 =	sor.u32 s11, s19;
	v9 =	vld [tilespmem:s13+$0x280];
	v0 =	vadd.f32 v2, v0  }
0x2aa: {  	s16 =	sadd.s32 $0x12E80, s12;
	v2 =	vld [tilespmem:s20+$0x0]  }
0x2ab: {  	s21 =	sor.u32 s11, s16;
	v10 =	vld [tilespmem:s13+$0x300];
	v0 =	vadd.f32 v3, v0  }
0x2ac: {  	s17 =	sadd.s32 $0x12F00, s12;
	v3 =	vld [tilespmem:s21+$0x0]  }
0x2ad: {  	s22 =	sor.u32 s11, s17;
	v11 =	vld [tilespmem:s13+$0x380];
	v0 =	vadd.f32 v1, v0  }
0x2ae: {  	s18 =	sadd.s32 $0x12F80, s12;
	s14 =	sor.u32 s9, s19;
	v1 =	vld [tilespmem:s22+$0x0]  }
0x2af: {  	s23 =	sor.u32 s11, s18;
	v12 =	vld [tilespmem:s14+$0x0];
	v0 =	vadd.f32 v2, v0  }
0x2b0: {  	s24 =	sadd.s32 $0x13000, s12;
	s26 =	sor.u32 s9, s16;
	v2 =	vld [tilespmem:s23+$0x0]  }
0x2b1: {  	s25 =	sor.u32 s11, s24;
	v13 =	vld [tilespmem:s26+$0x0];
	v0 =	vadd.f32 v3, v0  }
0x2b2: {  	s28 =	sadd.s32 $0x13080, s12;
	s30 =	sor.u32 s9, s17;
	v3 =	vld [tilespmem:s25+$0x0]  }
0x2b3: {  	s29 =	sor.u32 s11, s28;
	v14 =	vld [tilespmem:s30+$0x0];
	v0 =	vadd.f32 v1, v0  }
0x2b4: {  	s31 =	sadd.s32 $0x13100, s12;
	s15 =	sor.u32 s9, s24;
	v1 =	vld [tilespmem:s29+$0x0]  }
0x2b5: {  	s19 =	sor.u32 s11, s31;
	v16 =	vld [tilespmem:s15+$0x0];
	v0 =	vadd.f32 v2, v0  }
0x2b6: {  	s12 =	sadd.s32 $0x13180, s12;
	s24 =	sor.u32 s9, s28;
	v2 =	vld [tilespmem:s19+$0x0]  }
0x2b7: {  	v17 =	vld [tilespmem:s24+$0x0];
	s21 =	sadd.s32 $0x0, s8;
	s22 =	sor.u32 s11, s12;
	v0 =	vadd.f32 v3, v0  }
0x2b8: {  	s20 =	sor.u32 s9, s18;
	s13 =	sand.u32 $0x7F80, s21;
	v3 =	vld [tilespmem:s22+$0x0]  }
0x2b9: {  	v15 =	vld [tilespmem:s20+$0x0];
	s23 =	sor.u32 s11, s13;
	v0 =	vadd.f32 v1, v0  }
0x2ba: {  	s25 =	sor.u32 s9, s31;
	v1 =	vld [tilespmem:s23+$0x9D00]  }
0x2bb: {  	v18 =	vld [tilespmem:s25+$0x0];
	v0 =	vadd.f32 v2, v0  }
0x2bc: {  	s26 =	simm.s32 $0x100;
	s12 =	sor.u32 s9, s12;
	s9 =	sor.u32 s9, s13;
	v2 =	vld [tilespmem:s23+$0xED00]  }
0x2bd: {  	s28 =	simm.s32 $0x30;
	s13 =	sand.u32 $0x1C00, s26;
	v19 =	vld [tilespmem:s9+$0x9D00];
	v0 =	vadd.f32 v3, v0  }
0x2be: {  	s29 =	sadd.s32 $0x11A00, s13;
	v3 =	vld [tilespmem:s12+$0x0];
	s12 =	sand.u32 $0x70, s28  }
0x2bf: {  	s30 =	sor.u32 s12, s29;
	v0 =	vadd.f32 v1, v0;
	v1 =	vadd.f32 v5, v4;
	v4 =	vld [tilespmem:s9+$0xED00]  }
0x2c0: {  	v5 =	vld [tilespmem:s30+$0x0]  }
0x2c1: {  	s31 =	simm.s32 $0x20;
	v20 =	vmul.f32 v0, v2;
	v0 =	vadd.f32 v6, v1;
	v1 =	vld [tilespmem:s30+$0x80]  }
0x2c2: {  	s14 =	sand.u32 $0x60, s31;
	v52 =	vld [tilespmem:s30+$0x200]  }
0x2c3: {  	s16 =	sor.u32 s14, s29;
	v2 =	vld [tilespmem:s30+$0x100];
	v0 =	vadd.f32 v7, v0  }
0x2c4: {  	v7 =	vld [tilespmem:s16+$0x0]  }
0x2c5: {  	v0 =	vadd.f32 v8, v0;
	v8 =	vld [tilespmem:s30+$0x180]  }
0x2c6: {  	v1 =	vadd.f32 v1, v5;
	v5 =	vld [tilespmem:s16+$0x80]  }
0x2c7: {  	v53 =	vld [tilespmem:s30+$0x280]  }
0x2c8: {  	v0 =	vadd.f32 v9, v0;
	v1 =	vadd.f32 v2, v1;
	v2 =	vld [tilespmem:s16+$0x100]  }
0x2c9: {  	v54 =	vld [tilespmem:s30+$0x300]  }
0x2ca: {  	v0 =	vadd.f32 v10, v0;
	v1 =	vadd.f32 v8, v1;
	v8 =	vld [tilespmem:s16+$0x180]  }
0x2cb: {  	s18 =	sadd.s32 $0x12E00, s13;
	v55 =	vld [tilespmem:s30+$0x380];
	v5 =	vadd.f32 v5, v7  }
0x2cc: {  	s20 =	sor.u32 s12, s18;
	v0 =	vadd.f32 v11, v0;
	v7 =	vld [tilespmem:s16+$0x200];
	v1 =	vadd.f32 v52, v1  }
0x2cd: {  	s21 =	sadd.s32 $0x12E80, s13;
	v56 =	vld [tilespmem:s20+$0x0];
	v2 =	vadd.f32 v2, v5  }
0x2ce: {  	s22 =	sor.u32 s12, s21;
	v0 =	vadd.f32 v12, v0;
	v5 =	vld [tilespmem:s16+$0x280];
	v1 =	vadd.f32 v53, v1  }
0x2cf: {  	s11 =	simm.s32 $0x11510;
	v57 =	vld [tilespmem:s22+$0x0];
	v2 =	vadd.f32 v8, v2  }
0x2d0: {  	[tilespmem:s11+$0x0] =	vst v20;
	v0 =	vadd.f32 v13, v0;
	v8 =	vld [tilespmem:s16+$0x300];
	v1 =	vadd.f32 v54, v1  }
0x2d1: {  	s19 =	sadd.s32 $0x12F00, s13;
	v6 =	vld [tilespmem:s23+$0xED00];
	v2 =	vadd.f32 v7, v2  }
0x2d2: {  	s23 =	sor.u32 s12, s19;
	v0 =	vadd.f32 v14, v0;
	v7 =	vld [tilespmem:s16+$0x380];
	v1 =	vadd.f32 v55, v1  }
0x2d3: {  	s24 =	sadd.s32 $0x12F80, s13;
	s15 =	sor.u32 s14, s18;
	v58 =	vld [tilespmem:s23+$0x0];
	v2 =	vadd.f32 v5, v2  }
0x2d4: {  	s25 =	sor.u32 s12, s24;
	v0 =	vadd.f32 v15, v0;
	v5 =	vld [tilespmem:s15+$0x0];
	v1 =	vadd.f32 v56, v1  }
0x2d5: {  	s26 =	sor.u32 s14, s21;
	s28 =	sadd.s32 $0x13000, s13;
	v59 =	vld [tilespmem:s25+$0x0];
	v2 =	vadd.f32 v8, v2  }
0x2d6: {  	s29 =	sor.u32 s12, s28;
	v0 =	vadd.f32 v16, v0;
	v8 =	vld [tilespmem:s26+$0x0];
	v1 =	vadd.f32 v57, v1  }
0x2d7: {  	s31 =	sadd.s32 $0x13080, s13;
	v60 =	vld [tilespmem:s29+$0x0];
	s30 =	sor.u32 s14, s19;
	v2 =	vadd.f32 v7, v2  }
0x2d8: {  	s20 =	sor.u32 s12, s31;
	v0 =	vadd.f32 v17, v0;
	v7 =	vld [tilespmem:s30+$0x0];
	v1 =	vadd.f32 v58, v1  }
0x2d9: {  	s21 =	sor.u32 s14, s24;
	s22 =	sadd.s32 $0x13100, s13;
	v61 =	vld [tilespmem:s20+$0x0];
	v2 =	vadd.f32 v5, v2  }
0x2da: {  	s23 =	sor.u32 s12, s22;
	v0 =	vadd.f32 v18, v0;
	v5 =	vld [tilespmem:s21+$0x0];
	v1 =	vadd.f32 v59, v1  }
0x2db: {  	s24 =	sor.u32 s14, s28;
	s25 =	sadd.s32 $0x13180, s13;
	v62 =	vld [tilespmem:s23+$0x0];
	v2 =	vadd.f32 v8, v2  }
0x2dc: {  	s28 =	sor.u32 s12, s25;
	s26 =	sadd.s32 $0x20, s8;
	v0 =	vadd.f32 v3, v0;
	v8 =	vld [tilespmem:s24+$0x0];
	v1 =	vadd.f32 v60, v1  }
0x2dd: {  	s29 =	sor.u32 s14, s31;
	v63 =	vld [tilespmem:s28+$0x0];
	s20 =	sand.u32 $0x7F80, s26;
	v3 =	vadd.f32 v7, v2  }
0x2de: {  	s19 =	sor.u32 s12, s20;
	v0 =	vadd.f32 v19, v0;
	v2 =	vld [tilespmem:s29+$0x0];
	v7 =	vadd.f32 v61, v1  }
0x2df: {  	v6 =	vmul.f32 v20, v6;
	s30 =	sor.u32 s14, s22;
	v1 =	vld [tilespmem:s19+$0x9D00];
	v5 =	vadd.f32 v5, v3  }
0x2e0: {  	s12 =	simm.s32 $0x11790;
	v0 =	vmul.f32 v0, v4;
	v3 =	vld [tilespmem:s30+$0x0];
	v9 =	vadd.f32 v62, v7  }
0x2e1: {  	s13 =	simm.s32 $0x2;
	s31 =	sor.u32 s14, s25;
	[tilespmem:s12+$0x0] =	vst v6;
	v4 =	vld [tilespmem:s19+$0xED00];
	v7 =	vadd.f32 v8, v5  }
0x2e2: {  	s15 =	simm.s32 $0x40;
	s21 =	sor.u32 s14, s20;
	s14 =	simm.s32 $0x200;
	[tilespmem:s11+$0xFFFFFFF0] =	vst v0;
	v5 =	vld [tilespmem:s31+$0x0];
	v6 =	vadd.f32 v63, v9  }
.LBB2_25:
0x2e3: {  	s16 =	sand.u32 $0x60, s15;
	s18 =	sand.u32 $0x1C00, s14;
	s17 =	sadd.s32 $0x10, s15;
	v2 =	vadd.f32 v2, v7;
	v7 =	vld [tilespmem:s21+$0x9D00]  }
0x2e4: {  	s13 =	sadd.s32 $0x2, s13;
	s22 =	sadd.s32 $0x11A00, s18;
	s17 =	sand.u32 $0x70, s17;
	v8 =	vld [tilespmem:s21+$0xED00];
	v1 =	vadd.f32 v1, v6  }
0x2e5: {  	p0 =	slt.u32 s13, $0x26;
	s20 =	sor.u32 s16, s22;
	s22 =	sor.u32 s17, s22;
	v2 =	vadd.f32 v3, v2;
	v3 =	vld [tilespmem:s9+$0xED00]  }
0x2e6: {  	s9 =	smov.u32 s21;
	v6 =	vld [tilespmem:s22+$0x0];
	v1 =	vmul.f32 v1, v4  }
0x2e7: {  	s11 =	sadd.s32 $0x20, s11;
	v4 =	vld [tilespmem:s22+$0x80];
	v2 =	vadd.f32 v5, v2  }
0x2e8: {  	v5 =	vld [tilespmem:s22+$0x100];
	[tilespmem:s11+$0x0] =	vst v1  }
0x2e9: {  	v2 =	vadd.f32 v7, v2;
	v7 =	vld [tilespmem:s19+$0xED00]  }
0x2ea: {  	v9 =	vld [tilespmem:s20+$0x0];
	v3 =	vmul.f32 v0, v3  }
0x2eb: {  	v10 =	vld [tilespmem:s22+$0x180];
	v0 =	vmul.f32 v2, v8  }
0x2ec: {  	v2 =	vld [tilespmem:s20+$0x80];
	v4 =	vadd.f32 v4, v6;
	[tilespmem:s12+$0xFFFFFFF0] =	vst v3  }
0x2ed: {  	v3 =	vld [tilespmem:s22+$0x200];
	[tilespmem:s11+$0xFFFFFFF0] =	vst v0  }
0x2ee: {  	v6 =	vld [tilespmem:s20+$0x100];
	v4 =	vadd.f32 v5, v4;
	v1 =	vmul.f32 v1, v7  }
0x2ef: {  	s12 =	sadd.s32 $0x20, s12;
	v5 =	vld [tilespmem:s22+$0x280]  }
0x2f0: {  	v7 =	vld [tilespmem:s20+$0x180];
	v4 =	vadd.f32 v10, v4;
	[tilespmem:s12+$0x0] =	vst v1  }
0x2f1: {  	v1 =	vadd.f32 v2, v9;
	v2 =	vld [tilespmem:s22+$0x300]  }
0x2f2: {  	v8 =	vld [tilespmem:s20+$0x200];
	v3 =	vadd.f32 v3, v4  }
0x2f3: {  	s19 =	sadd.s32 $0x12E00, s18;
	v1 =	vadd.f32 v6, v1;
	v4 =	vld [tilespmem:s22+$0x380]  }
0x2f4: {  	s21 =	sor.u32 s16, s19;
	s19 =	sor.u32 s17, s19;
	v6 =	vld [tilespmem:s20+$0x280];
	v3 =	vadd.f32 v5, v3  }
0x2f5: {  	s22 =	sadd.s32 $0x12E80, s18;
	v1 =	vadd.f32 v7, v1;
	v5 =	vld [tilespmem:s19+$0x0]  }
0x2f6: {  	s19 =	sor.u32 s16, s22;
	s22 =	sor.u32 s17, s22;
	v7 =	vld [tilespmem:s20+$0x300];
	v2 =	vadd.f32 v2, v3  }
0x2f7: {  	s23 =	sadd.s32 $0x12F00, s18;
	v1 =	vadd.f32 v8, v1;
	v3 =	vld [tilespmem:s22+$0x0]  }
0x2f8: {  	s22 =	sor.u32 s17, s23;
	v8 =	vld [tilespmem:s20+$0x380];
	s20 =	sor.u32 s16, s23;
	v2 =	vadd.f32 v4, v2  }
0x2f9: {  	s23 =	sadd.s32 $0x12F80, s18;
	v1 =	vadd.f32 v6, v1;
	v4 =	vld [tilespmem:s22+$0x0]  }
0x2fa: {  	s22 =	sor.u32 s17, s23;
	v6 =	vld [tilespmem:s21+$0x0];
	s21 =	sor.u32 s16, s23;
	v2 =	vadd.f32 v5, v2  }
0x2fb: {  	s23 =	sadd.s32 $0x13000, s18;
	v1 =	vadd.f32 v7, v1;
	v5 =	vld [tilespmem:s22+$0x0]  }
0x2fc: {  	s22 =	sor.u32 s17, s23;
	v7 =	vld [tilespmem:s19+$0x0];
	s19 =	sor.u32 s16, s23;
	v2 =	vadd.f32 v3, v2  }
0x2fd: {  	s23 =	sadd.s32 $0x13080, s18;
	v1 =	vadd.f32 v8, v1;
	v3 =	vld [tilespmem:s22+$0x0]  }
0x2fe: {  	s22 =	sor.u32 s17, s23;
	v8 =	vld [tilespmem:s20+$0x0];
	s20 =	sor.u32 s16, s23;
	v2 =	vadd.f32 v4, v2  }
0x2ff: {  	s23 =	sadd.s32 $0x13100, s18;
	v1 =	vadd.f32 v6, v1;
	v4 =	vld [tilespmem:s22+$0x0]  }
0x300: {  	s22 =	sor.u32 s16, s23;
	v6 =	vld [tilespmem:s21+$0x0];
	v2 =	vadd.f32 v5, v2;
	s21 =	sor.u32 s17, s23  }
0x301: {  	s18 =	sadd.s32 $0x13180, s18;
	v1 =	vadd.f32 v7, v1;
	v5 =	vld [tilespmem:s21+$0x0]  }
0x302: {  	s23 =	sor.u32 s16, s18;
	s18 =	sor.u32 s17, s18;
	v7 =	vld [tilespmem:s19+$0x0];
	s19 =	sadd.s32 s15, s8;
	v3 =	vadd.f32 v3, v2  }
0x303: {  	v1 =	vadd.f32 v8, v1;
	s19 =	sand.u32 $0x7F80, s19;
	v8 =	vld [tilespmem:s18+$0x0]  }
.Ltmp12:
0x304: {  	v2 =	vld [tilespmem:s20+$0x0];
	s21 =	sor.u32 s16, s19;
	v4 =	vadd.f32 v4, v3;
	s19 =	sor.u32 s17, s19;
	(pc) =	sbr.rel @p0 .LBB2_25-.Ltmp12, $4  }
0x305: {  	v6 =	vadd.f32 v6, v1;
	v1 =	vld [tilespmem:s19+$0x9D00]  }
0x306: {  	v3 =	vld [tilespmem:s22+$0x0];
	v9 =	vadd.f32 v5, v4  }
0x307: {  	v7 =	vadd.f32 v7, v6;
	v4 =	vld [tilespmem:s19+$0xED00]  }
0x308: {  	s14 =	sadd.s32 $0x100, s14;
	s15 =	sadd.s32 $0x20, s15;
	v5 =	vld [tilespmem:s23+$0x0];
	v6 =	vadd.f32 v8, v9  }
0x309: {  	v2 =	vadd.f32 v2, v7  }
0x30a: {  	v61 =	vld [tilespmem:s21+$0x9D00]  }
0x30b: {  	v2 =	vadd.f32 v3, v2  }
0x30c: {  	v3 =	vld [tilespmem:s21+$0xED00]  }
0x30d: {  	v2 =	vadd.f32 v5, v2  }
0x30e: {  	v1 =	vadd.f32 v1, v6  }
0x30f: {  	v2 =	vadd.f32 v61, v2  }
0x310: {  	v1 =	vmul.f32 v1, v4  }
0x311: {  	s11 =	sadd.s32 $0x20, s11;
	v2 =	vmul.f32 v2, v3  }
0x312: {  	[tilespmem:s11+$0x0] =	vst v1;
	v3 =	vld [tilespmem:s9+$0xED00]  }
0x313: {  	v62 =	vld [tilespmem:s19+$0xED00];
	[tilespmem:s11+$0xFFFFFFF0] =	vst v2  }
0x314: {  	v63 =	vld [tilespmem:s21+$0xED00];
	_ =	sdelay $0x2  }
0x315: {  	v0 =	vmul.f32 v0, v3  }
0x316: {  	v1 =	vmul.f32 v1, v62  }
0x317: {  	s25 =	sadd.s32 $0x20, s12;
	[tilespmem:s12+$0xFFFFFFF0] =	vst v0;
	v0 =	vmul.f32 v2, v63  }
0x318: {  	s6 =	sadd.s32 s6, s10;
	[tilespmem:s25+$0x0] =	vst v1  }
0x319: {  	s26 =	simm.s32 $0x0;
	s28 =	simm.s32 $0x11500;
	s29 =	simm.s32 $0x1;
	[tilespmem:s25+$0xFFFFFFF0] =	vst v0  }
0x31a: {  	[hbm4b:s6+s26] =	stream.linear.scatter [tilespmem:s28], [sflag:$0x1], $0x280, $0x38;
	[tilespmem:$0x16C80] =	vst v63  }
0x31b: {  	_ =	swait.ge [sflag:s29], $0x280  }
0x31c: {  	[sflag:s29] =	ssyncset.done $0x0  }
0x31d: {  	s30 =	simm.s32 $0x11780;
	[sflag:s29] =	ssyncadd.s32 $0xFFFFFD80  }
0x31e: {  	[spmem:s7] =	stream.linear.scatter [tilespmem:s30], [sflag:$0x1], $0x280, $0x38;
	[tilespmem:$0x16C80] =	vst v63  }
0x31f: {  	_ =	swait.ge [sflag:s29], $0x280  }
0x320: {  	[sflag:s29] =	ssyncset.done $0x0  }
0x321: {  	[sflag:s29] =	ssyncadd.s32 $0xFFFFFD80  }
0x322: {  	s31 =	simm.s32 $0x9D00;
	[bflag:$0x0] =	sbarrier.arrive $0xFFFF  }
0x323: {  	[tilespmem:s31], [sflag:$0x1] =	stream.linear.gather [spmem:s2], $0x2800, $0x38;
	[tilespmem:$0x16C80] =	vst v63  }
0x324: {  	_ =	swait.ge [sflag:s29], $0x2800  }
0x325: {  	[sflag:s29] =	ssyncset.done $0x0  }
0x326: {  	v0 =	vimm.f32 $0.0e+00;
	s6 =	simm.s32 $0xC540;
	[sflag:s29] =	ssyncadd.s32 $0xFFFFD800  }
0x327: {  	[tilespmem:s6+$0xFFFFFFC0] =	vst v0  }
0x328: {  	[tilespmem:s6+$0x30] =	vst v0  }
0x329: {  	[tilespmem:s6+$0x20] =	vst v0  }
0x32a: {  	[tilespmem:s6+$0x10] =	vst v0  }
0x32b: {  	[tilespmem:s6+$0x0] =	vst v0  }
0x32c: {  	[tilespmem:s6+$0xFFFFFFF0] =	vst v0  }
0x32d: {  	s9 =	simm.s32 $0x0;
	[tilespmem:s6+$0xFFFFFFE0] =	vst v0  }
.LBB2_27:
0x32e: {  	s9 =	sadd.s32 $0x8, s9;
	[tilespmem:s6+$0xFFFFFFD0] =	vst v0;
	s6 =	sadd.s32 $0x80, s6  }
0x32f: {  	[tilespmem:s6+$0xFFFFFFC0] =	vst v0;
	p0 =	slt.u32 s9, $0x278  }
0x330: {  	[tilespmem:s6+$0x30] =	vst v0  }
.Ltmp13:
0x331: {  	[tilespmem:s6+$0x20] =	vst v0;
	(pc) =	sbr.rel @p0 .LBB2_27-.Ltmp13, $4  }
0x332: {  	[tilespmem:s6+$0x10] =	vst v0  }
0x333: {  	[tilespmem:s6+$0x0] =	vst v0  }
0x334: {  	[tilespmem:s6+$0xFFFFFFF0] =	vst v0  }
0x335: {  	[tilespmem:s6+$0xFFFFFFE0] =	vst v0  }
0x336: {  	[tilespmem:s6+$0xFFFFFFD0] =	vst v0;
	s11 =	simm.s32 $0x4EC0  }
0x337: {  	v0 =	vld [tilespmem:s11+$0x30]  }
0x338: {  	v1 =	vld [tilespmem:s11+$0xFFFFFFC0]  }
0x339: {  	v2 =	vld [tilespmem:s11+$0xFFFFFFD0]  }
0x33a: {  	v3 =	vld [tilespmem:s11+$0xFFFFFFE0]  }
0x33b: {  	v4 =	vld [tilespmem:s11+$0xFFFFFFF0]  }
0x33c: {  	s6 =	simm.s32 $0x40;
	v5 =	vld [tilespmem:s11+$0x0]  }
0x33d: {  	v6 =	vld [tilespmem:s6+$0x30]  }
0x33e: {  	v7 =	vld [tilespmem:s11+$0x10]  }
0x33f: {  	v9 =	vld [tilespmem:s11+$0x20]  }
0x340: {  	v62 =	vld [tilespmem:s6+$0xFFFFFFD0]  }
0x341: {  	v63 =	vld [tilespmem:s6+$0xFFFFFFE0]  }
0x342: {  	v10 =	vld [tilespmem:s6+$0xFFFFFFF0]  }
0x343: {  	v11 =	vld [tilespmem:s6+$0x0]  }
0x344: {  	v12 =	vld [tilespmem:s6+$0x10]  }
0x345: {  	s9 =	simm.s32 $0x9D00;
	v13 =	vld [tilespmem:s6+$0x20]  }
0x346: {  	v8 =	vld.idx.msk [tilespmem:v0+s9+$0x0], $0xffff  }
0x347: {  	v0 =	vld.idx.msk [tilespmem:v1+s9+$0x0], $0xffff  }
0x348: {  	v2 =	vld.idx.msk [tilespmem:v2+s9+$0x0], $0xffff  }
0x349: {  	v3 =	vld.idx.msk [tilespmem:v3+s9+$0x0], $0xffff  }
0x34a: {  	v4 =	vld.idx.msk [tilespmem:v4+s9+$0x0], $0xffff  }
0x34b: {  	v5 =	vld.idx.msk [tilespmem:v5+s9+$0x0], $0xffff  }
0x34c: {  	v61 =	vld.idx.msk [tilespmem:v7+s9+$0x0], $0xffff  }
0x34d: {  	v9 =	vld.idx.msk [tilespmem:v9+s9+$0x0], $0xffff  }
0x34e: {  	s11 =	simm.s32 $0xC500;
	v1 =	vld [tilespmem:s6+$0xFFFFFFC0]  }
0x34f: {  	[tilespmem:v6+s11+$0x0] =	vst.idx.add.f32.msk $0xffff, v8  }
0x350: {  	[tilespmem:v62+s11+$0x0] =	vst.idx.add.f32.msk $0xffff, v2  }
0x351: {  	[tilespmem:v63+s11+$0x0] =	vst.idx.add.f32.msk $0xffff, v3  }
0x352: {  	[tilespmem:v10+s11+$0x0] =	vst.idx.add.f32.msk $0xffff, v4  }
0x353: {  	[tilespmem:v11+s11+$0x0] =	vst.idx.add.f32.msk $0xffff, v5  }
0x354: {  	[tilespmem:v12+s11+$0x0] =	vst.idx.add.f32.msk $0xffff, v61  }
0x355: {  	s12 =	simm.s32 $0x0;
	s13 =	simm.s32 $0x4F40;
	[tilespmem:v13+s11+$0x0] =	vst.idx.add.f32.msk $0xffff, v9  }
.LBB2_29:
0x356: {  	v2 =	vld [tilespmem:s13+$0x30];
	s12 =	sadd.s32 $0x8, s12  }
0x357: {  	v3 =	vld [tilespmem:s13+$0xFFFFFFC0];
	p0 =	slt.u32 s12, $0x4D8  }
0x358: {  	v4 =	vld [tilespmem:s13+$0xFFFFFFD0]  }
0x359: {  	v5 =	vld [tilespmem:s13+$0xFFFFFFE0]  }
0x35a: {  	v6 =	vld [tilespmem:s13+$0xFFFFFFF0]  }
0x35b: {  	s6 =	sadd.s32 $0x80, s6;
	v7 =	vld [tilespmem:s13+$0x0]  }
0x35c: {  	v8 =	vld [tilespmem:s6+$0x30]  }
0x35d: {  	v9 =	vld [tilespmem:s13+$0x10]  }
0x35e: {  	v2 =	vld.idx.msk [tilespmem:v2+s9+$0x0], $0xffff  }
0x35f: {  	v10 =	vld [tilespmem:s13+$0x20]  }
0x360: {  	v3 =	vld.idx.msk [tilespmem:v3+s9+$0x0], $0xffff  }
0x361: {  	v4 =	vld.idx.msk [tilespmem:v4+s9+$0x0], $0xffff  }
0x362: {  	v5 =	vld.idx.msk [tilespmem:v5+s9+$0x0], $0xffff  }
0x363: {  	v6 =	vld.idx.msk [tilespmem:v6+s9+$0x0], $0xffff  }
0x364: {  	[tilespmem:v8+s11+$0x0] =	vst.idx.add.f32.msk $0xffff, v2  }
0x365: {  	v2 =	vld.idx.msk [tilespmem:v7+s9+$0x0], $0xffff  }
0x366: {  	v7 =	vld.idx.msk [tilespmem:v9+s9+$0x0], $0xffff  }
0x367: {  	v8 =	vld.idx.msk [tilespmem:v10+s9+$0x0], $0xffff  }
0x368: {  	v9 =	vld [tilespmem:s6+$0xFFFFFFD0]  }
0x369: {  	v10 =	vld [tilespmem:s6+$0xFFFFFFE0]  }
0x36a: {  	v11 =	vld [tilespmem:s6+$0xFFFFFFF0]  }
0x36b: {  	v12 =	vld [tilespmem:s6+$0x0]  }
0x36c: {  	v13 =	vld [tilespmem:s6+$0x10]  }
0x36d: {  	v14 =	vld [tilespmem:s6+$0x20]  }
0x36e: {  	v15 =	vld [tilespmem:s6+$0xFFFFFFC0]  }
0x36f: {  	[tilespmem:v1+s11+$0x0] =	vst.idx.add.f32.msk $0xffff, v0;
	v0 =	vmov v3  }
0x370: {  	[tilespmem:v9+s11+$0x0] =	vst.idx.add.f32.msk $0xffff, v4  }
.Ltmp14:
0x371: {  	[tilespmem:v10+s11+$0x0] =	vst.idx.add.f32.msk $0xffff, v5;
	(pc) =	sbr.rel @p0 .LBB2_29-.Ltmp14, $4  }
0x372: {  	[tilespmem:v11+s11+$0x0] =	vst.idx.add.f32.msk $0xffff, v6  }
0x373: {  	[tilespmem:v12+s11+$0x0] =	vst.idx.add.f32.msk $0xffff, v2;
	v1 =	vmov v15  }
0x374: {  	[tilespmem:v13+s11+$0x0] =	vst.idx.add.f32.msk $0xffff, v7  }
0x375: {  	s13 =	sadd.s32 $0x80, s13;
	[tilespmem:v14+s11+$0x0] =	vst.idx.add.f32.msk $0xffff, v8  }
0x376: {  	_ =	sdelay $0x3  }
0x377: {  	[tilespmem:v1+s11+$0x0] =	vst.idx.add.f32.msk $0xffff, v0;
	s6 =	simm.s32 $0x0;
	s9 =	simm.s32 $0x9D00;
	s11 =	simm.s32 $0xC500  }
.LBB2_31:
0x378: {  	s12 =	sshra.s32 s6, $0x2  }
0x379: {  	v0 =	vld [tilespmem:s12+$0x9C80];
	_ =	sdelay $0x4  }
0x37a: {  	v1 =	vld [tilespmem:s12+$0x4E00];
	_ =	sdelay $0x2  }
0x37b: {  	p0 =	sne.s32 s6, $0x40;
	v0 =	vld.idx.msk [tilespmem:v0+s9+$0x0], $0xffff  }
.Ltmp15:
0x37c: {  	_ = 	snop;
	(pc) =	sbr.rel @p0 .LBB2_31-.Ltmp15, $2  }
0x37d: {  	_ =	sdelay $0x2  }
0x37e: {  	s6 =	sadd.s32 $0x40, s6;
	[tilespmem:v1+s11+$0x0] =	vst.idx.add.f32.msk $0xffff, v0  }
0x37f: {  	s6 =	simm.s32 $0x80  }
0x380: {  	s9 =	simm.s32 $0x400;
	s11 =	simm.s32 $0xC500;
	s23 =	simm.s32 $0x1  }
0x381: {  	[spmem:s4] =	stream.strided.scatter [tilespmem:s11], [sflag:$0x1], $0x2800, s9, s6, $0x38;
	[tilespmem:$0x16C80] =	vst v63  }
0x382: {  	_ =	swait.ge [sflag:s23], $0x2800  }
0x383: {  	[sflag:s23] =	ssyncset.done $0x0  }
0x384: {  	s24 =	simm.s32 $0x1400;
	s25 =	simm.s32 $0x14000;
	[sflag:s23] =	ssyncadd.s32 $0xFFFFD800  }
0x385: {  	s26 =	simm.s32 $0x11A00;
	s28 =	simm.s32 $0x0;
	[bflag:$0x0] =	sbarrier.arrive $0xFFFF  }
0x386: {  	[tilespmem:s26], [sflag:$0x1] =	stream.strided.gather [spmem:s5], $0x2800, s25, s24, $0x38;
	[tilespmem:$0x16C80] =	vst v63  }
0x387: {  	s29 =	simm.s32 $0x10;
	s6 =	sand.u32 $0x1C00, s28;
	_ =	swait.ge [sflag:s23], $0x2800  }
0x388: {  	s30 =	sadd.s32 $0x11A00, s6;
	s5 =	sand.u32 $0x70, s29;
	[sflag:s23] =	ssyncset.done $0x0  }
0x389: {  	s12 =	sor.u32 s5, s30;
	[sflag:s23] =	ssyncadd.s32 $0xFFFFD800  }
0x38a: {  	v0 =	vld [tilespmem:s12+$0x0]  }
0x38b: {  	v1 =	vld [tilespmem:s12+$0x80];
	_ =	sdelay $0x1  }
0x38c: {  	s4 =	sand.u32 $0x60, s28;
	v2 =	vld [tilespmem:s12+$0x100]  }
0x38d: {  	s9 =	sor.u32 s4, s30;
	v3 =	vld [tilespmem:s12+$0x180]  }
0x38e: {  	v4 =	vld [tilespmem:s9+$0x0]  }
0x38f: {  	v5 =	vld [tilespmem:s9+$0x80];
	v0 =	vadd.f32 v1, v0  }
0x390: {  	v1 =	vld [tilespmem:s12+$0x200]  }
0x391: {  	v6 =	vld [tilespmem:s9+$0x100];
	v0 =	vadd.f32 v2, v0  }
0x392: {  	v2 =	vld [tilespmem:s12+$0x280]  }
0x393: {  	v7 =	vld [tilespmem:s9+$0x180];
	v0 =	vadd.f32 v3, v0  }
0x394: {  	v3 =	vld [tilespmem:s12+$0x300]  }
0x395: {  	v8 =	vld [tilespmem:s9+$0x200];
	v0 =	vadd.f32 v1, v0  }
0x396: {  	s31 =	sadd.s32 $0x12E00, s6;
	v1 =	vld [tilespmem:s12+$0x380]  }
0x397: {  	s15 =	sor.u32 s5, s31;
	v9 =	vld [tilespmem:s9+$0x280];
	v0 =	vadd.f32 v2, v0  }
0x398: {  	s13 =	sadd.s32 $0x12E80, s6;
	v2 =	vld [tilespmem:s15+$0x0]  }
0x399: {  	s16 =	sor.u32 s5, s13;
	v10 =	vld [tilespmem:s9+$0x300];
	v0 =	vadd.f32 v3, v0  }
0x39a: {  	s14 =	sadd.s32 $0x12F00, s6;
	v3 =	vld [tilespmem:s16+$0x0]  }
0x39b: {  	s17 =	sor.u32 s5, s14;
	v11 =	vld [tilespmem:s9+$0x380];
	v0 =	vadd.f32 v1, v0  }
0x39c: {  	s11 =	sor.u32 s4, s31;
	s15 =	sadd.s32 $0x12F80, s6;
	v1 =	vld [tilespmem:s17+$0x0]  }
0x39d: {  	v12 =	vld [tilespmem:s11+$0x0];
	s18 =	sor.u32 s5, s15;
	v0 =	vadd.f32 v2, v0  }
0x39e: {  	s19 =	sadd.s32 $0x13000, s6;
	s21 =	sor.u32 s4, s13;
	v2 =	vld [tilespmem:s18+$0x0]  }
0x39f: {  	s20 =	sor.u32 s5, s19;
	v13 =	vld [tilespmem:s21+$0x0];
	v0 =	vadd.f32 v3, v0  }
0x3a0: {  	s22 =	sadd.s32 $0x13080, s6;
	s24 =	sor.u32 s4, s14;
	v3 =	vld [tilespmem:s20+$0x0]  }
0x3a1: {  	s23 =	sor.u32 s5, s22;
	v14 =	vld [tilespmem:s24+$0x0];
	v0 =	vadd.f32 v1, v0  }
0x3a2: {  	s25 =	sadd.s32 $0x13100, s6;
	s12 =	sor.u32 s4, s19;
	v1 =	vld [tilespmem:s23+$0x0]  }
0x3a3: {  	s26 =	sor.u32 s5, s25;
	v16 =	vld [tilespmem:s12+$0x0];
	v0 =	vadd.f32 v2, v0  }
0x3a4: {  	s6 =	sadd.s32 $0x13180, s6;
	s28 =	sor.u32 s4, s15;
	v2 =	vld [tilespmem:s26+$0x0]  }
0x3a5: {  	s29 =	sadd.s32 $0x0, s8;
	s30 =	sor.u32 s5, s6;
	v15 =	vld [tilespmem:s28+$0x0];
	v0 =	vadd.f32 v3, v0  }
0x3a6: {  	s9 =	sand.u32 $0x7F80, s29;
	s15 =	sor.u32 s4, s22;
	v3 =	vld [tilespmem:s30+$0x0]  }
0x3a7: {  	s31 =	sor.u32 s5, s9;
	v17 =	vld [tilespmem:s15+$0x0];
	v0 =	vadd.f32 v1, v0  }
0x3a8: {  	s16 =	sor.u32 s4, s25;
	v1 =	vld [tilespmem:s31+$0x9D00]  }
0x3a9: {  	v18 =	vld [tilespmem:s16+$0x0];
	v0 =	vadd.f32 v2, v0  }
0x3aa: {  	s6 =	sor.u32 s4, s6;
	s4 =	sor.u32 s4, s9;
	s17 =	simm.s32 $0x100;
	v2 =	vld [tilespmem:s31+$0xED00]  }
0x3ab: {  	v19 =	vld [tilespmem:s4+$0x9D00];
	s9 =	sand.u32 $0x1C00, s17;
	s18 =	simm.s32 $0x30;
	v0 =	vadd.f32 v3, v0  }
0x3ac: {  	s19 =	sadd.s32 $0x11A00, s9;
	v3 =	vld [tilespmem:s6+$0x0];
	s6 =	sand.u32 $0x70, s18  }
0x3ad: {  	s20 =	sor.u32 s6, s19;
	v0 =	vadd.f32 v1, v0;
	v1 =	vadd.f32 v5, v4;
	v4 =	vld [tilespmem:s4+$0xED00]  }
0x3ae: {  	v5 =	vld [tilespmem:s20+$0x0]  }
0x3af: {  	s21 =	simm.s32 $0x20;
	v20 =	vmul.f32 v0, v2;
	v0 =	vadd.f32 v6, v1;
	v1 =	vld [tilespmem:s20+$0x80]  }
0x3b0: {  	s11 =	sand.u32 $0x60, s21;
	v52 =	vld [tilespmem:s20+$0x200]  }
0x3b1: {  	s13 =	sor.u32 s11, s19;
	v2 =	vld [tilespmem:s20+$0x100];
	v0 =	vadd.f32 v7, v0  }
0x3b2: {  	v7 =	vld [tilespmem:s13+$0x0]  }
0x3b3: {  	v0 =	vadd.f32 v8, v0;
	v8 =	vld [tilespmem:s20+$0x180]  }
0x3b4: {  	v1 =	vadd.f32 v1, v5;
	v5 =	vld [tilespmem:s13+$0x80]  }
0x3b5: {  	v53 =	vld [tilespmem:s20+$0x280]  }
0x3b6: {  	v0 =	vadd.f32 v9, v0;
	v1 =	vadd.f32 v2, v1;
	v2 =	vld [tilespmem:s13+$0x100]  }
0x3b7: {  	v54 =	vld [tilespmem:s20+$0x300]  }
0x3b8: {  	v0 =	vadd.f32 v10, v0;
	v1 =	vadd.f32 v8, v1;
	v8 =	vld [tilespmem:s13+$0x180]  }
0x3b9: {  	s22 =	sadd.s32 $0x12E00, s9;
	v55 =	vld [tilespmem:s20+$0x380];
	v5 =	vadd.f32 v5, v7  }
0x3ba: {  	s23 =	sor.u32 s6, s22;
	v0 =	vadd.f32 v11, v0;
	v7 =	vld [tilespmem:s13+$0x200];
	v1 =	vadd.f32 v52, v1  }
0x3bb: {  	s24 =	sadd.s32 $0x12E80, s9;
	v56 =	vld [tilespmem:s23+$0x0];
	v2 =	vadd.f32 v2, v5  }
0x3bc: {  	s25 =	sor.u32 s6, s24;
	v0 =	vadd.f32 v12, v0;
	v5 =	vld [tilespmem:s13+$0x280];
	v1 =	vadd.f32 v53, v1  }
0x3bd: {  	s16 =	sadd.s32 $0x12F00, s9;
	v57 =	vld [tilespmem:s25+$0x0];
	v2 =	vadd.f32 v8, v2  }
0x3be: {  	s26 =	sor.u32 s6, s16;
	v0 =	vadd.f32 v13, v0;
	v8 =	vld [tilespmem:s13+$0x300];
	v1 =	vadd.f32 v54, v1  }
0x3bf: {  	s28 =	sadd.s32 $0x12F80, s9;
	v58 =	vld [tilespmem:s26+$0x0];
	v2 =	vadd.f32 v7, v2  }
0x3c0: {  	s29 =	sor.u32 s6, s28;
	v0 =	vadd.f32 v14, v0;
	v7 =	vld [tilespmem:s13+$0x380];
	v1 =	vadd.f32 v55, v1  }
0x3c1: {  	s5 =	simm.s32 $0x11510;
	s12 =	sor.u32 s11, s22;
	v59 =	vld [tilespmem:s29+$0x0];
	v2 =	vadd.f32 v5, v2  }
0x3c2: {  	[tilespmem:s5+$0x0] =	vst v20;
	v0 =	vadd.f32 v15, v0;
	v5 =	vld [tilespmem:s12+$0x0];
	v1 =	vadd.f32 v56, v1  }
0x3c3: {  	s30 =	sor.u32 s11, s24;
	v6 =	vld [tilespmem:s31+$0xED00];
	s31 =	sadd.s32 $0x13000, s9;
	v2 =	vadd.f32 v8, v2  }
0x3c4: {  	s17 =	sor.u32 s6, s31;
	v0 =	vadd.f32 v16, v0;
	v8 =	vld [tilespmem:s30+$0x0];
	v1 =	vadd.f32 v57, v1  }
0x3c5: {  	s18 =	sor.u32 s11, s16;
	s19 =	sadd.s32 $0x13080, s9;
	v60 =	vld [tilespmem:s17+$0x0];
	v2 =	vadd.f32 v7, v2  }
0x3c6: {  	s20 =	sor.u32 s6, s19;
	v0 =	vadd.f32 v17, v0;
	v7 =	vld [tilespmem:s18+$0x0];
	v1 =	vadd.f32 v58, v1  }
0x3c7: {  	s21 =	sor.u32 s11, s28;
	s22 =	sadd.s32 $0x13100, s9;
	v61 =	vld [tilespmem:s20+$0x0];
	v2 =	vadd.f32 v5, v2  }
0x3c8: {  	s23 =	sor.u32 s6, s22;
	v0 =	vadd.f32 v18, v0;
	v5 =	vld [tilespmem:s21+$0x0];
	v1 =	vadd.f32 v59, v1  }
0x3c9: {  	s25 =	sadd.s32 $0x13180, s9;
	v62 =	vld [tilespmem:s23+$0x0];
	s24 =	sor.u32 s11, s31;
	v2 =	vadd.f32 v8, v2  }
0x3ca: {  	s26 =	sadd.s32 $0x20, s8;
	s28 =	sor.u32 s6, s25;
	v0 =	vadd.f32 v3, v0;
	v8 =	vld [tilespmem:s24+$0x0];
	v1 =	vadd.f32 v60, v1  }
0x3cb: {  	s29 =	sor.u32 s11, s19;
	v63 =	vld [tilespmem:s28+$0x0];
	s17 =	sand.u32 $0x7F80, s26;
	v3 =	vadd.f32 v7, v2  }
0x3cc: {  	s16 =	sor.u32 s6, s17;
	v0 =	vadd.f32 v19, v0;
	v2 =	vld [tilespmem:s29+$0x0];
	v7 =	vadd.f32 v61, v1  }
0x3cd: {  	v6 =	vmul.f32 v20, v6;
	s30 =	sor.u32 s11, s22;
	v1 =	vld [tilespmem:s16+$0x9D00];
	v5 =	vadd.f32 v5, v3  }
0x3ce: {  	s6 =	simm.s32 $0x11790;
	v0 =	vmul.f32 v0, v4;
	v3 =	vld [tilespmem:s30+$0x0];
	v9 =	vadd.f32 v62, v7  }
0x3cf: {  	s9 =	simm.s32 $0x2;
	s31 =	sor.u32 s11, s25;
	[tilespmem:s6+$0x0] =	vst v6;
	v4 =	vld [tilespmem:s16+$0xED00];
	v7 =	vadd.f32 v8, v5  }
0x3d0: {  	s12 =	simm.s32 $0x40;
	s18 =	sor.u32 s11, s17;
	s11 =	simm.s32 $0x200;
	[tilespmem:s5+$0xFFFFFFF0] =	vst v0;
	v5 =	vld [tilespmem:s31+$0x0];
	v6 =	vadd.f32 v63, v9  }
.LBB2_33:
0x3d1: {  	s13 =	sand.u32 $0x60, s12;
	s15 =	sand.u32 $0x1C00, s11;
	s14 =	sadd.s32 $0x10, s12;
	v2 =	vadd.f32 v2, v7;
	v7 =	vld [tilespmem:s18+$0x9D00]  }
0x3d2: {  	s9 =	sadd.s32 $0x2, s9;
	s19 =	sadd.s32 $0x11A00, s15;
	s14 =	sand.u32 $0x70, s14;
	v8 =	vld [tilespmem:s18+$0xED00];
	v1 =	vadd.f32 v1, v6  }
0x3d3: {  	p0 =	slt.u32 s9, $0x26;
	s17 =	sor.u32 s13, s19;
	s19 =	sor.u32 s14, s19;
	v2 =	vadd.f32 v3, v2;
	v3 =	vld [tilespmem:s4+$0xED00]  }
0x3d4: {  	s4 =	smov.u32 s18;
	v6 =	vld [tilespmem:s19+$0x0];
	v1 =	vmul.f32 v1, v4  }
0x3d5: {  	s5 =	sadd.s32 $0x20, s5;
	v4 =	vld [tilespmem:s19+$0x80];
	v2 =	vadd.f32 v5, v2  }
0x3d6: {  	v5 =	vld [tilespmem:s19+$0x100];
	[tilespmem:s5+$0x0] =	vst v1  }
0x3d7: {  	v2 =	vadd.f32 v7, v2;
	v7 =	vld [tilespmem:s16+$0xED00]  }
0x3d8: {  	v9 =	vld [tilespmem:s17+$0x0];
	v3 =	vmul.f32 v0, v3  }
0x3d9: {  	v10 =	vld [tilespmem:s19+$0x180];
	v0 =	vmul.f32 v2, v8  }
0x3da: {  	v2 =	vld [tilespmem:s17+$0x80];
	v4 =	vadd.f32 v4, v6;
	[tilespmem:s6+$0xFFFFFFF0] =	vst v3  }
0x3db: {  	v3 =	vld [tilespmem:s19+$0x200];
	[tilespmem:s5+$0xFFFFFFF0] =	vst v0  }
0x3dc: {  	v6 =	vld [tilespmem:s17+$0x100];
	v4 =	vadd.f32 v5, v4;
	v1 =	vmul.f32 v1, v7  }
0x3dd: {  	s6 =	sadd.s32 $0x20, s6;
	v5 =	vld [tilespmem:s19+$0x280]  }
0x3de: {  	v7 =	vld [tilespmem:s17+$0x180];
	v4 =	vadd.f32 v10, v4;
	[tilespmem:s6+$0x0] =	vst v1  }
0x3df: {  	v1 =	vadd.f32 v2, v9;
	v2 =	vld [tilespmem:s19+$0x300]  }
0x3e0: {  	v8 =	vld [tilespmem:s17+$0x200];
	v3 =	vadd.f32 v3, v4  }
0x3e1: {  	s16 =	sadd.s32 $0x12E00, s15;
	v1 =	vadd.f32 v6, v1;
	v4 =	vld [tilespmem:s19+$0x380]  }
0x3e2: {  	s18 =	sor.u32 s13, s16;
	s16 =	sor.u32 s14, s16;
	v6 =	vld [tilespmem:s17+$0x280];
	v3 =	vadd.f32 v5, v3  }
0x3e3: {  	s19 =	sadd.s32 $0x12E80, s15;
	v1 =	vadd.f32 v7, v1;
	v5 =	vld [tilespmem:s16+$0x0]  }
0x3e4: {  	s16 =	sor.u32 s13, s19;
	s19 =	sor.u32 s14, s19;
	v7 =	vld [tilespmem:s17+$0x300];
	v2 =	vadd.f32 v2, v3  }
0x3e5: {  	s20 =	sadd.s32 $0x12F00, s15;
	v1 =	vadd.f32 v8, v1;
	v3 =	vld [tilespmem:s19+$0x0]  }
0x3e6: {  	s19 =	sor.u32 s14, s20;
	v8 =	vld [tilespmem:s17+$0x380];
	s17 =	sor.u32 s13, s20;
	v2 =	vadd.f32 v4, v2  }
0x3e7: {  	s20 =	sadd.s32 $0x12F80, s15;
	v1 =	vadd.f32 v6, v1;
	v4 =	vld [tilespmem:s19+$0x0]  }
0x3e8: {  	s19 =	sor.u32 s14, s20;
	v6 =	vld [tilespmem:s18+$0x0];
	s18 =	sor.u32 s13, s20;
	v2 =	vadd.f32 v5, v2  }
0x3e9: {  	s20 =	sadd.s32 $0x13000, s15;
	v1 =	vadd.f32 v7, v1;
	v5 =	vld [tilespmem:s19+$0x0]  }
0x3ea: {  	s19 =	sor.u32 s14, s20;
	v7 =	vld [tilespmem:s16+$0x0];
	s16 =	sor.u32 s13, s20;
	v2 =	vadd.f32 v3, v2  }
0x3eb: {  	s20 =	sadd.s32 $0x13080, s15;
	v1 =	vadd.f32 v8, v1;
	v3 =	vld [tilespmem:s19+$0x0]  }
0x3ec: {  	s19 =	sor.u32 s14, s20;
	v8 =	vld [tilespmem:s17+$0x0];
	s17 =	sor.u32 s13, s20;
	v2 =	vadd.f32 v4, v2  }
0x3ed: {  	s20 =	sadd.s32 $0x13100, s15;
	v1 =	vadd.f32 v6, v1;
	v4 =	vld [tilespmem:s19+$0x0]  }
0x3ee: {  	s19 =	sor.u32 s13, s20;
	v6 =	vld [tilespmem:s18+$0x0];
	v2 =	vadd.f32 v5, v2;
	s18 =	sor.u32 s14, s20  }
0x3ef: {  	s15 =	sadd.s32 $0x13180, s15;
	v1 =	vadd.f32 v7, v1;
	v5 =	vld [tilespmem:s18+$0x0]  }
0x3f0: {  	s20 =	sor.u32 s13, s15;
	s15 =	sor.u32 s14, s15;
	v7 =	vld [tilespmem:s16+$0x0];
	s16 =	sadd.s32 s12, s8;
	v3 =	vadd.f32 v3, v2  }
0x3f1: {  	v1 =	vadd.f32 v8, v1;
	s16 =	sand.u32 $0x7F80, s16;
	v8 =	vld [tilespmem:s15+$0x0]  }
.Ltmp16:
0x3f2: {  	v2 =	vld [tilespmem:s17+$0x0];
	s18 =	sor.u32 s13, s16;
	v4 =	vadd.f32 v4, v3;
	s16 =	sor.u32 s14, s16;
	(pc) =	sbr.rel @p0 .LBB2_33-.Ltmp16, $4  }
0x3f3: {  	v6 =	vadd.f32 v6, v1;
	v1 =	vld [tilespmem:s16+$0x9D00]  }
0x3f4: {  	v3 =	vld [tilespmem:s19+$0x0];
	v9 =	vadd.f32 v5, v4  }
0x3f5: {  	v7 =	vadd.f32 v7, v6;
	v4 =	vld [tilespmem:s16+$0xED00]  }
0x3f6: {  	s11 =	sadd.s32 $0x100, s11;
	s12 =	sadd.s32 $0x20, s12;
	v5 =	vld [tilespmem:s20+$0x0];
	v6 =	vadd.f32 v8, v9  }
0x3f7: {  	v2 =	vadd.f32 v2, v7  }
0x3f8: {  	v58 =	vld [tilespmem:s18+$0x9D00]  }
0x3f9: {  	v2 =	vadd.f32 v3, v2  }
0x3fa: {  	v59 =	vld [tilespmem:s18+$0xED00]  }
0x3fb: {  	v2 =	vadd.f32 v5, v2  }
0x3fc: {  	v1 =	vadd.f32 v1, v6  }
0x3fd: {  	v2 =	vadd.f32 v58, v2  }
0x3fe: {  	v1 =	vmul.f32 v1, v4  }
0x3ff: {  	s5 =	sadd.s32 $0x20, s5;
	v2 =	vmul.f32 v2, v59  }
0x400: {  	v60 =	vld [tilespmem:s4+$0xED00];
	[tilespmem:s5+$0x0] =	vst v1  }
0x401: {  	v61 =	vld [tilespmem:s16+$0xED00];
	[tilespmem:s5+$0xFFFFFFF0] =	vst v2  }
0x402: {  	v62 =	vld [tilespmem:s18+$0xED00];
	_ =	sdelay $0x2  }
0x403: {  	v0 =	vmul.f32 v0, v60  }
0x404: {  	v1 =	vmul.f32 v1, v61  }
0x405: {  	s25 =	sadd.s32 $0x20, s6;
	[tilespmem:s6+$0xFFFFFFF0] =	vst v0;
	v63 =	vmul.f32 v2, v62  }
0x406: {  	s3 =	sadd.s32 s3, s10;
	[tilespmem:s25+$0x0] =	vst v1  }
0x407: {  	s26 =	simm.s32 $0x0;
	s28 =	simm.s32 $0x11500;
	s29 =	simm.s32 $0x1;
	[tilespmem:s25+$0xFFFFFFF0] =	vst v63  }
0x408: {  	[hbm4b:s3+s26] =	stream.linear.scatter [tilespmem:s28], [sflag:$0x1], $0x280, $0x38;
	[tilespmem:$0x16C80] =	vst v63  }
0x409: {  	_ =	swait.ge [sflag:s29], $0x280  }
0x40a: {  	[sflag:s29] =	ssyncset.done $0x0  }
0x40b: {  	s30 =	simm.s32 $0x11780;
	[sflag:s29] =	ssyncadd.s32 $0xFFFFFD80  }
0x40c: {  	[spmem:s7] =	stream.linear.scatter [tilespmem:s30], [sflag:$0x1], $0x280, $0x38;
	[tilespmem:$0x16C80] =	vst v63  }
0x40d: {  	_ =	swait.ge [sflag:s29], $0x280  }
0x40e: {  	[sflag:s29] =	ssyncset.done $0x0  }
0x40f: {  	[sflag:s29] =	ssyncadd.s32 $0xFFFFFD80  }
0x410: {  	s31 =	simm.s32 $0x9D00;
	[bflag:$0x0] =	sbarrier.arrive $0xFFFF  }
0x411: {  	[tilespmem:s31], [sflag:$0x1] =	stream.linear.gather [spmem:s2], $0x2800, $0x38;
	[tilespmem:$0x16C80] =	vst v63  }
0x412: {  	_ =	swait.ge [sflag:s29], $0x2800  }
0x413: {  	[sflag:s29] =	ssyncset.done $0x0  }
0x414: {  	[sflag:s29] =	ssyncadd.s32 $0xFFFFD800  }
0x415: {  	_ =	sfence.sel $0x180000  }
0x416: {  	[bflag:$0x0] =	sbarrier.arrive $0xFFFF  }
0x417: {  	p0 =	sne.s32 s0, $0x0;
	_ =	strace $0x90000047  }
0x418: {  	s0 =	sadd.s32 @!p0 $0x100000, s1;
	[bflag:$0x2] =	sbarrier.arrive $0xFFFF  }
0x419: {  	[sflag:s0] =	ssyncadd.tile.s32 @!p0 $0x1;
	_ =	shalt  }
.Lfunc_end2:
_tile_overlayer_lowered:
.L_overlay_start_2:
0x41a: {  	(tag) =	ssettag $0x2  }
0x41b: {  	s0 =	rddreg [dreg:$0x0];
	s2 =	stileid.u32  }
0x41c: {  	s1 =	rddreg [dreg:$0x1];
	p0 =	sne.s32 s2, $0x0  }
0x41d: {  	s3 =	rddreg [dreg:$0x2];
	[bflag:$0x3] =	sbarrier.arrive $0xFFFF;
	s2 =	simm.s32 @!p0 $0x1C01  }
0x41e: {  	[timem:s3], [sflag:s2] =	dma.local @!p0 [hbm:s0], s1  }
0x41f: {  	s0 =	simm.s32 @!p0 $0x1  }
0x420: {  	_ =	swait.ge @!p0 [sflag:s0], s1  }
0x421: {  	s1 =	ssub.s32 @!p0 $0x0, s1;
	[sflag:s0] =	ssyncset.done @!p0 $0x0  }
0x422: {  	[sflag:s0] =	ssyncadd.s32 @!p0 s1  }
0x423: {  	[bflag:$0x3] =	sbarrier.arrive $0xFFFF  }
0x424: {  	_ =	shalt  }

// kernel: kernel.9.cloned.1.call-start
scs
__scs_entry_jumppad:
0x0: {  	(pc) =	sbr.rel $0x88, $3  }
0x1: {  	(tag) =	ssettag $0x0;
	lr =	simm.s32 $0x1  }
0x2: {  	[smem:$0x3F8C] =	sst lr;
	_ =	strace $0xD0000000  }
0x3: {  	_ = 	snop  }
0x4: {  	_ = 	snop  }
0x5: {  	_ = 	snop  }
0x6: {  	_ = 	snop  }
0x7: {  	_ = 	snop  }
__scs_overlays_trampoline_lowered:
0x8: {  	[smem:$0x3F9B] =	sst s0  }
0x9: {  	[smem:$0x3F9C] =	sst s1  }
0xa: {  	[smem:$0x3F9D] =	sst s2  }
0xb: {  	[smem:$0x3F9E] =	sst s3  }
0xc: {  	[smem:$0x3F9F] =	sst s4  }
0xd: {  	[smem:$0x3FA0] =	sst s5  }
0xe: {  	[smem:$0x3FA1] =	sst s6  }
0xf: {  	[smem:$0x3FA2] =	sst s7  }
0x10: {  	[smem:$0x3FA3] =	sst s8  }
0x11: {  	[smem:$0x3FA4] =	sst s9;
	s0 =	simm.s32 @!p0 $0x0  }
0x12: {  	s1 =	sld [smem:$0x3F8A];
	s0 =	simm.s32 @p0 $0x1  }
0x13: {  	[smem:$0x3FA5] =	sst s0;
	s0 =	simm.s32 @!p1 $0x0  }
0x14: {  	s2 =	sld [smem:$0x3F89];
	s0 =	simm.s32 @p1 $0x1  }
0x15: {  	[smem:$0x3FA6] =	sst s0;
	s0 =	simm.s32 @!p2 $0x0  }
0x16: {  	s3 =	sld [smem:$0x3FDB];
	s0 =	simm.s32 @p2 $0x1  }
0x17: {  	s4 =	simm.s32 $0x1BF5;
	[smem:$0x3FA8] =	sst s0  }
0x18: {  	s0 =	sld [smem:$0x3F8B];
	_ =	swait.ge [sflag:s4], $0x0  }
0x19: {  	s7 =	sld [smem:$0x3F8C]  }
0x1a: {  	s8 =	sadd.s32 $0xFFFFE003, lr  }
0x1b: {  	s9 =	sadd.s32 $0xFFFFFEF7, lr;
	s5 =	simm.s32 $0xFFFFFFFF;
	p2 =	slt.u32 s8, $0xFFFFF086  }
0x1c: {  	p1 =	slt.u32 s9, $0xF7A;
	s5 =	simm.s32 @!p2 $0x0  }
0x1d: {  	s5 =	simm.s32 @p1 $0x1;
	p0 =	seq.s32 s7, s2  }
0x1e: {  	s7 =	smul.u32 @!p0 $0xF7A, s2;
	p2 =	seq.s32 @!p0 s5, $0x0  }
0x1f: {  	s9 =	smul.u32 $0xF7A, s1;
	s8 =	simm.s32 @!p0 $0x1BF5;
	p2 =	por !p2, p0  }
0x20: {  	[sflag:s8] =	ssyncset.s32 @!p0 $0xFFFFF086;
	s6 =	sadd.s32 @!p0 s3, s7;
	s7 =	simm.s32 @!p0 $0x108  }
0x21: {  	s3 =	sadd.s32 s3, s9;
	s6 =	sadd.s32 @!p0 $0x88, s6;
	s7 =	simm.s32 @p2 $0x1082  }
0x22: {  	[simem:s7], [sflag:s8] =	dma.local @!p0 [hbm:s6], $0xF7A  }
0x23: {  	s9 =	sor.u32 $0xD0000000, s2;
	s6 =	simm.s32 $0x108;
	_ =	swait.ge @!p0 [sflag:s8], $0x0  }
0x24: {  	s3 =	sadd.s32 $0x88, s3;
	s6 =	simm.s32 @!p1 $0x1082;
	[sflag:s4] =	ssyncset.s32 $0xFFFFF086  }
0x25: {  	[simem:s6], [sflag:s4] =	dma.local [hbm:s3], $0xF7A  }
0x26: {  	[smem:$0x3F8C] =	sst s1;
	(tag) =	ssettag s2;
	_ =	strace s9  }
0x27: {  	s1 =	sld [smem:$0x3F9C]  }
0x28: {  	s2 =	sld [smem:$0x3F9D]  }
0x29: {  	s4 =	sld [smem:$0x3F9F]  }
0x2a: {  	p0 =	seq.s32 s5, $0x0;
	s5 =	sld [smem:$0x3FA0]  }
0x2b: {  	s6 =	sld [smem:$0x3FA1]  }
0x2c: {  	s7 =	sld [smem:$0x3FA2]  }
0x2d: {  	s3 =	simm.s32 $0x108;
	s8 =	sld [smem:$0x3FA3]  }
0x2e: {  	s3 =	simm.s32 @!p0 $0x1082;
	s9 =	sld [smem:$0x3FA4]  }
0x2f: {  	lr =	sadd.s32 s0, s3;
	s0 =	sld [smem:$0x3F9B]  }
0x30: {  	s3 =	sld [smem:$0x3F9E]  }
0x31: {  	[smem:$0x3FA7] =	sst s10  }
0x32: {  	s10 =	sld [smem:$0x3FA5];
	_ =	sdelay $0x3  }
0x33: {  	p0 =	seq.s32 s10, $0x1;
	s10 =	sld [smem:$0x3FA7];
	_ =	sdelay $0x3  }
0x34: {  	[smem:$0x3FA7] =	sst s10  }
0x35: {  	s10 =	sld [smem:$0x3FA6];
	_ =	sdelay $0x3  }
0x36: {  	p1 =	seq.s32 s10, $0x1;
	s10 =	sld [smem:$0x3FA7];
	_ =	sdelay $0x3  }
0x37: {  	[smem:$0x3FA7] =	sst s10  }
0x38: {  	s10 =	sld [smem:$0x3FA8]  }
0x39: {  	_ = 	snop;
	(pc) =	sbr.ind lr, $3  }
0x3a: {  	_ = 	snop  }
0x3b: {  	_ = 	snop  }
0x3c: {  	p2 =	seq.s32 s10, $0x1;
	s10 =	sld [smem:$0x3FA7]  }
0x3d: {  	_ =	shalt  }
0x3e: {  	_ =	shalt  }
0x3f: {  	_ =	shalt  }
0x40: {  	_ =	shalt  }
0x41: {  	_ =	shalt  }
0x42: {  	_ =	shalt  }
0x43: {  	_ =	shalt  }
0x44: {  	_ =	shalt  }
0x45: {  	_ =	shalt  }
0x46: {  	_ =	shalt  }
0x47: {  	_ =	shalt  }
0x48: {  	_ =	shalt  }
0x49: {  	_ =	shalt  }
0x4a: {  	_ =	shalt  }
0x4b: {  	_ =	shalt  }
0x4c: {  	_ =	shalt  }
0x4d: {  	_ =	shalt  }
0x4e: {  	_ =	shalt  }
0x4f: {  	_ =	shalt  }
0x50: {  	_ =	shalt  }
0x51: {  	_ =	shalt  }
0x52: {  	_ =	shalt  }
0x53: {  	_ =	shalt  }
0x54: {  	_ =	shalt  }
0x55: {  	_ =	shalt  }
0x56: {  	_ =	shalt  }
0x57: {  	_ =	shalt  }
0x58: {  	_ =	shalt  }
0x59: {  	_ =	shalt  }
0x5a: {  	_ =	shalt  }
0x5b: {  	_ =	shalt  }
0x5c: {  	_ =	shalt  }
0x5d: {  	_ =	shalt  }
0x5e: {  	_ =	shalt  }
0x5f: {  	_ =	shalt  }
0x60: {  	_ =	shalt  }
0x61: {  	_ =	shalt  }
0x62: {  	_ =	shalt  }
0x63: {  	_ =	shalt  }
0x64: {  	_ =	shalt  }
0x65: {  	_ =	shalt  }
0x66: {  	_ =	shalt  }
0x67: {  	_ =	shalt  }
0x68: {  	_ =	shalt  }
0x69: {  	_ =	shalt  }
0x6a: {  	_ =	shalt  }
0x6b: {  	_ =	shalt  }
0x6c: {  	_ =	shalt  }
0x6d: {  	_ =	shalt  }
0x6e: {  	_ =	shalt  }
0x6f: {  	_ =	shalt  }
0x70: {  	_ =	shalt  }
0x71: {  	_ =	shalt  }
0x72: {  	_ =	shalt  }
0x73: {  	_ =	shalt  }
0x74: {  	_ =	shalt  }
0x75: {  	_ =	shalt  }
0x76: {  	_ =	shalt  }
0x77: {  	_ =	shalt  }
0x78: {  	_ =	shalt  }
0x79: {  	_ =	shalt  }
0x7a: {  	_ =	shalt  }
0x7b: {  	_ =	shalt  }
0x7c: {  	_ =	shalt  }
0x7d: {  	_ =	shalt  }
0x7e: {  	_ =	shalt  }
0x7f: {  	_ =	shalt  }
0x80: {  	_ =	shalt  }
0x81: {  	_ =	shalt  }
0x82: {  	_ =	shalt  }
0x83: {  	_ =	shalt  }
0x84: {  	_ =	shalt  }
0x85: {  	_ =	shalt  }
0x86: {  	_ =	shalt  }
0x87: {  	_ =	shalt  }
.Lfunc_end0:
.L_simem_size_0:
called_computation.1_lowered:
.L_overlay_start_0:
0x88: {  	s0 =	sld [smem:$0x3FD9]  }
0x89: {  	s1 =	sld [smem:$0x3FFE];
	_ =	sdelay $0x3  }
0x8a: {  	s0 =	sadd.s32 s1, s0  }
0x8b: {  	[smem:$0x3FB3] =	sst s0  }
0x8c: {  	_ = 	snop  }
0x8d: {  	(tm) =	ssettm $0x1  }
0x8e: {  	s15 =	sld [smem:$0x3FFB];
	_ =	sdelay $0x3  }
0x8f: {  	_ =	strace s15  }
0x90: {  	s0 =	sld [smem:$0x3FFC];
	_ =	sdelay $0x3  }
0x91: {  	_ =	strace s0  }
0x92: {  	s0 =	sld [smem:$0x3FFD];
	_ =	sdelay $0x3  }
0x93: {  	_ =	strace s0  }
0x94: {  	_ =	strace $0x8FFFFFFF  }
0x95: {  	s16 =	sld [smem:$0x3FDB];
	_ =	sdelay $0x1  }
0x96: {  	s17 =	simm.s32 $_scs_section_size  }
0x97: {  	s2 =	simm.s32 $_size__tile_overlayer_lowered;
	s3 =	simm.s32 $_tile_overlayer_lowered  }
0x98: {  	s20 =	simm.s32 $0x1BFF;
	s19 =	sshll.u32 s3, $0x1;
	s0 =	sadd.s32 s17, s16  }
0x99: {  	s4 =	simm.s32 $0x0;
	s18 =	sshll.u32 s2, $0x1;
	s2 =	sadd.s32 s19, s0  }
0x9a: {  	[timem:s4], [sflag:s20] =	dma.local [hbm:s2], s18  }
0x9b: {  	_ =	swait.ge [sflag:s20], s18  }
0x9c: {  	s1 =	ssub.s32 $0x0, s18;
	[sflag:s20] =	ssyncset.done $0x0  }
0x9d: {  	[sflag:s20] =	ssyncadd.s32 s1;
	_ =	sdelay $0x1  }
0x9e: {  	s21 =	simm.s32 $0x1B8B  }
0x9f: {  	_ =	swait.ge [sflag:s21], $0x1  }
0xa0: {  	[sflag:s21] =	ssyncset.done $0x0  }
0xa1: {  	s23 =	simm.s32 $0x1B8E;
	s22 =	sld [smem:$0x3FFE];
	[sflag:s21] =	ssyncadd.s32 $0xFFFFFFFF  }
0xa2: {  	s24 =	simm.s32 $execute0_lowered;
	[smem:$0x3FD2] =	sst s23  }
0xa3: {  	s2 =	sshll.u32 s24, $0x1;
	_ =	strace $0x80000049;
	[dreg:$0x1] =	wrdreg $0xFFFFFFFF  }
0xa4: {  	s25 =	simm.s32 $_size_execute0_lowered;
	s0 =	sadd.s32 s0, s2;
	[dreg:$0x0] =	wrdreg $0x0  }
0xa5: {  	s2 =	sshll.u32 s25, $0x1;
	[dreg:$0x2] =	wrdreg s0  }
0xa6: {  	[dreg:$0x3] =	wrdreg s2  }
0xa7: {  	[dreg:$0x4] =	wrdreg $0xC0  }
0xa8: {  	_ =	task [dreg:s4], $0x5FFFF  }
0xa9: {  	[dreg:$0x1] =	wrdreg $0xFFFFFFFF  }
0xaa: {  	[dreg:$0x0] =	wrdreg $0x60  }
0xab: {  	[dreg:$0x2] =	wrdreg s22  }
0xac: {  	[dreg:$0x3] =	wrdreg $0x31000  }
0xad: {  	[dreg:$0x4] =	wrdreg $0x39000  }
0xae: {  	[dreg:$0x5] =	wrdreg $0xA  }
0xaf: {  	_ =	task.clear_ibuf [dreg:s4], $0x6FFFF;
	_ =	strace $0x90000049  }
0xb0: {  	s26 =	simm.s32 $0xA;
	_ =	strace $0x8000004B  }
0xb1: {  	_ =	swait.ge [sflag:s26], $0x1  }
0xb2: {  	[sflag:s26] =	ssyncadd.s32 $0xFFFFFFFF  }
0xb3: {  	_ =	strace $0x9000004B  }
0xb4: {  	_ =	sfence  }
0xb5: {  	s28 =	sld [smem:$0x0];
	_ =	sdelay $0x1  }
0xb6: {  	s29 =	srdreg.scid  }
0xb7: {  	s30 =	sshll.u32 s29, $0xD;
	s31 =	sshrl.u32 s29, $0x2  }
0xb8: {  	s1 =	sand.u32 $0x1, s29;
	s2 =	sand.u32 $0x4000, s30;
	s0 =	sadd.s32 s31, s28  }
0xb9: {  	s1 =	sor.u32 s2, s1;
	s0 =	sshll.u32 s0, $0x11  }
0xba: {  	s0 =	sor.u32 s0, s1  }
0xbb: {  	s0 =	sadd.s32 $0x8F2B, s0  }
0xbc: {  	[sflag:s0] =	ssyncadd.remote.s32 $0x1  }
0xbd: {  	_ =	sfence.sel $0xFFFF  }
0xbe: {  	[dreg:$0x0] =	wrdreg $0xFFFFFFFF;
	(pc) =	sbr.abs _section_cstart, $3  }
0xbf: {  	[dreg:$0x1] =	wrdreg $0xFFFFFFFF  }
0xc0: {  	_ =	task.clear_ibuf [dreg:s4], $0x2FFFF;
	_ =	strace $0x9FFFFFFF  }
0xc1: {  	(tm) =	ssettm $0x7FFFFFFF  }
tec
execute0_lowered:
.L_overlay_start_1:
0x0: {  	(tag) =	ssettag $0x1  }
0x1: {  	s3 =	rddreg [dreg:$0x0]  }
0x2: {  	s5 =	rddreg [dreg:$0x1]  }
0x3: {  	s2 =	rddreg [dreg:$0x2];
	s1 =	stileid.u32  }
0x4: {  	s0 =	rddreg [dreg:$0x3];
	s4 =	simm.s32 $0x0;
	s6 =	sshll.u32 s1, $0x8  }
0x5: {  	[smem:$0x7FF] =	sst s4;
	s6 =	sadd.s32 s6, s3  }
0x6: {  	s29 =	simm.s32 $0x1;
	_ =	strace $0x8000004A;
	s7 =	sadd.s32 $0x19C00, s6  }
0x7: {  	[tilespmem:s4], [sflag:$0x1] =	stream.linear.gather [hbm4b:s7+s4], $0x800, $0x38;
	[tilespmem:$0x3980] =	vst v63  }
0x8: {  	_ =	swait.ge [sflag:s29], $0x800  }
0x9: {  	[sflag:s29] =	ssyncset.done $0x0  }
0xa: {  	s8 =	simm.s32 $0x800;
	s6 =	sadd.s32 $0x18C00, s6;
	[sflag:s29] =	ssyncadd.s32 $0xFFFFF800  }
0xb: {  	[tilespmem:s8], [sflag:$0x1] =	stream.linear.gather [hbm4b:s6+s4], $0x800, $0x38;
	[tilespmem:$0x3980] =	vst v63  }
0xc: {  	_ =	swait.ge [sflag:s29], $0x800  }
0xd: {  	[sflag:s29] =	ssyncset.done $0x0  }
0xe: {  	s31 =	simm.s32 $0x1000;
	s30 =	sadd.s32 $0x18A00, s3;
	[sflag:s29] =	ssyncadd.s32 $0xFFFFF800  }
0xf: {  	[tilespmem:s31], [sflag:$0x1] =	stream.linear.gather [hbm4b:s30+s4], $0x800, $0x38;
	[tilespmem:$0x3980] =	vst v63  }
0x10: {  	_ =	swait.ge [sflag:s29], $0x800  }
0x11: {  	[sflag:s29] =	ssyncset.done $0x0  }
0x12: {  	v0 =	vimm.f32 $0.0e+00;
	s4 =	simm.s32 $0x1840;
	[sflag:s29] =	ssyncadd.s32 $0xFFFFF800  }
0x13: {  	[tilespmem:s4+$0xFFFFFFC0] =	vst v0  }
0x14: {  	[tilespmem:s4+$0x30] =	vst v0  }
0x15: {  	[tilespmem:s4+$0x20] =	vst v0  }
0x16: {  	[tilespmem:s4+$0x10] =	vst v0  }
0x17: {  	[tilespmem:s4+$0x0] =	vst v0  }
0x18: {  	s10 =	sadd.s32 $0x1AC00, s3;
	[tilespmem:s4+$0xFFFFFFF0] =	vst v0  }
0x19: {  	s7 =	sadd.s32 $0x1AE00, s3;
	s3 =	sadd.s32 $0x1B000, s3;
	s6 =	simm.s32 $0x0;
	[tilespmem:s4+$0xFFFFFFE0] =	vst v0  }
.LBB2_1:
0x1a: {  	s6 =	sadd.s32 $0x8, s6;
	[tilespmem:s4+$0xFFFFFFD0] =	vst v0;
	s4 =	sadd.s32 $0x80, s4  }
0x1b: {  	[tilespmem:s4+$0xFFFFFFC0] =	vst v0;
	p0 =	slt.u32 s6, $0x78  }
0x1c: {  	[tilespmem:s4+$0x30] =	vst v0  }
.Ltmp0:
0x1d: {  	[tilespmem:s4+$0x20] =	vst v0;
	(pc) =	sbr.rel @p0 .LBB2_1-.Ltmp0, $4  }
0x1e: {  	[tilespmem:s4+$0x10] =	vst v0  }
0x1f: {  	[tilespmem:s4+$0x0] =	vst v0  }
0x20: {  	[tilespmem:s4+$0xFFFFFFF0] =	vst v0  }
0x21: {  	[tilespmem:s4+$0xFFFFFFE0] =	vst v0  }
0x22: {  	[tilespmem:s4+$0xFFFFFFD0] =	vst v0;
	s4 =	simm.s32 $0x840  }
0x23: {  	v2 =	vld [tilespmem:s4+$0xFFFFFFC0]  }
0x24: {  	v3 =	vld [tilespmem:s4+$0x30]  }
0x25: {  	v4 =	vld [tilespmem:s4+$0x20]  }
0x26: {  	v5 =	vld [tilespmem:s4+$0x10]  }
0x27: {  	v6 =	vld [tilespmem:s4+$0x0]  }
0x28: {  	v7 =	vld [tilespmem:s4+$0xFFFFFFF0]  }
0x29: {  	v8 =	vld [tilespmem:s4+$0xFFFFFFE0]  }
0x2a: {  	v0 =	vimm.f32 $1.000000000e+00;
	s6 =	simm.s32 $0x1800;
	v1 =	vld [tilespmem:s4+$0xFFFFFFD0]  }
0x2b: {  	[tilespmem:v2+s6+$0x0] =	vst.idx.add.f32.msk $0xffff, v0  }
0x2c: {  	[tilespmem:v3+s6+$0x0] =	vst.idx.add.f32.msk $0xffff, v0  }
0x2d: {  	[tilespmem:v4+s6+$0x0] =	vst.idx.add.f32.msk $0xffff, v0  }
0x2e: {  	[tilespmem:v5+s6+$0x0] =	vst.idx.add.f32.msk $0xffff, v0  }
0x2f: {  	[tilespmem:v6+s6+$0x0] =	vst.idx.add.f32.msk $0xffff, v0  }
0x30: {  	[tilespmem:v7+s6+$0x0] =	vst.idx.add.f32.msk $0xffff, v0  }
0x31: {  	s8 =	simm.s32 $0x0;
	[tilespmem:v8+s6+$0x0] =	vst.idx.add.f32.msk $0xffff, v0  }
.LBB2_3:
0x32: {  	s8 =	sadd.s32 $0x8, s8;
	[tilespmem:v1+s6+$0x0] =	vst.idx.add.f32.msk $0xffff, v0;
	s4 =	sadd.s32 $0x80, s4  }
0x33: {  	v2 =	vld [tilespmem:s4+$0xFFFFFFC0];
	p0 =	slt.u32 s8, $0x78  }
0x34: {  	v3 =	vld [tilespmem:s4+$0x30]  }
0x35: {  	v4 =	vld [tilespmem:s4+$0x20]  }
0x36: {  	v5 =	vld [tilespmem:s4+$0x10]  }
0x37: {  	v6 =	vld [tilespmem:s4+$0x0]  }
0x38: {  	v7 =	vld [tilespmem:s4+$0xFFFFFFF0]  }
0x39: {  	v8 =	vld [tilespmem:s4+$0xFFFFFFE0]  }
0x3a: {  	v1 =	vld [tilespmem:s4+$0xFFFFFFD0]  }
0x3b: {  	[tilespmem:v2+s6+$0x0] =	vst.idx.add.f32.msk $0xffff, v0  }
0x3c: {  	[tilespmem:v3+s6+$0x0] =	vst.idx.add.f32.msk $0xffff, v0  }
.Ltmp1:
0x3d: {  	[tilespmem:v4+s6+$0x0] =	vst.idx.add.f32.msk $0xffff, v0;
	(pc) =	sbr.rel @p0 .LBB2_3-.Ltmp1, $4  }
0x3e: {  	[tilespmem:v5+s6+$0x0] =	vst.idx.add.f32.msk $0xffff, v0  }
0x3f: {  	[tilespmem:v6+s6+$0x0] =	vst.idx.add.f32.msk $0xffff, v0  }
0x40: {  	[tilespmem:v7+s6+$0x0] =	vst.idx.add.f32.msk $0xffff, v0  }
0x41: {  	[tilespmem:v8+s6+$0x0] =	vst.idx.add.f32.msk $0xffff, v0  }
0x42: {  	_ = 	snop  }
0x43: {  	s4 =	sshll.u32 s1, $0xB  }
0x44: {  	s8 =	sshll.u32 s1, $0x7;
	s24 =	simm.s32 $0x80;
	s4 =	sand.u32 $0x4000, s4  }
0x45: {  	s25 =	simm.s32 $0x400;
	s9 =	sand.u32 $0x380, s8;
	s4 =	sadd.s32 s4, s5  }
0x46: {  	[tilespmem:v1+s6+$0x0] =	vst.idx.add.f32.msk $0xffff, v0;
	s11 =	simm.s32 $0x1800;
	s26 =	simm.s32 $0x1;
	s4 =	sadd.s32 s9, s4  }
0x47: {  	[spmem:s4] =	stream.strided.scatter [tilespmem:s11], [sflag:$0x1], $0x800, s25, s24, $0x38;
	[tilespmem:$0x3980] =	vst v63  }
0x48: {  	_ =	swait.ge [sflag:s26], $0x800  }
0x49: {  	[sflag:s26] =	ssyncset.done $0x0  }
0x4a: {  	s28 =	sshll.u32 s1, $0xA;
	s29 =	simm.s32 $0x4000;
	[sflag:s26] =	ssyncadd.s32 $0xFFFFF800  }
0x4b: {  	s12 =	simm.s32 $0x2900;
	s5 =	sadd.s32 s28, s5;
	[bflag:$0x0] =	sbarrier.arrive $0xFFFF  }
0x4c: {  	[tilespmem:s12], [sflag:$0x1] =	stream.strided.gather [spmem:s5], $0x800, s29, s25, $0x38;
	[tilespmem:$0x3980] =	vst v63  }
0x4d: {  	_ =	swait.ge [sflag:s26], $0x800  }
0x4e: {  	[sflag:s26] =	ssyncset.done $0x0  }
0x4f: {  	s30 =	simm.s32 $0x2D00;
	[sflag:s26] =	ssyncadd.s32 $0xFFFFF800  }
0x50: {  	v0 =	vld [tilespmem:s30+$0xFFFFFC10]  }
0x51: {  	v1 =	vld [tilespmem:s30+$0xFFFFFC90]  }
0x52: {  	v2 =	vld [tilespmem:s30+$0xFFFFFC80]  }
0x53: {  	v3 =	vld [tilespmem:s30+$0xFFFFFD10]  }
0x54: {  	v4 =	vld [tilespmem:s30+$0xFFFFFC00]  }
0x55: {  	v5 =	vld [tilespmem:s30+$0xFFFFFD90]  }
0x56: {  	v6 =	vld [tilespmem:s30+$0xFFFFFD00];
	v0 =	vadd.f32 v1, v0  }
0x57: {  	v1 =	vld [tilespmem:s30+$0xFFFFFE10]  }
0x58: {  	v7 =	vld [tilespmem:s30+$0xFFFFFD80];
	v0 =	vadd.f32 v3, v0  }
0x59: {  	v2 =	vadd.f32 v2, v4;
	v3 =	vld [tilespmem:s30+$0xFFFFFE90]  }
0x5a: {  	v4 =	vld [tilespmem:s30+$0xFFFFFE00];
	v0 =	vadd.f32 v5, v0  }
0x5b: {  	v2 =	vadd.f32 v6, v2;
	v5 =	vld [tilespmem:s30+$0xFFFFFF10]  }
0x5c: {  	v6 =	vld [tilespmem:s30+$0xFFFFFE80];
	v0 =	vadd.f32 v1, v0  }
0x5d: {  	v1 =	vadd.f32 v7, v2;
	v2 =	vld [tilespmem:s30+$0xFFFFFF90]  }
0x5e: {  	v7 =	vld [tilespmem:s30+$0xFFFFFF00];
	v0 =	vadd.f32 v3, v0  }
0x5f: {  	v1 =	vadd.f32 v4, v1;
	v3 =	vld [tilespmem:s30+$0x10]  }
0x60: {  	v4 =	vld [tilespmem:s30+$0xFFFFFF80];
	v0 =	vadd.f32 v5, v0  }
0x61: {  	v1 =	vadd.f32 v6, v1;
	v5 =	vld [tilespmem:s30+$0x90]  }
0x62: {  	v6 =	vld [tilespmem:s30+$0x0];
	v0 =	vadd.f32 v2, v0  }
0x63: {  	v1 =	vadd.f32 v7, v1;
	v2 =	vld [tilespmem:s30+$0x110]  }
0x64: {  	v7 =	vld [tilespmem:s30+$0x80];
	v0 =	vadd.f32 v3, v0  }
0x65: {  	v1 =	vadd.f32 v4, v1;
	v3 =	vld [tilespmem:s30+$0x190]  }
0x66: {  	v4 =	vld [tilespmem:s30+$0x100];
	v0 =	vadd.f32 v5, v0  }
0x67: {  	v1 =	vadd.f32 v6, v1;
	v5 =	vld [tilespmem:s30+$0x210]  }
0x68: {  	v6 =	vld [tilespmem:s30+$0x180];
	v0 =	vadd.f32 v2, v0  }
0x69: {  	v1 =	vadd.f32 v7, v1;
	v2 =	vld [tilespmem:s30+$0x290]  }
0x6a: {  	v7 =	vld [tilespmem:s30+$0x200];
	v0 =	vadd.f32 v3, v0  }
0x6b: {  	v1 =	vadd.f32 v4, v1;
	v3 =	vld [tilespmem:s30+$0x310]  }
0x6c: {  	v4 =	vld [tilespmem:s30+$0x280];
	v0 =	vadd.f32 v5, v0  }
0x6d: {  	v1 =	vadd.f32 v6, v1;
	v5 =	vld [tilespmem:s30+$0x390]  }
0x6e: {  	v6 =	vld [tilespmem:s30+$0x300];
	v0 =	vadd.f32 v2, v0  }
0x6f: {  	s31 =	simm.s32 $0x2D20;
	v1 =	vadd.f32 v7, v1;
	v2 =	vld [tilespmem:s30+$0x380]  }
0x70: {  	v7 =	vld [tilespmem:s31+$0xFFFFFC10];
	v0 =	vadd.f32 v3, v0  }
0x71: {  	v3 =	vld [tilespmem:s31+$0xFFFFFC90];
	v1 =	vadd.f32 v4, v1  }
0x72: {  	v4 =	vld [tilespmem:s31+$0xFFFFFC80];
	v0 =	vadd.f32 v5, v0  }
0x73: {  	v5 =	vld [tilespmem:s31+$0xFFFFFD10];
	v1 =	vadd.f32 v6, v1  }
0x74: {  	v6 =	vld [tilespmem:s31+$0xFFFFFC00];
	v0 =	vadd.f32 $1.000000000e+00, v0  }
0x75: {  	v8 =	vld [tilespmem:s31+$0xFFFFFD90];
	v1 =	vadd.f32 v2, v1  }
0x76: {  	v2 =	vld [tilespmem:s31+$0xFFFFFD00];
	v3 =	vadd.f32 v3, v7;
	v7 =	vshra.s32 v0, $0x1;
	v0 =	vmul.f32 $5.000000000e-01, v0  }
0x77: {  	v9 =	vld [tilespmem:s31+$0xFFFFFE10];
	v1 =	vadd.f32 $1.000000000e+00, v1;
	v7 =	vsub.s32 $0x5F3759DF, v7  }
0x78: {  	v10 =	vld [tilespmem:s31+$0xFFFFFD80];
	v3 =	vadd.f32 v5, v3;
	v5 =	vmul.f32 v7, v0  }
0x79: {  	v4 =	vadd.f32 v4, v6;
	v6 =	vld [tilespmem:s31+$0xFFFFFE90];
	v11 =	vshra.s32 v1, $0x1;
	v1 =	vmul.f32 $5.000000000e-01, v1  }
0x7a: {  	v12 =	vld [tilespmem:s31+$0xFFFFFE00];
	v3 =	vadd.f32 v8, v3;
	v8 =	vsub.s32 $0x5F3759DF, v11;
	v5 =	vmul.f32 v7, v5  }
0x7b: {  	v2 =	vadd.f32 v2, v4;
	v4 =	vld [tilespmem:s31+$0xFFFFFF10];
	v11 =	vmul.f32 v8, v1  }
0x7c: {  	v13 =	vld [tilespmem:s31+$0xFFFFFE80];
	v3 =	vadd.f32 v9, v3;
	v5 =	vsub.f32 $1.500000000e+00, v5  }
0x7d: {  	v2 =	vadd.f32 v10, v2;
	v9 =	vld [tilespmem:s31+$0xFFFFFF90];
	v10 =	vmul.f32 v8, v11  }
0x7e: {  	v11 =	vld [tilespmem:s31+$0xFFFFFF00];
	v3 =	vadd.f32 v6, v3;
	v5 =	vmul.f32 v7, v5  }
0x7f: {  	v2 =	vadd.f32 v12, v2;
	v6 =	vld [tilespmem:s31+$0x10];
	v7 =	vsub.f32 $1.500000000e+00, v10  }
0x80: {  	v10 =	vld [tilespmem:s31+$0xFFFFFF80];
	v3 =	vadd.f32 v4, v3;
	v4 =	vmul.f32 v5, v0  }
0x81: {  	v60 =	vld [tilespmem:s31+$0x90];
	v2 =	vadd.f32 v13, v2;
	v7 =	vmul.f32 v8, v7  }
0x82: {  	v8 =	vld [tilespmem:s31+$0x0];
	v3 =	vadd.f32 v9, v3;
	v4 =	vmul.f32 v4, v5  }
0x83: {  	v2 =	vadd.f32 v11, v2;
	v9 =	vld [tilespmem:s31+$0x110];
	v11 =	vmul.f32 v7, v1  }
0x84: {  	v61 =	vld [tilespmem:s31+$0x80];
	v3 =	vadd.f32 v6, v3;
	v4 =	vsub.f32 $1.500000000e+00, v4  }
0x85: {  	v2 =	vadd.f32 v10, v2;
	v6 =	vld [tilespmem:s31+$0x190];
	v10 =	vmul.f32 v11, v7  }
0x86: {  	v11 =	vld [tilespmem:s31+$0x100];
	v3 =	vadd.f32 v60, v3;
	v62 =	vmul.f32 v4, v5  }
0x87: {  	v2 =	vadd.f32 v8, v2;
	v5 =	vld [tilespmem:s31+$0x210];
	v4 =	vsub.f32 $1.500000000e+00, v10  }
0x88: {  	v8 =	vld [tilespmem:s31+$0x180];
	v3 =	vadd.f32 v9, v3;
	v9 =	vmul.f32 v62, v0  }
0x89: {  	v10 =	vld [tilespmem:s31+$0x290];
	v2 =	vadd.f32 v61, v2;
	v0 =	vmul.f32 v4, v7  }
0x8a: {  	v7 =	vld [tilespmem:s31+$0x200];
	v6 =	vadd.f32 v6, v3;
	v9 =	vmul.f32 v9, v62  }
0x8b: {  	v2 =	vadd.f32 v11, v2;
	v3 =	vld [tilespmem:s31+$0x310];
	v1 =	vmul.f32 v0, v1  }
0x8c: {  	v4 =	vld [tilespmem:s31+$0x280];
	v11 =	vadd.f32 v5, v6;
	v9 =	vsub.f32 $1.500000000e+00, v9  }
0x8d: {  	v2 =	vadd.f32 v8, v2;
	v5 =	vld [tilespmem:s31+$0x390];
	v63 =	vmul.f32 v1, v0  }
0x8e: {  	v6 =	vld [tilespmem:s31+$0x300];
	v8 =	vadd.f32 v10, v11;
	v1 =	vmul.f32 v9, v62  }
0x8f: {  	s6 =	simm.s32 $0x2810;
	s9 =	simm.s32 $0x2;
	s11 =	simm.s32 $0x2D40;
	v9 =	vadd.f32 v7, v2;
	v7 =	vld [tilespmem:s31+$0x380];
	v2 =	vsub.f32 $1.500000000e+00, v63  }
.LBB2_5:
0x90: {  	v10 =	vld [tilespmem:s11+$0xFFFFFC10];
	v3 =	vadd.f32 v3, v8;
	[tilespmem:s6+$0x0] =	vst v1  }
0x91: {  	s9 =	sadd.s32 $0x2, s9;
	v1 =	vld [tilespmem:s11+$0xFFFFFC90];
	v4 =	vadd.f32 v4, v9;
	v0 =	vmul.f32 v2, v0  }
0x92: {  	p0 =	slt.u32 s9, $0x6;
	v2 =	vld [tilespmem:s11+$0xFFFFFC80];
	v3 =	vadd.f32 v5, v3  }
0x93: {  	v5 =	vld [tilespmem:s11+$0xFFFFFD10];
	v4 =	vadd.f32 v6, v4;
	[tilespmem:s6+$0xFFFFFFF0] =	vst v0  }
0x94: {  	v0 =	vld [tilespmem:s11+$0xFFFFFC00];
	v3 =	vadd.f32 $1.000000000e+00, v3  }
0x95: {  	v6 =	vld [tilespmem:s11+$0xFFFFFD90];
	v4 =	vadd.f32 v7, v4  }
0x96: {  	v7 =	vld [tilespmem:s11+$0xFFFFFD00];
	v1 =	vadd.f32 v1, v10;
	v8 =	vshra.s32 v3, $0x1;
	v3 =	vmul.f32 $5.000000000e-01, v3  }
0x97: {  	v9 =	vld [tilespmem:s11+$0xFFFFFE10];
	v4 =	vadd.f32 $1.000000000e+00, v4;
	v8 =	vsub.s32 $0x5F3759DF, v8  }
0x98: {  	v10 =	vld [tilespmem:s11+$0xFFFFFD80];
	v1 =	vadd.f32 v5, v1;
	v5 =	vmul.f32 v8, v3  }
0x99: {  	v0 =	vadd.f32 v2, v0;
	v2 =	vld [tilespmem:s11+$0xFFFFFE90];
	v11 =	vshra.s32 v4, $0x1;
	v4 =	vmul.f32 $5.000000000e-01, v4  }
0x9a: {  	v12 =	vld [tilespmem:s11+$0xFFFFFE00];
	v1 =	vadd.f32 v6, v1;
	v6 =	vsub.s32 $0x5F3759DF, v11;
	v5 =	vmul.f32 v8, v5  }
0x9b: {  	v0 =	vadd.f32 v7, v0;
	v7 =	vld [tilespmem:s11+$0xFFFFFF10];
	v11 =	vmul.f32 v6, v4  }
0x9c: {  	v13 =	vld [tilespmem:s11+$0xFFFFFE80];
	v1 =	vadd.f32 v9, v1;
	v5 =	vsub.f32 $1.500000000e+00, v5  }
0x9d: {  	v0 =	vadd.f32 v10, v0;
	v9 =	vld [tilespmem:s11+$0xFFFFFF90];
	v10 =	vmul.f32 v6, v11  }
0x9e: {  	v11 =	vld [tilespmem:s11+$0xFFFFFF00];
	v1 =	vadd.f32 v2, v1;
	v2 =	vmul.f32 v8, v5  }
0x9f: {  	v0 =	vadd.f32 v12, v0;
	v5 =	vld [tilespmem:s11+$0x10];
	v8 =	vsub.f32 $1.500000000e+00, v10  }
0xa0: {  	v10 =	vld [tilespmem:s11+$0xFFFFFF80];
	v1 =	vadd.f32 v7, v1;
	v7 =	vmul.f32 v2, v3  }
0xa1: {  	v0 =	vadd.f32 v13, v0;
	v12 =	vld [tilespmem:s11+$0x90];
	v6 =	vmul.f32 v6, v8  }
0xa2: {  	v8 =	vld [tilespmem:s11+$0x0];
	v1 =	vadd.f32 v9, v1;
	v7 =	vmul.f32 v7, v2  }
0xa3: {  	v0 =	vadd.f32 v11, v0;
	v9 =	vld [tilespmem:s11+$0x110];
	v11 =	vmul.f32 v6, v4  }
0xa4: {  	v13 =	vld [tilespmem:s11+$0x80];
	v1 =	vadd.f32 v5, v1;
	v5 =	vsub.f32 $1.500000000e+00, v7  }
0xa5: {  	v0 =	vadd.f32 v10, v0;
	v7 =	vld [tilespmem:s11+$0x190];
	v10 =	vmul.f32 v11, v6  }
0xa6: {  	v11 =	vld [tilespmem:s11+$0x100];
	v1 =	vadd.f32 v12, v1;
	v2 =	vmul.f32 v5, v2  }
0xa7: {  	v0 =	vadd.f32 v8, v0;
	v5 =	vld [tilespmem:s11+$0x210];
	v8 =	vsub.f32 $1.500000000e+00, v10  }
0xa8: {  	v10 =	vld [tilespmem:s11+$0x180];
	v1 =	vadd.f32 v9, v1;
	v3 =	vmul.f32 v2, v3  }
0xa9: {  	v9 =	vadd.f32 v13, v0;
	v12 =	vld [tilespmem:s11+$0x290];
	v0 =	vmul.f32 v8, v6  }
0xaa: {  	v13 =	vld [tilespmem:s11+$0x200];
	v1 =	vadd.f32 v7, v1;
	v6 =	vmul.f32 v3, v2  }
.Ltmp2:
0xab: {  	v7 =	vadd.f32 v11, v9;
	v3 =	vld [tilespmem:s11+$0x310];
	v8 =	vmul.f32 v0, v4;
	(pc) =	sbr.rel @p0 .LBB2_5-.Ltmp2, $4  }
0xac: {  	v4 =	vld [tilespmem:s11+$0x280];
	v1 =	vadd.f32 v5, v1;
	v9 =	vsub.f32 $1.500000000e+00, v6  }
0xad: {  	v7 =	vadd.f32 v10, v7;
	v5 =	vld [tilespmem:s11+$0x390];
	v10 =	vmul.f32 v8, v0  }
0xae: {  	v6 =	vld [tilespmem:s11+$0x300];
	v8 =	vadd.f32 v12, v1;
	v1 =	vmul.f32 v9, v2  }
0xaf: {  	s6 =	sadd.s32 $0x20, s6;
	v9 =	vadd.f32 v13, v7;
	v7 =	vld [tilespmem:s11+$0x380];
	s11 =	sadd.s32 $0x20, s11;
	v2 =	vsub.f32 $1.500000000e+00, v10  }
0xb0: {  	_ = 	snop  }
0xb1: {  	v4 =	vadd.f32 v4, v9  }
0xb2: {  	v3 =	vadd.f32 v3, v8  }
0xb3: {  	v4 =	vadd.f32 v6, v4  }
0xb4: {  	v3 =	vadd.f32 v5, v3  }
0xb5: {  	v4 =	vadd.f32 v7, v4  }
0xb6: {  	v3 =	vadd.f32 $1.000000000e+00, v3  }
0xb7: {  	v4 =	vadd.f32 $1.000000000e+00, v4  }
0xb8: {  	v5 =	vshra.s32 v3, $0x1;
	v3 =	vmul.f32 $5.000000000e-01, v3  }
0xb9: {  	v5 =	vsub.s32 $0x5F3759DF, v5;
	v6 =	vshra.s32 v4, $0x1;
	v4 =	vmul.f32 $5.000000000e-01, v4  }
0xba: {  	v7 =	vmul.f32 v5, v3;
	v6 =	vsub.s32 $0x5F3759DF, v6  }
0xbb: {  	v8 =	vmul.f32 v6, v4  }
0xbc: {  	v7 =	vmul.f32 v5, v7  }
0xbd: {  	v8 =	vmul.f32 v6, v8  }
0xbe: {  	v7 =	vsub.f32 $1.500000000e+00, v7  }
0xbf: {  	v8 =	vsub.f32 $1.500000000e+00, v8  }
0xc0: {  	v5 =	vmul.f32 v5, v7  }
0xc1: {  	v6 =	vmul.f32 v6, v8  }
0xc2: {  	v7 =	vmul.f32 v5, v3  }
0xc3: {  	v8 =	vmul.f32 v6, v4  }
0xc4: {  	v7 =	vmul.f32 v7, v5  }
0xc5: {  	v8 =	vmul.f32 v8, v6  }
0xc6: {  	v7 =	vsub.f32 $1.500000000e+00, v7  }
0xc7: {  	v8 =	vsub.f32 $1.500000000e+00, v8  }
0xc8: {  	v5 =	vmul.f32 v7, v5  }
0xc9: {  	v6 =	vmul.f32 v8, v6  }
0xca: {  	v3 =	vmul.f32 v5, v3  }
0xcb: {  	v4 =	vmul.f32 v6, v4  }
0xcc: {  	v3 =	vmul.f32 v3, v5  }
0xcd: {  	v4 =	vmul.f32 v4, v6  }
0xce: {  	v3 =	vsub.f32 $1.500000000e+00, v3  }
0xcf: {  	v0 =	vmul.f32 v2, v0;
	v2 =	vsub.f32 $1.500000000e+00, v4  }
0xd0: {  	[tilespmem:s6+$0x0] =	vst v1;
	v1 =	vmul.f32 v3, v5  }
0xd1: {  	s30 =	sadd.s32 $0x20, s6;
	[tilespmem:s6+$0xFFFFFFF0] =	vst v0;
	v0 =	vmul.f32 v2, v6  }
0xd2: {  	[tilespmem:s30+$0x0] =	vst v1  }
0xd3: {  	s9 =	simm.s32 $0x2800;
	s31 =	simm.s32 $0x1;
	s6 =	sadd.s32 s8, s2;
	[tilespmem:s30+$0xFFFFFFF0] =	vst v0  }
0xd4: {  	[spmem:s6] =	stream.linear.scatter [tilespmem:s9], [sflag:$0x1], $0x80, $0x38;
	[tilespmem:$0x3980] =	vst v63  }
0xd5: {  	_ =	swait.ge [sflag:s31], $0x80  }
0xd6: {  	[sflag:s31] =	ssyncset.done $0x0  }
0xd7: {  	[sflag:s31] =	ssyncadd.s32 $0xFFFFFF80  }
0xd8: {  	s11 =	simm.s32 $0x2000;
	[bflag:$0x0] =	sbarrier.arrive $0xFFFF  }
0xd9: {  	[tilespmem:s11], [sflag:$0x1] =	stream.linear.gather [spmem:s2], $0x800, $0x38;
	[tilespmem:$0x3980] =	vst v63  }
0xda: {  	_ =	swait.ge [sflag:s31], $0x800  }
0xdb: {  	[sflag:s31] =	ssyncset.done $0x0  }
0xdc: {  	s9 =	simm.s32 $0x1040;
	[sflag:s31] =	ssyncadd.s32 $0xFFFFF800  }
0xdd: {  	s11 =	simm.s32 $0x2040;
	v1 =	vld [tilespmem:s9+$0x30]  }
0xde: {  	v2 =	vld [tilespmem:s11+$0x30]  }
0xdf: {  	v0 =	vld [tilespmem:s11+$0xFFFFFFC0]  }
0xe0: {  	v3 =	vld [tilespmem:s9+$0xFFFFFFD0]  }
0xe1: {  	v4 =	vld [tilespmem:s11+$0xFFFFFFD0]  }
0xe2: {  	v5 =	vld [tilespmem:s9+$0xFFFFFFE0]  }
0xe3: {  	v6 =	vld [tilespmem:s11+$0xFFFFFFE0]  }
0xe4: {  	v7 =	vld [tilespmem:s9+$0xFFFFFFF0]  }
0xe5: {  	v8 =	vld [tilespmem:s11+$0xFFFFFFF0]  }
0xe6: {  	v63 =	vld [tilespmem:s9+$0x0]  }
0xe7: {  	v10 =	vld [tilespmem:s11+$0x0];
	v2 =	vmul.f32 v2, v1  }
0xe8: {  	v4 =	vmul.f32 v4, v3;
	v1 =	vld [tilespmem:s9+$0x10]  }
0xe9: {  	v5 =	vmul.f32 v6, v5;
	v3 =	vld [tilespmem:s11+$0x10];
	[tilespmem:s9+$0x30] =	vst v2  }
0xea: {  	v6 =	vmul.f32 v8, v7;
	[tilespmem:s9+$0xFFFFFFD0] =	vst v4;
	v2 =	vld [tilespmem:s9+$0x20]  }
0xeb: {  	[tilespmem:s9+$0xFFFFFFE0] =	vst v5;
	v5 =	vld [tilespmem:s11+$0x20]  }
0xec: {  	s12 =	simm.s32 $0x0;
	s13 =	simm.s32 $0x10C0;
	v4 =	vld [tilespmem:s9+$0xFFFFFFC0];
	[tilespmem:s9+$0xFFFFFFF0] =	vst v6;
	v6 =	vmul.f32 v10, v63  }
.LBB2_7:
0xed: {  	v7 =	vld [tilespmem:s13+$0x30];
	s11 =	sadd.s32 $0x80, s11  }
0xee: {  	s12 =	sadd.s32 $0x8, s12;
	v8 =	vld [tilespmem:s11+$0x30];
	[tilespmem:s9+$0x0] =	vst v6;
	v1 =	vmul.f32 v3, v1  }
0xef: {  	p0 =	slt.u32 s12, $0x78;
	v3 =	vld [tilespmem:s11+$0xFFFFFFC0]  }
0xf0: {  	v6 =	vld [tilespmem:s13+$0xFFFFFFD0];
	[tilespmem:s9+$0x10] =	vst v1;
	v1 =	vmul.f32 v5, v2  }
0xf1: {  	v2 =	vld [tilespmem:s11+$0xFFFFFFD0];
	v9 =	vmul.f32 v0, v4  }
0xf2: {  	v4 =	vld [tilespmem:s13+$0xFFFFFFE0];
	[tilespmem:s9+$0x20] =	vst v1  }
0xf3: {  	v1 =	vld [tilespmem:s11+$0xFFFFFFE0];
	v5 =	vmul.f32 v8, v7;
	[tilespmem:s9+$0xFFFFFFC0] =	vst v9;
	s9 =	smov.u32 s13  }
0xf4: {  	v7 =	vld [tilespmem:s13+$0xFFFFFFF0];
	v0 =	vmov v3  }
0xf5: {  	v8 =	vld [tilespmem:s11+$0xFFFFFFF0];
	[tilespmem:s13+$0x30] =	vst v5  }
0xf6: {  	v2 =	vmul.f32 v2, v6;
	v6 =	vld [tilespmem:s13+$0x0]  }
0xf7: {  	v9 =	vld [tilespmem:s11+$0x0]  }
.Ltmp3:
0xf8: {  	[tilespmem:s13+$0xFFFFFFD0] =	vst v2;
	v2 =	vmul.f32 v1, v4;
	v1 =	vld [tilespmem:s13+$0x10];
	(pc) =	sbr.rel @p0 .LBB2_7-.Ltmp3, $4  }
0xf9: {  	v3 =	vld [tilespmem:s11+$0x10]  }
0xfa: {  	[tilespmem:s13+$0xFFFFFFE0] =	vst v2;
	v7 =	vmul.f32 v8, v7;
	v2 =	vld [tilespmem:s13+$0x20]  }
0xfb: {  	v5 =	vld [tilespmem:s11+$0x20]  }
0xfc: {  	s13 =	sadd.s32 $0x80, s13;
	v4 =	vld [tilespmem:s9+$0xFFFFFFC0];
	[tilespmem:s9+$0xFFFFFFF0] =	vst v7;
	v6 =	vmul.f32 v9, v6  }
0xfd: {  	_ =	sdelay $0x1  }
0xfe: {  	v1 =	vmul.f32 v3, v1  }
0xff: {  	[tilespmem:s9+$0x0] =	vst v6;
	v2 =	vmul.f32 v5, v2  }
0x100: {  	[tilespmem:s9+$0x10] =	vst v1;
	v0 =	vmul.f32 v0, v4  }
0x101: {  	[tilespmem:s9+$0x20] =	vst v2  }
0x102: {  	[tilespmem:s9+$0xFFFFFFC0] =	vst v0;
	s9 =	simm.s32 $0x1840;
	v0 =	vimm.f32 $0.0e+00  }
0x103: {  	[tilespmem:s9+$0xFFFFFFC0] =	vst v0  }
0x104: {  	[tilespmem:s9+$0x30] =	vst v0  }
0x105: {  	[tilespmem:s9+$0x20] =	vst v0  }
0x106: {  	[tilespmem:s9+$0x10] =	vst v0  }
0x107: {  	[tilespmem:s9+$0x0] =	vst v0  }
0x108: {  	[tilespmem:s9+$0xFFFFFFF0] =	vst v0  }
0x109: {  	s11 =	simm.s32 $0x0;
	[tilespmem:s9+$0xFFFFFFE0] =	vst v0  }
.LBB2_9:
0x10a: {  	s11 =	sadd.s32 $0x8, s11;
	[tilespmem:s9+$0xFFFFFFD0] =	vst v0;
	s9 =	sadd.s32 $0x80, s9  }
0x10b: {  	[tilespmem:s9+$0xFFFFFFC0] =	vst v0;
	p0 =	slt.u32 s11, $0x78  }
0x10c: {  	[tilespmem:s9+$0x30] =	vst v0  }
.Ltmp4:
0x10d: {  	[tilespmem:s9+$0x20] =	vst v0;
	(pc) =	sbr.rel @p0 .LBB2_9-.Ltmp4, $4  }
0x10e: {  	[tilespmem:s9+$0x10] =	vst v0  }
0x10f: {  	[tilespmem:s9+$0x0] =	vst v0  }
0x110: {  	[tilespmem:s9+$0xFFFFFFF0] =	vst v0  }
0x111: {  	[tilespmem:s9+$0xFFFFFFE0] =	vst v0  }
0x112: {  	[tilespmem:s9+$0xFFFFFFD0] =	vst v0;
	s12 =	simm.s32 $0x840  }
0x113: {  	v0 =	vld [tilespmem:s12+$0x30]  }
0x114: {  	v1 =	vld [tilespmem:s12+$0xFFFFFFC0]  }
0x115: {  	v2 =	vld [tilespmem:s12+$0xFFFFFFD0]  }
0x116: {  	v3 =	vld [tilespmem:s12+$0xFFFFFFE0]  }
0x117: {  	v4 =	vld [tilespmem:s12+$0xFFFFFFF0]  }
0x118: {  	s9 =	simm.s32 $0x40;
	v5 =	vld [tilespmem:s12+$0x0]  }
0x119: {  	v6 =	vld [tilespmem:s9+$0x30]  }
0x11a: {  	v7 =	vld [tilespmem:s12+$0x10]  }
0x11b: {  	v9 =	vld [tilespmem:s12+$0x20]  }
0x11c: {  	v62 =	vld [tilespmem:s9+$0xFFFFFFD0]  }
0x11d: {  	v63 =	vld [tilespmem:s9+$0xFFFFFFE0]  }
0x11e: {  	v10 =	vld [tilespmem:s9+$0xFFFFFFF0]  }
0x11f: {  	v11 =	vld [tilespmem:s9+$0x0]  }
0x120: {  	v12 =	vld [tilespmem:s9+$0x10]  }
0x121: {  	s11 =	simm.s32 $0x1000;
	v13 =	vld [tilespmem:s9+$0x20]  }
0x122: {  	v8 =	vld.idx.msk [tilespmem:v0+s11+$0x0], $0xffff  }
0x123: {  	v0 =	vld.idx.msk [tilespmem:v1+s11+$0x0], $0xffff  }
0x124: {  	v2 =	vld.idx.msk [tilespmem:v2+s11+$0x0], $0xffff  }
0x125: {  	v3 =	vld.idx.msk [tilespmem:v3+s11+$0x0], $0xffff  }
0x126: {  	v4 =	vld.idx.msk [tilespmem:v4+s11+$0x0], $0xffff  }
0x127: {  	v5 =	vld.idx.msk [tilespmem:v5+s11+$0x0], $0xffff  }
0x128: {  	v61 =	vld.idx.msk [tilespmem:v7+s11+$0x0], $0xffff  }
0x129: {  	v9 =	vld.idx.msk [tilespmem:v9+s11+$0x0], $0xffff  }
0x12a: {  	s12 =	simm.s32 $0x1800;
	v1 =	vld [tilespmem:s9+$0xFFFFFFC0]  }
0x12b: {  	[tilespmem:v6+s12+$0x0] =	vst.idx.add.f32.msk $0xffff, v8  }
0x12c: {  	[tilespmem:v62+s12+$0x0] =	vst.idx.add.f32.msk $0xffff, v2  }
0x12d: {  	[tilespmem:v63+s12+$0x0] =	vst.idx.add.f32.msk $0xffff, v3  }
0x12e: {  	[tilespmem:v10+s12+$0x0] =	vst.idx.add.f32.msk $0xffff, v4  }
0x12f: {  	[tilespmem:v11+s12+$0x0] =	vst.idx.add.f32.msk $0xffff, v5  }
0x130: {  	[tilespmem:v12+s12+$0x0] =	vst.idx.add.f32.msk $0xffff, v61  }
0x131: {  	s13 =	simm.s32 $0x0;
	s14 =	simm.s32 $0x8C0;
	[tilespmem:v13+s12+$0x0] =	vst.idx.add.f32.msk $0xffff, v9  }
.LBB2_11:
0x132: {  	v2 =	vld [tilespmem:s14+$0x30];
	s13 =	sadd.s32 $0x8, s13  }
0x133: {  	v3 =	vld [tilespmem:s14+$0xFFFFFFC0];
	p0 =	slt.u32 s13, $0x78  }
0x134: {  	v4 =	vld [tilespmem:s14+$0xFFFFFFD0]  }
0x135: {  	v5 =	vld [tilespmem:s14+$0xFFFFFFE0]  }
0x136: {  	v6 =	vld [tilespmem:s14+$0xFFFFFFF0]  }
0x137: {  	s9 =	sadd.s32 $0x80, s9;
	v7 =	vld [tilespmem:s14+$0x0]  }
0x138: {  	v8 =	vld [tilespmem:s9+$0x30]  }
0x139: {  	v9 =	vld [tilespmem:s14+$0x10]  }
0x13a: {  	v2 =	vld.idx.msk [tilespmem:v2+s11+$0x0], $0xffff  }
0x13b: {  	v10 =	vld [tilespmem:s14+$0x20]  }
0x13c: {  	v3 =	vld.idx.msk [tilespmem:v3+s11+$0x0], $0xffff  }
0x13d: {  	v4 =	vld.idx.msk [tilespmem:v4+s11+$0x0], $0xffff  }
0x13e: {  	v5 =	vld.idx.msk [tilespmem:v5+s11+$0x0], $0xffff  }
0x13f: {  	v6 =	vld.idx.msk [tilespmem:v6+s11+$0x0], $0xffff  }
0x140: {  	[tilespmem:v8+s12+$0x0] =	vst.idx.add.f32.msk $0xffff, v2  }
0x141: {  	v2 =	vld.idx.msk [tilespmem:v7+s11+$0x0], $0xffff  }
0x142: {  	v7 =	vld.idx.msk [tilespmem:v9+s11+$0x0], $0xffff  }
0x143: {  	v8 =	vld.idx.msk [tilespmem:v10+s11+$0x0], $0xffff  }
0x144: {  	v9 =	vld [tilespmem:s9+$0xFFFFFFD0]  }
0x145: {  	v10 =	vld [tilespmem:s9+$0xFFFFFFE0]  }
0x146: {  	v11 =	vld [tilespmem:s9+$0xFFFFFFF0]  }
0x147: {  	v12 =	vld [tilespmem:s9+$0x0]  }
0x148: {  	v13 =	vld [tilespmem:s9+$0x10]  }
0x149: {  	v14 =	vld [tilespmem:s9+$0x20]  }
0x14a: {  	v15 =	vld [tilespmem:s9+$0xFFFFFFC0]  }
0x14b: {  	[tilespmem:v1+s12+$0x0] =	vst.idx.add.f32.msk $0xffff, v0;
	v0 =	vmov v3  }
0x14c: {  	[tilespmem:v9+s12+$0x0] =	vst.idx.add.f32.msk $0xffff, v4  }
.Ltmp5:
0x14d: {  	[tilespmem:v10+s12+$0x0] =	vst.idx.add.f32.msk $0xffff, v5;
	(pc) =	sbr.rel @p0 .LBB2_11-.Ltmp5, $4  }
0x14e: {  	[tilespmem:v11+s12+$0x0] =	vst.idx.add.f32.msk $0xffff, v6  }
0x14f: {  	[tilespmem:v12+s12+$0x0] =	vst.idx.add.f32.msk $0xffff, v2;
	v1 =	vmov v15  }
0x150: {  	[tilespmem:v13+s12+$0x0] =	vst.idx.add.f32.msk $0xffff, v7  }
0x151: {  	s14 =	sadd.s32 $0x80, s14;
	[tilespmem:v14+s12+$0x0] =	vst.idx.add.f32.msk $0xffff, v8  }
0x152: {  	_ =	sdelay $0x2  }
0x153: {  	s9 =	simm.s32 $0x80  }
0x154: {  	[tilespmem:v1+s12+$0x0] =	vst.idx.add.f32.msk $0xffff, v0;
	s11 =	simm.s32 $0x400;
	s28 =	simm.s32 $0x1800;
	s29 =	simm.s32 $0x1  }
0x155: {  	[spmem:s4] =	stream.strided.scatter [tilespmem:s28], [sflag:$0x1], $0x800, s11, s9, $0x38;
	[tilespmem:$0x3980] =	vst v63  }
0x156: {  	_ =	swait.ge [sflag:s29], $0x800  }
0x157: {  	[sflag:s29] =	ssyncset.done $0x0  }
0x158: {  	[sflag:s29] =	ssyncadd.s32 $0xFFFFF800  }
0x159: {  	s30 =	simm.s32 $0x4000;
	s13 =	simm.s32 $0x2900;
	[bflag:$0x0] =	sbarrier.arrive $0xFFFF  }
0x15a: {  	[tilespmem:s13], [sflag:$0x1] =	stream.strided.gather [spmem:s5], $0x800, s30, s11, $0x38;
	[tilespmem:$0x3980] =	vst v63  }
0x15b: {  	_ =	swait.ge [sflag:s29], $0x800  }
0x15c: {  	[sflag:s29] =	ssyncset.done $0x0  }
0x15d: {  	s31 =	simm.s32 $0x2D00;
	[sflag:s29] =	ssyncadd.s32 $0xFFFFF800  }
0x15e: {  	v0 =	vld [tilespmem:s31+$0xFFFFFC10]  }
0x15f: {  	v1 =	vld [tilespmem:s31+$0xFFFFFC90];
	_ =	sdelay $0x1  }
0x160: {  	v2 =	vld [tilespmem:s31+$0xFFFFFD10]  }
0x161: {  	v3 =	vld [tilespmem:s31+$0xFFFFFD90]  }
0x162: {  	v4 =	vld [tilespmem:s31+$0xFFFFFC80]  }
0x163: {  	v5 =	vld [tilespmem:s31+$0xFFFFFC00];
	v0 =	vadd.f32 v1, v0  }
0x164: {  	v1 =	vld [tilespmem:s31+$0xFFFFFE10]  }
0x165: {  	v6 =	vld [tilespmem:s31+$0xFFFFFD00];
	v0 =	vadd.f32 v2, v0  }
0x166: {  	v2 =	vld [tilespmem:s31+$0xFFFFFE90]  }
0x167: {  	v7 =	vld [tilespmem:s31+$0xFFFFFD80];
	v0 =	vadd.f32 v3, v0  }
0x168: {  	v3 =	vld [tilespmem:s31+$0xFFFFFF10]  }
0x169: {  	v8 =	vld [tilespmem:s31+$0xFFFFFE00];
	v0 =	vadd.f32 v1, v0  }
0x16a: {  	v1 =	vld [tilespmem:s31+$0xFFFFFF90]  }
0x16b: {  	v9 =	vld [tilespmem:s31+$0xFFFFFE80];
	v0 =	vadd.f32 v2, v0  }
0x16c: {  	v2 =	vld [tilespmem:s31+$0x10]  }
0x16d: {  	v10 =	vld [tilespmem:s31+$0xFFFFFF00];
	v0 =	vadd.f32 v3, v0  }
0x16e: {  	v3 =	vld [tilespmem:s31+$0x90]  }
0x16f: {  	v11 =	vld [tilespmem:s31+$0xFFFFFF80];
	v0 =	vadd.f32 v1, v0  }
0x170: {  	v1 =	vld [tilespmem:s31+$0x110]  }
0x171: {  	v12 =	vld [tilespmem:s31+$0x0];
	v0 =	vadd.f32 v2, v0  }
0x172: {  	v2 =	vld [tilespmem:s31+$0x190]  }
0x173: {  	v13 =	vld [tilespmem:s31+$0x80];
	v0 =	vadd.f32 v3, v0  }
0x174: {  	v3 =	vld [tilespmem:s31+$0x210]  }
0x175: {  	v14 =	vld [tilespmem:s31+$0x100];
	v0 =	vadd.f32 v1, v0  }
0x176: {  	v1 =	vld [tilespmem:s31+$0x290]  }
0x177: {  	v15 =	vld [tilespmem:s31+$0x180];
	v0 =	vadd.f32 v2, v0  }
0x178: {  	v2 =	vld [tilespmem:s31+$0x310]  }
0x179: {  	v16 =	vld [tilespmem:s31+$0x200];
	v0 =	vadd.f32 v3, v0  }
0x17a: {  	v3 =	vld [tilespmem:s31+$0x390]  }
0x17b: {  	s9 =	sor.u32 $0x1010, s8;
	v17 =	vld [tilespmem:s31+$0x280];
	v0 =	vadd.f32 v1, v0  }
0x17c: {  	v1 =	vld [tilespmem:s9+$0x0]  }
0x17d: {  	s8 =	sor.u32 $0x2010, s8;
	v18 =	vld [tilespmem:s31+$0x300];
	v0 =	vadd.f32 v2, v0  }
0x17e: {  	v2 =	vld [tilespmem:s8+$0x0]  }
0x17f: {  	s14 =	simm.s32 $0x2D20;
	v19 =	vld [tilespmem:s9+$0xFFFFFFF0];
	v0 =	vadd.f32 v3, v0  }
0x180: {  	v20 =	vld [tilespmem:s14+$0xFFFFFC10]  }
0x181: {  	v22 =	vld [tilespmem:s14+$0xFFFFFD90];
	v0 =	vadd.f32 v1, v0  }
0x182: {  	v51 =	vld [tilespmem:s14+$0xFFFFFE10]  }
0x183: {  	v21 =	vmul.f32 v0, v2;
	v0 =	vld [tilespmem:s14+$0xFFFFFC90]  }
0x184: {  	v52 =	vld [tilespmem:s14+$0xFFFFFD80];
	v2 =	vadd.f32 v4, v5  }
0x185: {  	v4 =	vld [tilespmem:s14+$0xFFFFFD10]  }
0x186: {  	v53 =	vld [tilespmem:s14+$0xFFFFFE00];
	v2 =	vadd.f32 v6, v2  }
0x187: {  	v6 =	vld [tilespmem:s14+$0xFFFFFC80]  }
0x188: {  	v2 =	vadd.f32 v7, v2;
	v7 =	vld [tilespmem:s14+$0xFFFFFC00];
	v0 =	vadd.f32 v0, v20  }
0x189: {  	v54 =	vld [tilespmem:s14+$0xFFFFFE80]  }
0x18a: {  	v2 =	vadd.f32 v8, v2;
	v8 =	vld [tilespmem:s14+$0xFFFFFD00];
	v0 =	vadd.f32 v4, v0  }
0x18b: {  	v4 =	vld [tilespmem:s14+$0xFFFFFE90]  }
0x18c: {  	v55 =	vld [tilespmem:s14+$0xFFFFFF00];
	v2 =	vadd.f32 v9, v2;
	v0 =	vadd.f32 v22, v0  }
0x18d: {  	v6 =	vadd.f32 v6, v7;
	v7 =	vld [tilespmem:s14+$0xFFFFFF10]  }
0x18e: {  	v56 =	vld [tilespmem:s14+$0xFFFFFF80];
	v2 =	vadd.f32 v10, v2;
	v0 =	vadd.f32 v51, v0  }
0x18f: {  	v6 =	vadd.f32 v8, v6;
	v8 =	vld [tilespmem:s14+$0xFFFFFF90]  }
0x190: {  	v57 =	vld [tilespmem:s14+$0x0];
	v2 =	vadd.f32 v11, v2;
	v0 =	vadd.f32 v4, v0  }
0x191: {  	v4 =	vadd.f32 v52, v6;
	v6 =	vld [tilespmem:s14+$0x10]  }
0x192: {  	v58 =	vld [tilespmem:s14+$0x80];
	v2 =	vadd.f32 v12, v2;
	v0 =	vadd.f32 v7, v0  }
0x193: {  	v4 =	vadd.f32 v53, v4;
	v7 =	vld [tilespmem:s14+$0x90]  }
0x194: {  	v59 =	vld [tilespmem:s14+$0x100];
	v2 =	vadd.f32 v13, v2;
	v0 =	vadd.f32 v8, v0  }
0x195: {  	v4 =	vadd.f32 v54, v4;
	v8 =	vld [tilespmem:s14+$0x110]  }
0x196: {  	v60 =	vld [tilespmem:s14+$0x180];
	v2 =	vadd.f32 v14, v2;
	v0 =	vadd.f32 v6, v0  }
0x197: {  	v4 =	vadd.f32 v55, v4;
	v6 =	vld [tilespmem:s14+$0x190]  }
0x198: {  	v61 =	vld [tilespmem:s14+$0x200];
	v2 =	vadd.f32 v15, v2;
	v0 =	vadd.f32 v7, v0  }
0x199: {  	v4 =	vadd.f32 v56, v4;
	v7 =	vld [tilespmem:s14+$0x210]  }
0x19a: {  	v3 =	vld [tilespmem:s31+$0x380];
	v2 =	vadd.f32 v16, v2;
	v0 =	vadd.f32 v8, v0  }
0x19b: {  	v4 =	vadd.f32 v57, v4;
	v8 =	vld [tilespmem:s14+$0x290]  }
0x19c: {  	v62 =	vld [tilespmem:s14+$0x280];
	v2 =	vadd.f32 v17, v2;
	v0 =	vadd.f32 v6, v0  }
0x19d: {  	v4 =	vadd.f32 v58, v4;
	v6 =	vld [tilespmem:s14+$0x310]  }
0x19e: {  	s11 =	simm.s32 $0x2810;
	v1 =	vld [tilespmem:s8+$0xFFFFFFF0];
	v2 =	vadd.f32 v18, v2;
	v0 =	vadd.f32 v7, v0  }
0x19f: {  	[tilespmem:s11+$0x0] =	vst v21;
	v4 =	vadd.f32 v59, v4;
	v7 =	vld [tilespmem:s14+$0x390]  }
0x1a0: {  	s13 =	sadd.s32 $0x20, s9;
	v5 =	vld [tilespmem:s8+$0x0];
	v2 =	vadd.f32 v3, v2;
	v0 =	vadd.f32 v8, v0  }
0x1a1: {  	v3 =	vadd.f32 v60, v4;
	v8 =	vld [tilespmem:s13+$0x0]  }
0x1a2: {  	s12 =	sadd.s32 $0x20, s8;
	v63 =	vld [tilespmem:s14+$0x300];
	v4 =	vadd.f32 v19, v2;
	v6 =	vadd.f32 v6, v0  }
0x1a3: {  	v2 =	vld [tilespmem:s12+$0x0];
	v9 =	vadd.f32 v61, v3  }
0x1a4: {  	v3 =	vld [tilespmem:s14+$0x380];
	v0 =	vmul.f32 v4, v1;
	v6 =	vadd.f32 v7, v6  }
0x1a5: {  	v5 =	vmul.f32 v21, v5;
	v4 =	vld [tilespmem:s13+$0xFFFFFFF0];
	v7 =	vadd.f32 v62, v9  }
0x1a6: {  	s14 =	simm.s32 $0x2890;
	v1 =	vld [tilespmem:s12+$0xFFFFFFF0];
	[tilespmem:s11+$0xFFFFFFF0] =	vst v0;
	v6 =	vadd.f32 v8, v6  }
0x1a7: {  	s16 =	simm.s32 $0x2;
	s17 =	simm.s32 $0x2D40;
	s15 =	smov.u32 s12;
	[tilespmem:s14+$0x0] =	vst v5;
	v7 =	vadd.f32 v63, v7;
	v5 =	vld [tilespmem:s8+$0xFFFFFFF0]  }
.LBB2_13:
0x1a8: {  	v8 =	vld [tilespmem:s17+$0xFFFFFC10];
	v2 =	vmul.f32 v6, v2  }
0x1a9: {  	s16 =	sadd.s32 $0x2, s16;
	s11 =	sadd.s32 $0x20, s11;
	v6 =	vld [tilespmem:s17+$0xFFFFFC90];
	v3 =	vadd.f32 v3, v7  }
0x1aa: {  	p0 =	slt.u32 s16, $0x6;
	v7 =	vld [tilespmem:s17+$0xFFFFFD10];
	[tilespmem:s11+$0x0] =	vst v2  }
0x1ab: {  	v3 =	vadd.f32 v4, v3;
	v4 =	vld [tilespmem:s12+$0x0]  }
0x1ac: {  	v9 =	vld [tilespmem:s17+$0xFFFFFC80];
	v5 =	vmul.f32 v0, v5  }
0x1ad: {  	v10 =	vld [tilespmem:s17+$0xFFFFFD90];
	v0 =	vmul.f32 v3, v1  }
0x1ae: {  	v1 =	vld [tilespmem:s17+$0xFFFFFC00];
	v3 =	vadd.f32 v6, v8;
	[tilespmem:s14+$0xFFFFFFF0] =	vst v5  }
0x1af: {  	v5 =	vld [tilespmem:s17+$0xFFFFFE10];
	[tilespmem:s11+$0xFFFFFFF0] =	vst v0  }
0x1b0: {  	v6 =	vld [tilespmem:s17+$0xFFFFFD00];
	v3 =	vadd.f32 v7, v3;
	v2 =	vmul.f32 v2, v4  }
0x1b1: {  	s14 =	sadd.s32 $0x20, s14;
	v4 =	vld [tilespmem:s17+$0xFFFFFE90]  }
0x1b2: {  	v7 =	vld [tilespmem:s17+$0xFFFFFD80];
	v3 =	vadd.f32 v10, v3;
	[tilespmem:s14+$0x0] =	vst v2  }
0x1b3: {  	v1 =	vadd.f32 v9, v1;
	v2 =	vld [tilespmem:s17+$0xFFFFFF10]  }
0x1b4: {  	v8 =	vld [tilespmem:s17+$0xFFFFFE00];
	v3 =	vadd.f32 v5, v3  }
0x1b5: {  	v1 =	vadd.f32 v6, v1;
	v5 =	vld [tilespmem:s17+$0xFFFFFF90]  }
0x1b6: {  	v6 =	vld [tilespmem:s17+$0xFFFFFE80];
	v3 =	vadd.f32 v4, v3  }
0x1b7: {  	v1 =	vadd.f32 v7, v1;
	v4 =	vld [tilespmem:s17+$0x10]  }
0x1b8: {  	v7 =	vld [tilespmem:s17+$0xFFFFFF00];
	v2 =	vadd.f32 v2, v3  }
0x1b9: {  	v1 =	vadd.f32 v8, v1;
	v3 =	vld [tilespmem:s17+$0x90]  }
0x1ba: {  	v8 =	vld [tilespmem:s17+$0xFFFFFF80];
	v2 =	vadd.f32 v5, v2  }
0x1bb: {  	v1 =	vadd.f32 v6, v1;
	v5 =	vld [tilespmem:s17+$0x110]  }
0x1bc: {  	v6 =	vld [tilespmem:s17+$0x0];
	v2 =	vadd.f32 v4, v2  }
0x1bd: {  	v1 =	vadd.f32 v7, v1;
	v4 =	vld [tilespmem:s17+$0x190]  }
0x1be: {  	v7 =	vld [tilespmem:s17+$0x80];
	v2 =	vadd.f32 v3, v2  }
0x1bf: {  	v1 =	vadd.f32 v8, v1;
	v3 =	vld [tilespmem:s17+$0x210]  }
0x1c0: {  	v8 =	vld [tilespmem:s17+$0x100];
	v2 =	vadd.f32 v5, v2  }
0x1c1: {  	v1 =	vadd.f32 v6, v1;
	v5 =	vld [tilespmem:s17+$0x290]  }
0x1c2: {  	v6 =	vld [tilespmem:s17+$0x180];
	v2 =	vadd.f32 v4, v2  }
0x1c3: {  	v1 =	vadd.f32 v7, v1;
	v4 =	vld [tilespmem:s17+$0x310]  }
0x1c4: {  	v7 =	vld [tilespmem:s17+$0x200];
	v2 =	vadd.f32 v3, v2  }
0x1c5: {  	v1 =	vadd.f32 v8, v1;
	v8 =	vld [tilespmem:s17+$0x390]  }
0x1c6: {  	s13 =	sadd.s32 $0x20, s13;
	v9 =	vld [tilespmem:s17+$0x280];
	v2 =	vadd.f32 v5, v2  }
0x1c7: {  	v1 =	vadd.f32 v6, v1;
	v5 =	vld [tilespmem:s13+$0x0]  }
0x1c8: {  	s12 =	sadd.s32 $0x20, s12;
	v10 =	vld [tilespmem:s17+$0x300];
	v4 =	vadd.f32 v4, v2  }
.Ltmp6:
0x1c9: {  	v1 =	vadd.f32 v7, v1;
	v2 =	vld [tilespmem:s12+$0x0];
	(pc) =	sbr.rel @p0 .LBB2_13-.Ltmp6, $4  }
0x1ca: {  	v3 =	vld [tilespmem:s17+$0x380];
	v6 =	vadd.f32 v8, v4  }
0x1cb: {  	v7 =	vadd.f32 v9, v1;
	v4 =	vld [tilespmem:s13+$0xFFFFFFF0]  }
0x1cc: {  	v1 =	vld [tilespmem:s12+$0xFFFFFFF0];
	v6 =	vadd.f32 v5, v6  }
0x1cd: {  	s17 =	sadd.s32 $0x20, s17;
	v7 =	vadd.f32 v10, v7;
	v5 =	vld [tilespmem:s15+$0xFFFFFFF0];
	s15 =	smov.u32 s12  }
0x1ce: {  	_ = 	snop  }
0x1cf: {  	v3 =	vadd.f32 v3, v7;
	_ =	sdelay $0x1  }
0x1d0: {  	v3 =	vadd.f32 v4, v3  }
0x1d1: {  	v2 =	vmul.f32 v6, v2  }
0x1d2: {  	s11 =	sadd.s32 $0x20, s11;
	v1 =	vmul.f32 v3, v1  }
0x1d3: {  	[tilespmem:s11+$0x0] =	vst v2  }
0x1d4: {  	v3 =	vld [tilespmem:s12+$0x0];
	[tilespmem:s11+$0xFFFFFFF0] =	vst v1  }
0x1d5: {  	v63 =	vld [tilespmem:s15+$0xFFFFFFF0];
	_ =	sdelay $0x2  }
0x1d6: {  	v0 =	vmul.f32 v0, v5  }
0x1d7: {  	v2 =	vmul.f32 v2, v3  }
0x1d8: {  	s26 =	sadd.s32 $0x20, s14;
	[tilespmem:s14+$0xFFFFFFF0] =	vst v0;
	v0 =	vmul.f32 v1, v63  }
0x1d9: {  	s28 =	simm.s32 $0x0;
	s11 =	sshll.u32 s1, $0x4;
	[tilespmem:s26+$0x0] =	vst v2  }
0x1da: {  	s13 =	simm.s32 $0x2800;
	s29 =	simm.s32 $0x1;
	s10 =	sadd.s32 s10, s11;
	[tilespmem:s26+$0xFFFFFFF0] =	vst v0  }
0x1db: {  	[hbm4b:s10+s28] =	stream.linear.scatter [tilespmem:s13], [sflag:$0x1], $0x80, $0x38;
	[tilespmem:$0x3980] =	vst v63  }
0x1dc: {  	_ =	swait.ge [sflag:s29], $0x80  }
0x1dd: {  	[sflag:s29] =	ssyncset.done $0x0  }
0x1de: {  	s30 =	simm.s32 $0x2880;
	[sflag:s29] =	ssyncadd.s32 $0xFFFFFF80  }
0x1df: {  	[spmem:s6] =	stream.linear.scatter [tilespmem:s30], [sflag:$0x1], $0x80, $0x38;
	[tilespmem:$0x3980] =	vst v63  }
0x1e0: {  	_ =	swait.ge [sflag:s29], $0x80  }
0x1e1: {  	[sflag:s29] =	ssyncset.done $0x0  }
0x1e2: {  	[sflag:s29] =	ssyncadd.s32 $0xFFFFFF80  }
0x1e3: {  	s31 =	simm.s32 $0x1000;
	[bflag:$0x0] =	sbarrier.arrive $0xFFFF  }
0x1e4: {  	[tilespmem:s31], [sflag:$0x1] =	stream.linear.gather [spmem:s2], $0x800, $0x38;
	[tilespmem:$0x3980] =	vst v63  }
0x1e5: {  	_ =	swait.ge [sflag:s29], $0x800  }
0x1e6: {  	[sflag:s29] =	ssyncset.done $0x0  }
0x1e7: {  	v0 =	vimm.f32 $0.0e+00;
	s10 =	simm.s32 $0x1840;
	[sflag:s29] =	ssyncadd.s32 $0xFFFFF800  }
0x1e8: {  	[tilespmem:s10+$0xFFFFFFC0] =	vst v0  }
0x1e9: {  	[tilespmem:s10+$0x30] =	vst v0  }
0x1ea: {  	[tilespmem:s10+$0x20] =	vst v0  }
0x1eb: {  	[tilespmem:s10+$0x10] =	vst v0  }
0x1ec: {  	[tilespmem:s10+$0x0] =	vst v0  }
0x1ed: {  	[tilespmem:s10+$0xFFFFFFF0] =	vst v0  }
0x1ee: {  	s12 =	simm.s32 $0x0;
	[tilespmem:s10+$0xFFFFFFE0] =	vst v0  }
.LBB2_15:
0x1ef: {  	s12 =	sadd.s32 $0x8, s12;
	[tilespmem:s10+$0xFFFFFFD0] =	vst v0;
	s10 =	sadd.s32 $0x80, s10  }
0x1f0: {  	[tilespmem:s10+$0xFFFFFFC0] =	vst v0;
	p0 =	slt.u32 s12, $0x78  }
0x1f1: {  	[tilespmem:s10+$0x30] =	vst v0  }
.Ltmp7:
0x1f2: {  	[tilespmem:s10+$0x20] =	vst v0;
	(pc) =	sbr.rel @p0 .LBB2_15-.Ltmp7, $4  }
0x1f3: {  	[tilespmem:s10+$0x10] =	vst v0  }
0x1f4: {  	[tilespmem:s10+$0x0] =	vst v0  }
0x1f5: {  	[tilespmem:s10+$0xFFFFFFF0] =	vst v0  }
0x1f6: {  	[tilespmem:s10+$0xFFFFFFE0] =	vst v0  }
0x1f7: {  	[tilespmem:s10+$0xFFFFFFD0] =	vst v0;
	s13 =	simm.s32 $0x840  }
0x1f8: {  	v0 =	vld [tilespmem:s13+$0x30]  }
0x1f9: {  	v1 =	vld [tilespmem:s13+$0xFFFFFFC0]  }
0x1fa: {  	v2 =	vld [tilespmem:s13+$0xFFFFFFD0]  }
0x1fb: {  	v3 =	vld [tilespmem:s13+$0xFFFFFFE0]  }
0x1fc: {  	v4 =	vld [tilespmem:s13+$0xFFFFFFF0]  }
0x1fd: {  	s10 =	simm.s32 $0x40;
	v5 =	vld [tilespmem:s13+$0x0]  }
0x1fe: {  	v6 =	vld [tilespmem:s10+$0x30]  }
0x1ff: {  	v7 =	vld [tilespmem:s13+$0x10]  }
0x200: {  	v9 =	vld [tilespmem:s13+$0x20]  }
0x201: {  	v62 =	vld [tilespmem:s10+$0xFFFFFFD0]  }
0x202: {  	v63 =	vld [tilespmem:s10+$0xFFFFFFE0]  }
0x203: {  	v10 =	vld [tilespmem:s10+$0xFFFFFFF0]  }
0x204: {  	v11 =	vld [tilespmem:s10+$0x0]  }
0x205: {  	v12 =	vld [tilespmem:s10+$0x10]  }
0x206: {  	s12 =	simm.s32 $0x1000;
	v13 =	vld [tilespmem:s10+$0x20]  }
0x207: {  	v8 =	vld.idx.msk [tilespmem:v0+s12+$0x0], $0xffff  }
0x208: {  	v0 =	vld.idx.msk [tilespmem:v1+s12+$0x0], $0xffff  }
0x209: {  	v2 =	vld.idx.msk [tilespmem:v2+s12+$0x0], $0xffff  }
0x20a: {  	v3 =	vld.idx.msk [tilespmem:v3+s12+$0x0], $0xffff  }
0x20b: {  	v4 =	vld.idx.msk [tilespmem:v4+s12+$0x0], $0xffff  }
0x20c: {  	v5 =	vld.idx.msk [tilespmem:v5+s12+$0x0], $0xffff  }
0x20d: {  	v61 =	vld.idx.msk [tilespmem:v7+s12+$0x0], $0xffff  }
0x20e: {  	v9 =	vld.idx.msk [tilespmem:v9+s12+$0x0], $0xffff  }
0x20f: {  	s13 =	simm.s32 $0x1800;
	v1 =	vld [tilespmem:s10+$0xFFFFFFC0]  }
0x210: {  	[tilespmem:v6+s13+$0x0] =	vst.idx.add.f32.msk $0xffff, v8  }
0x211: {  	[tilespmem:v62+s13+$0x0] =	vst.idx.add.f32.msk $0xffff, v2  }
0x212: {  	[tilespmem:v63+s13+$0x0] =	vst.idx.add.f32.msk $0xffff, v3  }
0x213: {  	[tilespmem:v10+s13+$0x0] =	vst.idx.add.f32.msk $0xffff, v4  }
0x214: {  	[tilespmem:v11+s13+$0x0] =	vst.idx.add.f32.msk $0xffff, v5  }
0x215: {  	[tilespmem:v12+s13+$0x0] =	vst.idx.add.f32.msk $0xffff, v61  }
0x216: {  	s14 =	simm.s32 $0x0;
	s15 =	simm.s32 $0x8C0;
	[tilespmem:v13+s13+$0x0] =	vst.idx.add.f32.msk $0xffff, v9  }
.LBB2_17:
0x217: {  	v2 =	vld [tilespmem:s15+$0x30];
	s14 =	sadd.s32 $0x8, s14  }
0x218: {  	v3 =	vld [tilespmem:s15+$0xFFFFFFC0];
	p0 =	slt.u32 s14, $0x78  }
0x219: {  	v4 =	vld [tilespmem:s15+$0xFFFFFFD0]  }
0x21a: {  	v5 =	vld [tilespmem:s15+$0xFFFFFFE0]  }
0x21b: {  	v6 =	vld [tilespmem:s15+$0xFFFFFFF0]  }
0x21c: {  	s10 =	sadd.s32 $0x80, s10;
	v7 =	vld [tilespmem:s15+$0x0]  }
0x21d: {  	v8 =	vld [tilespmem:s10+$0x30]  }
0x21e: {  	v9 =	vld [tilespmem:s15+$0x10]  }
0x21f: {  	v2 =	vld.idx.msk [tilespmem:v2+s12+$0x0], $0xffff  }
0x220: {  	v10 =	vld [tilespmem:s15+$0x20]  }
0x221: {  	v3 =	vld.idx.msk [tilespmem:v3+s12+$0x0], $0xffff  }
0x222: {  	v4 =	vld.idx.msk [tilespmem:v4+s12+$0x0], $0xffff  }
0x223: {  	v5 =	vld.idx.msk [tilespmem:v5+s12+$0x0], $0xffff  }
0x224: {  	v6 =	vld.idx.msk [tilespmem:v6+s12+$0x0], $0xffff  }
0x225: {  	[tilespmem:v8+s13+$0x0] =	vst.idx.add.f32.msk $0xffff, v2  }
0x226: {  	v2 =	vld.idx.msk [tilespmem:v7+s12+$0x0], $0xffff  }
0x227: {  	v7 =	vld.idx.msk [tilespmem:v9+s12+$0x0], $0xffff  }
0x228: {  	v8 =	vld.idx.msk [tilespmem:v10+s12+$0x0], $0xffff  }
0x229: {  	v9 =	vld [tilespmem:s10+$0xFFFFFFD0]  }
0x22a: {  	v10 =	vld [tilespmem:s10+$0xFFFFFFE0]  }
0x22b: {  	v11 =	vld [tilespmem:s10+$0xFFFFFFF0]  }
0x22c: {  	v12 =	vld [tilespmem:s10+$0x0]  }
0x22d: {  	v13 =	vld [tilespmem:s10+$0x10]  }
0x22e: {  	v14 =	vld [tilespmem:s10+$0x20]  }
0x22f: {  	v15 =	vld [tilespmem:s10+$0xFFFFFFC0]  }
0x230: {  	[tilespmem:v1+s13+$0x0] =	vst.idx.add.f32.msk $0xffff, v0;
	v0 =	vmov v3  }
0x231: {  	[tilespmem:v9+s13+$0x0] =	vst.idx.add.f32.msk $0xffff, v4  }
.Ltmp8:
0x232: {  	[tilespmem:v10+s13+$0x0] =	vst.idx.add.f32.msk $0xffff, v5;
	(pc) =	sbr.rel @p0 .LBB2_17-.Ltmp8, $4  }
0x233: {  	[tilespmem:v11+s13+$0x0] =	vst.idx.add.f32.msk $0xffff, v6  }
0x234: {  	[tilespmem:v12+s13+$0x0] =	vst.idx.add.f32.msk $0xffff, v2;
	v1 =	vmov v15  }
0x235: {  	[tilespmem:v13+s13+$0x0] =	vst.idx.add.f32.msk $0xffff, v7  }
0x236: {  	s15 =	sadd.s32 $0x80, s15;
	[tilespmem:v14+s13+$0x0] =	vst.idx.add.f32.msk $0xffff, v8  }
0x237: {  	_ =	sdelay $0x2  }
0x238: {  	s10 =	simm.s32 $0x80  }
0x239: {  	[tilespmem:v1+s13+$0x0] =	vst.idx.add.f32.msk $0xffff, v0;
	s12 =	simm.s32 $0x400;
	s26 =	simm.s32 $0x1800;
	s28 =	simm.s32 $0x1  }
0x23a: {  	[spmem:s4] =	stream.strided.scatter [tilespmem:s26], [sflag:$0x1], $0x800, s12, s10, $0x38;
	[tilespmem:$0x3980] =	vst v63  }
0x23b: {  	_ =	swait.ge [sflag:s28], $0x800  }
0x23c: {  	[sflag:s28] =	ssyncset.done $0x0  }
0x23d: {  	[sflag:s28] =	ssyncadd.s32 $0xFFFFF800  }
0x23e: {  	s29 =	simm.s32 $0x4000;
	s14 =	simm.s32 $0x2900;
	[bflag:$0x0] =	sbarrier.arrive $0xFFFF  }
0x23f: {  	[tilespmem:s14], [sflag:$0x1] =	stream.strided.gather [spmem:s5], $0x800, s29, s12, $0x38;
	[tilespmem:$0x3980] =	vst v63  }
0x240: {  	_ =	swait.ge [sflag:s28], $0x800  }
0x241: {  	[sflag:s28] =	ssyncset.done $0x0  }
0x242: {  	s30 =	simm.s32 $0x2D00;
	[sflag:s28] =	ssyncadd.s32 $0xFFFFF800  }
0x243: {  	v0 =	vld [tilespmem:s30+$0xFFFFFC10]  }
0x244: {  	v1 =	vld [tilespmem:s30+$0xFFFFFC90];
	_ =	sdelay $0x1  }
0x245: {  	v2 =	vld [tilespmem:s30+$0xFFFFFD10]  }
0x246: {  	v3 =	vld [tilespmem:s30+$0xFFFFFD90]  }
0x247: {  	v4 =	vld [tilespmem:s30+$0xFFFFFC80]  }
0x248: {  	v5 =	vld [tilespmem:s30+$0xFFFFFC00];
	v0 =	vadd.f32 v1, v0  }
0x249: {  	v1 =	vld [tilespmem:s30+$0xFFFFFE10]  }
0x24a: {  	v6 =	vld [tilespmem:s30+$0xFFFFFD00];
	v0 =	vadd.f32 v2, v0  }
0x24b: {  	v2 =	vld [tilespmem:s30+$0xFFFFFE90]  }
0x24c: {  	v7 =	vld [tilespmem:s30+$0xFFFFFD80];
	v0 =	vadd.f32 v3, v0  }
0x24d: {  	v3 =	vld [tilespmem:s30+$0xFFFFFF10]  }
0x24e: {  	v8 =	vld [tilespmem:s30+$0xFFFFFE00];
	v0 =	vadd.f32 v1, v0  }
0x24f: {  	v1 =	vld [tilespmem:s30+$0xFFFFFF90]  }
0x250: {  	v9 =	vld [tilespmem:s30+$0xFFFFFE80];
	v0 =	vadd.f32 v2, v0  }
0x251: {  	v2 =	vld [tilespmem:s30+$0x10]  }
0x252: {  	v10 =	vld [tilespmem:s30+$0xFFFFFF00];
	v0 =	vadd.f32 v3, v0  }
0x253: {  	v3 =	vld [tilespmem:s30+$0x90]  }
0x254: {  	v11 =	vld [tilespmem:s30+$0xFFFFFF80];
	v0 =	vadd.f32 v1, v0  }
0x255: {  	v1 =	vld [tilespmem:s30+$0x110]  }
0x256: {  	v12 =	vld [tilespmem:s30+$0x0];
	v0 =	vadd.f32 v2, v0  }
0x257: {  	v2 =	vld [tilespmem:s30+$0x190]  }
0x258: {  	v13 =	vld [tilespmem:s30+$0x80];
	v0 =	vadd.f32 v3, v0  }
0x259: {  	v3 =	vld [tilespmem:s30+$0x210]  }
0x25a: {  	v14 =	vld [tilespmem:s30+$0x100];
	v0 =	vadd.f32 v1, v0  }
0x25b: {  	v1 =	vld [tilespmem:s30+$0x290]  }
0x25c: {  	v15 =	vld [tilespmem:s30+$0x180];
	v0 =	vadd.f32 v2, v0  }
0x25d: {  	v2 =	vld [tilespmem:s30+$0x310]  }
0x25e: {  	v16 =	vld [tilespmem:s30+$0x200];
	v0 =	vadd.f32 v3, v0  }
0x25f: {  	v3 =	vld [tilespmem:s30+$0x390]  }
0x260: {  	v17 =	vld [tilespmem:s30+$0x280];
	v0 =	vadd.f32 v1, v0  }
0x261: {  	v1 =	vld [tilespmem:s9+$0x0]  }
0x262: {  	v18 =	vld [tilespmem:s30+$0x300];
	v0 =	vadd.f32 v2, v0  }
0x263: {  	v2 =	vld [tilespmem:s8+$0x0]  }
0x264: {  	s31 =	simm.s32 $0x2D20;
	v19 =	vld [tilespmem:s9+$0xFFFFFFF0];
	v0 =	vadd.f32 v3, v0  }
0x265: {  	v20 =	vld [tilespmem:s31+$0xFFFFFC10]  }
0x266: {  	v22 =	vld [tilespmem:s31+$0xFFFFFD90];
	v0 =	vadd.f32 v1, v0  }
0x267: {  	v51 =	vld [tilespmem:s31+$0xFFFFFE10]  }
0x268: {  	v21 =	vmul.f32 v0, v2;
	v0 =	vld [tilespmem:s31+$0xFFFFFC90]  }
0x269: {  	v52 =	vld [tilespmem:s31+$0xFFFFFD80];
	v2 =	vadd.f32 v4, v5  }
0x26a: {  	v4 =	vld [tilespmem:s31+$0xFFFFFD10]  }
0x26b: {  	v53 =	vld [tilespmem:s31+$0xFFFFFE00];
	v2 =	vadd.f32 v6, v2  }
0x26c: {  	v6 =	vld [tilespmem:s31+$0xFFFFFC80]  }
0x26d: {  	v2 =	vadd.f32 v7, v2;
	v7 =	vld [tilespmem:s31+$0xFFFFFC00];
	v0 =	vadd.f32 v0, v20  }
0x26e: {  	v54 =	vld [tilespmem:s31+$0xFFFFFE80]  }
0x26f: {  	v2 =	vadd.f32 v8, v2;
	v8 =	vld [tilespmem:s31+$0xFFFFFD00];
	v0 =	vadd.f32 v4, v0  }
0x270: {  	v4 =	vld [tilespmem:s31+$0xFFFFFE90]  }
0x271: {  	v55 =	vld [tilespmem:s31+$0xFFFFFF00];
	v2 =	vadd.f32 v9, v2;
	v0 =	vadd.f32 v22, v0  }
0x272: {  	v6 =	vadd.f32 v6, v7;
	v7 =	vld [tilespmem:s31+$0xFFFFFF10]  }
0x273: {  	v56 =	vld [tilespmem:s31+$0xFFFFFF80];
	v2 =	vadd.f32 v10, v2;
	v0 =	vadd.f32 v51, v0  }
0x274: {  	v6 =	vadd.f32 v8, v6;
	v8 =	vld [tilespmem:s31+$0xFFFFFF90]  }
0x275: {  	v57 =	vld [tilespmem:s31+$0x0];
	v2 =	vadd.f32 v11, v2;
	v0 =	vadd.f32 v4, v0  }
0x276: {  	v4 =	vadd.f32 v52, v6;
	v6 =	vld [tilespmem:s31+$0x10]  }
0x277: {  	v58 =	vld [tilespmem:s31+$0x80];
	v2 =	vadd.f32 v12, v2;
	v0 =	vadd.f32 v7, v0  }
0x278: {  	v4 =	vadd.f32 v53, v4;
	v7 =	vld [tilespmem:s31+$0x90]  }
0x279: {  	v59 =	vld [tilespmem:s31+$0x100];
	v2 =	vadd.f32 v13, v2;
	v0 =	vadd.f32 v8, v0  }
0x27a: {  	v4 =	vadd.f32 v54, v4;
	v8 =	vld [tilespmem:s31+$0x110]  }
0x27b: {  	v60 =	vld [tilespmem:s31+$0x180];
	v2 =	vadd.f32 v14, v2;
	v0 =	vadd.f32 v6, v0  }
0x27c: {  	v4 =	vadd.f32 v55, v4;
	v6 =	vld [tilespmem:s31+$0x190]  }
0x27d: {  	v61 =	vld [tilespmem:s31+$0x200];
	v2 =	vadd.f32 v15, v2;
	v0 =	vadd.f32 v7, v0  }
0x27e: {  	v4 =	vadd.f32 v56, v4;
	v7 =	vld [tilespmem:s31+$0x210]  }
0x27f: {  	v3 =	vld [tilespmem:s30+$0x380];
	v2 =	vadd.f32 v16, v2;
	v0 =	vadd.f32 v8, v0  }
0x280: {  	v4 =	vadd.f32 v57, v4;
	v8 =	vld [tilespmem:s31+$0x290]  }
0x281: {  	v62 =	vld [tilespmem:s31+$0x280];
	v2 =	vadd.f32 v17, v2;
	v0 =	vadd.f32 v6, v0  }
0x282: {  	v4 =	vadd.f32 v58, v4;
	v6 =	vld [tilespmem:s31+$0x310]  }
0x283: {  	s10 =	simm.s32 $0x2810;
	v1 =	vld [tilespmem:s8+$0xFFFFFFF0];
	v2 =	vadd.f32 v18, v2;
	v0 =	vadd.f32 v7, v0  }
0x284: {  	[tilespmem:s10+$0x0] =	vst v21;
	v4 =	vadd.f32 v59, v4;
	v7 =	vld [tilespmem:s31+$0x390]  }
0x285: {  	s13 =	sadd.s32 $0x20, s9;
	v5 =	vld [tilespmem:s8+$0x0];
	v2 =	vadd.f32 v3, v2;
	v0 =	vadd.f32 v8, v0  }
0x286: {  	v3 =	vadd.f32 v60, v4;
	v8 =	vld [tilespmem:s13+$0x0]  }
0x287: {  	s12 =	sadd.s32 $0x20, s8;
	v63 =	vld [tilespmem:s31+$0x300];
	v4 =	vadd.f32 v19, v2;
	v6 =	vadd.f32 v6, v0  }
0x288: {  	v2 =	vld [tilespmem:s12+$0x0];
	v9 =	vadd.f32 v61, v3  }
0x289: {  	v3 =	vld [tilespmem:s31+$0x380];
	v0 =	vmul.f32 v4, v1;
	v6 =	vadd.f32 v7, v6  }
0x28a: {  	v5 =	vmul.f32 v21, v5;
	v4 =	vld [tilespmem:s13+$0xFFFFFFF0];
	v7 =	vadd.f32 v62, v9  }
0x28b: {  	s14 =	simm.s32 $0x2890;
	v1 =	vld [tilespmem:s12+$0xFFFFFFF0];
	[tilespmem:s10+$0xFFFFFFF0] =	vst v0;
	v6 =	vadd.f32 v8, v6  }
0x28c: {  	s16 =	simm.s32 $0x2;
	s17 =	simm.s32 $0x2D40;
	s15 =	smov.u32 s12;
	[tilespmem:s14+$0x0] =	vst v5;
	v7 =	vadd.f32 v63, v7;
	v5 =	vld [tilespmem:s8+$0xFFFFFFF0]  }
.LBB2_19:
0x28d: {  	v8 =	vld [tilespmem:s17+$0xFFFFFC10];
	v2 =	vmul.f32 v6, v2  }
0x28e: {  	s16 =	sadd.s32 $0x2, s16;
	s10 =	sadd.s32 $0x20, s10;
	v6 =	vld [tilespmem:s17+$0xFFFFFC90];
	v3 =	vadd.f32 v3, v7  }
0x28f: {  	p0 =	slt.u32 s16, $0x6;
	v7 =	vld [tilespmem:s17+$0xFFFFFD10];
	[tilespmem:s10+$0x0] =	vst v2  }
0x290: {  	v3 =	vadd.f32 v4, v3;
	v4 =	vld [tilespmem:s12+$0x0]  }
0x291: {  	v9 =	vld [tilespmem:s17+$0xFFFFFC80];
	v5 =	vmul.f32 v0, v5  }
0x292: {  	v10 =	vld [tilespmem:s17+$0xFFFFFD90];
	v0 =	vmul.f32 v3, v1  }
0x293: {  	v1 =	vld [tilespmem:s17+$0xFFFFFC00];
	v3 =	vadd.f32 v6, v8;
	[tilespmem:s14+$0xFFFFFFF0] =	vst v5  }
0x294: {  	v5 =	vld [tilespmem:s17+$0xFFFFFE10];
	[tilespmem:s10+$0xFFFFFFF0] =	vst v0  }
0x295: {  	v6 =	vld [tilespmem:s17+$0xFFFFFD00];
	v3 =	vadd.f32 v7, v3;
	v2 =	vmul.f32 v2, v4  }
0x296: {  	s14 =	sadd.s32 $0x20, s14;
	v4 =	vld [tilespmem:s17+$0xFFFFFE90]  }
0x297: {  	v7 =	vld [tilespmem:s17+$0xFFFFFD80];
	v3 =	vadd.f32 v10, v3;
	[tilespmem:s14+$0x0] =	vst v2  }
0x298: {  	v1 =	vadd.f32 v9, v1;
	v2 =	vld [tilespmem:s17+$0xFFFFFF10]  }
0x299: {  	v8 =	vld [tilespmem:s17+$0xFFFFFE00];
	v3 =	vadd.f32 v5, v3  }
0x29a: {  	v1 =	vadd.f32 v6, v1;
	v5 =	vld [tilespmem:s17+$0xFFFFFF90]  }
0x29b: {  	v6 =	vld [tilespmem:s17+$0xFFFFFE80];
	v3 =	vadd.f32 v4, v3  }
0x29c: {  	v1 =	vadd.f32 v7, v1;
	v4 =	vld [tilespmem:s17+$0x10]  }
0x29d: {  	v7 =	vld [tilespmem:s17+$0xFFFFFF00];
	v2 =	vadd.f32 v2, v3  }
0x29e: {  	v1 =	vadd.f32 v8, v1;
	v3 =	vld [tilespmem:s17+$0x90]  }
0x29f: {  	v8 =	vld [tilespmem:s17+$0xFFFFFF80];
	v2 =	vadd.f32 v5, v2  }
0x2a0: {  	v1 =	vadd.f32 v6, v1;
	v5 =	vld [tilespmem:s17+$0x110]  }
0x2a1: {  	v6 =	vld [tilespmem:s17+$0x0];
	v2 =	vadd.f32 v4, v2  }
0x2a2: {  	v1 =	vadd.f32 v7, v1;
	v4 =	vld [tilespmem:s17+$0x190]  }
0x2a3: {  	v7 =	vld [tilespmem:s17+$0x80];
	v2 =	vadd.f32 v3, v2  }
0x2a4: {  	v1 =	vadd.f32 v8, v1;
	v3 =	vld [tilespmem:s17+$0x210]  }
0x2a5: {  	v8 =	vld [tilespmem:s17+$0x100];
	v2 =	vadd.f32 v5, v2  }
0x2a6: {  	v1 =	vadd.f32 v6, v1;
	v5 =	vld [tilespmem:s17+$0x290]  }
0x2a7: {  	v6 =	vld [tilespmem:s17+$0x180];
	v2 =	vadd.f32 v4, v2  }
0x2a8: {  	v1 =	vadd.f32 v7, v1;
	v4 =	vld [tilespmem:s17+$0x310]  }
0x2a9: {  	v7 =	vld [tilespmem:s17+$0x200];
	v2 =	vadd.f32 v3, v2  }
0x2aa: {  	v1 =	vadd.f32 v8, v1;
	v8 =	vld [tilespmem:s17+$0x390]  }
0x2ab: {  	s13 =	sadd.s32 $0x20, s13;
	v9 =	vld [tilespmem:s17+$0x280];
	v2 =	vadd.f32 v5, v2  }
0x2ac: {  	v1 =	vadd.f32 v6, v1;
	v5 =	vld [tilespmem:s13+$0x0]  }
0x2ad: {  	s12 =	sadd.s32 $0x20, s12;
	v10 =	vld [tilespmem:s17+$0x300];
	v4 =	vadd.f32 v4, v2  }
.Ltmp9:
0x2ae: {  	v1 =	vadd.f32 v7, v1;
	v2 =	vld [tilespmem:s12+$0x0];
	(pc) =	sbr.rel @p0 .LBB2_19-.Ltmp9, $4  }
0x2af: {  	v3 =	vld [tilespmem:s17+$0x380];
	v6 =	vadd.f32 v8, v4  }
0x2b0: {  	v7 =	vadd.f32 v9, v1;
	v4 =	vld [tilespmem:s13+$0xFFFFFFF0]  }
0x2b1: {  	v1 =	vld [tilespmem:s12+$0xFFFFFFF0];
	v6 =	vadd.f32 v5, v6  }
0x2b2: {  	s17 =	sadd.s32 $0x20, s17;
	v7 =	vadd.f32 v10, v7;
	v5 =	vld [tilespmem:s15+$0xFFFFFFF0];
	s15 =	smov.u32 s12  }
0x2b3: {  	_ = 	snop  }
0x2b4: {  	v3 =	vadd.f32 v3, v7;
	_ =	sdelay $0x1  }
0x2b5: {  	v3 =	vadd.f32 v4, v3  }
0x2b6: {  	v2 =	vmul.f32 v6, v2  }
0x2b7: {  	s10 =	sadd.s32 $0x20, s10;
	v1 =	vmul.f32 v3, v1  }
0x2b8: {  	[tilespmem:s10+$0x0] =	vst v2  }
0x2b9: {  	v3 =	vld [tilespmem:s12+$0x0];
	[tilespmem:s10+$0xFFFFFFF0] =	vst v1  }
0x2ba: {  	v63 =	vld [tilespmem:s15+$0xFFFFFFF0];
	_ =	sdelay $0x2  }
0x2bb: {  	v0 =	vmul.f32 v0, v5  }
0x2bc: {  	v2 =	vmul.f32 v2, v3  }
0x2bd: {  	s25 =	sadd.s32 $0x20, s14;
	[tilespmem:s14+$0xFFFFFFF0] =	vst v0;
	v0 =	vmul.f32 v1, v63  }
0x2be: {  	s7 =	sadd.s32 s7, s11;
	[tilespmem:s25+$0x0] =	vst v2  }
0x2bf: {  	s26 =	simm.s32 $0x0;
	s28 =	simm.s32 $0x2800;
	s29 =	simm.s32 $0x1;
	[tilespmem:s25+$0xFFFFFFF0] =	vst v0  }
0x2c0: {  	[hbm4b:s7+s26] =	stream.linear.scatter [tilespmem:s28], [sflag:$0x1], $0x80, $0x38;
	[tilespmem:$0x3980] =	vst v63  }
0x2c1: {  	_ =	swait.ge [sflag:s29], $0x80  }
0x2c2: {  	[sflag:s29] =	ssyncset.done $0x0  }
0x2c3: {  	s30 =	simm.s32 $0x2880;
	[sflag:s29] =	ssyncadd.s32 $0xFFFFFF80  }
0x2c4: {  	[spmem:s6] =	stream.linear.scatter [tilespmem:s30], [sflag:$0x1], $0x80, $0x38;
	[tilespmem:$0x3980] =	vst v63  }
0x2c5: {  	_ =	swait.ge [sflag:s29], $0x80  }
0x2c6: {  	[sflag:s29] =	ssyncset.done $0x0  }
0x2c7: {  	[sflag:s29] =	ssyncadd.s32 $0xFFFFFF80  }
0x2c8: {  	s31 =	simm.s32 $0x1000;
	[bflag:$0x0] =	sbarrier.arrive $0xFFFF  }
0x2c9: {  	[tilespmem:s31], [sflag:$0x1] =	stream.linear.gather [spmem:s2], $0x800, $0x38;
	[tilespmem:$0x3980] =	vst v63  }
0x2ca: {  	_ =	swait.ge [sflag:s29], $0x800  }
0x2cb: {  	[sflag:s29] =	ssyncset.done $0x0  }
0x2cc: {  	v0 =	vimm.f32 $0.0e+00;
	s7 =	simm.s32 $0x1840;
	[sflag:s29] =	ssyncadd.s32 $0xFFFFF800  }
0x2cd: {  	[tilespmem:s7+$0xFFFFFFC0] =	vst v0  }
0x2ce: {  	[tilespmem:s7+$0x30] =	vst v0  }
0x2cf: {  	[tilespmem:s7+$0x20] =	vst v0  }
0x2d0: {  	[tilespmem:s7+$0x10] =	vst v0  }
0x2d1: {  	[tilespmem:s7+$0x0] =	vst v0  }
0x2d2: {  	[tilespmem:s7+$0xFFFFFFF0] =	vst v0  }
0x2d3: {  	s10 =	simm.s32 $0x0;
	[tilespmem:s7+$0xFFFFFFE0] =	vst v0  }
.LBB2_21:
0x2d4: {  	s10 =	sadd.s32 $0x8, s10;
	[tilespmem:s7+$0xFFFFFFD0] =	vst v0;
	s7 =	sadd.s32 $0x80, s7  }
0x2d5: {  	[tilespmem:s7+$0xFFFFFFC0] =	vst v0;
	p0 =	slt.u32 s10, $0x78  }
0x2d6: {  	[tilespmem:s7+$0x30] =	vst v0  }
.Ltmp10:
0x2d7: {  	[tilespmem:s7+$0x20] =	vst v0;
	(pc) =	sbr.rel @p0 .LBB2_21-.Ltmp10, $4  }
0x2d8: {  	[tilespmem:s7+$0x10] =	vst v0  }
0x2d9: {  	[tilespmem:s7+$0x0] =	vst v0  }
0x2da: {  	[tilespmem:s7+$0xFFFFFFF0] =	vst v0  }
0x2db: {  	[tilespmem:s7+$0xFFFFFFE0] =	vst v0  }
0x2dc: {  	[tilespmem:s7+$0xFFFFFFD0] =	vst v0;
	s12 =	simm.s32 $0x840  }
0x2dd: {  	v0 =	vld [tilespmem:s12+$0x30]  }
0x2de: {  	v1 =	vld [tilespmem:s12+$0xFFFFFFC0]  }
0x2df: {  	v2 =	vld [tilespmem:s12+$0xFFFFFFD0]  }
0x2e0: {  	v3 =	vld [tilespmem:s12+$0xFFFFFFE0]  }
0x2e1: {  	v4 =	vld [tilespmem:s12+$0xFFFFFFF0]  }
0x2e2: {  	s7 =	simm.s32 $0x40;
	v5 =	vld [tilespmem:s12+$0x0]  }
0x2e3: {  	v6 =	vld [tilespmem:s7+$0x30]  }
0x2e4: {  	v7 =	vld [tilespmem:s12+$0x10]  }
0x2e5: {  	v9 =	vld [tilespmem:s12+$0x20]  }
0x2e6: {  	v62 =	vld [tilespmem:s7+$0xFFFFFFD0]  }
0x2e7: {  	v63 =	vld [tilespmem:s7+$0xFFFFFFE0]  }
0x2e8: {  	v10 =	vld [tilespmem:s7+$0xFFFFFFF0]  }
0x2e9: {  	v11 =	vld [tilespmem:s7+$0x0]  }
0x2ea: {  	v12 =	vld [tilespmem:s7+$0x10]  }
0x2eb: {  	s10 =	simm.s32 $0x1000;
	v13 =	vld [tilespmem:s7+$0x20]  }
0x2ec: {  	v8 =	vld.idx.msk [tilespmem:v0+s10+$0x0], $0xffff  }
0x2ed: {  	v0 =	vld.idx.msk [tilespmem:v1+s10+$0x0], $0xffff  }
0x2ee: {  	v2 =	vld.idx.msk [tilespmem:v2+s10+$0x0], $0xffff  }
0x2ef: {  	v3 =	vld.idx.msk [tilespmem:v3+s10+$0x0], $0xffff  }
0x2f0: {  	v4 =	vld.idx.msk [tilespmem:v4+s10+$0x0], $0xffff  }
0x2f1: {  	v5 =	vld.idx.msk [tilespmem:v5+s10+$0x0], $0xffff  }
0x2f2: {  	v61 =	vld.idx.msk [tilespmem:v7+s10+$0x0], $0xffff  }
0x2f3: {  	v9 =	vld.idx.msk [tilespmem:v9+s10+$0x0], $0xffff  }
0x2f4: {  	s12 =	simm.s32 $0x1800;
	v1 =	vld [tilespmem:s7+$0xFFFFFFC0]  }
0x2f5: {  	[tilespmem:v6+s12+$0x0] =	vst.idx.add.f32.msk $0xffff, v8  }
0x2f6: {  	[tilespmem:v62+s12+$0x0] =	vst.idx.add.f32.msk $0xffff, v2  }
0x2f7: {  	[tilespmem:v63+s12+$0x0] =	vst.idx.add.f32.msk $0xffff, v3  }
0x2f8: {  	[tilespmem:v10+s12+$0x0] =	vst.idx.add.f32.msk $0xffff, v4  }
0x2f9: {  	[tilespmem:v11+s12+$0x0] =	vst.idx.add.f32.msk $0xffff, v5  }
0x2fa: {  	[tilespmem:v12+s12+$0x0] =	vst.idx.add.f32.msk $0xffff, v61  }
0x2fb: {  	s13 =	simm.s32 $0x0;
	s14 =	simm.s32 $0x8C0;
	[tilespmem:v13+s12+$0x0] =	vst.idx.add.f32.msk $0xffff, v9  }
.LBB2_23:
0x2fc: {  	v2 =	vld [tilespmem:s14+$0x30];
	s13 =	sadd.s32 $0x8, s13  }
0x2fd: {  	v3 =	vld [tilespmem:s14+$0xFFFFFFC0];
	p0 =	slt.u32 s13, $0x78  }
0x2fe: {  	v4 =	vld [tilespmem:s14+$0xFFFFFFD0]  }
0x2ff: {  	v5 =	vld [tilespmem:s14+$0xFFFFFFE0]  }
0x300: {  	v6 =	vld [tilespmem:s14+$0xFFFFFFF0]  }
0x301: {  	s7 =	sadd.s32 $0x80, s7;
	v7 =	vld [tilespmem:s14+$0x0]  }
0x302: {  	v8 =	vld [tilespmem:s7+$0x30]  }
0x303: {  	v9 =	vld [tilespmem:s14+$0x10]  }
0x304: {  	v2 =	vld.idx.msk [tilespmem:v2+s10+$0x0], $0xffff  }
0x305: {  	v10 =	vld [tilespmem:s14+$0x20]  }
0x306: {  	v3 =	vld.idx.msk [tilespmem:v3+s10+$0x0], $0xffff  }
0x307: {  	v4 =	vld.idx.msk [tilespmem:v4+s10+$0x0], $0xffff  }
0x308: {  	v5 =	vld.idx.msk [tilespmem:v5+s10+$0x0], $0xffff  }
0x309: {  	v6 =	vld.idx.msk [tilespmem:v6+s10+$0x0], $0xffff  }
0x30a: {  	[tilespmem:v8+s12+$0x0] =	vst.idx.add.f32.msk $0xffff, v2  }
0x30b: {  	v2 =	vld.idx.msk [tilespmem:v7+s10+$0x0], $0xffff  }
0x30c: {  	v7 =	vld.idx.msk [tilespmem:v9+s10+$0x0], $0xffff  }
0x30d: {  	v8 =	vld.idx.msk [tilespmem:v10+s10+$0x0], $0xffff  }
0x30e: {  	v9 =	vld [tilespmem:s7+$0xFFFFFFD0]  }
0x30f: {  	v10 =	vld [tilespmem:s7+$0xFFFFFFE0]  }
0x310: {  	v11 =	vld [tilespmem:s7+$0xFFFFFFF0]  }
0x311: {  	v12 =	vld [tilespmem:s7+$0x0]  }
0x312: {  	v13 =	vld [tilespmem:s7+$0x10]  }
0x313: {  	v14 =	vld [tilespmem:s7+$0x20]  }
0x314: {  	v15 =	vld [tilespmem:s7+$0xFFFFFFC0]  }
0x315: {  	[tilespmem:v1+s12+$0x0] =	vst.idx.add.f32.msk $0xffff, v0;
	v0 =	vmov v3  }
0x316: {  	[tilespmem:v9+s12+$0x0] =	vst.idx.add.f32.msk $0xffff, v4  }
.Ltmp11:
0x317: {  	[tilespmem:v10+s12+$0x0] =	vst.idx.add.f32.msk $0xffff, v5;
	(pc) =	sbr.rel @p0 .LBB2_23-.Ltmp11, $4  }
0x318: {  	[tilespmem:v11+s12+$0x0] =	vst.idx.add.f32.msk $0xffff, v6  }
0x319: {  	[tilespmem:v12+s12+$0x0] =	vst.idx.add.f32.msk $0xffff, v2;
	v1 =	vmov v15  }
0x31a: {  	[tilespmem:v13+s12+$0x0] =	vst.idx.add.f32.msk $0xffff, v7  }
0x31b: {  	s14 =	sadd.s32 $0x80, s14;
	[tilespmem:v14+s12+$0x0] =	vst.idx.add.f32.msk $0xffff, v8  }
0x31c: {  	_ =	sdelay $0x2  }
0x31d: {  	s7 =	simm.s32 $0x80  }
0x31e: {  	[tilespmem:v1+s12+$0x0] =	vst.idx.add.f32.msk $0xffff, v0;
	s10 =	simm.s32 $0x400;
	s25 =	simm.s32 $0x1800;
	s26 =	simm.s32 $0x1  }
0x31f: {  	[spmem:s4] =	stream.strided.scatter [tilespmem:s25], [sflag:$0x1], $0x800, s10, s7, $0x38;
	[tilespmem:$0x3980] =	vst v63  }
0x320: {  	_ =	swait.ge [sflag:s26], $0x800  }
0x321: {  	[sflag:s26] =	ssyncset.done $0x0  }
0x322: {  	[sflag:s26] =	ssyncadd.s32 $0xFFFFF800  }
0x323: {  	s28 =	simm.s32 $0x4000;
	s29 =	simm.s32 $0x2900;
	[bflag:$0x0] =	sbarrier.arrive $0xFFFF  }
0x324: {  	[tilespmem:s29], [sflag:$0x1] =	stream.strided.gather [spmem:s5], $0x800, s28, s10, $0x38;
	[tilespmem:$0x3980] =	vst v63  }
0x325: {  	_ =	swait.ge [sflag:s26], $0x800  }
0x326: {  	[sflag:s26] =	ssyncset.done $0x0  }
0x327: {  	s30 =	simm.s32 $0x2D00;
	[sflag:s26] =	ssyncadd.s32 $0xFFFFF800  }
0x328: {  	v0 =	vld [tilespmem:s30+$0xFFFFFC10]  }
0x329: {  	v1 =	vld [tilespmem:s30+$0xFFFFFC90];
	_ =	sdelay $0x1  }
0x32a: {  	v2 =	vld [tilespmem:s30+$0xFFFFFD10]  }
0x32b: {  	v3 =	vld [tilespmem:s30+$0xFFFFFD90]  }
0x32c: {  	v4 =	vld [tilespmem:s30+$0xFFFFFC80]  }
0x32d: {  	v5 =	vld [tilespmem:s30+$0xFFFFFC00];
	v0 =	vadd.f32 v1, v0  }
0x32e: {  	v1 =	vld [tilespmem:s30+$0xFFFFFE10]  }
0x32f: {  	v6 =	vld [tilespmem:s30+$0xFFFFFD00];
	v0 =	vadd.f32 v2, v0  }
0x330: {  	v2 =	vld [tilespmem:s30+$0xFFFFFE90]  }
0x331: {  	v7 =	vld [tilespmem:s30+$0xFFFFFD80];
	v0 =	vadd.f32 v3, v0  }
0x332: {  	v3 =	vld [tilespmem:s30+$0xFFFFFF10]  }
0x333: {  	v8 =	vld [tilespmem:s30+$0xFFFFFE00];
	v0 =	vadd.f32 v1, v0  }
0x334: {  	v1 =	vld [tilespmem:s30+$0xFFFFFF90]  }
0x335: {  	v9 =	vld [tilespmem:s30+$0xFFFFFE80];
	v0 =	vadd.f32 v2, v0  }
0x336: {  	v2 =	vld [tilespmem:s30+$0x10]  }
0x337: {  	v10 =	vld [tilespmem:s30+$0xFFFFFF00];
	v0 =	vadd.f32 v3, v0  }
0x338: {  	v3 =	vld [tilespmem:s30+$0x90]  }
0x339: {  	v11 =	vld [tilespmem:s30+$0xFFFFFF80];
	v0 =	vadd.f32 v1, v0  }
0x33a: {  	v1 =	vld [tilespmem:s30+$0x110]  }
0x33b: {  	v12 =	vld [tilespmem:s30+$0x0];
	v0 =	vadd.f32 v2, v0  }
0x33c: {  	v2 =	vld [tilespmem:s30+$0x190]  }
0x33d: {  	v13 =	vld [tilespmem:s30+$0x80];
	v0 =	vadd.f32 v3, v0  }
0x33e: {  	v3 =	vld [tilespmem:s30+$0x210]  }
0x33f: {  	v14 =	vld [tilespmem:s30+$0x100];
	v0 =	vadd.f32 v1, v0  }
0x340: {  	v1 =	vld [tilespmem:s30+$0x290]  }
0x341: {  	v15 =	vld [tilespmem:s30+$0x180];
	v0 =	vadd.f32 v2, v0  }
0x342: {  	v2 =	vld [tilespmem:s30+$0x310]  }
0x343: {  	v16 =	vld [tilespmem:s30+$0x200];
	v0 =	vadd.f32 v3, v0  }
0x344: {  	v3 =	vld [tilespmem:s30+$0x390]  }
0x345: {  	v17 =	vld [tilespmem:s30+$0x280];
	v0 =	vadd.f32 v1, v0  }
0x346: {  	v1 =	vld [tilespmem:s9+$0x0]  }
0x347: {  	v18 =	vld [tilespmem:s30+$0x300];
	v0 =	vadd.f32 v2, v0  }
0x348: {  	v2 =	vld [tilespmem:s8+$0x0]  }
0x349: {  	s31 =	simm.s32 $0x2D20;
	v19 =	vld [tilespmem:s9+$0xFFFFFFF0];
	v0 =	vadd.f32 v3, v0  }
0x34a: {  	v20 =	vld [tilespmem:s31+$0xFFFFFC10]  }
0x34b: {  	v22 =	vld [tilespmem:s31+$0xFFFFFD90];
	v0 =	vadd.f32 v1, v0  }
0x34c: {  	v51 =	vld [tilespmem:s31+$0xFFFFFE10]  }
0x34d: {  	v21 =	vmul.f32 v0, v2;
	v0 =	vld [tilespmem:s31+$0xFFFFFC90]  }
0x34e: {  	v52 =	vld [tilespmem:s31+$0xFFFFFD80];
	v2 =	vadd.f32 v4, v5  }
0x34f: {  	v4 =	vld [tilespmem:s31+$0xFFFFFD10]  }
0x350: {  	v53 =	vld [tilespmem:s31+$0xFFFFFE00];
	v2 =	vadd.f32 v6, v2  }
0x351: {  	v6 =	vld [tilespmem:s31+$0xFFFFFC80]  }
0x352: {  	v2 =	vadd.f32 v7, v2;
	v7 =	vld [tilespmem:s31+$0xFFFFFC00];
	v0 =	vadd.f32 v0, v20  }
0x353: {  	v54 =	vld [tilespmem:s31+$0xFFFFFE80]  }
0x354: {  	v2 =	vadd.f32 v8, v2;
	v8 =	vld [tilespmem:s31+$0xFFFFFD00];
	v0 =	vadd.f32 v4, v0  }
0x355: {  	v4 =	vld [tilespmem:s31+$0xFFFFFE90]  }
0x356: {  	v55 =	vld [tilespmem:s31+$0xFFFFFF00];
	v2 =	vadd.f32 v9, v2;
	v0 =	vadd.f32 v22, v0  }
0x357: {  	v6 =	vadd.f32 v6, v7;
	v7 =	vld [tilespmem:s31+$0xFFFFFF10]  }
0x358: {  	v56 =	vld [tilespmem:s31+$0xFFFFFF80];
	v2 =	vadd.f32 v10, v2;
	v0 =	vadd.f32 v51, v0  }
0x359: {  	v6 =	vadd.f32 v8, v6;
	v8 =	vld [tilespmem:s31+$0xFFFFFF90]  }
0x35a: {  	v57 =	vld [tilespmem:s31+$0x0];
	v2 =	vadd.f32 v11, v2;
	v0 =	vadd.f32 v4, v0  }
0x35b: {  	v4 =	vadd.f32 v52, v6;
	v6 =	vld [tilespmem:s31+$0x10]  }
0x35c: {  	v58 =	vld [tilespmem:s31+$0x80];
	v2 =	vadd.f32 v12, v2;
	v0 =	vadd.f32 v7, v0  }
0x35d: {  	v4 =	vadd.f32 v53, v4;
	v7 =	vld [tilespmem:s31+$0x90]  }
0x35e: {  	v59 =	vld [tilespmem:s31+$0x100];
	v2 =	vadd.f32 v13, v2;
	v0 =	vadd.f32 v8, v0  }
0x35f: {  	v4 =	vadd.f32 v54, v4;
	v8 =	vld [tilespmem:s31+$0x110]  }
0x360: {  	v60 =	vld [tilespmem:s31+$0x180];
	v2 =	vadd.f32 v14, v2;
	v0 =	vadd.f32 v6, v0  }
0x361: {  	v4 =	vadd.f32 v55, v4;
	v6 =	vld [tilespmem:s31+$0x190]  }
0x362: {  	v61 =	vld [tilespmem:s31+$0x200];
	v2 =	vadd.f32 v15, v2;
	v0 =	vadd.f32 v7, v0  }
0x363: {  	v4 =	vadd.f32 v56, v4;
	v7 =	vld [tilespmem:s31+$0x210]  }
0x364: {  	v3 =	vld [tilespmem:s30+$0x380];
	v2 =	vadd.f32 v16, v2;
	v0 =	vadd.f32 v8, v0  }
0x365: {  	v4 =	vadd.f32 v57, v4;
	v8 =	vld [tilespmem:s31+$0x290]  }
0x366: {  	v62 =	vld [tilespmem:s31+$0x280];
	v2 =	vadd.f32 v17, v2;
	v0 =	vadd.f32 v6, v0  }
0x367: {  	v4 =	vadd.f32 v58, v4;
	v6 =	vld [tilespmem:s31+$0x310]  }
0x368: {  	s4 =	simm.s32 $0x2810;
	v1 =	vld [tilespmem:s8+$0xFFFFFFF0];
	v2 =	vadd.f32 v18, v2;
	v0 =	vadd.f32 v7, v0  }
0x369: {  	[tilespmem:s4+$0x0] =	vst v21;
	v4 =	vadd.f32 v59, v4;
	v7 =	vld [tilespmem:s31+$0x390]  }
0x36a: {  	s7 =	sadd.s32 $0x20, s9;
	v5 =	vld [tilespmem:s8+$0x0];
	v2 =	vadd.f32 v3, v2;
	v0 =	vadd.f32 v8, v0  }
0x36b: {  	v3 =	vadd.f32 v60, v4;
	v8 =	vld [tilespmem:s7+$0x0]  }
0x36c: {  	s5 =	sadd.s32 $0x20, s8;
	v63 =	vld [tilespmem:s31+$0x300];
	v4 =	vadd.f32 v19, v2;
	v6 =	vadd.f32 v6, v0  }
0x36d: {  	v2 =	vld [tilespmem:s5+$0x0];
	v9 =	vadd.f32 v61, v3  }
0x36e: {  	v3 =	vld [tilespmem:s31+$0x380];
	v0 =	vmul.f32 v4, v1;
	v6 =	vadd.f32 v7, v6  }
0x36f: {  	v5 =	vmul.f32 v21, v5;
	v4 =	vld [tilespmem:s7+$0xFFFFFFF0];
	v7 =	vadd.f32 v62, v9  }
0x370: {  	s9 =	simm.s32 $0x2890;
	v1 =	vld [tilespmem:s5+$0xFFFFFFF0];
	[tilespmem:s4+$0xFFFFFFF0] =	vst v0;
	v6 =	vadd.f32 v8, v6  }
0x371: {  	s12 =	simm.s32 $0x2D40;
	s10 =	simm.s32 $0x2;
	[tilespmem:s9+$0x0] =	vst v5;
	v7 =	vadd.f32 v63, v7;
	v5 =	vld [tilespmem:s8+$0xFFFFFFF0];
	s8 =	smov.u32 s5  }
.LBB2_25:
0x372: {  	v8 =	vld [tilespmem:s12+$0xFFFFFC10];
	v2 =	vmul.f32 v6, v2  }
0x373: {  	s10 =	sadd.s32 $0x2, s10;
	s4 =	sadd.s32 $0x20, s4;
	v6 =	vld [tilespmem:s12+$0xFFFFFC90];
	v3 =	vadd.f32 v3, v7  }
0x374: {  	p0 =	slt.u32 s10, $0x6;
	v7 =	vld [tilespmem:s12+$0xFFFFFD10];
	[tilespmem:s4+$0x0] =	vst v2  }
0x375: {  	v3 =	vadd.f32 v4, v3;
	v4 =	vld [tilespmem:s5+$0x0]  }
0x376: {  	v9 =	vld [tilespmem:s12+$0xFFFFFC80];
	v5 =	vmul.f32 v0, v5  }
0x377: {  	v10 =	vld [tilespmem:s12+$0xFFFFFD90];
	v0 =	vmul.f32 v3, v1  }
0x378: {  	v1 =	vld [tilespmem:s12+$0xFFFFFC00];
	v3 =	vadd.f32 v6, v8;
	[tilespmem:s9+$0xFFFFFFF0] =	vst v5  }
0x379: {  	v5 =	vld [tilespmem:s12+$0xFFFFFE10];
	[tilespmem:s4+$0xFFFFFFF0] =	vst v0  }
0x37a: {  	v6 =	vld [tilespmem:s12+$0xFFFFFD00];
	v3 =	vadd.f32 v7, v3;
	v2 =	vmul.f32 v2, v4  }
0x37b: {  	s9 =	sadd.s32 $0x20, s9;
	v4 =	vld [tilespmem:s12+$0xFFFFFE90]  }
0x37c: {  	v7 =	vld [tilespmem:s12+$0xFFFFFD80];
	v3 =	vadd.f32 v10, v3;
	[tilespmem:s9+$0x0] =	vst v2  }
0x37d: {  	v1 =	vadd.f32 v9, v1;
	v2 =	vld [tilespmem:s12+$0xFFFFFF10]  }
0x37e: {  	v8 =	vld [tilespmem:s12+$0xFFFFFE00];
	v3 =	vadd.f32 v5, v3  }
0x37f: {  	v1 =	vadd.f32 v6, v1;
	v5 =	vld [tilespmem:s12+$0xFFFFFF90]  }
0x380: {  	v6 =	vld [tilespmem:s12+$0xFFFFFE80];
	v3 =	vadd.f32 v4, v3  }
0x381: {  	v1 =	vadd.f32 v7, v1;
	v4 =	vld [tilespmem:s12+$0x10]  }
0x382: {  	v7 =	vld [tilespmem:s12+$0xFFFFFF00];
	v2 =	vadd.f32 v2, v3  }
0x383: {  	v1 =	vadd.f32 v8, v1;
	v3 =	vld [tilespmem:s12+$0x90]  }
0x384: {  	v8 =	vld [tilespmem:s12+$0xFFFFFF80];
	v2 =	vadd.f32 v5, v2  }
0x385: {  	v1 =	vadd.f32 v6, v1;
	v5 =	vld [tilespmem:s12+$0x110]  }
0x386: {  	v6 =	vld [tilespmem:s12+$0x0];
	v2 =	vadd.f32 v4, v2  }
0x387: {  	v1 =	vadd.f32 v7, v1;
	v4 =	vld [tilespmem:s12+$0x190]  }
0x388: {  	v7 =	vld [tilespmem:s12+$0x80];
	v2 =	vadd.f32 v3, v2  }
0x389: {  	v1 =	vadd.f32 v8, v1;
	v3 =	vld [tilespmem:s12+$0x210]  }
0x38a: {  	v8 =	vld [tilespmem:s12+$0x100];
	v2 =	vadd.f32 v5, v2  }
0x38b: {  	v1 =	vadd.f32 v6, v1;
	v5 =	vld [tilespmem:s12+$0x290]  }
0x38c: {  	v6 =	vld [tilespmem:s12+$0x180];
	v2 =	vadd.f32 v4, v2  }
0x38d: {  	v1 =	vadd.f32 v7, v1;
	v4 =	vld [tilespmem:s12+$0x310]  }
0x38e: {  	v7 =	vld [tilespmem:s12+$0x200];
	v2 =	vadd.f32 v3, v2  }
0x38f: {  	v1 =	vadd.f32 v8, v1;
	v8 =	vld [tilespmem:s12+$0x390]  }
0x390: {  	s7 =	sadd.s32 $0x20, s7;
	v9 =	vld [tilespmem:s12+$0x280];
	v2 =	vadd.f32 v5, v2  }
0x391: {  	v1 =	vadd.f32 v6, v1;
	v5 =	vld [tilespmem:s7+$0x0]  }
0x392: {  	s5 =	sadd.s32 $0x20, s5;
	v10 =	vld [tilespmem:s12+$0x300];
	v4 =	vadd.f32 v4, v2  }
.Ltmp12:
0x393: {  	v1 =	vadd.f32 v7, v1;
	v2 =	vld [tilespmem:s5+$0x0];
	(pc) =	sbr.rel @p0 .LBB2_25-.Ltmp12, $4  }
0x394: {  	v3 =	vld [tilespmem:s12+$0x380];
	v6 =	vadd.f32 v8, v4  }
0x395: {  	v7 =	vadd.f32 v9, v1;
	v4 =	vld [tilespmem:s7+$0xFFFFFFF0]  }
0x396: {  	v1 =	vld [tilespmem:s5+$0xFFFFFFF0];
	v6 =	vadd.f32 v5, v6  }
0x397: {  	s12 =	sadd.s32 $0x20, s12;
	v7 =	vadd.f32 v10, v7;
	v5 =	vld [tilespmem:s8+$0xFFFFFFF0];
	s8 =	smov.u32 s5  }
0x398: {  	_ = 	snop  }
0x399: {  	v3 =	vadd.f32 v3, v7;
	_ =	sdelay $0x1  }
0x39a: {  	v3 =	vadd.f32 v4, v3  }
0x39b: {  	v2 =	vmul.f32 v6, v2  }
0x39c: {  	s4 =	sadd.s32 $0x20, s4;
	v1 =	vmul.f32 v3, v1  }
0x39d: {  	[tilespmem:s4+$0x0] =	vst v2  }
0x39e: {  	v61 =	vld [tilespmem:s5+$0x0];
	[tilespmem:s4+$0xFFFFFFF0] =	vst v1  }
0x39f: {  	v62 =	vld [tilespmem:s8+$0xFFFFFFF0];
	_ =	sdelay $0x2  }
0x3a0: {  	v0 =	vmul.f32 v0, v5  }
0x3a1: {  	v2 =	vmul.f32 v2, v61  }
0x3a2: {  	s25 =	sadd.s32 $0x20, s9;
	[tilespmem:s9+$0xFFFFFFF0] =	vst v0;
	v63 =	vmul.f32 v1, v62  }
0x3a3: {  	s3 =	sadd.s32 s3, s11;
	[tilespmem:s25+$0x0] =	vst v2  }
0x3a4: {  	s26 =	simm.s32 $0x0;
	s28 =	simm.s32 $0x2800;
	s29 =	simm.s32 $0x1;
	[tilespmem:s25+$0xFFFFFFF0] =	vst v63  }
0x3a5: {  	[hbm4b:s3+s26] =	stream.linear.scatter [tilespmem:s28], [sflag:$0x1], $0x80, $0x38;
	[tilespmem:$0x3980] =	vst v63  }
0x3a6: {  	_ =	swait.ge [sflag:s29], $0x80  }
0x3a7: {  	[sflag:s29] =	ssyncset.done $0x0  }
0x3a8: {  	s30 =	simm.s32 $0x2880;
	[sflag:s29] =	ssyncadd.s32 $0xFFFFFF80  }
0x3a9: {  	[spmem:s6] =	stream.linear.scatter [tilespmem:s30], [sflag:$0x1], $0x80, $0x38;
	[tilespmem:$0x3980] =	vst v63  }
0x3aa: {  	_ =	swait.ge [sflag:s29], $0x80  }
0x3ab: {  	[sflag:s29] =	ssyncset.done $0x0  }
0x3ac: {  	[sflag:s29] =	ssyncadd.s32 $0xFFFFFF80  }
0x3ad: {  	s31 =	simm.s32 $0x1000;
	[bflag:$0x0] =	sbarrier.arrive $0xFFFF  }
0x3ae: {  	[tilespmem:s31], [sflag:$0x1] =	stream.linear.gather [spmem:s2], $0x800, $0x38;
	[tilespmem:$0x3980] =	vst v63  }
0x3af: {  	_ =	swait.ge [sflag:s29], $0x800  }
0x3b0: {  	[sflag:s29] =	ssyncset.done $0x0  }
0x3b1: {  	[sflag:s29] =	ssyncadd.s32 $0xFFFFF800  }
0x3b2: {  	_ =	sfence.sel $0x180000  }
0x3b3: {  	[bflag:$0x0] =	sbarrier.arrive $0xFFFF  }
0x3b4: {  	p0 =	sne.s32 s1, $0x0;
	_ =	strace $0x9000004A  }
0x3b5: {  	s0 =	sadd.s32 @!p0 $0x100000, s0;
	[bflag:$0x2] =	sbarrier.arrive $0xFFFF  }
0x3b6: {  	[sflag:s0] =	ssyncadd.tile.s32 @!p0 $0x1;
	_ =	shalt  }
.Lfunc_end2:
_tile_overlayer_lowered:
.L_overlay_start_2:
0x3b7: {  	(tag) =	ssettag $0x2  }
0x3b8: {  	s0 =	rddreg [dreg:$0x0];
	s2 =	stileid.u32  }
0x3b9: {  	s1 =	rddreg [dreg:$0x1];
	p0 =	sne.s32 s2, $0x0  }
0x3ba: {  	s3 =	rddreg [dreg:$0x2];
	[bflag:$0x3] =	sbarrier.arrive $0xFFFF;
	s2 =	simm.s32 @!p0 $0x1C01  }
0x3bb: {  	[timem:s3], [sflag:s2] =	dma.local @!p0 [hbm:s0], s1  }
0x3bc: {  	s0 =	simm.s32 @!p0 $0x1  }
0x3bd: {  	_ =	swait.ge @!p0 [sflag:s0], s1  }
0x3be: {  	s1 =	ssub.s32 @!p0 $0x0, s1;
	[sflag:s0] =	ssyncset.done @!p0 $0x0  }
0x3bf: {  	[sflag:s0] =	ssyncadd.s32 @!p0 s1  }
0x3c0: {  	[bflag:$0x3] =	sbarrier.arrive $0xFFFF  }
0x3c1: {  	_ =	shalt  }

</sc_bundles>
